<compile_context>
chip_gen: v7x
topology: tpu7x:2x2x1
jax: 0.10.2.dev20260603
libtpu: 0.0.44.dev20260713+nightly
codegen_flags: <defaults>
</compile_context>

<pallas_src>
import functools
import math

import numpy as np
import jax
import jax.numpy as jnp
from jax import lax
from jax.experimental import pallas as pl
from jax.experimental.pallas import tpu as pltpu
from jax.experimental.pallas import tpu_sc as plsc

_B, _L, _D = 16, 512, 512
_NW = 32
_PB = _L // _NW
_NV = _D // 16
_GR = 2 * _PB


def _pos_enc(seq_len: int, d: int) -> np.ndarray:
    channels = int(math.ceil(d / 2) * 2)
    inv_freq = 1.0 / (10000 ** (np.arange(0, channels, 2, dtype=np.float32) / channels))
    pos = np.arange(seq_len, dtype=np.float32)
    sin_inp = np.einsum("i,j->ij", pos, inv_freq.astype(np.float32))
    emb = np.stack((np.sin(sin_inp), np.cos(sin_inp)), axis=-1).reshape(seq_len, channels)
    return emb[:, :d].astype(np.float32)


def _fold_body(ws_ref, wl_ref, wp_ref, wproj_ref, b_ref, tab_ref):
    b = b_ref[...]
    ps = jnp.dot(ws_ref[...], wproj_ref[0:_D, :],
                 preferred_element_type=jnp.float32) + b
    pl_e = jnp.dot(wl_ref[...], wproj_ref[_D:2 * _D, :],
                   preferred_element_type=jnp.float32)
    tab_ref[0:512, :] = (ps[:, None, :] + pl_e[None, :, :]).reshape(512, _D)
    tab_ref[512:576, :] = jnp.dot(wp_ref[...], wproj_ref[2 * _D:3 * _D, :],
                                  preferred_element_type=jnp.float32)


_fold_tables = pl.pallas_call(
    _fold_body,
    out_shape=jax.ShapeDtypeStruct((576, _D), jnp.float32),
)


def _sc_body(cidx_hbm, tab_hbm, pe_hbm, out_hbm,
             c_idx, pe_b, g0, g1, ob0, ob1,
             sem_g0, sem_g1, sem_o0, sem_o1):
    wid = lax.axis_index("s") * 2 + lax.axis_index("c")
    colbase = wid * _PB
    ibase = wid * (_B * _GR)

    pltpu.sync_copy(cidx_hbm.at[pl.ds(ibase, _B * _GR)], c_idx)
    pltpu.sync_copy(pe_hbm.at[pl.ds(colbase, _PB)], pe_b)

    gsets = ((g0, sem_g0), (g1, sem_g1))
    osets = ((ob0, sem_o0), (ob1, sem_o1))

    _CR = 2 * _GR
    _NS = 4

    def g_copies(b, which):
        g, sg = gsets[which]
        step = _CR // _NS
        return [pltpu.make_async_copy(
            tab_hbm.at[c_idx.at[pl.ds(b * _CR + k * step, step)]],
            g.at[pl.ds(k * step, step)], sg) for k in range(_NS)]

    def g_start(b, which):
        for c in g_copies(b, which):
            c.start()

    def g_wait(b, which):
        for c in g_copies(b, which):
            c.wait()

    def o_copies(b, which):
        ob, so = osets[which]
        return [pltpu.make_async_copy(
            ob.at[pl.ds(h * _PB, _PB)],
            out_hbm.at[2 * b + h, pl.ds(colbase, _PB)], so) for h in (0, 1)]

    def o_start(b, which):
        for c in o_copies(b, which):
            c.start()

    def o_wait(b, which):
        for c in o_copies(b, which):
            c.wait()

    def compute(which):
        g, _ = gsets[which]
        ob, _ = osets[which]

        mask = jnp.int32(-65536)

        @plsc.parallel_loop(0, 2 * _PB, step=1, unroll=2)
        def _tok(j):
            r = 2 * j
            jp = jnp.bitwise_and(j, _PB - 1)
            for blk in range(_D // 32):
                sw = pl.ds(blk * 16, 16)
                w1 = g[r, sw]
                w2 = g[r + 1, sw]
                lo = (lax.bitcast_convert_type(lax.shift_left(w1, 16), jnp.float32)
                      + lax.bitcast_convert_type(lax.shift_left(w2, 16), jnp.float32))
                hi = (lax.bitcast_convert_type(jnp.bitwise_and(w1, mask), jnp.float32)
                      + lax.bitcast_convert_type(jnp.bitwise_and(w2, mask), jnp.float32))
                s0 = pl.ds(blk * 32, 16)
                s1 = pl.ds(blk * 32 + 16, 16)
                ob[j, s0] = lo + pe_b[jp, s0]
                ob[j, s1] = hi + pe_b[jp, s1]

    _NB = _B // 2

    def chunk(i, b, which):
        g_wait(b, which)

        @pl.when(i >= 1)
        def _drain():
            o_wait(b - 2, which)

        compute(which)

        @pl.when(i < _NB // 2 - 1)
        def _prefetch():
            g_start(b + 2, which)

        o_start(b, which)

    g_start(0, 0)
    g_start(1, 1)

    def pair(i, c):
        chunk(i, 2 * i, 0)
        chunk(i, 2 * i + 1, 1)
        return c

    lax.fori_loop(0, _NB // 2, pair, 0)
    o_wait(_NB - 2, 0)
    o_wait(_NB - 1, 1)


_sc_gather = functools.partial(
    pl.kernel,
    out_type=jax.ShapeDtypeStruct((_B, _L, _D), jnp.float32),
    mesh=plsc.VectorSubcoreMesh(core_axis_name="c", subcore_axis_name="s"),
    scratch_types=[
        pltpu.VMEM((_B * _GR,), jnp.int32),
        pltpu.VMEM((_PB, _D), jnp.float32),
        pltpu.VMEM((4 * _PB, _D // 2), jnp.int32),
        pltpu.VMEM((4 * _PB, _D // 2), jnp.int32),
        pltpu.VMEM((2 * _PB, _D), jnp.float32),
        pltpu.VMEM((2 * _PB, _D), jnp.float32),
        pltpu.SemaphoreType.DMA,
        pltpu.SemaphoreType.DMA,
        pltpu.SemaphoreType.DMA,
        pltpu.SemaphoreType.DMA,
    ],
)(_sc_body)

_PE = _pos_enc(_L, _D)


@jax.jit
def _run(strength, length, phrase, Ws, Wl, Wp, W_proj, b_proj):
    s = strength.astype(jnp.int32)
    l = length.astype(jnp.int32)
    p = phrase.astype(jnp.int32)
    cidx = jnp.stack([s * 32 + l, p + 512], axis=-1)
    cidx = (cidx.reshape(_B, _NW, _PB, 2).transpose(1, 0, 2, 3)
            .reshape(_NW * _B * _GR))
    tab = _fold_tables(Ws, Wl, Wp, W_proj, b_proj.reshape(1, _D))
    tab = (tab.reshape(576, 16, 2, 16).transpose(0, 1, 3, 2)
           .reshape(576, _D // 2, 2).astype(jnp.bfloat16))
    tab = lax.bitcast_convert_type(tab, jnp.int32)
    pe = jnp.asarray(_PE)
    return _sc_gather(cidx, tab, pe)


def kernel(strength, length, phrase, Ws, Wl, Wp, W_proj, b_proj):
    return _run(strength, length, phrase, Ws, Wl, Wp, W_proj, b_proj)

# --- scband reference (transcript-rebuilt; emitter-appended) ---
"""Pipeline reference for scband-template-embedding-85177791414750 (READ-ONLY COPY).

The authoritative reference and input builder live on the scoring server;
editing this copy changes nothing except your own understanding.
"""

import jax, jax.numpy as jnp
import numpy as np
import math

B, L = 16, 512
D = 512
S_VOCAB, L_VOCAB, P_VOCAB = 16, 32, 64

def _make_table(key, vocab, d, padding_idx=1):
    w = jax.random.normal(key, (vocab, d), dtype=jnp.float32) * (d ** -0.5)
    w = w.at[padding_idx].set(0.0)
    return w

def pos_enc_1d(seq_len, d):
    channels = int(math.ceil(d / 2) * 2)
    inv_freq = 1.0 / (10000 ** (np.arange(0, channels, 2, dtype=np.float32) / channels))
    pos = jnp.arange(seq_len, dtype=jnp.float32)
    sin_inp = jnp.einsum('i,j->ij', pos, jnp.asarray(inv_freq))
    emb = jnp.stack((jnp.sin(sin_inp), jnp.cos(sin_inp)), axis=-1).reshape(seq_len, channels)
    return emb[:, :d]

def setup_inputs(seed: int = 0) -> dict:
    key = jax.random.key(seed)
    ks = jax.random.split(key, 8)
    strength = jax.random.randint(ks[0], (B, L), 0, S_VOCAB, dtype=jnp.int64 if jax.config.jax_enable_x64 else jnp.int32)
    length = jax.random.randint(ks[1], (B, L), 0, L_VOCAB, dtype=strength.dtype)
    phrase = jax.random.randint(ks[2], (B, L), 0, P_VOCAB, dtype=strength.dtype)
    Ws = _make_table(ks[3], S_VOCAB, D)
    Wl = _make_table(ks[4], L_VOCAB, D)
    Wp = _make_table(ks[5], P_VOCAB, D)
    W_proj = jax.random.normal(ks[6], (3 * D, D), dtype=jnp.float32) * (1.0 / math.sqrt(3 * D))
    b_proj = jnp.zeros((D,), dtype=jnp.float32)
    return {"strength": strength, "length": length, "phrase": phrase,
            "Ws": Ws, "Wl": Wl, "Wp": Wp, "W_proj": W_proj, "b_proj": b_proj}

def reference(strength, length, phrase, Ws, Wl, Wp, W_proj, b_proj):
    s_e = jnp.take(Ws, strength, axis=0)
    l_e = jnp.take(Wl, length, axis=0)
    p_e = jnp.take(Wp, phrase, axis=0)
    embeds = jnp.concatenate([s_e, l_e, p_e], axis=-1)
    embeds = embeds @ W_proj + b_proj
    pe = pos_enc_1d(embeds.shape[1], embeds.shape[2])
    pe = jnp.broadcast_to(pe[None, :, :], embeds.shape)
    return embeds + pe

if __name__ == "__main__":
    import jax
    _d = setup_inputs()
    print(jax.jit(kernel)(*tuple(_d.values())))

</pallas_src>

<mosaic_0001>
#map = affine_map<(d0, d1) -> (0)>
#map1 = affine_map<(d0, d1) -> (0, 0)>
#map2 = affine_map<(d0, d1) -> (0, 0, 0)>
module attributes {stable_mosaic.version = 14 : i64} {
  func.func @_sc_body(%arg0: i32, %arg1: i32, %arg2: memref<16384xi32, #tpu.memory_space<hbm>>, %arg3: memref<576x256xi32, #tpu.memory_space<hbm>>, %arg4: memref<512x512xf32, #tpu.memory_space<hbm>>, %arg5: memref<16x512x512xf32, #tpu.memory_space<hbm>>, %arg6: memref<512xi32, #tpu.memory_space<vmem>>, %arg7: memref<16x512xf32, #tpu.memory_space<vmem>>, %arg8: memref<64x256xi32, #tpu.memory_space<vmem>>, %arg9: memref<64x256xi32, #tpu.memory_space<vmem>>, %arg10: memref<32x512xf32, #tpu.memory_space<vmem>>, %arg11: memref<32x512xf32, #tpu.memory_space<vmem>>, %arg12: memref<!tpu.dma_semaphore, #tpu.memory_space<semaphore_mem>>, %arg13: memref<!tpu.dma_semaphore, #tpu.memory_space<semaphore_mem>>, %arg14: memref<!tpu.dma_semaphore, #tpu.memory_space<semaphore_mem>>, %arg15: memref<!tpu.dma_semaphore, #tpu.memory_space<semaphore_mem>>) attributes {dimension_semantics = [#tpu.dimension_semantics<core_parallel>, #tpu.dimension_semantics<subcore_parallel>], iteration_bounds = array<i64: 2, 16>, scalar_prefetch = 0 : i64, scratch_operands = 10 : i64, tpu.core_type = #tpu.core_type<sc_vector_subcore>, window_params = [{transform_indices = #map}, {transform_indices = #map1}, {transform_indices = #map1}, {transform_indices = #map2}]} {
    %mul3A = arith.constant 2 : i32
    %mul3A_0 = arith.muli %arg1, %mul3A : i32
    %add3A = arith.addi %mul3A_0, %arg0 : i32
    %mul3A_1 = arith.constant 16 : i32
    %mul3A_2 = arith.muli %add3A, %mul3A_1 : i32
    %mul3A_3 = arith.constant 512 : i32
    %mul3A_4 = arith.muli %add3A, %mul3A_3 : i32
    "tpu.region"() ({
      %run_scoped3A = tpu.sem_alloc : memref<!tpu.dma_semaphore, #tpu.memory_space<semaphore_mem>>
      %dma_start3A_124 = tpu.memref_slice %arg2[%mul3A_4] : memref<16384xi32, #tpu.memory_space<hbm>> -> memref<512xi32, #tpu.memory_space<hbm>>
      %dma_start3A_125 = tpu.memref_slice %arg2[%mul3A_4] : memref<16384xi32, #tpu.memory_space<hbm>> -> memref<512xi32, #tpu.memory_space<hbm>>
      tpu.enqueue_dma source(%dma_start3A_125 : memref<512xi32, #tpu.memory_space<hbm>>) target(%arg6 : memref<512xi32, #tpu.memory_space<vmem>>) target_semaphore(%run_scoped3A : memref<!tpu.dma_semaphore, #tpu.memory_space<semaphore_mem>>)
      %dma_wait3A_126 = tpu.memref_slice %arg2[%mul3A_4] : memref<16384xi32, #tpu.memory_space<hbm>> -> memref<512xi32, #tpu.memory_space<hbm>>
      %dma_wait3A_127 = tpu.memref_slice %arg2[%mul3A_4] : memref<16384xi32, #tpu.memory_space<hbm>> -> memref<512xi32, #tpu.memory_space<hbm>>
      tpu.wait_dma2 semaphore(%run_scoped3A : memref<!tpu.dma_semaphore, #tpu.memory_space<semaphore_mem>>) src(%dma_wait3A_127 : memref<512xi32, #tpu.memory_space<hbm>>) dst(%arg6 : memref<512xi32, #tpu.memory_space<vmem>>)
      tpu.yield
    }) : () -> ()
    "tpu.region"() ({
      %run_scoped3A = tpu.sem_alloc : memref<!tpu.dma_semaphore, #tpu.memory_space<semaphore_mem>>
      %dma_start3A_124 = arith.constant 0 : i32
      %dma_start3A_125 = tpu.memref_slice %arg4[%mul3A_2, %dma_start3A_124] : memref<512x512xf32, #tpu.memory_space<hbm>> -> memref<16x512xf32, #tpu.memory_space<hbm>>
      %dma_start3A_126 = arith.constant 0 : i32
      %dma_start3A_127 = tpu.memref_slice %arg4[%mul3A_2, %dma_start3A_126] : memref<512x512xf32, #tpu.memory_space<hbm>> -> memref<16x512xf32, #tpu.memory_space<hbm>>
      tpu.enqueue_dma source(%dma_start3A_127 : memref<16x512xf32, #tpu.memory_space<hbm>>) target(%arg7 : memref<16x512xf32, #tpu.memory_space<vmem>>) target_semaphore(%run_scoped3A : memref<!tpu.dma_semaphore, #tpu.memory_space<semaphore_mem>>)
      %dma_wait3A_128 = arith.constant 0 : i32
      %dma_wait3A_129 = tpu.memref_slice %arg4[%mul3A_2, %dma_wait3A_128] : memref<512x512xf32, #tpu.memory_space<hbm>> -> memref<16x512xf32, #tpu.memory_space<hbm>>
      %dma_wait3A_130 = arith.constant 0 : i32
      %dma_wait3A_131 = tpu.memref_slice %arg4[%mul3A_2, %dma_wait3A_130] : memref<512x512xf32, #tpu.memory_space<hbm>> -> memref<16x512xf32, #tpu.memory_space<hbm>>
      tpu.wait_dma2 semaphore(%run_scoped3A : memref<!tpu.dma_semaphore, #tpu.memory_space<semaphore_mem>>) src(%dma_wait3A_131 : memref<16x512xf32, #tpu.memory_space<hbm>>) dst(%arg7 : memref<16x512xf32, #tpu.memory_space<vmem>>)
      tpu.yield
    }) : () -> ()
    %dma_start3A = arith.constant 0 : i32
    %dma_start3A_5 = arith.constant 0 : i32
    %dma_start3A_6 = tpu.memref_slice %arg8[%dma_start3A, %dma_start3A_5] : memref<64x256xi32, #tpu.memory_space<vmem>> -> memref<16x256xi32, #tpu.memory_space<vmem>>
    %dma_start3A_7 = arith.constant 0 : i32
    %dma_start3A_8 = tpu.memref_slice %arg6[%dma_start3A_7] : memref<512xi32, #tpu.memory_space<vmem>> -> memref<16xi32, #tpu.memory_space<vmem>>
    %dma_start3A_9 = arith.constant 0 : i32
    %dma_start3A_10 = arith.constant 0 : i32
    %dma_start3A_11 = tpu.memref_slice %arg3[%dma_start3A_9, %dma_start3A_10] : memref<576x256xi32, #tpu.memory_space<hbm>> -> memref<576x256xi32, #tpu.memory_space<hbm>>
    tpu.enqueue_indirect_dma source(%dma_start3A_11 : memref<576x256xi32, #tpu.memory_space<hbm>>) target(%dma_start3A_6 : memref<16x256xi32, #tpu.memory_space<vmem>>) offsets(%dma_start3A_8 : memref<16xi32, #tpu.memory_space<vmem>>) semaphore(%arg12 : memref<!tpu.dma_semaphore, #tpu.memory_space<semaphore_mem>>)
    %dma_start3A_12 = arith.constant 16 : i32
    %dma_start3A_13 = arith.constant 0 : i32
    %dma_start3A_14 = tpu.memref_slice %arg8[%dma_start3A_12, %dma_start3A_13] : memref<64x256xi32, #tpu.memory_space<vmem>> -> memref<16x256xi32, #tpu.memory_space<vmem>>
    %dma_start3A_15 = arith.constant 16 : i32
    %dma_start3A_16 = tpu.memref_slice %arg6[%dma_start3A_15] : memref<512xi32, #tpu.memory_space<vmem>> -> memref<16xi32, #tpu.memory_space<vmem>>
    %dma_start3A_17 = arith.constant 0 : i32
    %dma_start3A_18 = arith.constant 0 : i32
    %dma_start3A_19 = tpu.memref_slice %arg3[%dma_start3A_17, %dma_start3A_18] : memref<576x256xi32, #tpu.memory_space<hbm>> -> memref<576x256xi32, #tpu.memory_space<hbm>>
    tpu.enqueue_indirect_dma source(%dma_start3A_19 : memref<576x256xi32, #tpu.memory_space<hbm>>) target(%dma_start3A_14 : memref<16x256xi32, #tpu.memory_space<vmem>>) offsets(%dma_start3A_16 : memref<16xi32, #tpu.memory_space<vmem>>) semaphore(%arg12 : memref<!tpu.dma_semaphore, #tpu.memory_space<semaphore_mem>>)
    %dma_start3A_20 = arith.constant 32 : i32
    %dma_start3A_21 = arith.constant 0 : i32
    %dma_start3A_22 = tpu.memref_slice %arg8[%dma_start3A_20, %dma_start3A_21] : memref<64x256xi32, #tpu.memory_space<vmem>> -> memref<16x256xi32, #tpu.memory_space<vmem>>
    %dma_start3A_23 = arith.constant 32 : i32
    %dma_start3A_24 = tpu.memref_slice %arg6[%dma_start3A_23] : memref<512xi32, #tpu.memory_space<vmem>> -> memref<16xi32, #tpu.memory_space<vmem>>
    %dma_start3A_25 = arith.constant 0 : i32
    %dma_start3A_26 = arith.constant 0 : i32
    %dma_start3A_27 = tpu.memref_slice %arg3[%dma_start3A_25, %dma_start3A_26] : memref<576x256xi32, #tpu.memory_space<hbm>> -> memref<576x256xi32, #tpu.memory_space<hbm>>
    tpu.enqueue_indirect_dma source(%dma_start3A_27 : memref<576x256xi32, #tpu.memory_space<hbm>>) target(%dma_start3A_22 : memref<16x256xi32, #tpu.memory_space<vmem>>) offsets(%dma_start3A_24 : memref<16xi32, #tpu.memory_space<vmem>>) semaphore(%arg12 : memref<!tpu.dma_semaphore, #tpu.memory_space<semaphore_mem>>)
    %dma_start3A_28 = arith.constant 48 : i32
    %dma_start3A_29 = arith.constant 0 : i32
    %dma_start3A_30 = tpu.memref_slice %arg8[%dma_start3A_28, %dma_start3A_29] : memref<64x256xi32, #tpu.memory_space<vmem>> -> memref<16x256xi32, #tpu.memory_space<vmem>>
    %dma_start3A_31 = arith.constant 48 : i32
    %dma_start3A_32 = tpu.memref_slice %arg6[%dma_start3A_31] : memref<512xi32, #tpu.memory_space<vmem>> -> memref<16xi32, #tpu.memory_space<vmem>>
    %dma_start3A_33 = arith.constant 0 : i32
    %dma_start3A_34 = arith.constant 0 : i32
    %dma_start3A_35 = tpu.memref_slice %arg3[%dma_start3A_33, %dma_start3A_34] : memref<576x256xi32, #tpu.memory_space<hbm>> -> memref<576x256xi32, #tpu.memory_space<hbm>>
    tpu.enqueue_indirect_dma source(%dma_start3A_35 : memref<576x256xi32, #tpu.memory_space<hbm>>) target(%dma_start3A_30 : memref<16x256xi32, #tpu.memory_space<vmem>>) offsets(%dma_start3A_32 : memref<16xi32, #tpu.memory_space<vmem>>) semaphore(%arg12 : memref<!tpu.dma_semaphore, #tpu.memory_space<semaphore_mem>>)
    %dma_start3A_36 = arith.constant 0 : i32
    %dma_start3A_37 = arith.constant 0 : i32
    %dma_start3A_38 = tpu.memref_slice %arg9[%dma_start3A_36, %dma_start3A_37] : memref<64x256xi32, #tpu.memory_space<vmem>> -> memref<16x256xi32, #tpu.memory_space<vmem>>
    %dma_start3A_39 = arith.constant 64 : i32
    %dma_start3A_40 = tpu.memref_slice %arg6[%dma_start3A_39] : memref<512xi32, #tpu.memory_space<vmem>> -> memref<16xi32, #tpu.memory_space<vmem>>
    %dma_start3A_41 = arith.constant 0 : i32
    %dma_start3A_42 = arith.constant 0 : i32
    %dma_start3A_43 = tpu.memref_slice %arg3[%dma_start3A_41, %dma_start3A_42] : memref<576x256xi32, #tpu.memory_space<hbm>> -> memref<576x256xi32, #tpu.memory_space<hbm>>
    tpu.enqueue_indirect_dma source(%dma_start3A_43 : memref<576x256xi32, #tpu.memory_space<hbm>>) target(%dma_start3A_38 : memref<16x256xi32, #tpu.memory_space<vmem>>) offsets(%dma_start3A_40 : memref<16xi32, #tpu.memory_space<vmem>>) semaphore(%arg13 : memref<!tpu.dma_semaphore, #tpu.memory_space<semaphore_mem>>)
    %dma_start3A_44 = arith.constant 16 : i32
    %dma_start3A_45 = arith.constant 0 : i32
    %dma_start3A_46 = tpu.memref_slice %arg9[%dma_start3A_44, %dma_start3A_45] : memref<64x256xi32, #tpu.memory_space<vmem>> -> memref<16x256xi32, #tpu.memory_space<vmem>>
    %dma_start3A_47 = arith.constant 80 : i32
    %dma_start3A_48 = tpu.memref_slice %arg6[%dma_start3A_47] : memref<512xi32, #tpu.memory_space<vmem>> -> memref<16xi32, #tpu.memory_space<vmem>>
    %dma_start3A_49 = arith.constant 0 : i32
    %dma_start3A_50 = arith.constant 0 : i32
    %dma_start3A_51 = tpu.memref_slice %arg3[%dma_start3A_49, %dma_start3A_50] : memref<576x256xi32, #tpu.memory_space<hbm>> -> memref<576x256xi32, #tpu.memory_space<hbm>>
    tpu.enqueue_indirect_dma source(%dma_start3A_51 : memref<576x256xi32, #tpu.memory_space<hbm>>) target(%dma_start3A_46 : memref<16x256xi32, #tpu.memory_space<vmem>>) offsets(%dma_start3A_48 : memref<16xi32, #tpu.memory_space<vmem>>) semaphore(%arg13 : memref<!tpu.dma_semaphore, #tpu.memory_space<semaphore_mem>>)
    %dma_start3A_52 = arith.constant 32 : i32
    %dma_start3A_53 = arith.constant 0 : i32
    %dma_start3A_54 = tpu.memref_slice %arg9[%dma_start3A_52, %dma_start3A_53] : memref<64x256xi32, #tpu.memory_space<vmem>> -> memref<16x256xi32, #tpu.memory_space<vmem>>
    %dma_start3A_55 = arith.constant 96 : i32
    %dma_start3A_56 = tpu.memref_slice %arg6[%dma_start3A_55] : memref<512xi32, #tpu.memory_space<vmem>> -> memref<16xi32, #tpu.memory_space<vmem>>
    %dma_start3A_57 = arith.constant 0 : i32
    %dma_start3A_58 = arith.constant 0 : i32
    %dma_start3A_59 = tpu.memref_slice %arg3[%dma_start3A_57, %dma_start3A_58] : memref<576x256xi32, #tpu.memory_space<hbm>> -> memref<576x256xi32, #tpu.memory_space<hbm>>
    tpu.enqueue_indirect_dma source(%dma_start3A_59 : memref<576x256xi32, #tpu.memory_space<hbm>>) target(%dma_start3A_54 : memref<16x256xi32, #tpu.memory_space<vmem>>) offsets(%dma_start3A_56 : memref<16xi32, #tpu.memory_space<vmem>>) semaphore(%arg13 : memref<!tpu.dma_semaphore, #tpu.memory_space<semaphore_mem>>)
    %dma_start3A_60 = arith.constant 48 : i32
    %dma_start3A_61 = arith.constant 0 : i32
    %dma_start3A_62 = tpu.memref_slice %arg9[%dma_start3A_60, %dma_start3A_61] : memref<64x256xi32, #tpu.memory_space<vmem>> -> memref<16x256xi32, #tpu.memory_space<vmem>>
    %dma_start3A_63 = arith.constant 112 : i32
    %dma_start3A_64 = tpu.memref_slice %arg6[%dma_start3A_63] : memref<512xi32, #tpu.memory_space<vmem>> -> memref<16xi32, #tpu.memory_space<vmem>>
    %dma_start3A_65 = arith.constant 0 : i32
    %dma_start3A_66 = arith.constant 0 : i32
    %dma_start3A_67 = tpu.memref_slice %arg3[%dma_start3A_65, %dma_start3A_66] : memref<576x256xi32, #tpu.memory_space<hbm>> -> memref<576x256xi32, #tpu.memory_space<hbm>>
    tpu.enqueue_indirect_dma source(%dma_start3A_67 : memref<576x256xi32, #tpu.memory_space<hbm>>) target(%dma_start3A_62 : memref<16x256xi32, #tpu.memory_space<vmem>>) offsets(%dma_start3A_64 : memref<16xi32, #tpu.memory_space<vmem>>) semaphore(%arg13 : memref<!tpu.dma_semaphore, #tpu.memory_space<semaphore_mem>>)
    %scan3A = arith.constant 0 : i32
    %scan3A_68 = arith.constant 0 : i32
    %scan3A_69 = arith.constant 4 : i32
    %scan3A_70 = arith.addi %scan3A_68, %scan3A_69 : i32
    %scan3A_71 = arith.constant 1 : i32
    scf.for %scan3A_124 = %scan3A_68 to %scan3A_70 step %scan3A_71  : i32 {
      %mul3A_125 = arith.constant 2 : i32
      %mul3A_126 = arith.muli %mul3A_125, %scan3A_124 : i32
      %mul3A_127 = arith.constant 64 : i32
      %mul3A_128 = arith.muli %mul3A_126, %mul3A_127 : i32
      %add3A_129 = arith.constant 0 : i32
      %add3A_130 = arith.addi %mul3A_128, %add3A_129 : i32
      %mul3A_131 = arith.constant 64 : i32
      %mul3A_132 = arith.muli %mul3A_126, %mul3A_131 : i32
      %add3A_133 = arith.constant 16 : i32
      %add3A_134 = arith.addi %mul3A_132, %add3A_133 : i32
      %mul3A_135 = arith.constant 64 : i32
      %mul3A_136 = arith.muli %mul3A_126, %mul3A_135 : i32
      %add3A_137 = arith.constant 32 : i32
      %add3A_138 = arith.addi %mul3A_136, %add3A_137 : i32
      %mul3A_139 = arith.constant 64 : i32
      %mul3A_140 = arith.muli %mul3A_126, %mul3A_139 : i32
      %add3A_141 = arith.constant 48 : i32
      %add3A_142 = arith.addi %mul3A_140, %add3A_141 : i32
      %dma_wait3A_143 = arith.constant 0 : i32
      %dma_wait3A_144 = arith.constant 0 : i32
      %dma_wait3A_145 = tpu.memref_slice %arg8[%dma_wait3A_143, %dma_wait3A_144] : memref<64x256xi32, #tpu.memory_space<vmem>> -> memref<16x256xi32, #tpu.memory_space<vmem>>
      %dma_wait3A_146 = tpu.memref_slice %arg6[%add3A_130] : memref<512xi32, #tpu.memory_space<vmem>> -> memref<16xi32, #tpu.memory_space<vmem>>
      %dma_wait3A_147 = arith.constant 0 : i32
      %dma_wait3A_148 = arith.constant 0 : i32
      %dma_wait3A_149 = tpu.memref_slice %arg3[%dma_wait3A_147, %dma_wait3A_148] : memref<576x256xi32, #tpu.memory_space<hbm>> -> memref<576x256xi32, #tpu.memory_space<hbm>>
      tpu.wait_indirect_dma semaphore(%arg12 : memref<!tpu.dma_semaphore, #tpu.memory_space<semaphore_mem>>) src(%dma_wait3A_149 : memref<576x256xi32, #tpu.memory_space<hbm>>) dst(%dma_wait3A_145 : memref<16x256xi32, #tpu.memory_space<vmem>>)
      %dma_wait3A_150 = arith.constant 16 : i32
      %dma_wait3A_151 = arith.constant 0 : i32
      %dma_wait3A_152 = tpu.memref_slice %arg8[%dma_wait3A_150, %dma_wait3A_151] : memref<64x256xi32, #tpu.memory_space<vmem>> -> memref<16x256xi32, #tpu.memory_space<vmem>>
      %dma_wait3A_153 = tpu.memref_slice %arg6[%add3A_134] : memref<512xi32, #tpu.memory_space<vmem>> -> memref<16xi32, #tpu.memory_space<vmem>>
      %dma_wait3A_154 = arith.constant 0 : i32
      %dma_wait3A_155 = arith.constant 0 : i32
      %dma_wait3A_156 = tpu.memref_slice %arg3[%dma_wait3A_154, %dma_wait3A_155] : memref<576x256xi32, #tpu.memory_space<hbm>> -> memref<576x256xi32, #tpu.memory_space<hbm>>
      tpu.wait_indirect_dma semaphore(%arg12 : memref<!tpu.dma_semaphore, #tpu.memory_space<semaphore_mem>>) src(%dma_wait3A_156 : memref<576x256xi32, #tpu.memory_space<hbm>>) dst(%dma_wait3A_152 : memref<16x256xi32, #tpu.memory_space<vmem>>)
      %dma_wait3A_157 = arith.constant 32 : i32
      %dma_wait3A_158 = arith.constant 0 : i32
      %dma_wait3A_159 = tpu.memref_slice %arg8[%dma_wait3A_157, %dma_wait3A_158] : memref<64x256xi32, #tpu.memory_space<vmem>> -> memref<16x256xi32, #tpu.memory_space<vmem>>
      %dma_wait3A_160 = tpu.memref_slice %arg6[%add3A_138] : memref<512xi32, #tpu.memory_space<vmem>> -> memref<16xi32, #tpu.memory_space<vmem>>
      %dma_wait3A_161 = arith.constant 0 : i32
      %dma_wait3A_162 = arith.constant 0 : i32
      %dma_wait3A_163 = tpu.memref_slice %arg3[%dma_wait3A_161, %dma_wait3A_162] : memref<576x256xi32, #tpu.memory_space<hbm>> -> memref<576x256xi32, #tpu.memory_space<hbm>>
      tpu.wait_indirect_dma semaphore(%arg12 : memref<!tpu.dma_semaphore, #tpu.memory_space<semaphore_mem>>) src(%dma_wait3A_163 : memref<576x256xi32, #tpu.memory_space<hbm>>) dst(%dma_wait3A_159 : memref<16x256xi32, #tpu.memory_space<vmem>>)
      %dma_wait3A_164 = arith.constant 48 : i32
      %dma_wait3A_165 = arith.constant 0 : i32
      %dma_wait3A_166 = tpu.memref_slice %arg8[%dma_wait3A_164, %dma_wait3A_165] : memref<64x256xi32, #tpu.memory_space<vmem>> -> memref<16x256xi32, #tpu.memory_space<vmem>>
      %dma_wait3A_167 = tpu.memref_slice %arg6[%add3A_142] : memref<512xi32, #tpu.memory_space<vmem>> -> memref<16xi32, #tpu.memory_space<vmem>>
      %dma_wait3A_168 = arith.constant 0 : i32
      %dma_wait3A_169 = arith.constant 0 : i32
      %dma_wait3A_170 = tpu.memref_slice %arg3[%dma_wait3A_168, %dma_wait3A_169] : memref<576x256xi32, #tpu.memory_space<hbm>> -> memref<576x256xi32, #tpu.memory_space<hbm>>
      tpu.wait_indirect_dma semaphore(%arg12 : memref<!tpu.dma_semaphore, #tpu.memory_space<semaphore_mem>>) src(%dma_wait3A_170 : memref<576x256xi32, #tpu.memory_space<hbm>>) dst(%dma_wait3A_166 : memref<16x256xi32, #tpu.memory_space<vmem>>)
      %ge3A = arith.constant 1 : i32
      %ge3A_171 = arith.cmpi sge, %scan3A_124, %ge3A : i32
      %convert_element_type3A = arith.extui %ge3A_171 : i1 to i32
      %cond3A = arith.constant 0 : i32
      %cond3A_172 = arith.cmpi ne, %convert_element_type3A, %cond3A : i32
      scf.if %cond3A_172 {
        %sub3A = arith.constant 2 : i32
        %sub3A_306 = arith.subi %mul3A_126, %sub3A : i32
        %mul3A_307 = arith.constant 2 : i32
        %mul3A_308 = arith.muli %mul3A_307, %sub3A_306 : i32
        %add3A_309 = arith.constant 0 : i32
        %add3A_310 = arith.addi %mul3A_308, %add3A_309 : i32
        %mul3A_311 = arith.constant 2 : i32
        %mul3A_312 = arith.muli %mul3A_311, %sub3A_306 : i32
        %add3A_313 = arith.constant 1 : i32
        %add3A_314 = arith.addi %mul3A_312, %add3A_313 : i32
        %dma_wait3A_315 = arith.constant 0 : i32
        %dma_wait3A_316 = arith.constant 0 : i32
        %dma_wait3A_317 = tpu.memref_slice %arg10[%dma_wait3A_315, %dma_wait3A_316] : memref<32x512xf32, #tpu.memory_space<vmem>> -> memref<16x512xf32, #tpu.memory_space<vmem>>
        %dma_wait3A_318 = arith.constant 0 : i32
        %dma_wait3A_319 = tpu.memref_slice %arg5[%add3A_310, %mul3A_2, %dma_wait3A_318] : memref<16x512x512xf32, #tpu.memory_space<hbm>> -> memref<1x16x512xf32, #tpu.memory_space<hbm>>
        %dma_wait3A_320 = tpu.memref_squeeze %dma_wait3A_319 : memref<1x16x512xf32, #tpu.memory_space<hbm>> -> memref<16x512xf32, #tpu.memory_space<hbm>>
        %dma_wait3A_321 = arith.constant 0 : i32
        %dma_wait3A_322 = tpu.memref_slice %arg5[%add3A_310, %mul3A_2, %dma_wait3A_321] : memref<16x512x512xf32, #tpu.memory_space<hbm>> -> memref<1x16x512xf32, #tpu.memory_space<hbm>>
        %dma_wait3A_323 = tpu.memref_squeeze %dma_wait3A_322 : memref<1x16x512xf32, #tpu.memory_space<hbm>> -> memref<16x512xf32, #tpu.memory_space<hbm>>
        %dma_wait3A_324 = arith.constant 0 : i32
        %dma_wait3A_325 = arith.constant 0 : i32
        %dma_wait3A_326 = tpu.memref_slice %arg10[%dma_wait3A_324, %dma_wait3A_325] : memref<32x512xf32, #tpu.memory_space<vmem>> -> memref<16x512xf32, #tpu.memory_space<vmem>>
        tpu.wait_dma2 semaphore(%arg14 : memref<!tpu.dma_semaphore, #tpu.memory_space<semaphore_mem>>) src(%dma_wait3A_326 : memref<16x512xf32, #tpu.memory_space<vmem>>) dst(%dma_wait3A_323 : memref<16x512xf32, #tpu.memory_space<hbm>>)
        %dma_wait3A_327 = arith.constant 16 : i32
        %dma_wait3A_328 = arith.constant 0 : i32
        %dma_wait3A_329 = tpu.memref_slice %arg10[%dma_wait3A_327, %dma_wait3A_328] : memref<32x512xf32, #tpu.memory_space<vmem>> -> memref<16x512xf32, #tpu.memory_space<vmem>>
        %dma_wait3A_330 = arith.constant 0 : i32
        %dma_wait3A_331 = tpu.memref_slice %arg5[%add3A_314, %mul3A_2, %dma_wait3A_330] : memref<16x512x512xf32, #tpu.memory_space<hbm>> -> memref<1x16x512xf32, #tpu.memory_space<hbm>>
        %dma_wait3A_332 = tpu.memref_squeeze %dma_wait3A_331 : memref<1x16x512xf32, #tpu.memory_space<hbm>> -> memref<16x512xf32, #tpu.memory_space<hbm>>
        %dma_wait3A_333 = arith.constant 0 : i32
        %dma_wait3A_334 = tpu.memref_slice %arg5[%add3A_314, %mul3A_2, %dma_wait3A_333] : memref<16x512x512xf32, #tpu.memory_space<hbm>> -> memref<1x16x512xf32, #tpu.memory_space<hbm>>
        %dma_wait3A_335 = tpu.memref_squeeze %dma_wait3A_334 : memref<1x16x512xf32, #tpu.memory_space<hbm>> -> memref<16x512xf32, #tpu.memory_space<hbm>>
        %dma_wait3A_336 = arith.constant 16 : i32
        %dma_wait3A_337 = arith.constant 0 : i32
        %dma_wait3A_338 = tpu.memref_slice %arg10[%dma_wait3A_336, %dma_wait3A_337] : memref<32x512xf32, #tpu.memory_space<vmem>> -> memref<16x512xf32, #tpu.memory_space<vmem>>
        tpu.wait_dma2 semaphore(%arg14 : memref<!tpu.dma_semaphore, #tpu.memory_space<semaphore_mem>>) src(%dma_wait3A_338 : memref<16x512xf32, #tpu.memory_space<vmem>>) dst(%dma_wait3A_335 : memref<16x512xf32, #tpu.memory_space<hbm>>)
      } else {
      }
      %parallel_loop3A = arith.constant 0 : i32
      %parallel_loop3A_173 = arith.constant 32 : i32
      %parallel_loop3A_174 = arith.constant 1 : i32
      %parallel_loop3A_175 = arith.constant -65536 : i32
      scf.for %parallel_loop3A_306 = %parallel_loop3A to %parallel_loop3A_173 step %parallel_loop3A_174  : i32 {
        %parallel_loop3A_307 = arith.constant 2 : i32
        %parallel_loop3A_308 = arith.muli %parallel_loop3A_307, %parallel_loop3A_306 : i32
        %parallel_loop3A_309 = arith.constant 15 : i32
        %parallel_loop3A_310 = arith.andi %parallel_loop3A_306, %parallel_loop3A_309 : i32
        %parallel_loop3A_311 = arith.index_cast %parallel_loop3A_308 : i32 to index
        %parallel_loop3A_312 = arith.constant 0 : index
        %parallel_loop3A_313 = tpu.vector_load %arg8[%parallel_loop3A_311, %parallel_loop3A_312] {strides = array<i32>} : memref<64x256xi32, #tpu.memory_space<vmem>>, vector<1x16xi32>,
        %parallel_loop3A_314 = vector.shape_cast %parallel_loop3A_313 : vector<1x16xi32> to vector<16xi32>
        %parallel_loop3A_315 = arith.constant 1 : i32
        %parallel_loop3A_316 = arith.addi %parallel_loop3A_308, %parallel_loop3A_315 : i32
        %parallel_loop3A_317 = arith.index_cast %parallel_loop3A_316 : i32 to index
        %parallel_loop3A_318 = arith.constant 0 : index
        %parallel_loop3A_319 = tpu.vector_load %arg8[%parallel_loop3A_317, %parallel_loop3A_318] {strides = array<i32>} : memref<64x256xi32, #tpu.memory_space<vmem>>, vector<1x16xi32>,
        %parallel_loop3A_320 = vector.shape_cast %parallel_loop3A_319 : vector<1x16xi32> to vector<16xi32>
        %parallel_loop3A_321 = arith.constant 16 : i32
        %parallel_loop3A_322 = vector.broadcast %parallel_loop3A_321 : i32 to vector<16xi32>
        %parallel_loop3A_323 = arith.shli %parallel_loop3A_314, %parallel_loop3A_322 : vector<16xi32>
        %parallel_loop3A_324 = tpu.bitcast %parallel_loop3A_323 : vector<16xi32> -> vector<16xf32>
        %parallel_loop3A_325 = arith.constant 16 : i32
        %parallel_loop3A_326 = vector.broadcast %parallel_loop3A_325 : i32 to vector<16xi32>
        %parallel_loop3A_327 = arith.shli %parallel_loop3A_320, %parallel_loop3A_326 : vector<16xi32>
        %parallel_loop3A_328 = tpu.bitcast %parallel_loop3A_327 : vector<16xi32> -> vector<16xf32>
        %parallel_loop3A_329 = arith.addf %parallel_loop3A_324, %parallel_loop3A_328 : vector<16xf32>
        %parallel_loop3A_330 = vector.broadcast %parallel_loop3A_175 : i32 to vector<16xi32>
        %parallel_loop3A_331 = arith.andi %parallel_loop3A_314, %parallel_loop3A_330 : vector<16xi32>
        %parallel_loop3A_332 = tpu.bitcast %parallel_loop3A_331 : vector<16xi32> -> vector<16xf32>
        %parallel_loop3A_333 = vector.broadcast %parallel_loop3A_175 : i32 to vector<16xi32>
        %parallel_loop3A_334 = arith.andi %parallel_loop3A_320, %parallel_loop3A_333 : vector<16xi32>
        %parallel_loop3A_335 = tpu.bitcast %parallel_loop3A_334 : vector<16xi32> -> vector<16xf32>
        %parallel_loop3A_336 = arith.addf %parallel_loop3A_332, %parallel_loop3A_335 : vector<16xf32>
        %parallel_loop3A_337 = arith.index_cast %parallel_loop3A_310 : i32 to index
        %parallel_loop3A_338 = arith.constant 0 : index
        %parallel_loop3A_339 = tpu.vector_load %arg7[%parallel_loop3A_337, %parallel_loop3A_338] {strides = array<i32>} : memref<16x512xf32, #tpu.memory_space<vmem>>, vector<1x16xf32>,
        %parallel_loop3A_340 = vector.shape_cast %parallel_loop3A_339 : vector<1x16xf32> to vector<16xf32>
        %parallel_loop3A_341 = arith.addf %parallel_loop3A_329, %parallel_loop3A_340 : vector<16xf32>
        %parallel_loop3A_342 = arith.index_cast %parallel_loop3A_306 : i32 to index
        %parallel_loop3A_343 = arith.constant 0 : index
        %parallel_loop3A_344 = tpu.vector_load %arg10[%parallel_loop3A_342, %parallel_loop3A_343] {strides = array<i32>} : memref<32x512xf32, #tpu.memory_space<vmem>>, vector<1x16xf32>,
        %parallel_loop3A_345 = vector.shape_cast %parallel_loop3A_344 : vector<1x16xf32> to vector<16xf32>
        %parallel_loop3A_346 = vector.shape_cast %parallel_loop3A_341 : vector<16xf32> to vector<1x16xf32>
        tpu.vector_store %arg10[%parallel_loop3A_342, %parallel_loop3A_343], %parallel_loop3A_346 {strides = array<i32>} : memref<32x512xf32, #tpu.memory_space<vmem>>, vector<1x16xf32>,
        %parallel_loop3A_347 = arith.index_cast %parallel_loop3A_310 : i32 to index
        %parallel_loop3A_348 = arith.constant 16 : index
        %parallel_loop3A_349 = tpu.vector_load %arg7[%parallel_loop3A_347, %parallel_loop3A_348] {strides = array<i32>} : memref<16x512xf32, #tpu.memory_space<vmem>>, vector<1x16xf32>,
        %parallel_loop3A_350 = vector.shape_cast %parallel_loop3A_349 : vector<1x16xf32> to vector<16xf32>
        %parallel_loop3A_351 = arith.addf %parallel_loop3A_336, %parallel_loop3A_350 : vector<16xf32>
        %parallel_loop3A_352 = arith.index_cast %parallel_loop3A_306 : i32 to index
        %parallel_loop3A_353 = arith.constant 16 : index
        %parallel_loop3A_354 = tpu.vector_load %arg10[%parallel_loop3A_352, %parallel_loop3A_353] {strides = array<i32>} : memref<32x512xf32, #tpu.memory_space<vmem>>, vector<1x16xf32>,
        %parallel_loop3A_355 = vector.shape_cast %parallel_loop3A_354 : vector<1x16xf32> to vector<16xf32>
        %parallel_loop3A_356 = vector.shape_cast %parallel_loop3A_351 : vector<16xf32> to vector<1x16xf32>
        tpu.vector_store %arg10[%parallel_loop3A_352, %parallel_loop3A_353], %parallel_loop3A_356 {strides = array<i32>} : memref<32x512xf32, #tpu.memory_space<vmem>>, vector<1x16xf32>,
        %parallel_loop3A_357 = arith.index_cast %parallel_loop3A_308 : i32 to index
        %parallel_loop3A_358 = arith.constant 16 : index
        %parallel_loop3A_359 = tpu.vector_load %arg8[%parallel_loop3A_357, %parallel_loop3A_358] {strides = array<i32>} : memref<64x256xi32, #tpu.memory_space<vmem>>, vector<1x16xi32>,
        %parallel_loop3A_360 = vector.shape_cast %parallel_loop3A_359 : vector<1x16xi32> to vector<16xi32>
        %parallel_loop3A_361 = arith.constant 1 : i32
        %parallel_loop3A_362 = arith.addi %parallel_loop3A_308, %parallel_loop3A_361 : i32
        %parallel_loop3A_363 = arith.index_cast %parallel_loop3A_362 : i32 to index
        %parallel_loop3A_364 = arith.constant 16 : index
        %parallel_loop3A_365 = tpu.vector_load %arg8[%parallel_loop3A_363, %parallel_loop3A_364] {strides = array<i32>} : memref<64x256xi32, #tpu.memory_space<vmem>>, vector<1x16xi32>,
        %parallel_loop3A_366 = vector.shape_cast %parallel_loop3A_365 : vector<1x16xi32> to vector<16xi32>
        %parallel_loop3A_367 = arith.constant 16 : i32
        %parallel_loop3A_368 = vector.broadcast %parallel_loop3A_367 : i32 to vector<16xi32>
        %parallel_loop3A_369 = arith.shli %parallel_loop3A_360, %parallel_loop3A_368 : vector<16xi32>
        %parallel_loop3A_370 = tpu.bitcast %parallel_loop3A_369 : vector<16xi32> -> vector<16xf32>
        %parallel_loop3A_371 = arith.constant 16 : i32
        %parallel_loop3A_372 = vector.broadcast %parallel_loop3A_371 : i32 to vector<16xi32>
        %parallel_loop3A_373 = arith.shli %parallel_loop3A_366, %parallel_loop3A_372 : vector<16xi32>
        %parallel_loop3A_374 = tpu.bitcast %parallel_loop3A_373 : vector<16xi32> -> vector<16xf32>
        %parallel_loop3A_375 = arith.addf %parallel_loop3A_370, %parallel_loop3A_374 : vector<16xf32>
        %parallel_loop3A_376 = vector.broadcast %parallel_loop3A_175 : i32 to vector<16xi32>
        %parallel_loop3A_377 = arith.andi %parallel_loop3A_360, %parallel_loop3A_376 : vector<16xi32>
        %parallel_loop3A_378 = tpu.bitcast %parallel_loop3A_377 : vector<16xi32> -> vector<16xf32>
        %parallel_loop3A_379 = vector.broadcast %parallel_loop3A_175 : i32 to vector<16xi32>
        %parallel_loop3A_380 = arith.andi %parallel_loop3A_366, %parallel_loop3A_379 : vector<16xi32>
        %parallel_loop3A_381 = tpu.bitcast %parallel_loop3A_380 : vector<16xi32> -> vector<16xf32>
        %parallel_loop3A_382 = arith.addf %parallel_loop3A_378, %parallel_loop3A_381 : vector<16xf32>
        %parallel_loop3A_383 = arith.index_cast %parallel_loop3A_310 : i32 to index
        %parallel_loop3A_384 = arith.constant 32 : index
        %parallel_loop3A_385 = tpu.vector_load %arg7[%parallel_loop3A_383, %parallel_loop3A_384] {strides = array<i32>} : memref<16x512xf32, #tpu.memory_space<vmem>>, vector<1x16xf32>,
        %parallel_loop3A_386 = vector.shape_cast %parallel_loop3A_385 : vector<1x16xf32> to vector<16xf32>
        %parallel_loop3A_387 = arith.addf %parallel_loop3A_375, %parallel_loop3A_386 : vector<16xf32>
        %parallel_loop3A_388 = arith.index_cast %parallel_loop3A_306 : i32 to index
        %parallel_loop3A_389 = arith.constant 32 : index
        %parallel_loop3A_390 = tpu.vector_load %arg10[%parallel_loop3A_388, %parallel_loop3A_389] {strides = array<i32>} : memref<32x512xf32, #tpu.memory_space<vmem>>, vector<1x16xf32>,
        %parallel_loop3A_391 = vector.shape_cast %parallel_loop3A_390 : vector<1x16xf32> to vector<16xf32>
        %parallel_loop3A_392 = vector.shape_cast %parallel_loop3A_387 : vector<16xf32> to vector<1x16xf32>
        tpu.vector_store %arg10[%parallel_loop3A_388, %parallel_loop3A_389], %parallel_loop3A_392 {strides = array<i32>} : memref<32x512xf32, #tpu.memory_space<vmem>>, vector<1x16xf32>,
        %parallel_loop3A_393 = arith.index_cast %parallel_loop3A_310 : i32 to index
        %parallel_loop3A_394 = arith.constant 48 : index
        %parallel_loop3A_395 = tpu.vector_load %arg7[%parallel_loop3A_393, %parallel_loop3A_394] {strides = array<i32>} : memref<16x512xf32, #tpu.memory_space<vmem>>, vector<1x16xf32>,
        %parallel_loop3A_396 = vector.shape_cast %parallel_loop3A_395 : vector<1x16xf32> to vector<16xf32>
        %parallel_loop3A_397 = arith.addf %parallel_loop3A_382, %parallel_loop3A_396 : vector<16xf32>
        %parallel_loop3A_398 = arith.index_cast %parallel_loop3A_306 : i32 to index
        %parallel_loop3A_399 = arith.constant 48 : index
        %parallel_loop3A_400 = tpu.vector_load %arg10[%parallel_loop3A_398, %parallel_loop3A_399] {strides = array<i32>} : memref<32x512xf32, #tpu.memory_space<vmem>>, vector<1x16xf32>,
        %parallel_loop3A_401 = vector.shape_cast %parallel_loop3A_400 : vector<1x16xf32> to vector<16xf32>
        %parallel_loop3A_402 = vector.shape_cast %parallel_loop3A_397 : vector<16xf32> to vector<1x16xf32>
        tpu.vector_store %arg10[%parallel_loop3A_398, %parallel_loop3A_399], %parallel_loop3A_402 {strides = array<i32>} : memref<32x512xf32, #tpu.memory_space<vmem>>, vector<1x16xf32>,
        %parallel_loop3A_403 = arith.index_cast %parallel_loop3A_308 : i32 to index
        %parallel_loop3A_404 = arith.constant 32 : index
        %parallel_loop3A_405 = tpu.vector_load %arg8[%parallel_loop3A_403, %parallel_loop3A_404] {strides = array<i32>} : memref<64x256xi32, #tpu.memory_space<vmem>>, vector<1x16xi32>,
        %parallel_loop3A_406 = vector.shape_cast %parallel_loop3A_405 : vector<1x16xi32> to vector<16xi32>
        %parallel_loop3A_407 = arith.constant 1 : i32
        %parallel_loop3A_408 = arith.addi %parallel_loop3A_308, %parallel_loop3A_407 : i32
        %parallel_loop3A_409 = arith.index_cast %parallel_loop3A_408 : i32 to index
        %parallel_loop3A_410 = arith.constant 32 : index
        %parallel_loop3A_411 = tpu.vector_load %arg8[%parallel_loop3A_409, %parallel_loop3A_410] {strides = array<i32>} : memref<64x256xi32, #tpu.memory_space<vmem>>, vector<1x16xi32>,
        %parallel_loop3A_412 = vector.shape_cast %parallel_loop3A_411 : vector<1x16xi32> to vector<16xi32>
        %parallel_loop3A_413 = arith.constant 16 : i32
        %parallel_loop3A_414 = vector.broadcast %parallel_loop3A_413 : i32 to vector<16xi32>
        %parallel_loop3A_415 = arith.shli %parallel_loop3A_406, %parallel_loop3A_414 : vector<16xi32>
        %parallel_loop3A_416 = tpu.bitcast %parallel_loop3A_415 : vector<16xi32> -> vector<16xf32>
        %parallel_loop3A_417 = arith.constant 16 : i32
        %parallel_loop3A_418 = vector.broadcast %parallel_loop3A_417 : i32 to vector<16xi32>
        %parallel_loop3A_419 = arith.shli %parallel_loop3A_412, %parallel_loop3A_418 : vector<16xi32>
        %parallel_loop3A_420 = tpu.bitcast %parallel_loop3A_419 : vector<16xi32> -> vector<16xf32>
        %parallel_loop3A_421 = arith.addf %parallel_loop3A_416, %parallel_loop3A_420 : vector<16xf32>
        %parallel_loop3A_422 = vector.broadcast %parallel_loop3A_175 : i32 to vector<16xi32>
        %parallel_loop3A_423 = arith.andi %parallel_loop3A_406, %parallel_loop3A_422 : vector<16xi32>
        %parallel_loop3A_424 = tpu.bitcast %parallel_loop3A_423 : vector<16xi32> -> vector<16xf32>
        %parallel_loop3A_425 = vector.broadcast %parallel_loop3A_175 : i32 to vector<16xi32>
        %parallel_loop3A_426 = arith.andi %parallel_loop3A_412, %parallel_loop3A_425 : vector<16xi32>
        %parallel_loop3A_427 = tpu.bitcast %parallel_loop3A_426 : vector<16xi32> -> vector<16xf32>
        %parallel_loop3A_428 = arith.addf %parallel_loop3A_424, %parallel_loop3A_427 : vector<16xf32>
        %parallel_loop3A_429 = arith.index_cast %parallel_loop3A_310 : i32 to index
        %parallel_loop3A_430 = arith.constant 64 : index
        %parallel_loop3A_431 = tpu.vector_load %arg7[%parallel_loop3A_429, %parallel_loop3A_430] {strides = array<i32>} : memref<16x512xf32, #tpu.memory_space<vmem>>, vector<1x16xf32>,
        %parallel_loop3A_432 = vector.shape_cast %parallel_loop3A_431 : vector<1x16xf32> to vector<16xf32>
        %parallel_loop3A_433 = arith.addf %parallel_loop3A_421, %parallel_loop3A_432 : vector<16xf32>
        %parallel_loop3A_434 = arith.index_cast %parallel_loop3A_306 : i32 to index
        %parallel_loop3A_435 = arith.constant 64 : index
        %parallel_loop3A_436 = tpu.vector_load %arg10[%parallel_loop3A_434, %parallel_loop3A_435] {strides = array<i32>} : memref<32x512xf32, #tpu.memory_space<vmem>>, vector<1x16xf32>,
        %parallel_loop3A_437 = vector.shape_cast %parallel_loop3A_436 : vector<1x16xf32> to vector<16xf32>
        %parallel_loop3A_438 = vector.shape_cast %parallel_loop3A_433 : vector<16xf32> to vector<1x16xf32>
        tpu.vector_store %arg10[%parallel_loop3A_434, %parallel_loop3A_435], %parallel_loop3A_438 {strides = array<i32>} : memref<32x512xf32, #tpu.memory_space<vmem>>, vector<1x16xf32>,
        %parallel_loop3A_439 = arith.index_cast %parallel_loop3A_310 : i32 to index
        %parallel_loop3A_440 = arith.constant 80 : index
        %parallel_loop3A_441 = tpu.vector_load %arg7[%parallel_loop3A_439, %parallel_loop3A_440] {strides = array<i32>} : memref<16x512xf32, #tpu.memory_space<vmem>>, vector<1x16xf32>,
        %parallel_loop3A_442 = vector.shape_cast %parallel_loop3A_441 : vector<1x16xf32> to vector<16xf32>
        %parallel_loop3A_443 = arith.addf %parallel_loop3A_428, %parallel_loop3A_442 : vector<16xf32>
        %parallel_loop3A_444 = arith.index_cast %parallel_loop3A_306 : i32 to index
        %parallel_loop3A_445 = arith.constant 80 : index
        %parallel_loop3A_446 = tpu.vector_load %arg10[%parallel_loop3A_444, %parallel_loop3A_445] {strides = array<i32>} : memref<32x512xf32, #tpu.memory_space<vmem>>, vector<1x16xf32>,
        %parallel_loop3A_447 = vector.shape_cast %parallel_loop3A_446 : vector<1x16xf32> to vector<16xf32>
        %parallel_loop3A_448 = vector.shape_cast %parallel_loop3A_443 : vector<16xf32> to vector<1x16xf32>
        tpu.vector_store %arg10[%parallel_loop3A_444, %parallel_loop3A_445], %parallel_loop3A_448 {strides = array<i32>} : memref<32x512xf32, #tpu.memory_space<vmem>>, vector<1x16xf32>,
        %parallel_loop3A_449 = arith.index_cast %parallel_loop3A_308 : i32 to index
        %parallel_loop3A_450 = arith.constant 48 : index
        %parallel_loop3A_451 = tpu.vector_load %arg8[%parallel_loop3A_449, %parallel_loop3A_450] {strides = array<i32>} : memref<64x256xi32, #tpu.memory_space<vmem>>, vector<1x16xi32>,
        %parallel_loop3A_452 = vector.shape_cast %parallel_loop3A_451 : vector<1x16xi32> to vector<16xi32>
        %parallel_loop3A_453 = arith.constant 1 : i32
        %parallel_loop3A_454 = arith.addi %parallel_loop3A_308, %parallel_loop3A_453 : i32
        %parallel_loop3A_455 = arith.index_cast %parallel_loop3A_454 : i32 to index
        %parallel_loop3A_456 = arith.constant 48 : index
        %parallel_loop3A_457 = tpu.vector_load %arg8[%parallel_loop3A_455, %parallel_loop3A_456] {strides = array<i32>} : memref<64x256xi32, #tpu.memory_space<vmem>>, vector<1x16xi32>,
        %parallel_loop3A_458 = vector.shape_cast %parallel_loop3A_457 : vector<1x16xi32> to vector<16xi32>
        %parallel_loop3A_459 = arith.constant 16 : i32
        %parallel_loop3A_460 = vector.broadcast %parallel_loop3A_459 : i32 to vector<16xi32>
        %parallel_loop3A_461 = arith.shli %parallel_loop3A_452, %parallel_loop3A_460 : vector<16xi32>
        %parallel_loop3A_462 = tpu.bitcast %parallel_loop3A_461 : vector<16xi32> -> vector<16xf32>
        %parallel_loop3A_463 = arith.constant 16 : i32
        %parallel_loop3A_464 = vector.broadcast %parallel_loop3A_463 : i32 to vector<16xi32>
        %parallel_loop3A_465 = arith.shli %parallel_loop3A_458, %parallel_loop3A_464 : vector<16xi32>
        %parallel_loop3A_466 = tpu.bitcast %parallel_loop3A_465 : vector<16xi32> -> vector<16xf32>
        %parallel_loop3A_467 = arith.addf %parallel_loop3A_462, %parallel_loop3A_466 : vector<16xf32>
        %parallel_loop3A_468 = vector.broadcast %parallel_loop3A_175 : i32 to vector<16xi32>
        %parallel_loop3A_469 = arith.andi %parallel_loop3A_452, %parallel_loop3A_468 : vector<16xi32>
        %parallel_loop3A_470 = tpu.bitcast %parallel_loop3A_469 : vector<16xi32> -> vector<16xf32>
        %parallel_loop3A_471 = vector.broadcast %parallel_loop3A_175 : i32 to vector<16xi32>
        %parallel_loop3A_472 = arith.andi %parallel_loop3A_458, %parallel_loop3A_471 : vector<16xi32>
        %parallel_loop3A_473 = tpu.bitcast %parallel_loop3A_472 : vector<16xi32> -> vector<16xf32>
        %parallel_loop3A_474 = arith.addf %parallel_loop3A_470, %parallel_loop3A_473 : vector<16xf32>
        %parallel_loop3A_475 = arith.index_cast %parallel_loop3A_310 : i32 to index
        %parallel_loop3A_476 = arith.constant 96 : index
        %parallel_loop3A_477 = tpu.vector_load %arg7[%parallel_loop3A_475, %parallel_loop3A_476] {strides = array<i32>} : memref<16x512xf32, #tpu.memory_space<vmem>>, vector<1x16xf32>,
        %parallel_loop3A_478 = vector.shape_cast %parallel_loop3A_477 : vector<1x16xf32> to vector<16xf32>
        %parallel_loop3A_479 = arith.addf %parallel_loop3A_467, %parallel_loop3A_478 : vector<16xf32>
        %parallel_loop3A_480 = arith.index_cast %parallel_loop3A_306 : i32 to index
        %parallel_loop3A_481 = arith.constant 96 : index
        %parallel_loop3A_482 = tpu.vector_load %arg10[%parallel_loop3A_480, %parallel_loop3A_481] {strides = array<i32>} : memref<32x512xf32, #tpu.memory_space<vmem>>, vector<1x16xf32>,
        %parallel_loop3A_483 = vector.shape_cast %parallel_loop3A_482 : vector<1x16xf32> to vector<16xf32>
        %parallel_loop3A_484 = vector.shape_cast %parallel_loop3A_479 : vector<16xf32> to vector<1x16xf32>
        tpu.vector_store %arg10[%parallel_loop3A_480, %parallel_loop3A_481], %parallel_loop3A_484 {strides = array<i32>} : memref<32x512xf32, #tpu.memory_space<vmem>>, vector<1x16xf32>,
        %parallel_loop3A_485 = arith.index_cast %parallel_loop3A_310 : i32 to index
        %parallel_loop3A_486 = arith.constant 112 : index
        %parallel_loop3A_487 = tpu.vector_load %arg7[%parallel_loop3A_485, %parallel_loop3A_486] {strides = array<i32>} : memref<16x512xf32, #tpu.memory_space<vmem>>, vector<1x16xf32>,
        %parallel_loop3A_488 = vector.shape_cast %parallel_loop3A_487 : vector<1x16xf32> to vector<16xf32>
        %parallel_loop3A_489 = arith.addf %parallel_loop3A_474, %parallel_loop3A_488 : vector<16xf32>
        %parallel_loop3A_490 = arith.index_cast %parallel_loop3A_306 : i32 to index
        %parallel_loop3A_491 = arith.constant 112 : index
        %parallel_loop3A_492 = tpu.vector_load %arg10[%parallel_loop3A_490, %parallel_loop3A_491] {strides = array<i32>} : memref<32x512xf32, #tpu.memory_space<vmem>>, vector<1x16xf32>,
        %parallel_loop3A_493 = vector.shape_cast %parallel_loop3A_492 : vector<1x16xf32> to vector<16xf32>
        %parallel_loop3A_494 = vector.shape_cast %parallel_loop3A_489 : vector<16xf32> to vector<1x16xf32>
        tpu.vector_store %arg10[%parallel_loop3A_490, %parallel_loop3A_491], %parallel_loop3A_494 {strides = array<i32>} : memref<32x512xf32, #tpu.memory_space<vmem>>, vector<1x16xf32>,
        %parallel_loop3A_495 = arith.index_cast %parallel_loop3A_308 : i32 to index
        %parallel_loop3A_496 = arith.constant 64 : index
        %parallel_loop3A_497 = tpu.vector_load %arg8[%parallel_loop3A_495, %parallel_loop3A_496] {strides = array<i32>} : memref<64x256xi32, #tpu.memory_space<vmem>>, vector<1x16xi32>,
        %parallel_loop3A_498 = vector.shape_cast %parallel_loop3A_497 : vector<1x16xi32> to vector<16xi32>
        %parallel_loop3A_499 = arith.constant 1 : i32
        %parallel_loop3A_500 = arith.addi %parallel_loop3A_308, %parallel_loop3A_499 : i32
        %parallel_loop3A_501 = arith.index_cast %parallel_loop3A_500 : i32 to index
        %parallel_loop3A_502 = arith.constant 64 : index
        %parallel_loop3A_503 = tpu.vector_load %arg8[%parallel_loop3A_501, %parallel_loop3A_502] {strides = array<i32>} : memref<64x256xi32, #tpu.memory_space<vmem>>, vector<1x16xi32>,
        %parallel_loop3A_504 = vector.shape_cast %parallel_loop3A_503 : vector<1x16xi32> to vector<16xi32>
        %parallel_loop3A_505 = arith.constant 16 : i32
        %parallel_loop3A_506 = vector.broadcast %parallel_loop3A_505 : i32 to vector<16xi32>
        %parallel_loop3A_507 = arith.shli %parallel_loop3A_498, %parallel_loop3A_506 : vector<16xi32>
        %parallel_loop3A_508 = tpu.bitcast %parallel_loop3A_507 : vector<16xi32> -> vector<16xf32>
        %parallel_loop3A_509 = arith.constant 16 : i32
        %parallel_loop3A_510 = vector.broadcast %parallel_loop3A_509 : i32 to vector<16xi32>
        %parallel_loop3A_511 = arith.shli %parallel_loop3A_504, %parallel_loop3A_510 : vector<16xi32>
        %parallel_loop3A_512 = tpu.bitcast %parallel_loop3A_511 : vector<16xi32> -> vector<16xf32>
        %parallel_loop3A_513 = arith.addf %parallel_loop3A_508, %parallel_loop3A_512 : vector<16xf32>
        %parallel_loop3A_514 = vector.broadcast %parallel_loop3A_175 : i32 to vector<16xi32>
        %parallel_loop3A_515 = arith.andi %parallel_loop3A_498, %parallel_loop3A_514 : vector<16xi32>
        %parallel_loop3A_516 = tpu.bitcast %parallel_loop3A_515 : vector<16xi32> -> vector<16xf32>
        %parallel_loop3A_517 = vector.broadcast %parallel_loop3A_175 : i32 to vector<16xi32>
        %parallel_loop3A_518 = arith.andi %parallel_loop3A_504, %parallel_loop3A_517 : vector<16xi32>
        %parallel_loop3A_519 = tpu.bitcast %parallel_loop3A_518 : vector<16xi32> -> vector<16xf32>
        %parallel_loop3A_520 = arith.addf %parallel_loop3A_516, %parallel_loop3A_519 : vector<16xf32>
        %parallel_loop3A_521 = arith.index_cast %parallel_loop3A_310 : i32 to index
        %parallel_loop3A_522 = arith.constant 128 : index
        %parallel_loop3A_523 = tpu.vector_load %arg7[%parallel_loop3A_521, %parallel_loop3A_522] {strides = array<i32>} : memref<16x512xf32, #tpu.memory_space<vmem>>, vector<1x16xf32>,
        %parallel_loop3A_524 = vector.shape_cast %parallel_loop3A_523 : vector<1x16xf32> to vector<16xf32>
        %parallel_loop3A_525 = arith.addf %parallel_loop3A_513, %parallel_loop3A_524 : vector<16xf32>
        %parallel_loop3A_526 = arith.index_cast %parallel_loop3A_306 : i32 to index
        %parallel_loop3A_527 = arith.constant 128 : index
        %parallel_loop3A_528 = tpu.vector_load %arg10[%parallel_loop3A_526, %parallel_loop3A_527] {strides = array<i32>} : memref<32x512xf32, #tpu.memory_space<vmem>>, vector<1x16xf32>,
        %parallel_loop3A_529 = vector.shape_cast %parallel_loop3A_528 : vector<1x16xf32> to vector<16xf32>
        %parallel_loop3A_530 = vector.shape_cast %parallel_loop3A_525 : vector<16xf32> to vector<1x16xf32>
        tpu.vector_store %arg10[%parallel_loop3A_526, %parallel_loop3A_527], %parallel_loop3A_530 {strides = array<i32>} : memref<32x512xf32, #tpu.memory_space<vmem>>, vector<1x16xf32>,
        %parallel_loop3A_531 = arith.index_cast %parallel_loop3A_310 : i32 to index
        %parallel_loop3A_532 = arith.constant 144 : index
        %parallel_loop3A_533 = tpu.vector_load %arg7[%parallel_loop3A_531, %parallel_loop3A_532] {strides = array<i32>} : memref<16x512xf32, #tpu.memory_space<vmem>>, vector<1x16xf32>,
        %parallel_loop3A_534 = vector.shape_cast %parallel_loop3A_533 : vector<1x16xf32> to vector<16xf32>
        %parallel_loop3A_535 = arith.addf %parallel_loop3A_520, %parallel_loop3A_534 : vector<16xf32>
        %parallel_loop3A_536 = arith.index_cast %parallel_loop3A_306 : i32 to index
        %parallel_loop3A_537 = arith.constant 144 : index
        %parallel_loop3A_538 = tpu.vector_load %arg10[%parallel_loop3A_536, %parallel_loop3A_537] {strides = array<i32>} : memref<32x512xf32, #tpu.memory_space<vmem>>, vector<1x16xf32>,
        %parallel_loop3A_539 = vector.shape_cast %parallel_loop3A_538 : vector<1x16xf32> to vector<16xf32>
        %parallel_loop3A_540 = vector.shape_cast %parallel_loop3A_535 : vector<16xf32> to vector<1x16xf32>
        tpu.vector_store %arg10[%parallel_loop3A_536, %parallel_loop3A_537], %parallel_loop3A_540 {strides = array<i32>} : memref<32x512xf32, #tpu.memory_space<vmem>>, vector<1x16xf32>,
        %parallel_loop3A_541 = arith.index_cast %parallel_loop3A_308 : i32 to index
        %parallel_loop3A_542 = arith.constant 80 : index
        %parallel_loop3A_543 = tpu.vector_load %arg8[%parallel_loop3A_541, %parallel_loop3A_542] {strides = array<i32>} : memref<64x256xi32, #tpu.memory_space<vmem>>, vector<1x16xi32>,
        %parallel_loop3A_544 = vector.shape_cast %parallel_loop3A_543 : vector<1x16xi32> to vector<16xi32>
        %parallel_loop3A_545 = arith.constant 1 : i32
        %parallel_loop3A_546 = arith.addi %parallel_loop3A_308, %parallel_loop3A_545 : i32
        %parallel_loop3A_547 = arith.index_cast %parallel_loop3A_546 : i32 to index
        %parallel_loop3A_548 = arith.constant 80 : index
        %parallel_loop3A_549 = tpu.vector_load %arg8[%parallel_loop3A_547, %parallel_loop3A_548] {strides = array<i32>} : memref<64x256xi32, #tpu.memory_space<vmem>>, vector<1x16xi32>,
        %parallel_loop3A_550 = vector.shape_cast %parallel_loop3A_549 : vector<1x16xi32> to vector<16xi32>
        %parallel_loop3A_551 = arith.constant 16 : i32
        %parallel_loop3A_552 = vector.broadcast %parallel_loop3A_551 : i32 to vector<16xi32>
        %parallel_loop3A_553 = arith.shli %parallel_loop3A_544, %parallel_loop3A_552 : vector<16xi32>
        %parallel_loop3A_554 = tpu.bitcast %parallel_loop3A_553 : vector<16xi32> -> vector<16xf32>
        %parallel_loop3A_555 = arith.constant 16 : i32
        %parallel_loop3A_556 = vector.broadcast %parallel_loop3A_555 : i32 to vector<16xi32>
        %parallel_loop3A_557 = arith.shli %parallel_loop3A_550, %parallel_loop3A_556 : vector<16xi32>
        %parallel_loop3A_558 = tpu.bitcast %parallel_loop3A_557 : vector<16xi32> -> vector<16xf32>
        %parallel_loop3A_559 = arith.addf %parallel_loop3A_554, %parallel_loop3A_558 : vector<16xf32>
        %parallel_loop3A_560 = vector.broadcast %parallel_loop3A_175 : i32 to vector<16xi32>
        %parallel_loop3A_561 = arith.andi %parallel_loop3A_544, %parallel_loop3A_560 : vector<16xi32>
        %parallel_loop3A_562 = tpu.bitcast %parallel_loop3A_561 : vector<16xi32> -> vector<16xf32>
        %parallel_loop3A_563 = vector.broadcast %parallel_loop3A_175 : i32 to vector<16xi32>
        %parallel_loop3A_564 = arith.andi %parallel_loop3A_550, %parallel_loop3A_563 : vector<16xi32>
        %parallel_loop3A_565 = tpu.bitcast %parallel_loop3A_564 : vector<16xi32> -> vector<16xf32>
        %parallel_loop3A_566 = arith.addf %parallel_loop3A_562, %parallel_loop3A_565 : vector<16xf32>
        %parallel_loop3A_567 = arith.index_cast %parallel_loop3A_310 : i32 to index
        %parallel_loop3A_568 = arith.constant 160 : index
        %parallel_loop3A_569 = tpu.vector_load %arg7[%parallel_loop3A_567, %parallel_loop3A_568] {strides = array<i32>} : memref<16x512xf32, #tpu.memory_space<vmem>>, vector<1x16xf32>,
        %parallel_loop3A_570 = vector.shape_cast %parallel_loop3A_569 : vector<1x16xf32> to vector<16xf32>
        %parallel_loop3A_571 = arith.addf %parallel_loop3A_559, %parallel_loop3A_570 : vector<16xf32>
        %parallel_loop3A_572 = arith.index_cast %parallel_loop3A_306 : i32 to index
        %parallel_loop3A_573 = arith.constant 160 : index
        %parallel_loop3A_574 = tpu.vector_load %arg10[%parallel_loop3A_572, %parallel_loop3A_573] {strides = array<i32>} : memref<32x512xf32, #tpu.memory_space<vmem>>, vector<1x16xf32>,
        %parallel_loop3A_575 = vector.shape_cast %parallel_loop3A_574 : vector<1x16xf32> to vector<16xf32>
        %parallel_loop3A_576 = vector.shape_cast %parallel_loop3A_571 : vector<16xf32> to vector<1x16xf32>
        tpu.vector_store %arg10[%parallel_loop3A_572, %parallel_loop3A_573], %parallel_loop3A_576 {strides = array<i32>} : memref<32x512xf32, #tpu.memory_space<vmem>>, vector<1x16xf32>,
        %parallel_loop3A_577 = arith.index_cast %parallel_loop3A_310 : i32 to index
        %parallel_loop3A_578 = arith.constant 176 : index
        %parallel_loop3A_579 = tpu.vector_load %arg7[%parallel_loop3A_577, %parallel_loop3A_578] {strides = array<i32>} : memref<16x512xf32, #tpu.memory_space<vmem>>, vector<1x16xf32>,
        %parallel_loop3A_580 = vector.shape_cast %parallel_loop3A_579 : vector<1x16xf32> to vector<16xf32>
        %parallel_loop3A_581 = arith.addf %parallel_loop3A_566, %parallel_loop3A_580 : vector<16xf32>
        %parallel_loop3A_582 = arith.index_cast %parallel_loop3A_306 : i32 to index
        %parallel_loop3A_583 = arith.constant 176 : index
        %parallel_loop3A_584 = tpu.vector_load %arg10[%parallel_loop3A_582, %parallel_loop3A_583] {strides = array<i32>} : memref<32x512xf32, #tpu.memory_space<vmem>>, vector<1x16xf32>,
        %parallel_loop3A_585 = vector.shape_cast %parallel_loop3A_584 : vector<1x16xf32> to vector<16xf32>
        %parallel_loop3A_586 = vector.shape_cast %parallel_loop3A_581 : vector<16xf32> to vector<1x16xf32>
        tpu.vector_store %arg10[%parallel_loop3A_582, %parallel_loop3A_583], %parallel_loop3A_586 {strides = array<i32>} : memref<32x512xf32, #tpu.memory_space<vmem>>, vector<1x16xf32>,
        %parallel_loop3A_587 = arith.index_cast %parallel_loop3A_308 : i32 to index
        %parallel_loop3A_588 = arith.constant 96 : index
        %parallel_loop3A_589 = tpu.vector_load %arg8[%parallel_loop3A_587, %parallel_loop3A_588] {strides = array<i32>} : memref<64x256xi32, #tpu.memory_space<vmem>>, vector<1x16xi32>,
        %parallel_loop3A_590 = vector.shape_cast %parallel_loop3A_589 : vector<1x16xi32> to vector<16xi32>
        %parallel_loop3A_591 = arith.constant 1 : i32
        %parallel_loop3A_592 = arith.addi %parallel_loop3A_308, %parallel_loop3A_591 : i32
        %parallel_loop3A_593 = arith.index_cast %parallel_loop3A_592 : i32 to index
        %parallel_loop3A_594 = arith.constant 96 : index
        %parallel_loop3A_595 = tpu.vector_load %arg8[%parallel_loop3A_593, %parallel_loop3A_594] {strides = array<i32>} : memref<64x256xi32, #tpu.memory_space<vmem>>, vector<1x16xi32>,
        %parallel_loop3A_596 = vector.shape_cast %parallel_loop3A_595 : vector<1x16xi32> to vector<16xi32>
        %parallel_loop3A_597 = arith.constant 16 : i32
        %parallel_loop3A_598 = vector.broadcast %parallel_loop3A_597 : i32 to vector<16xi32>
        %parallel_loop3A_599 = arith.shli %parallel_loop3A_590, %parallel_loop3A_598 : vector<16xi32>
        %parallel_loop3A_600 = tpu.bitcast %parallel_loop3A_599 : vector<16xi32> -> vector<16xf32>
        %parallel_loop3A_601 = arith.constant 16 : i32
        %parallel_loop3A_602 = vector.broadcast %parallel_loop3A_601 : i32 to vector<16xi32>
        %parallel_loop3A_603 = arith.shli %parallel_loop3A_596, %parallel_loop3A_602 : vector<16xi32>
        %parallel_loop3A_604 = tpu.bitcast %parallel_loop3A_603 : vector<16xi32> -> vector<16xf32>
        %parallel_loop3A_605 = arith.addf %parallel_loop3A_600, %parallel_loop3A_604 : vector<16xf32>
        %parallel_loop3A_606 = vector.broadcast %parallel_loop3A_175 : i32 to vector<16xi32>
        %parallel_loop3A_607 = arith.andi %parallel_loop3A_590, %parallel_loop3A_606 : vector<16xi32>
        %parallel_loop3A_608 = tpu.bitcast %parallel_loop3A_607 : vector<16xi32> -> vector<16xf32>
        %parallel_loop3A_609 = vector.broadcast %parallel_loop3A_175 : i32 to vector<16xi32>
        %parallel_loop3A_610 = arith.andi %parallel_loop3A_596, %parallel_loop3A_609 : vector<16xi32>
        %parallel_loop3A_611 = tpu.bitcast %parallel_loop3A_610 : vector<16xi32> -> vector<16xf32>
        %parallel_loop3A_612 = arith.addf %parallel_loop3A_608, %parallel_loop3A_611 : vector<16xf32>
        %parallel_loop3A_613 = arith.index_cast %parallel_loop3A_310 : i32 to index
        %parallel_loop3A_614 = arith.constant 192 : index
        %parallel_loop3A_615 = tpu.vector_load %arg7[%parallel_loop3A_613, %parallel_loop3A_614] {strides = array<i32>} : memref<16x512xf32, #tpu.memory_space<vmem>>, vector<1x16xf32>,
        %parallel_loop3A_616 = vector.shape_cast %parallel_loop3A_615 : vector<1x16xf32> to vector<16xf32>
        %parallel_loop3A_617 = arith.addf %parallel_loop3A_605, %parallel_loop3A_616 : vector<16xf32>
        %parallel_loop3A_618 = arith.index_cast %parallel_loop3A_306 : i32 to index
        %parallel_loop3A_619 = arith.constant 192 : index
        %parallel_loop3A_620 = tpu.vector_load %arg10[%parallel_loop3A_618, %parallel_loop3A_619] {strides = array<i32>} : memref<32x512xf32, #tpu.memory_space<vmem>>, vector<1x16xf32>,
        %parallel_loop3A_621 = vector.shape_cast %parallel_loop3A_620 : vector<1x16xf32> to vector<16xf32>
        %parallel_loop3A_622 = vector.shape_cast %parallel_loop3A_617 : vector<16xf32> to vector<1x16xf32>
        tpu.vector_store %arg10[%parallel_loop3A_618, %parallel_loop3A_619], %parallel_loop3A_622 {strides = array<i32>} : memref<32x512xf32, #tpu.memory_space<vmem>>, vector<1x16xf32>,
        %parallel_loop3A_623 = arith.index_cast %parallel_loop3A_310 : i32 to index
        %parallel_loop3A_624 = arith.constant 208 : index
        %parallel_loop3A_625 = tpu.vector_load %arg7[%parallel_loop3A_623, %parallel_loop3A_624] {strides = array<i32>} : memref<16x512xf32, #tpu.memory_space<vmem>>, vector<1x16xf32>,
        %parallel_loop3A_626 = vector.shape_cast %parallel_loop3A_625 : vector<1x16xf32> to vector<16xf32>
        %parallel_loop3A_627 = arith.addf %parallel_loop3A_612, %parallel_loop3A_626 : vector<16xf32>
        %parallel_loop3A_628 = arith.index_cast %parallel_loop3A_306 : i32 to index
        %parallel_loop3A_629 = arith.constant 208 : index
        %parallel_loop3A_630 = tpu.vector_load %arg10[%parallel_loop3A_628, %parallel_loop3A_629] {strides = array<i32>} : memref<32x512xf32, #tpu.memory_space<vmem>>, vector<1x16xf32>,
        %parallel_loop3A_631 = vector.shape_cast %parallel_loop3A_630 : vector<1x16xf32> to vector<16xf32>
        %parallel_loop3A_632 = vector.shape_cast %parallel_loop3A_627 : vector<16xf32> to vector<1x16xf32>
        tpu.vector_store %arg10[%parallel_loop3A_628, %parallel_loop3A_629], %parallel_loop3A_632 {strides = array<i32>} : memref<32x512xf32, #tpu.memory_space<vmem>>, vector<1x16xf32>,
        %parallel_loop3A_633 = arith.index_cast %parallel_loop3A_308 : i32 to index
        %parallel_loop3A_634 = arith.constant 112 : index
        %parallel_loop3A_635 = tpu.vector_load %arg8[%parallel_loop3A_633, %parallel_loop3A_634] {strides = array<i32>} : memref<64x256xi32, #tpu.memory_space<vmem>>, vector<1x16xi32>,
        %parallel_loop3A_636 = vector.shape_cast %parallel_loop3A_635 : vector<1x16xi32> to vector<16xi32>
        %parallel_loop3A_637 = arith.constant 1 : i32
        %parallel_loop3A_638 = arith.addi %parallel_loop3A_308, %parallel_loop3A_637 : i32
        %parallel_loop3A_639 = arith.index_cast %parallel_loop3A_638 : i32 to index
        %parallel_loop3A_640 = arith.constant 112 : index
        %parallel_loop3A_641 = tpu.vector_load %arg8[%parallel_loop3A_639, %parallel_loop3A_640] {strides = array<i32>} : memref<64x256xi32, #tpu.memory_space<vmem>>, vector<1x16xi32>,
        %parallel_loop3A_642 = vector.shape_cast %parallel_loop3A_641 : vector<1x16xi32> to vector<16xi32>
        %parallel_loop3A_643 = arith.constant 16 : i32
        %parallel_loop3A_644 = vector.broadcast %parallel_loop3A_643 : i32 to vector<16xi32>
        %parallel_loop3A_645 = arith.shli %parallel_loop3A_636, %parallel_loop3A_644 : vector<16xi32>
        %parallel_loop3A_646 = tpu.bitcast %parallel_loop3A_645 : vector<16xi32> -> vector<16xf32>
        %parallel_loop3A_647 = arith.constant 16 : i32
        %parallel_loop3A_648 = vector.broadcast %parallel_loop3A_647 : i32 to vector<16xi32>
        %parallel_loop3A_649 = arith.shli %parallel_loop3A_642, %parallel_loop3A_648 : vector<16xi32>
        %parallel_loop3A_650 = tpu.bitcast %parallel_loop3A_649 : vector<16xi32> -> vector<16xf32>
        %parallel_loop3A_651 = arith.addf %parallel_loop3A_646, %parallel_loop3A_650 : vector<16xf32>
        %parallel_loop3A_652 = vector.broadcast %parallel_loop3A_175 : i32 to vector<16xi32>
        %parallel_loop3A_653 = arith.andi %parallel_loop3A_636, %parallel_loop3A_652 : vector<16xi32>
        %parallel_loop3A_654 = tpu.bitcast %parallel_loop3A_653 : vector<16xi32> -> vector<16xf32>
        %parallel_loop3A_655 = vector.broadcast %parallel_loop3A_175 : i32 to vector<16xi32>
        %parallel_loop3A_656 = arith.andi %parallel_loop3A_642, %parallel_loop3A_655 : vector<16xi32>
        %parallel_loop3A_657 = tpu.bitcast %parallel_loop3A_656 : vector<16xi32> -> vector<16xf32>
        %parallel_loop3A_658 = arith.addf %parallel_loop3A_654, %parallel_loop3A_657 : vector<16xf32>
        %parallel_loop3A_659 = arith.index_cast %parallel_loop3A_310 : i32 to index
        %parallel_loop3A_660 = arith.constant 224 : index
        %parallel_loop3A_661 = tpu.vector_load %arg7[%parallel_loop3A_659, %parallel_loop3A_660] {strides = array<i32>} : memref<16x512xf32, #tpu.memory_space<vmem>>, vector<1x16xf32>,
        %parallel_loop3A_662 = vector.shape_cast %parallel_loop3A_661 : vector<1x16xf32> to vector<16xf32>
        %parallel_loop3A_663 = arith.addf %parallel_loop3A_651, %parallel_loop3A_662 : vector<16xf32>
        %parallel_loop3A_664 = arith.index_cast %parallel_loop3A_306 : i32 to index
        %parallel_loop3A_665 = arith.constant 224 : index
        %parallel_loop3A_666 = tpu.vector_load %arg10[%parallel_loop3A_664, %parallel_loop3A_665] {strides = array<i32>} : memref<32x512xf32, #tpu.memory_space<vmem>>, vector<1x16xf32>,
        %parallel_loop3A_667 = vector.shape_cast %parallel_loop3A_666 : vector<1x16xf32> to vector<16xf32>
        %parallel_loop3A_668 = vector.shape_cast %parallel_loop3A_663 : vector<16xf32> to vector<1x16xf32>
        tpu.vector_store %arg10[%parallel_loop3A_664, %parallel_loop3A_665], %parallel_loop3A_668 {strides = array<i32>} : memref<32x512xf32, #tpu.memory_space<vmem>>, vector<1x16xf32>,
        %parallel_loop3A_669 = arith.index_cast %parallel_loop3A_310 : i32 to index
        %parallel_loop3A_670 = arith.constant 240 : index
        %parallel_loop3A_671 = tpu.vector_load %arg7[%parallel_loop3A_669, %parallel_loop3A_670] {strides = array<i32>} : memref<16x512xf32, #tpu.memory_space<vmem>>, vector<1x16xf32>,
        %parallel_loop3A_672 = vector.shape_cast %parallel_loop3A_671 : vector<1x16xf32> to vector<16xf32>
        %parallel_loop3A_673 = arith.addf %parallel_loop3A_658, %parallel_loop3A_672 : vector<16xf32>
        %parallel_loop3A_674 = arith.index_cast %parallel_loop3A_306 : i32 to index
        %parallel_loop3A_675 = arith.constant 240 : index
        %parallel_loop3A_676 = tpu.vector_load %arg10[%parallel_loop3A_674, %parallel_loop3A_675] {strides = array<i32>} : memref<32x512xf32, #tpu.memory_space<vmem>>, vector<1x16xf32>,
        %parallel_loop3A_677 = vector.shape_cast %parallel_loop3A_676 : vector<1x16xf32> to vector<16xf32>
        %parallel_loop3A_678 = vector.shape_cast %parallel_loop3A_673 : vector<16xf32> to vector<1x16xf32>
        tpu.vector_store %arg10[%parallel_loop3A_674, %parallel_loop3A_675], %parallel_loop3A_678 {strides = array<i32>} : memref<32x512xf32, #tpu.memory_space<vmem>>, vector<1x16xf32>,
        %parallel_loop3A_679 = arith.index_cast %parallel_loop3A_308 : i32 to index
        %parallel_loop3A_680 = arith.constant 128 : index
        %parallel_loop3A_681 = tpu.vector_load %arg8[%parallel_loop3A_679, %parallel_loop3A_680] {strides = array<i32>} : memref<64x256xi32, #tpu.memory_space<vmem>>, vector<1x16xi32>,
        %parallel_loop3A_682 = vector.shape_cast %parallel_loop3A_681 : vector<1x16xi32> to vector<16xi32>
        %parallel_loop3A_683 = arith.constant 1 : i32
        %parallel_loop3A_684 = arith.addi %parallel_loop3A_308, %parallel_loop3A_683 : i32
        %parallel_loop3A_685 = arith.index_cast %parallel_loop3A_684 : i32 to index
        %parallel_loop3A_686 = arith.constant 128 : index
        %parallel_loop3A_687 = tpu.vector_load %arg8[%parallel_loop3A_685, %parallel_loop3A_686] {strides = array<i32>} : memref<64x256xi32, #tpu.memory_space<vmem>>, vector<1x16xi32>,
        %parallel_loop3A_688 = vector.shape_cast %parallel_loop3A_687 : vector<1x16xi32> to vector<16xi32>
        %parallel_loop3A_689 = arith.constant 16 : i32
        %parallel_loop3A_690 = vector.broadcast %parallel_loop3A_689 : i32 to vector<16xi32>
        %parallel_loop3A_691 = arith.shli %parallel_loop3A_682, %parallel_loop3A_690 : vector<16xi32>
        %parallel_loop3A_692 = tpu.bitcast %parallel_loop3A_691 : vector<16xi32> -> vector<16xf32>
        %parallel_loop3A_693 = arith.constant 16 : i32
        %parallel_loop3A_694 = vector.broadcast %parallel_loop3A_693 : i32 to vector<16xi32>
        %parallel_loop3A_695 = arith.shli %parallel_loop3A_688, %parallel_loop3A_694 : vector<16xi32>
        %parallel_loop3A_696 = tpu.bitcast %parallel_loop3A_695 : vector<16xi32> -> vector<16xf32>
        %parallel_loop3A_697 = arith.addf %parallel_loop3A_692, %parallel_loop3A_696 : vector<16xf32>
        %parallel_loop3A_698 = vector.broadcast %parallel_loop3A_175 : i32 to vector<16xi32>
        %parallel_loop3A_699 = arith.andi %parallel_loop3A_682, %parallel_loop3A_698 : vector<16xi32>
        %parallel_loop3A_700 = tpu.bitcast %parallel_loop3A_699 : vector<16xi32> -> vector<16xf32>
        %parallel_loop3A_701 = vector.broadcast %parallel_loop3A_175 : i32 to vector<16xi32>
        %parallel_loop3A_702 = arith.andi %parallel_loop3A_688, %parallel_loop3A_701 : vector<16xi32>
        %parallel_loop3A_703 = tpu.bitcast %parallel_loop3A_702 : vector<16xi32> -> vector<16xf32>
        %parallel_loop3A_704 = arith.addf %parallel_loop3A_700, %parallel_loop3A_703 : vector<16xf32>
        %parallel_loop3A_705 = arith.index_cast %parallel_loop3A_310 : i32 to index
        %parallel_loop3A_706 = arith.constant 256 : index
        %parallel_loop3A_707 = tpu.vector_load %arg7[%parallel_loop3A_705, %parallel_loop3A_706] {strides = array<i32>} : memref<16x512xf32, #tpu.memory_space<vmem>>, vector<1x16xf32>,
        %parallel_loop3A_708 = vector.shape_cast %parallel_loop3A_707 : vector<1x16xf32> to vector<16xf32>
        %parallel_loop3A_709 = arith.addf %parallel_loop3A_697, %parallel_loop3A_708 : vector<16xf32>
        %parallel_loop3A_710 = arith.index_cast %parallel_loop3A_306 : i32 to index
        %parallel_loop3A_711 = arith.constant 256 : index
        %parallel_loop3A_712 = tpu.vector_load %arg10[%parallel_loop3A_710, %parallel_loop3A_711] {strides = array<i32>} : memref<32x512xf32, #tpu.memory_space<vmem>>, vector<1x16xf32>,
        %parallel_loop3A_713 = vector.shape_cast %parallel_loop3A_712 : vector<1x16xf32> to vector<16xf32>
        %parallel_loop3A_714 = vector.shape_cast %parallel_loop3A_709 : vector<16xf32> to vector<1x16xf32>
        tpu.vector_store %arg10[%parallel_loop3A_710, %parallel_loop3A_711], %parallel_loop3A_714 {strides = array<i32>} : memref<32x512xf32, #tpu.memory_space<vmem>>, vector<1x16xf32>,
        %parallel_loop3A_715 = arith.index_cast %parallel_loop3A_310 : i32 to index
        %parallel_loop3A_716 = arith.constant 272 : index
        %parallel_loop3A_717 = tpu.vector_load %arg7[%parallel_loop3A_715, %parallel_loop3A_716] {strides = array<i32>} : memref<16x512xf32, #tpu.memory_space<vmem>>, vector<1x16xf32>,
        %parallel_loop3A_718 = vector.shape_cast %parallel_loop3A_717 : vector<1x16xf32> to vector<16xf32>
        %parallel_loop3A_719 = arith.addf %parallel_loop3A_704, %parallel_loop3A_718 : vector<16xf32>
        %parallel_loop3A_720 = arith.index_cast %parallel_loop3A_306 : i32 to index
        %parallel_loop3A_721 = arith.constant 272 : index
        %parallel_loop3A_722 = tpu.vector_load %arg10[%parallel_loop3A_720, %parallel_loop3A_721] {strides = array<i32>} : memref<32x512xf32, #tpu.memory_space<vmem>>, vector<1x16xf32>,
        %parallel_loop3A_723 = vector.shape_cast %parallel_loop3A_722 : vector<1x16xf32> to vector<16xf32>
        %parallel_loop3A_724 = vector.shape_cast %parallel_loop3A_719 : vector<16xf32> to vector<1x16xf32>
        tpu.vector_store %arg10[%parallel_loop3A_720, %parallel_loop3A_721], %parallel_loop3A_724 {strides = array<i32>} : memref<32x512xf32, #tpu.memory_space<vmem>>, vector<1x16xf32>,
        %parallel_loop3A_725 = arith.index_cast %parallel_loop3A_308 : i32 to index
        %parallel_loop3A_726 = arith.constant 144 : index
        %parallel_loop3A_727 = tpu.vector_load %arg8[%parallel_loop3A_725, %parallel_loop3A_726] {strides = array<i32>} : memref<64x256xi32, #tpu.memory_space<vmem>>, vector<1x16xi32>,
        %parallel_loop3A_728 = vector.shape_cast %parallel_loop3A_727 : vector<1x16xi32> to vector<16xi32>
        %parallel_loop3A_729 = arith.constant 1 : i32
        %parallel_loop3A_730 = arith.addi %parallel_loop3A_308, %parallel_loop3A_729 : i32
        %parallel_loop3A_731 = arith.index_cast %parallel_loop3A_730 : i32 to index
        %parallel_loop3A_732 = arith.constant 144 : index
        %parallel_loop3A_733 = tpu.vector_load %arg8[%parallel_loop3A_731, %parallel_loop3A_732] {strides = array<i32>} : memref<64x256xi32, #tpu.memory_space<vmem>>, vector<1x16xi32>,
        %parallel_loop3A_734 = vector.shape_cast %parallel_loop3A_733 : vector<1x16xi32> to vector<16xi32>
        %parallel_loop3A_735 = arith.constant 16 : i32
        %parallel_loop3A_736 = vector.broadcast %parallel_loop3A_735 : i32 to vector<16xi32>
        %parallel_loop3A_737 = arith.shli %parallel_loop3A_728, %parallel_loop3A_736 : vector<16xi32>
        %parallel_loop3A_738 = tpu.bitcast %parallel_loop3A_737 : vector<16xi32> -> vector<16xf32>
        %parallel_loop3A_739 = arith.constant 16 : i32
        %parallel_loop3A_740 = vector.broadcast %parallel_loop3A_739 : i32 to vector<16xi32>
        %parallel_loop3A_741 = arith.shli %parallel_loop3A_734, %parallel_loop3A_740 : vector<16xi32>
        %parallel_loop3A_742 = tpu.bitcast %parallel_loop3A_741 : vector<16xi32> -> vector<16xf32>
        %parallel_loop3A_743 = arith.addf %parallel_loop3A_738, %parallel_loop3A_742 : vector<16xf32>
        %parallel_loop3A_744 = vector.broadcast %parallel_loop3A_175 : i32 to vector<16xi32>
        %parallel_loop3A_745 = arith.andi %parallel_loop3A_728, %parallel_loop3A_744 : vector<16xi32>
        %parallel_loop3A_746 = tpu.bitcast %parallel_loop3A_745 : vector<16xi32> -> vector<16xf32>
        %parallel_loop3A_747 = vector.broadcast %parallel_loop3A_175 : i32 to vector<16xi32>
        %parallel_loop3A_748 = arith.andi %parallel_loop3A_734, %parallel_loop3A_747 : vector<16xi32>
        %parallel_loop3A_749 = tpu.bitcast %parallel_loop3A_748 : vector<16xi32> -> vector<16xf32>
        %parallel_loop3A_750 = arith.addf %parallel_loop3A_746, %parallel_loop3A_749 : vector<16xf32>
        %parallel_loop3A_751 = arith.index_cast %parallel_loop3A_310 : i32 to index
        %parallel_loop3A_752 = arith.constant 288 : index
        %parallel_loop3A_753 = tpu.vector_load %arg7[%parallel_loop3A_751, %parallel_loop3A_752] {strides = array<i32>} : memref<16x512xf32, #tpu.memory_space<vmem>>, vector<1x16xf32>,
        %parallel_loop3A_754 = vector.shape_cast %parallel_loop3A_753 : vector<1x16xf32> to vector<16xf32>
        %parallel_loop3A_755 = arith.addf %parallel_loop3A_743, %parallel_loop3A_754 : vector<16xf32>
        %parallel_loop3A_756 = arith.index_cast %parallel_loop3A_306 : i32 to index
        %parallel_loop3A_757 = arith.constant 288 : index
        %parallel_loop3A_758 = tpu.vector_load %arg10[%parallel_loop3A_756, %parallel_loop3A_757] {strides = array<i32>} : memref<32x512xf32, #tpu.memory_space<vmem>>, vector<1x16xf32>,
        %parallel_loop3A_759 = vector.shape_cast %parallel_loop3A_758 : vector<1x16xf32> to vector<16xf32>
        %parallel_loop3A_760 = vector.shape_cast %parallel_loop3A_755 : vector<16xf32> to vector<1x16xf32>
        tpu.vector_store %arg10[%parallel_loop3A_756, %parallel_loop3A_757], %parallel_loop3A_760 {strides = array<i32>} : memref<32x512xf32, #tpu.memory_space<vmem>>, vector<1x16xf32>,
        %parallel_loop3A_761 = arith.index_cast %parallel_loop3A_310 : i32 to index
        %parallel_loop3A_762 = arith.constant 304 : index
        %parallel_loop3A_763 = tpu.vector_load %arg7[%parallel_loop3A_761, %parallel_loop3A_762] {strides = array<i32>} : memref<16x512xf32, #tpu.memory_space<vmem>>, vector<1x16xf32>,
        %parallel_loop3A_764 = vector.shape_cast %parallel_loop3A_763 : vector<1x16xf32> to vector<16xf32>
        %parallel_loop3A_765 = arith.addf %parallel_loop3A_750, %parallel_loop3A_764 : vector<16xf32>
        %parallel_loop3A_766 = arith.index_cast %parallel_loop3A_306 : i32 to index
        %parallel_loop3A_767 = arith.constant 304 : index
        %parallel_loop3A_768 = tpu.vector_load %arg10[%parallel_loop3A_766, %parallel_loop3A_767] {strides = array<i32>} : memref<32x512xf32, #tpu.memory_space<vmem>>, vector<1x16xf32>,
        %parallel_loop3A_769 = vector.shape_cast %parallel_loop3A_768 : vector<1x16xf32> to vector<16xf32>
        %parallel_loop3A_770 = vector.shape_cast %parallel_loop3A_765 : vector<16xf32> to vector<1x16xf32>
        tpu.vector_store %arg10[%parallel_loop3A_766, %parallel_loop3A_767], %parallel_loop3A_770 {strides = array<i32>} : memref<32x512xf32, #tpu.memory_space<vmem>>, vector<1x16xf32>,
        %parallel_loop3A_771 = arith.index_cast %parallel_loop3A_308 : i32 to index
        %parallel_loop3A_772 = arith.constant 160 : index
        %parallel_loop3A_773 = tpu.vector_load %arg8[%parallel_loop3A_771, %parallel_loop3A_772] {strides = array<i32>} : memref<64x256xi32, #tpu.memory_space<vmem>>, vector<1x16xi32>,
        %parallel_loop3A_774 = vector.shape_cast %parallel_loop3A_773 : vector<1x16xi32> to vector<16xi32>
        %parallel_loop3A_775 = arith.constant 1 : i32
        %parallel_loop3A_776 = arith.addi %parallel_loop3A_308, %parallel_loop3A_775 : i32
        %parallel_loop3A_777 = arith.index_cast %parallel_loop3A_776 : i32 to index
        %parallel_loop3A_778 = arith.constant 160 : index
        %parallel_loop3A_779 = tpu.vector_load %arg8[%parallel_loop3A_777, %parallel_loop3A_778] {strides = array<i32>} : memref<64x256xi32, #tpu.memory_space<vmem>>, vector<1x16xi32>,
        %parallel_loop3A_780 = vector.shape_cast %parallel_loop3A_779 : vector<1x16xi32> to vector<16xi32>
        %parallel_loop3A_781 = arith.constant 16 : i32
        %parallel_loop3A_782 = vector.broadcast %parallel_loop3A_781 : i32 to vector<16xi32>
        %parallel_loop3A_783 = arith.shli %parallel_loop3A_774, %parallel_loop3A_782 : vector<16xi32>
        %parallel_loop3A_784 = tpu.bitcast %parallel_loop3A_783 : vector<16xi32> -> vector<16xf32>
        %parallel_loop3A_785 = arith.constant 16 : i32
        %parallel_loop3A_786 = vector.broadcast %parallel_loop3A_785 : i32 to vector<16xi32>
        %parallel_loop3A_787 = arith.shli %parallel_loop3A_780, %parallel_loop3A_786 : vector<16xi32>
        %parallel_loop3A_788 = tpu.bitcast %parallel_loop3A_787 : vector<16xi32> -> vector<16xf32>
        %parallel_loop3A_789 = arith.addf %parallel_loop3A_784, %parallel_loop3A_788 : vector<16xf32>
        %parallel_loop3A_790 = vector.broadcast %parallel_loop3A_175 : i32 to vector<16xi32>
        %parallel_loop3A_791 = arith.andi %parallel_loop3A_774, %parallel_loop3A_790 : vector<16xi32>
        %parallel_loop3A_792 = tpu.bitcast %parallel_loop3A_791 : vector<16xi32> -> vector<16xf32>
        %parallel_loop3A_793 = vector.broadcast %parallel_loop3A_175 : i32 to vector<16xi32>
        %parallel_loop3A_794 = arith.andi %parallel_loop3A_780, %parallel_loop3A_793 : vector<16xi32>
        %parallel_loop3A_795 = tpu.bitcast %parallel_loop3A_794 : vector<16xi32> -> vector<16xf32>
        %parallel_loop3A_796 = arith.addf %parallel_loop3A_792, %parallel_loop3A_795 : vector<16xf32>
        %parallel_loop3A_797 = arith.index_cast %parallel_loop3A_310 : i32 to index
        %parallel_loop3A_798 = arith.constant 320 : index
        %parallel_loop3A_799 = tpu.vector_load %arg7[%parallel_loop3A_797, %parallel_loop3A_798] {strides = array<i32>} : memref<16x512xf32, #tpu.memory_space<vmem>>, vector<1x16xf32>,
        %parallel_loop3A_800 = vector.shape_cast %parallel_loop3A_799 : vector<1x16xf32> to vector<16xf32>
        %parallel_loop3A_801 = arith.addf %parallel_loop3A_789, %parallel_loop3A_800 : vector<16xf32>
        %parallel_loop3A_802 = arith.index_cast %parallel_loop3A_306 : i32 to index
        %parallel_loop3A_803 = arith.constant 320 : index
        %parallel_loop3A_804 = tpu.vector_load %arg10[%parallel_loop3A_802, %parallel_loop3A_803] {strides = array<i32>} : memref<32x512xf32, #tpu.memory_space<vmem>>, vector<1x16xf32>,
        %parallel_loop3A_805 = vector.shape_cast %parallel_loop3A_804 : vector<1x16xf32> to vector<16xf32>
        %parallel_loop3A_806 = vector.shape_cast %parallel_loop3A_801 : vector<16xf32> to vector<1x16xf32>
        tpu.vector_store %arg10[%parallel_loop3A_802, %parallel_loop3A_803], %parallel_loop3A_806 {strides = array<i32>} : memref<32x512xf32, #tpu.memory_space<vmem>>, vector<1x16xf32>,
        %parallel_loop3A_807 = arith.index_cast %parallel_loop3A_310 : i32 to index
        %parallel_loop3A_808 = arith.constant 336 : index
        %parallel_loop3A_809 = tpu.vector_load %arg7[%parallel_loop3A_807, %parallel_loop3A_808] {strides = array<i32>} : memref<16x512xf32, #tpu.memory_space<vmem>>, vector<1x16xf32>,
        %parallel_loop3A_810 = vector.shape_cast %parallel_loop3A_809 : vector<1x16xf32> to vector<16xf32>
        %parallel_loop3A_811 = arith.addf %parallel_loop3A_796, %parallel_loop3A_810 : vector<16xf32>
        %parallel_loop3A_812 = arith.index_cast %parallel_loop3A_306 : i32 to index
        %parallel_loop3A_813 = arith.constant 336 : index
        %parallel_loop3A_814 = tpu.vector_load %arg10[%parallel_loop3A_812, %parallel_loop3A_813] {strides = array<i32>} : memref<32x512xf32, #tpu.memory_space<vmem>>, vector<1x16xf32>,
        %parallel_loop3A_815 = vector.shape_cast %parallel_loop3A_814 : vector<1x16xf32> to vector<16xf32>
        %parallel_loop3A_816 = vector.shape_cast %parallel_loop3A_811 : vector<16xf32> to vector<1x16xf32>
        tpu.vector_store %arg10[%parallel_loop3A_812, %parallel_loop3A_813], %parallel_loop3A_816 {strides = array<i32>} : memref<32x512xf32, #tpu.memory_space<vmem>>, vector<1x16xf32>,
        %parallel_loop3A_817 = arith.index_cast %parallel_loop3A_308 : i32 to index
        %parallel_loop3A_818 = arith.constant 176 : index
        %parallel_loop3A_819 = tpu.vector_load %arg8[%parallel_loop3A_817, %parallel_loop3A_818] {strides = array<i32>} : memref<64x256xi32, #tpu.memory_space<vmem>>, vector<1x16xi32>,
        %parallel_loop3A_820 = vector.shape_cast %parallel_loop3A_819 : vector<1x16xi32> to vector<16xi32>
        %parallel_loop3A_821 = arith.constant 1 : i32
        %parallel_loop3A_822 = arith.addi %parallel_loop3A_308, %parallel_loop3A_821 : i32
        %parallel_loop3A_823 = arith.index_cast %parallel_loop3A_822 : i32 to index
        %parallel_loop3A_824 = arith.constant 176 : index
        %parallel_loop3A_825 = tpu.vector_load %arg8[%parallel_loop3A_823, %parallel_loop3A_824] {strides = array<i32>} : memref<64x256xi32, #tpu.memory_space<vmem>>, vector<1x16xi32>,
        %parallel_loop3A_826 = vector.shape_cast %parallel_loop3A_825 : vector<1x16xi32> to vector<16xi32>
        %parallel_loop3A_827 = arith.constant 16 : i32
        %parallel_loop3A_828 = vector.broadcast %parallel_loop3A_827 : i32 to vector<16xi32>
        %parallel_loop3A_829 = arith.shli %parallel_loop3A_820, %parallel_loop3A_828 : vector<16xi32>
        %parallel_loop3A_830 = tpu.bitcast %parallel_loop3A_829 : vector<16xi32> -> vector<16xf32>
        %parallel_loop3A_831 = arith.constant 16 : i32
        %parallel_loop3A_832 = vector.broadcast %parallel_loop3A_831 : i32 to vector<16xi32>
        %parallel_loop3A_833 = arith.shli %parallel_loop3A_826, %parallel_loop3A_832 : vector<16xi32>
        %parallel_loop3A_834 = tpu.bitcast %parallel_loop3A_833 : vector<16xi32> -> vector<16xf32>
        %parallel_loop3A_835 = arith.addf %parallel_loop3A_830, %parallel_loop3A_834 : vector<16xf32>
        %parallel_loop3A_836 = vector.broadcast %parallel_loop3A_175 : i32 to vector<16xi32>
        %parallel_loop3A_837 = arith.andi %parallel_loop3A_820, %parallel_loop3A_836 : vector<16xi32>
        %parallel_loop3A_838 = tpu.bitcast %parallel_loop3A_837 : vector<16xi32> -> vector<16xf32>
        %parallel_loop3A_839 = vector.broadcast %parallel_loop3A_175 : i32 to vector<16xi32>
        %parallel_loop3A_840 = arith.andi %parallel_loop3A_826, %parallel_loop3A_839 : vector<16xi32>
        %parallel_loop3A_841 = tpu.bitcast %parallel_loop3A_840 : vector<16xi32> -> vector<16xf32>
        %parallel_loop3A_842 = arith.addf %parallel_loop3A_838, %parallel_loop3A_841 : vector<16xf32>
        %parallel_loop3A_843 = arith.index_cast %parallel_loop3A_310 : i32 to index
        %parallel_loop3A_844 = arith.constant 352 : index
        %parallel_loop3A_845 = tpu.vector_load %arg7[%parallel_loop3A_843, %parallel_loop3A_844] {strides = array<i32>} : memref<16x512xf32, #tpu.memory_space<vmem>>, vector<1x16xf32>,
        %parallel_loop3A_846 = vector.shape_cast %parallel_loop3A_845 : vector<1x16xf32> to vector<16xf32>
        %parallel_loop3A_847 = arith.addf %parallel_loop3A_835, %parallel_loop3A_846 : vector<16xf32>
        %parallel_loop3A_848 = arith.index_cast %parallel_loop3A_306 : i32 to index
        %parallel_loop3A_849 = arith.constant 352 : index
        %parallel_loop3A_850 = tpu.vector_load %arg10[%parallel_loop3A_848, %parallel_loop3A_849] {strides = array<i32>} : memref<32x512xf32, #tpu.memory_space<vmem>>, vector<1x16xf32>,
        %parallel_loop3A_851 = vector.shape_cast %parallel_loop3A_850 : vector<1x16xf32> to vector<16xf32>
        %parallel_loop3A_852 = vector.shape_cast %parallel_loop3A_847 : vector<16xf32> to vector<1x16xf32>
        tpu.vector_store %arg10[%parallel_loop3A_848, %parallel_loop3A_849], %parallel_loop3A_852 {strides = array<i32>} : memref<32x512xf32, #tpu.memory_space<vmem>>, vector<1x16xf32>,
        %parallel_loop3A_853 = arith.index_cast %parallel_loop3A_310 : i32 to index
        %parallel_loop3A_854 = arith.constant 368 : index
        %parallel_loop3A_855 = tpu.vector_load %arg7[%parallel_loop3A_853, %parallel_loop3A_854] {strides = array<i32>} : memref<16x512xf32, #tpu.memory_space<vmem>>, vector<1x16xf32>,
        %parallel_loop3A_856 = vector.shape_cast %parallel_loop3A_855 : vector<1x16xf32> to vector<16xf32>
        %parallel_loop3A_857 = arith.addf %parallel_loop3A_842, %parallel_loop3A_856 : vector<16xf32>
        %parallel_loop3A_858 = arith.index_cast %parallel_loop3A_306 : i32 to index
        %parallel_loop3A_859 = arith.constant 368 : index
        %parallel_loop3A_860 = tpu.vector_load %arg10[%parallel_loop3A_858, %parallel_loop3A_859] {strides = array<i32>} : memref<32x512xf32, #tpu.memory_space<vmem>>, vector<1x16xf32>,
        %parallel_loop3A_861 = vector.shape_cast %parallel_loop3A_860 : vector<1x16xf32> to vector<16xf32>
        %parallel_loop3A_862 = vector.shape_cast %parallel_loop3A_857 : vector<16xf32> to vector<1x16xf32>
        tpu.vector_store %arg10[%parallel_loop3A_858, %parallel_loop3A_859], %parallel_loop3A_862 {strides = array<i32>} : memref<32x512xf32, #tpu.memory_space<vmem>>, vector<1x16xf32>,
        %parallel_loop3A_863 = arith.index_cast %parallel_loop3A_308 : i32 to index
        %parallel_loop3A_864 = arith.constant 192 : index
        %parallel_loop3A_865 = tpu.vector_load %arg8[%parallel_loop3A_863, %parallel_loop3A_864] {strides = array<i32>} : memref<64x256xi32, #tpu.memory_space<vmem>>, vector<1x16xi32>,
        %parallel_loop3A_866 = vector.shape_cast %parallel_loop3A_865 : vector<1x16xi32> to vector<16xi32>
        %parallel_loop3A_867 = arith.constant 1 : i32
        %parallel_loop3A_868 = arith.addi %parallel_loop3A_308, %parallel_loop3A_867 : i32
        %parallel_loop3A_869 = arith.index_cast %parallel_loop3A_868 : i32 to index
        %parallel_loop3A_870 = arith.constant 192 : index
        %parallel_loop3A_871 = tpu.vector_load %arg8[%parallel_loop3A_869, %parallel_loop3A_870] {strides = array<i32>} : memref<64x256xi32, #tpu.memory_space<vmem>>, vector<1x16xi32>,
        %parallel_loop3A_872 = vector.shape_cast %parallel_loop3A_871 : vector<1x16xi32> to vector<16xi32>
        %parallel_loop3A_873 = arith.constant 16 : i32
        %parallel_loop3A_874 = vector.broadcast %parallel_loop3A_873 : i32 to vector<16xi32>
        %parallel_loop3A_875 = arith.shli %parallel_loop3A_866, %parallel_loop3A_874 : vector<16xi32>
        %parallel_loop3A_876 = tpu.bitcast %parallel_loop3A_875 : vector<16xi32> -> vector<16xf32>
        %parallel_loop3A_877 = arith.constant 16 : i32
        %parallel_loop3A_878 = vector.broadcast %parallel_loop3A_877 : i32 to vector<16xi32>
        %parallel_loop3A_879 = arith.shli %parallel_loop3A_872, %parallel_loop3A_878 : vector<16xi32>
        %parallel_loop3A_880 = tpu.bitcast %parallel_loop3A_879 : vector<16xi32> -> vector<16xf32>
        %parallel_loop3A_881 = arith.addf %parallel_loop3A_876, %parallel_loop3A_880 : vector<16xf32>
        %parallel_loop3A_882 = vector.broadcast %parallel_loop3A_175 : i32 to vector<16xi32>
        %parallel_loop3A_883 = arith.andi %parallel_loop3A_866, %parallel_loop3A_882 : vector<16xi32>
        %parallel_loop3A_884 = tpu.bitcast %parallel_loop3A_883 : vector<16xi32> -> vector<16xf32>
        %parallel_loop3A_885 = vector.broadcast %parallel_loop3A_175 : i32 to vector<16xi32>
        %parallel_loop3A_886 = arith.andi %parallel_loop3A_872, %parallel_loop3A_885 : vector<16xi32>
        %parallel_loop3A_887 = tpu.bitcast %parallel_loop3A_886 : vector<16xi32> -> vector<16xf32>
        %parallel_loop3A_888 = arith.addf %parallel_loop3A_884, %parallel_loop3A_887 : vector<16xf32>
        %parallel_loop3A_889 = arith.index_cast %parallel_loop3A_310 : i32 to index
        %parallel_loop3A_890 = arith.constant 384 : index
        %parallel_loop3A_891 = tpu.vector_load %arg7[%parallel_loop3A_889, %parallel_loop3A_890] {strides = array<i32>} : memref<16x512xf32, #tpu.memory_space<vmem>>, vector<1x16xf32>,
        %parallel_loop3A_892 = vector.shape_cast %parallel_loop3A_891 : vector<1x16xf32> to vector<16xf32>
        %parallel_loop3A_893 = arith.addf %parallel_loop3A_881, %parallel_loop3A_892 : vector<16xf32>
        %parallel_loop3A_894 = arith.index_cast %parallel_loop3A_306 : i32 to index
        %parallel_loop3A_895 = arith.constant 384 : index
        %parallel_loop3A_896 = tpu.vector_load %arg10[%parallel_loop3A_894, %parallel_loop3A_895] {strides = array<i32>} : memref<32x512xf32, #tpu.memory_space<vmem>>, vector<1x16xf32>,
        %parallel_loop3A_897 = vector.shape_cast %parallel_loop3A_896 : vector<1x16xf32> to vector<16xf32>
        %parallel_loop3A_898 = vector.shape_cast %parallel_loop3A_893 : vector<16xf32> to vector<1x16xf32>
        tpu.vector_store %arg10[%parallel_loop3A_894, %parallel_loop3A_895], %parallel_loop3A_898 {strides = array<i32>} : memref<32x512xf32, #tpu.memory_space<vmem>>, vector<1x16xf32>,
        %parallel_loop3A_899 = arith.index_cast %parallel_loop3A_310 : i32 to index
        %parallel_loop3A_900 = arith.constant 400 : index
        %parallel_loop3A_901 = tpu.vector_load %arg7[%parallel_loop3A_899, %parallel_loop3A_900] {strides = array<i32>} : memref<16x512xf32, #tpu.memory_space<vmem>>, vector<1x16xf32>,
        %parallel_loop3A_902 = vector.shape_cast %parallel_loop3A_901 : vector<1x16xf32> to vector<16xf32>
        %parallel_loop3A_903 = arith.addf %parallel_loop3A_888, %parallel_loop3A_902 : vector<16xf32>
        %parallel_loop3A_904 = arith.index_cast %parallel_loop3A_306 : i32 to index
        %parallel_loop3A_905 = arith.constant 400 : index
        %parallel_loop3A_906 = tpu.vector_load %arg10[%parallel_loop3A_904, %parallel_loop3A_905] {strides = array<i32>} : memref<32x512xf32, #tpu.memory_space<vmem>>, vector<1x16xf32>,
        %parallel_loop3A_907 = vector.shape_cast %parallel_loop3A_906 : vector<1x16xf32> to vector<16xf32>
        %parallel_loop3A_908 = vector.shape_cast %parallel_loop3A_903 : vector<16xf32> to vector<1x16xf32>
        tpu.vector_store %arg10[%parallel_loop3A_904, %parallel_loop3A_905], %parallel_loop3A_908 {strides = array<i32>} : memref<32x512xf32, #tpu.memory_space<vmem>>, vector<1x16xf32>,
        %parallel_loop3A_909 = arith.index_cast %parallel_loop3A_308 : i32 to index
        %parallel_loop3A_910 = arith.constant 208 : index
        %parallel_loop3A_911 = tpu.vector_load %arg8[%parallel_loop3A_909, %parallel_loop3A_910] {strides = array<i32>} : memref<64x256xi32, #tpu.memory_space<vmem>>, vector<1x16xi32>,
        %parallel_loop3A_912 = vector.shape_cast %parallel_loop3A_911 : vector<1x16xi32> to vector<16xi32>
        %parallel_loop3A_913 = arith.constant 1 : i32
        %parallel_loop3A_914 = arith.addi %parallel_loop3A_308, %parallel_loop3A_913 : i32
        %parallel_loop3A_915 = arith.index_cast %parallel_loop3A_914 : i32 to index
        %parallel_loop3A_916 = arith.constant 208 : index
        %parallel_loop3A_917 = tpu.vector_load %arg8[%parallel_loop3A_915, %parallel_loop3A_916] {strides = array<i32>} : memref<64x256xi32, #tpu.memory_space<vmem>>, vector<1x16xi32>,
        %parallel_loop3A_918 = vector.shape_cast %parallel_loop3A_917 : vector<1x16xi32> to vector<16xi32>
        %parallel_loop3A_919 = arith.constant 16 : i32
        %parallel_loop3A_920 = vector.broadcast %parallel_loop3A_919 : i32 to vector<16xi32>
        %parallel_loop3A_921 = arith.shli %parallel_loop3A_912, %parallel_loop3A_920 : vector<16xi32>
        %parallel_loop3A_922 = tpu.bitcast %parallel_loop3A_921 : vector<16xi32> -> vector<16xf32>
        %parallel_loop3A_923 = arith.constant 16 : i32
        %parallel_loop3A_924 = vector.broadcast %parallel_loop3A_923 : i32 to vector<16xi32>
        %parallel_loop3A_925 = arith.shli %parallel_loop3A_918, %parallel_loop3A_924 : vector<16xi32>
        %parallel_loop3A_926 = tpu.bitcast %parallel_loop3A_925 : vector<16xi32> -> vector<16xf32>
        %parallel_loop3A_927 = arith.addf %parallel_loop3A_922, %parallel_loop3A_926 : vector<16xf32>
        %parallel_loop3A_928 = vector.broadcast %parallel_loop3A_175 : i32 to vector<16xi32>
        %parallel_loop3A_929 = arith.andi %parallel_loop3A_912, %parallel_loop3A_928 : vector<16xi32>
        %parallel_loop3A_930 = tpu.bitcast %parallel_loop3A_929 : vector<16xi32> -> vector<16xf32>
        %parallel_loop3A_931 = vector.broadcast %parallel_loop3A_175 : i32 to vector<16xi32>
        %parallel_loop3A_932 = arith.andi %parallel_loop3A_918, %parallel_loop3A_931 : vector<16xi32>
        %parallel_loop3A_933 = tpu.bitcast %parallel_loop3A_932 : vector<16xi32> -> vector<16xf32>
        %parallel_loop3A_934 = arith.addf %parallel_loop3A_930, %parallel_loop3A_933 : vector<16xf32>
        %parallel_loop3A_935 = arith.index_cast %parallel_loop3A_310 : i32 to index
        %parallel_loop3A_936 = arith.constant 416 : index
        %parallel_loop3A_937 = tpu.vector_load %arg7[%parallel_loop3A_935, %parallel_loop3A_936] {strides = array<i32>} : memref<16x512xf32, #tpu.memory_space<vmem>>, vector<1x16xf32>,
        %parallel_loop3A_938 = vector.shape_cast %parallel_loop3A_937 : vector<1x16xf32> to vector<16xf32>
        %parallel_loop3A_939 = arith.addf %parallel_loop3A_927, %parallel_loop3A_938 : vector<16xf32>
        %parallel_loop3A_940 = arith.index_cast %parallel_loop3A_306 : i32 to index
        %parallel_loop3A_941 = arith.constant 416 : index
        %parallel_loop3A_942 = tpu.vector_load %arg10[%parallel_loop3A_940, %parallel_loop3A_941] {strides = array<i32>} : memref<32x512xf32, #tpu.memory_space<vmem>>, vector<1x16xf32>,
        %parallel_loop3A_943 = vector.shape_cast %parallel_loop3A_942 : vector<1x16xf32> to vector<16xf32>
        %parallel_loop3A_944 = vector.shape_cast %parallel_loop3A_939 : vector<16xf32> to vector<1x16xf32>
        tpu.vector_store %arg10[%parallel_loop3A_940, %parallel_loop3A_941], %parallel_loop3A_944 {strides = array<i32>} : memref<32x512xf32, #tpu.memory_space<vmem>>, vector<1x16xf32>,
        %parallel_loop3A_945 = arith.index_cast %parallel_loop3A_310 : i32 to index
        %parallel_loop3A_946 = arith.constant 432 : index
        %parallel_loop3A_947 = tpu.vector_load %arg7[%parallel_loop3A_945, %parallel_loop3A_946] {strides = array<i32>} : memref<16x512xf32, #tpu.memory_space<vmem>>, vector<1x16xf32>,
        %parallel_loop3A_948 = vector.shape_cast %parallel_loop3A_947 : vector<1x16xf32> to vector<16xf32>
        %parallel_loop3A_949 = arith.addf %parallel_loop3A_934, %parallel_loop3A_948 : vector<16xf32>
        %parallel_loop3A_950 = arith.index_cast %parallel_loop3A_306 : i32 to index
        %parallel_loop3A_951 = arith.constant 432 : index
        %parallel_loop3A_952 = tpu.vector_load %arg10[%parallel_loop3A_950, %parallel_loop3A_951] {strides = array<i32>} : memref<32x512xf32, #tpu.memory_space<vmem>>, vector<1x16xf32>,
        %parallel_loop3A_953 = vector.shape_cast %parallel_loop3A_952 : vector<1x16xf32> to vector<16xf32>
        %parallel_loop3A_954 = vector.shape_cast %parallel_loop3A_949 : vector<16xf32> to vector<1x16xf32>
        tpu.vector_store %arg10[%parallel_loop3A_950, %parallel_loop3A_951], %parallel_loop3A_954 {strides = array<i32>} : memref<32x512xf32, #tpu.memory_space<vmem>>, vector<1x16xf32>,
        %parallel_loop3A_955 = arith.index_cast %parallel_loop3A_308 : i32 to index
        %parallel_loop3A_956 = arith.constant 224 : index
        %parallel_loop3A_957 = tpu.vector_load %arg8[%parallel_loop3A_955, %parallel_loop3A_956] {strides = array<i32>} : memref<64x256xi32, #tpu.memory_space<vmem>>, vector<1x16xi32>,
        %parallel_loop3A_958 = vector.shape_cast %parallel_loop3A_957 : vector<1x16xi32> to vector<16xi32>
        %parallel_loop3A_959 = arith.constant 1 : i32
        %parallel_loop3A_960 = arith.addi %parallel_loop3A_308, %parallel_loop3A_959 : i32
        %parallel_loop3A_961 = arith.index_cast %parallel_loop3A_960 : i32 to index
        %parallel_loop3A_962 = arith.constant 224 : index
        %parallel_loop3A_963 = tpu.vector_load %arg8[%parallel_loop3A_961, %parallel_loop3A_962] {strides = array<i32>} : memref<64x256xi32, #tpu.memory_space<vmem>>, vector<1x16xi32>,
        %parallel_loop3A_964 = vector.shape_cast %parallel_loop3A_963 : vector<1x16xi32> to vector<16xi32>
        %parallel_loop3A_965 = arith.constant 16 : i32
        %parallel_loop3A_966 = vector.broadcast %parallel_loop3A_965 : i32 to vector<16xi32>
        %parallel_loop3A_967 = arith.shli %parallel_loop3A_958, %parallel_loop3A_966 : vector<16xi32>
        %parallel_loop3A_968 = tpu.bitcast %parallel_loop3A_967 : vector<16xi32> -> vector<16xf32>
        %parallel_loop3A_969 = arith.constant 16 : i32
        %parallel_loop3A_970 = vector.broadcast %parallel_loop3A_969 : i32 to vector<16xi32>
        %parallel_loop3A_971 = arith.shli %parallel_loop3A_964, %parallel_loop3A_970 : vector<16xi32>
        %parallel_loop3A_972 = tpu.bitcast %parallel_loop3A_971 : vector<16xi32> -> vector<16xf32>
        %parallel_loop3A_973 = arith.addf %parallel_loop3A_968, %parallel_loop3A_972 : vector<16xf32>
        %parallel_loop3A_974 = vector.broadcast %parallel_loop3A_175 : i32 to vector<16xi32>
        %parallel_loop3A_975 = arith.andi %parallel_loop3A_958, %parallel_loop3A_974 : vector<16xi32>
        %parallel_loop3A_976 = tpu.bitcast %parallel_loop3A_975 : vector<16xi32> -> vector<16xf32>
        %parallel_loop3A_977 = vector.broadcast %parallel_loop3A_175 : i32 to vector<16xi32>
        %parallel_loop3A_978 = arith.andi %parallel_loop3A_964, %parallel_loop3A_977 : vector<16xi32>
        %parallel_loop3A_979 = tpu.bitcast %parallel_loop3A_978 : vector<16xi32> -> vector<16xf32>
        %parallel_loop3A_980 = arith.addf %parallel_loop3A_976, %parallel_loop3A_979 : vector<16xf32>
        %parallel_loop3A_981 = arith.index_cast %parallel_loop3A_310 : i32 to index
        %parallel_loop3A_982 = arith.constant 448 : index
        %parallel_loop3A_983 = tpu.vector_load %arg7[%parallel_loop3A_981, %parallel_loop3A_982] {strides = array<i32>} : memref<16x512xf32, #tpu.memory_space<vmem>>, vector<1x16xf32>,
        %parallel_loop3A_984 = vector.shape_cast %parallel_loop3A_983 : vector<1x16xf32> to vector<16xf32>
        %parallel_loop3A_985 = arith.addf %parallel_loop3A_973, %parallel_loop3A_984 : vector<16xf32>
        %parallel_loop3A_986 = arith.index_cast %parallel_loop3A_306 : i32 to index
        %parallel_loop3A_987 = arith.constant 448 : index
        %parallel_loop3A_988 = tpu.vector_load %arg10[%parallel_loop3A_986, %parallel_loop3A_987] {strides = array<i32>} : memref<32x512xf32, #tpu.memory_space<vmem>>, vector<1x16xf32>,
        %parallel_loop3A_989 = vector.shape_cast %parallel_loop3A_988 : vector<1x16xf32> to vector<16xf32>
        %parallel_loop3A_990 = vector.shape_cast %parallel_loop3A_985 : vector<16xf32> to vector<1x16xf32>
        tpu.vector_store %arg10[%parallel_loop3A_986, %parallel_loop3A_987], %parallel_loop3A_990 {strides = array<i32>} : memref<32x512xf32, #tpu.memory_space<vmem>>, vector<1x16xf32>,
        %parallel_loop3A_991 = arith.index_cast %parallel_loop3A_310 : i32 to index
        %parallel_loop3A_992 = arith.constant 464 : index
        %parallel_loop3A_993 = tpu.vector_load %arg7[%parallel_loop3A_991, %parallel_loop3A_992] {strides = array<i32>} : memref<16x512xf32, #tpu.memory_space<vmem>>, vector<1x16xf32>,
        %parallel_loop3A_994 = vector.shape_cast %parallel_loop3A_993 : vector<1x16xf32> to vector<16xf32>
        %parallel_loop3A_995 = arith.addf %parallel_loop3A_980, %parallel_loop3A_994 : vector<16xf32>
        %parallel_loop3A_996 = arith.index_cast %parallel_loop3A_306 : i32 to index
        %parallel_loop3A_997 = arith.constant 464 : index
        %parallel_loop3A_998 = tpu.vector_load %arg10[%parallel_loop3A_996, %parallel_loop3A_997] {strides = array<i32>} : memref<32x512xf32, #tpu.memory_space<vmem>>, vector<1x16xf32>,
        %parallel_loop3A_999 = vector.shape_cast %parallel_loop3A_998 : vector<1x16xf32> to vector<16xf32>
        %parallel_loop3A_1000 = vector.shape_cast %parallel_loop3A_995 : vector<16xf32> to vector<1x16xf32>
        tpu.vector_store %arg10[%parallel_loop3A_996, %parallel_loop3A_997], %parallel_loop3A_1000 {strides = array<i32>} : memref<32x512xf32, #tpu.memory_space<vmem>>, vector<1x16xf32>,
        %parallel_loop3A_1001 = arith.index_cast %parallel_loop3A_308 : i32 to index
        %parallel_loop3A_1002 = arith.constant 240 : index
        %parallel_loop3A_1003 = tpu.vector_load %arg8[%parallel_loop3A_1001, %parallel_loop3A_1002] {strides = array<i32>} : memref<64x256xi32, #tpu.memory_space<vmem>>, vector<1x16xi32>,
        %parallel_loop3A_1004 = vector.shape_cast %parallel_loop3A_1003 : vector<1x16xi32> to vector<16xi32>
        %parallel_loop3A_1005 = arith.constant 1 : i32
        %parallel_loop3A_1006 = arith.addi %parallel_loop3A_308, %parallel_loop3A_1005 : i32
        %parallel_loop3A_1007 = arith.index_cast %parallel_loop3A_1006 : i32 to index
        %parallel_loop3A_1008 = arith.constant 240 : index
        %parallel_loop3A_1009 = tpu.vector_load %arg8[%parallel_loop3A_1007, %parallel_loop3A_1008] {strides = array<i32>} : memref<64x256xi32, #tpu.memory_space<vmem>>, vector<1x16xi32>,
        %parallel_loop3A_1010 = vector.shape_cast %parallel_loop3A_1009 : vector<1x16xi32> to vector<16xi32>
        %parallel_loop3A_1011 = arith.constant 16 : i32
        %parallel_loop3A_1012 = vector.broadcast %parallel_loop3A_1011 : i32 to vector<16xi32>
        %parallel_loop3A_1013 = arith.shli %parallel_loop3A_1004, %parallel_loop3A_1012 : vector<16xi32>
        %parallel_loop3A_1014 = tpu.bitcast %parallel_loop3A_1013 : vector<16xi32> -> vector<16xf32>
        %parallel_loop3A_1015 = arith.constant 16 : i32
        %parallel_loop3A_1016 = vector.broadcast %parallel_loop3A_1015 : i32 to vector<16xi32>
        %parallel_loop3A_1017 = arith.shli %parallel_loop3A_1010, %parallel_loop3A_1016 : vector<16xi32>
        %parallel_loop3A_1018 = tpu.bitcast %parallel_loop3A_1017 : vector<16xi32> -> vector<16xf32>
        %parallel_loop3A_1019 = arith.addf %parallel_loop3A_1014, %parallel_loop3A_1018 : vector<16xf32>
        %parallel_loop3A_1020 = vector.broadcast %parallel_loop3A_175 : i32 to vector<16xi32>
        %parallel_loop3A_1021 = arith.andi %parallel_loop3A_1004, %parallel_loop3A_1020 : vector<16xi32>
        %parallel_loop3A_1022 = tpu.bitcast %parallel_loop3A_1021 : vector<16xi32> -> vector<16xf32>
        %parallel_loop3A_1023 = vector.broadcast %parallel_loop3A_175 : i32 to vector<16xi32>
        %parallel_loop3A_1024 = arith.andi %parallel_loop3A_1010, %parallel_loop3A_1023 : vector<16xi32>
        %parallel_loop3A_1025 = tpu.bitcast %parallel_loop3A_1024 : vector<16xi32> -> vector<16xf32>
        %parallel_loop3A_1026 = arith.addf %parallel_loop3A_1022, %parallel_loop3A_1025 : vector<16xf32>
        %parallel_loop3A_1027 = arith.index_cast %parallel_loop3A_310 : i32 to index
        %parallel_loop3A_1028 = arith.constant 480 : index
        %parallel_loop3A_1029 = tpu.vector_load %arg7[%parallel_loop3A_1027, %parallel_loop3A_1028] {strides = array<i32>} : memref<16x512xf32, #tpu.memory_space<vmem>>, vector<1x16xf32>,
        %parallel_loop3A_1030 = vector.shape_cast %parallel_loop3A_1029 : vector<1x16xf32> to vector<16xf32>
        %parallel_loop3A_1031 = arith.addf %parallel_loop3A_1019, %parallel_loop3A_1030 : vector<16xf32>
        %parallel_loop3A_1032 = arith.index_cast %parallel_loop3A_306 : i32 to index
        %parallel_loop3A_1033 = arith.constant 480 : index
        %parallel_loop3A_1034 = tpu.vector_load %arg10[%parallel_loop3A_1032, %parallel_loop3A_1033] {strides = array<i32>} : memref<32x512xf32, #tpu.memory_space<vmem>>, vector<1x16xf32>,
        %parallel_loop3A_1035 = vector.shape_cast %parallel_loop3A_1034 : vector<1x16xf32> to vector<16xf32>
        %parallel_loop3A_1036 = vector.shape_cast %parallel_loop3A_1031 : vector<16xf32> to vector<1x16xf32>
        tpu.vector_store %arg10[%parallel_loop3A_1032, %parallel_loop3A_1033], %parallel_loop3A_1036 {strides = array<i32>} : memref<32x512xf32, #tpu.memory_space<vmem>>, vector<1x16xf32>,
        %parallel_loop3A_1037 = arith.index_cast %parallel_loop3A_310 : i32 to index
        %parallel_loop3A_1038 = arith.constant 496 : index
        %parallel_loop3A_1039 = tpu.vector_load %arg7[%parallel_loop3A_1037, %parallel_loop3A_1038] {strides = array<i32>} : memref<16x512xf32, #tpu.memory_space<vmem>>, vector<1x16xf32>,
        %parallel_loop3A_1040 = vector.shape_cast %parallel_loop3A_1039 : vector<1x16xf32> to vector<16xf32>
        %parallel_loop3A_1041 = arith.addf %parallel_loop3A_1026, %parallel_loop3A_1040 : vector<16xf32>
        %parallel_loop3A_1042 = arith.index_cast %parallel_loop3A_306 : i32 to index
        %parallel_loop3A_1043 = arith.constant 496 : index
        %parallel_loop3A_1044 = tpu.vector_load %arg10[%parallel_loop3A_1042, %parallel_loop3A_1043] {strides = array<i32>} : memref<32x512xf32, #tpu.memory_space<vmem>>, vector<1x16xf32>,
        %parallel_loop3A_1045 = vector.shape_cast %parallel_loop3A_1044 : vector<1x16xf32> to vector<16xf32>
        %parallel_loop3A_1046 = vector.shape_cast %parallel_loop3A_1041 : vector<16xf32> to vector<1x16xf32>
        tpu.vector_store %arg10[%parallel_loop3A_1042, %parallel_loop3A_1043], %parallel_loop3A_1046 {strides = array<i32>} : memref<32x512xf32, #tpu.memory_space<vmem>>, vector<1x16xf32>,
      } {sc.loop_unroll_factor = 2 : i64, sc.parallel_access}
      %lt3A = arith.constant 3 : i32
      %lt3A_176 = arith.cmpi slt, %scan3A_124, %lt3A : i32
      %convert_element_type3A_177 = arith.extui %lt3A_176 : i1 to i32
      %cond3A_178 = arith.constant 0 : i32
      %cond3A_179 = arith.cmpi ne, %convert_element_type3A_177, %cond3A_178 : i32
      scf.if %cond3A_179 {
        %add3A_306 = arith.constant 2 : i32
        %add3A_307 = arith.addi %mul3A_126, %add3A_306 : i32
        %mul3A_308 = arith.constant 64 : i32
        %mul3A_309 = arith.muli %add3A_307, %mul3A_308 : i32
        %add3A_310 = arith.constant 0 : i32
        %add3A_311 = arith.addi %mul3A_309, %add3A_310 : i32
        %mul3A_312 = arith.constant 64 : i32
        %mul3A_313 = arith.muli %add3A_307, %mul3A_312 : i32
        %add3A_314 = arith.constant 16 : i32
        %add3A_315 = arith.addi %mul3A_313, %add3A_314 : i32
        %mul3A_316 = arith.constant 64 : i32
        %mul3A_317 = arith.muli %add3A_307, %mul3A_316 : i32
        %add3A_318 = arith.constant 32 : i32
        %add3A_319 = arith.addi %mul3A_317, %add3A_318 : i32
        %mul3A_320 = arith.constant 64 : i32
        %mul3A_321 = arith.muli %add3A_307, %mul3A_320 : i32
        %add3A_322 = arith.constant 48 : i32
        %add3A_323 = arith.addi %mul3A_321, %add3A_322 : i32
        %dma_start3A_324 = arith.constant 0 : i32
        %dma_start3A_325 = arith.constant 0 : i32
        %dma_start3A_326 = tpu.memref_slice %arg8[%dma_start3A_324, %dma_start3A_325] : memref<64x256xi32, #tpu.memory_space<vmem>> -> memref<16x256xi32, #tpu.memory_space<vmem>>
        %dma_start3A_327 = tpu.memref_slice %arg6[%add3A_311] : memref<512xi32, #tpu.memory_space<vmem>> -> memref<16xi32, #tpu.memory_space<vmem>>
        %dma_start3A_328 = arith.constant 0 : i32
        %dma_start3A_329 = arith.constant 0 : i32
        %dma_start3A_330 = tpu.memref_slice %arg3[%dma_start3A_328, %dma_start3A_329] : memref<576x256xi32, #tpu.memory_space<hbm>> -> memref<576x256xi32, #tpu.memory_space<hbm>>
        tpu.enqueue_indirect_dma source(%dma_start3A_330 : memref<576x256xi32, #tpu.memory_space<hbm>>) target(%dma_start3A_326 : memref<16x256xi32, #tpu.memory_space<vmem>>) offsets(%dma_start3A_327 : memref<16xi32, #tpu.memory_space<vmem>>) semaphore(%arg12 : memref<!tpu.dma_semaphore, #tpu.memory_space<semaphore_mem>>)
        %dma_start3A_331 = arith.constant 16 : i32
        %dma_start3A_332 = arith.constant 0 : i32
        %dma_start3A_333 = tpu.memref_slice %arg8[%dma_start3A_331, %dma_start3A_332] : memref<64x256xi32, #tpu.memory_space<vmem>> -> memref<16x256xi32, #tpu.memory_space<vmem>>
        %dma_start3A_334 = tpu.memref_slice %arg6[%add3A_315] : memref<512xi32, #tpu.memory_space<vmem>> -> memref<16xi32, #tpu.memory_space<vmem>>
        %dma_start3A_335 = arith.constant 0 : i32
        %dma_start3A_336 = arith.constant 0 : i32
        %dma_start3A_337 = tpu.memref_slice %arg3[%dma_start3A_335, %dma_start3A_336] : memref<576x256xi32, #tpu.memory_space<hbm>> -> memref<576x256xi32, #tpu.memory_space<hbm>>
        tpu.enqueue_indirect_dma source(%dma_start3A_337 : memref<576x256xi32, #tpu.memory_space<hbm>>) target(%dma_start3A_333 : memref<16x256xi32, #tpu.memory_space<vmem>>) offsets(%dma_start3A_334 : memref<16xi32, #tpu.memory_space<vmem>>) semaphore(%arg12 : memref<!tpu.dma_semaphore, #tpu.memory_space<semaphore_mem>>)
        %dma_start3A_338 = arith.constant 32 : i32
        %dma_start3A_339 = arith.constant 0 : i32
        %dma_start3A_340 = tpu.memref_slice %arg8[%dma_start3A_338, %dma_start3A_339] : memref<64x256xi32, #tpu.memory_space<vmem>> -> memref<16x256xi32, #tpu.memory_space<vmem>>
        %dma_start3A_341 = tpu.memref_slice %arg6[%add3A_319] : memref<512xi32, #tpu.memory_space<vmem>> -> memref<16xi32, #tpu.memory_space<vmem>>
        %dma_start3A_342 = arith.constant 0 : i32
        %dma_start3A_343 = arith.constant 0 : i32
        %dma_start3A_344 = tpu.memref_slice %arg3[%dma_start3A_342, %dma_start3A_343] : memref<576x256xi32, #tpu.memory_space<hbm>> -> memref<576x256xi32, #tpu.memory_space<hbm>>
        tpu.enqueue_indirect_dma source(%dma_start3A_344 : memref<576x256xi32, #tpu.memory_space<hbm>>) target(%dma_start3A_340 : memref<16x256xi32, #tpu.memory_space<vmem>>) offsets(%dma_start3A_341 : memref<16xi32, #tpu.memory_space<vmem>>) semaphore(%arg12 : memref<!tpu.dma_semaphore, #tpu.memory_space<semaphore_mem>>)
        %dma_start3A_345 = arith.constant 48 : i32
        %dma_start3A_346 = arith.constant 0 : i32
        %dma_start3A_347 = tpu.memref_slice %arg8[%dma_start3A_345, %dma_start3A_346] : memref<64x256xi32, #tpu.memory_space<vmem>> -> memref<16x256xi32, #tpu.memory_space<vmem>>
        %dma_start3A_348 = tpu.memref_slice %arg6[%add3A_323] : memref<512xi32, #tpu.memory_space<vmem>> -> memref<16xi32, #tpu.memory_space<vmem>>
        %dma_start3A_349 = arith.constant 0 : i32
        %dma_start3A_350 = arith.constant 0 : i32
        %dma_start3A_351 = tpu.memref_slice %arg3[%dma_start3A_349, %dma_start3A_350] : memref<576x256xi32, #tpu.memory_space<hbm>> -> memref<576x256xi32, #tpu.memory_space<hbm>>
        tpu.enqueue_indirect_dma source(%dma_start3A_351 : memref<576x256xi32, #tpu.memory_space<hbm>>) target(%dma_start3A_347 : memref<16x256xi32, #tpu.memory_space<vmem>>) offsets(%dma_start3A_348 : memref<16xi32, #tpu.memory_space<vmem>>) semaphore(%arg12 : memref<!tpu.dma_semaphore, #tpu.memory_space<semaphore_mem>>)
      } else {
      }
      %mul3A_180 = arith.constant 2 : i32
      %mul3A_181 = arith.muli %mul3A_180, %mul3A_126 : i32
      %add3A_182 = arith.constant 0 : i32
      %add3A_183 = arith.addi %mul3A_181, %add3A_182 : i32
      %mul3A_184 = arith.constant 2 : i32
      %mul3A_185 = arith.muli %mul3A_184, %mul3A_126 : i32
      %add3A_186 = arith.constant 1 : i32
      %add3A_187 = arith.addi %mul3A_185, %add3A_186 : i32
      %dma_start3A_188 = arith.constant 0 : i32
      %dma_start3A_189 = arith.constant 0 : i32
      %dma_start3A_190 = tpu.memref_slice %arg10[%dma_start3A_188, %dma_start3A_189] : memref<32x512xf32, #tpu.memory_space<vmem>> -> memref<16x512xf32, #tpu.memory_space<vmem>>
      %dma_start3A_191 = arith.constant 0 : i32
      %dma_start3A_192 = tpu.memref_slice %arg5[%add3A_183, %mul3A_2, %dma_start3A_191] : memref<16x512x512xf32, #tpu.memory_space<hbm>> -> memref<1x16x512xf32, #tpu.memory_space<hbm>>
      %dma_start3A_193 = tpu.memref_squeeze %dma_start3A_192 : memref<1x16x512xf32, #tpu.memory_space<hbm>> -> memref<16x512xf32, #tpu.memory_space<hbm>>
      %dma_start3A_194 = arith.constant 0 : i32
      %dma_start3A_195 = tpu.memref_slice %arg5[%add3A_183, %mul3A_2, %dma_start3A_194] : memref<16x512x512xf32, #tpu.memory_space<hbm>> -> memref<1x16x512xf32, #tpu.memory_space<hbm>>
      %dma_start3A_196 = tpu.memref_squeeze %dma_start3A_195 : memref<1x16x512xf32, #tpu.memory_space<hbm>> -> memref<16x512xf32, #tpu.memory_space<hbm>>
      %dma_start3A_197 = arith.constant 0 : i32
      %dma_start3A_198 = arith.constant 0 : i32
      %dma_start3A_199 = tpu.memref_slice %arg10[%dma_start3A_197, %dma_start3A_198] : memref<32x512xf32, #tpu.memory_space<vmem>> -> memref<16x512xf32, #tpu.memory_space<vmem>>
      tpu.enqueue_dma source(%dma_start3A_199 : memref<16x512xf32, #tpu.memory_space<vmem>>) target(%dma_start3A_196 : memref<16x512xf32, #tpu.memory_space<hbm>>) target_semaphore(%arg14 : memref<!tpu.dma_semaphore, #tpu.memory_space<semaphore_mem>>)
      %dma_start3A_200 = arith.constant 16 : i32
      %dma_start3A_201 = arith.constant 0 : i32
      %dma_start3A_202 = tpu.memref_slice %arg10[%dma_start3A_200, %dma_start3A_201] : memref<32x512xf32, #tpu.memory_space<vmem>> -> memref<16x512xf32, #tpu.memory_space<vmem>>
      %dma_start3A_203 = arith.constant 0 : i32
      %dma_start3A_204 = tpu.memref_slice %arg5[%add3A_187, %mul3A_2, %dma_start3A_203] : memref<16x512x512xf32, #tpu.memory_space<hbm>> -> memref<1x16x512xf32, #tpu.memory_space<hbm>>
      %dma_start3A_205 = tpu.memref_squeeze %dma_start3A_204 : memref<1x16x512xf32, #tpu.memory_space<hbm>> -> memref<16x512xf32, #tpu.memory_space<hbm>>
      %dma_start3A_206 = arith.constant 0 : i32
      %dma_start3A_207 = tpu.memref_slice %arg5[%add3A_187, %mul3A_2, %dma_start3A_206] : memref<16x512x512xf32, #tpu.memory_space<hbm>> -> memref<1x16x512xf32, #tpu.memory_space<hbm>>
      %dma_start3A_208 = tpu.memref_squeeze %dma_start3A_207 : memref<1x16x512xf32, #tpu.memory_space<hbm>> -> memref<16x512xf32, #tpu.memory_space<hbm>>
      %dma_start3A_209 = arith.constant 16 : i32
      %dma_start3A_210 = arith.constant 0 : i32
      %dma_start3A_211 = tpu.memref_slice %arg10[%dma_start3A_209, %dma_start3A_210] : memref<32x512xf32, #tpu.memory_space<vmem>> -> memref<16x512xf32, #tpu.memory_space<vmem>>
      tpu.enqueue_dma source(%dma_start3A_211 : memref<16x512xf32, #tpu.memory_space<vmem>>) target(%dma_start3A_208 : memref<16x512xf32, #tpu.memory_space<hbm>>) target_semaphore(%arg14 : memref<!tpu.dma_semaphore, #tpu.memory_space<semaphore_mem>>)
      %mul3A_212 = arith.constant 2 : i32
      %mul3A_213 = arith.muli %mul3A_212, %scan3A_124 : i32
      %add3A_214 = arith.constant 1 : i32
      %add3A_215 = arith.addi %mul3A_213, %add3A_214 : i32
      %mul3A_216 = arith.constant 64 : i32
      %mul3A_217 = arith.muli %add3A_215, %mul3A_216 : i32
      %add3A_218 = arith.constant 0 : i32
      %add3A_219 = arith.addi %mul3A_217, %add3A_218 : i32
      %mul3A_220 = arith.constant 64 : i32
      %mul3A_221 = arith.muli %add3A_215, %mul3A_220 : i32
      %add3A_222 = arith.constant 16 : i32
      %add3A_223 = arith.addi %mul3A_221, %add3A_222 : i32
      %mul3A_224 = arith.constant 64 : i32
      %mul3A_225 = arith.muli %add3A_215, %mul3A_224 : i32
      %add3A_226 = arith.constant 32 : i32
      %add3A_227 = arith.addi %mul3A_225, %add3A_226 : i32
      %mul3A_228 = arith.constant 64 : i32
      %mul3A_229 = arith.muli %add3A_215, %mul3A_228 : i32
      %add3A_230 = arith.constant 48 : i32
      %add3A_231 = arith.addi %mul3A_229, %add3A_230 : i32
      %dma_wait3A_232 = arith.constant 0 : i32
      %dma_wait3A_233 = arith.constant 0 : i32
      %dma_wait3A_234 = tpu.memref_slice %arg9[%dma_wait3A_232, %dma_wait3A_233] : memref<64x256xi32, #tpu.memory_space<vmem>> -> memref<16x256xi32, #tpu.memory_space<vmem>>
      %dma_wait3A_235 = tpu.memref_slice %arg6[%add3A_219] : memref<512xi32, #tpu.memory_space<vmem>> -> memref<16xi32, #tpu.memory_space<vmem>>
      %dma_wait3A_236 = arith.constant 0 : i32
      %dma_wait3A_237 = arith.constant 0 : i32
      %dma_wait3A_238 = tpu.memref_slice %arg3[%dma_wait3A_236, %dma_wait3A_237] : memref<576x256xi32, #tpu.memory_space<hbm>> -> memref<576x256xi32, #tpu.memory_space<hbm>>
      tpu.wait_indirect_dma semaphore(%arg13 : memref<!tpu.dma_semaphore, #tpu.memory_space<semaphore_mem>>) src(%dma_wait3A_238 : memref<576x256xi32, #tpu.memory_space<hbm>>) dst(%dma_wait3A_234 : memref<16x256xi32, #tpu.memory_space<vmem>>)
      %dma_wait3A_239 = arith.constant 16 : i32
      %dma_wait3A_240 = arith.constant 0 : i32
      %dma_wait3A_241 = tpu.memref_slice %arg9[%dma_wait3A_239, %dma_wait3A_240] : memref<64x256xi32, #tpu.memory_space<vmem>> -> memref<16x256xi32, #tpu.memory_space<vmem>>
      %dma_wait3A_242 = tpu.memref_slice %arg6[%add3A_223] : memref<512xi32, #tpu.memory_space<vmem>> -> memref<16xi32, #tpu.memory_space<vmem>>
      %dma_wait3A_243 = arith.constant 0 : i32
      %dma_wait3A_244 = arith.constant 0 : i32
      %dma_wait3A_245 = tpu.memref_slice %arg3[%dma_wait3A_243, %dma_wait3A_244] : memref<576x256xi32, #tpu.memory_space<hbm>> -> memref<576x256xi32, #tpu.memory_space<hbm>>
      tpu.wait_indirect_dma semaphore(%arg13 : memref<!tpu.dma_semaphore, #tpu.memory_space<semaphore_mem>>) src(%dma_wait3A_245 : memref<576x256xi32, #tpu.memory_space<hbm>>) dst(%dma_wait3A_241 : memref<16x256xi32, #tpu.memory_space<vmem>>)
      %dma_wait3A_246 = arith.constant 32 : i32
      %dma_wait3A_247 = arith.constant 0 : i32
      %dma_wait3A_248 = tpu.memref_slice %arg9[%dma_wait3A_246, %dma_wait3A_247] : memref<64x256xi32, #tpu.memory_space<vmem>> -> memref<16x256xi32, #tpu.memory_space<vmem>>
      %dma_wait3A_249 = tpu.memref_slice %arg6[%add3A_227] : memref<512xi32, #tpu.memory_space<vmem>> -> memref<16xi32, #tpu.memory_space<vmem>>
      %dma_wait3A_250 = arith.constant 0 : i32
      %dma_wait3A_251 = arith.constant 0 : i32
      %dma_wait3A_252 = tpu.memref_slice %arg3[%dma_wait3A_250, %dma_wait3A_251] : memref<576x256xi32, #tpu.memory_space<hbm>> -> memref<576x256xi32, #tpu.memory_space<hbm>>
      tpu.wait_indirect_dma semaphore(%arg13 : memref<!tpu.dma_semaphore, #tpu.memory_space<semaphore_mem>>) src(%dma_wait3A_252 : memref<576x256xi32, #tpu.memory_space<hbm>>) dst(%dma_wait3A_248 : memref<16x256xi32, #tpu.memory_space<vmem>>)
      %dma_wait3A_253 = arith.constant 48 : i32
      %dma_wait3A_254 = arith.constant 0 : i32
      %dma_wait3A_255 = tpu.memref_slice %arg9[%dma_wait3A_253, %dma_wait3A_254] : memref<64x256xi32, #tpu.memory_space<vmem>> -> memref<16x256xi32, #tpu.memory_space<vmem>>
      %dma_wait3A_256 = tpu.memref_slice %arg6[%add3A_231] : memref<512xi32, #tpu.memory_space<vmem>> -> memref<16xi32, #tpu.memory_space<vmem>>
      %dma_wait3A_257 = arith.constant 0 : i32
      %dma_wait3A_258 = arith.constant 0 : i32
      %dma_wait3A_259 = tpu.memref_slice %arg3[%dma_wait3A_257, %dma_wait3A_258] : memref<576x256xi32, #tpu.memory_space<hbm>> -> memref<576x256xi32, #tpu.memory_space<hbm>>
      tpu.wait_indirect_dma semaphore(%arg13 : memref<!tpu.dma_semaphore, #tpu.memory_space<semaphore_mem>>) src(%dma_wait3A_259 : memref<576x256xi32, #tpu.memory_space<hbm>>) dst(%dma_wait3A_255 : memref<16x256xi32, #tpu.memory_space<vmem>>)
      %ge3A_260 = arith.constant 1 : i32
      %ge3A_261 = arith.cmpi sge, %scan3A_124, %ge3A_260 : i32
      %convert_element_type3A_262 = arith.extui %ge3A_261 : i1 to i32
      %cond3A_263 = arith.constant 0 : i32
      %cond3A_264 = arith.cmpi ne, %convert_element_type3A_262, %cond3A_263 : i32
      scf.if %cond3A_264 {
        %sub3A = arith.constant 2 : i32
        %sub3A_306 = arith.subi %add3A_215, %sub3A : i32
        %mul3A_307 = arith.constant 2 : i32
        %mul3A_308 = arith.muli %mul3A_307, %sub3A_306 : i32
        %add3A_309 = arith.constant 0 : i32
        %add3A_310 = arith.addi %mul3A_308, %add3A_309 : i32
        %mul3A_311 = arith.constant 2 : i32
        %mul3A_312 = arith.muli %mul3A_311, %sub3A_306 : i32
        %add3A_313 = arith.constant 1 : i32
        %add3A_314 = arith.addi %mul3A_312, %add3A_313 : i32
        %dma_wait3A_315 = arith.constant 0 : i32
        %dma_wait3A_316 = arith.constant 0 : i32
        %dma_wait3A_317 = tpu.memref_slice %arg11[%dma_wait3A_315, %dma_wait3A_316] : memref<32x512xf32, #tpu.memory_space<vmem>> -> memref<16x512xf32, #tpu.memory_space<vmem>>
        %dma_wait3A_318 = arith.constant 0 : i32
        %dma_wait3A_319 = tpu.memref_slice %arg5[%add3A_310, %mul3A_2, %dma_wait3A_318] : memref<16x512x512xf32, #tpu.memory_space<hbm>> -> memref<1x16x512xf32, #tpu.memory_space<hbm>>
        %dma_wait3A_320 = tpu.memref_squeeze %dma_wait3A_319 : memref<1x16x512xf32, #tpu.memory_space<hbm>> -> memref<16x512xf32, #tpu.memory_space<hbm>>
        %dma_wait3A_321 = arith.constant 0 : i32
        %dma_wait3A_322 = tpu.memref_slice %arg5[%add3A_310, %mul3A_2, %dma_wait3A_321] : memref<16x512x512xf32, #tpu.memory_space<hbm>> -> memref<1x16x512xf32, #tpu.memory_space<hbm>>
        %dma_wait3A_323 = tpu.memref_squeeze %dma_wait3A_322 : memref<1x16x512xf32, #tpu.memory_space<hbm>> -> memref<16x512xf32, #tpu.memory_space<hbm>>
        %dma_wait3A_324 = arith.constant 0 : i32
        %dma_wait3A_325 = arith.constant 0 : i32
        %dma_wait3A_326 = tpu.memref_slice %arg11[%dma_wait3A_324, %dma_wait3A_325] : memref<32x512xf32, #tpu.memory_space<vmem>> -> memref<16x512xf32, #tpu.memory_space<vmem>>
        tpu.wait_dma2 semaphore(%arg15 : memref<!tpu.dma_semaphore, #tpu.memory_space<semaphore_mem>>) src(%dma_wait3A_326 : memref<16x512xf32, #tpu.memory_space<vmem>>) dst(%dma_wait3A_323 : memref<16x512xf32, #tpu.memory_space<hbm>>)
        %dma_wait3A_327 = arith.constant 16 : i32
        %dma_wait3A_328 = arith.constant 0 : i32
        %dma_wait3A_329 = tpu.memref_slice %arg11[%dma_wait3A_327, %dma_wait3A_328] : memref<32x512xf32, #tpu.memory_space<vmem>> -> memref<16x512xf32, #tpu.memory_space<vmem>>
        %dma_wait3A_330 = arith.constant 0 : i32
        %dma_wait3A_331 = tpu.memref_slice %arg5[%add3A_314, %mul3A_2, %dma_wait3A_330] : memref<16x512x512xf32, #tpu.memory_space<hbm>> -> memref<1x16x512xf32, #tpu.memory_space<hbm>>
        %dma_wait3A_332 = tpu.memref_squeeze %dma_wait3A_331 : memref<1x16x512xf32, #tpu.memory_space<hbm>> -> memref<16x512xf32, #tpu.memory_space<hbm>>
        %dma_wait3A_333 = arith.constant 0 : i32
        %dma_wait3A_334 = tpu.memref_slice %arg5[%add3A_314, %mul3A_2, %dma_wait3A_333] : memref<16x512x512xf32, #tpu.memory_space<hbm>> -> memref<1x16x512xf32, #tpu.memory_space<hbm>>
        %dma_wait3A_335 = tpu.memref_squeeze %dma_wait3A_334 : memref<1x16x512xf32, #tpu.memory_space<hbm>> -> memref<16x512xf32, #tpu.memory_space<hbm>>
        %dma_wait3A_336 = arith.constant 16 : i32
        %dma_wait3A_337 = arith.constant 0 : i32
        %dma_wait3A_338 = tpu.memref_slice %arg11[%dma_wait3A_336, %dma_wait3A_337] : memref<32x512xf32, #tpu.memory_space<vmem>> -> memref<16x512xf32, #tpu.memory_space<vmem>>
        tpu.wait_dma2 semaphore(%arg15 : memref<!tpu.dma_semaphore, #tpu.memory_space<semaphore_mem>>) src(%dma_wait3A_338 : memref<16x512xf32, #tpu.memory_space<vmem>>) dst(%dma_wait3A_335 : memref<16x512xf32, #tpu.memory_space<hbm>>)
      } else {
      }
      %parallel_loop3A_265 = arith.constant 0 : i32
      %parallel_loop3A_266 = arith.constant 32 : i32
      %parallel_loop3A_267 = arith.constant 1 : i32
      %parallel_loop3A_268 = arith.constant -65536 : i32
      scf.for %parallel_loop3A_306 = %parallel_loop3A_265 to %parallel_loop3A_266 step %parallel_loop3A_267  : i32 {
        %parallel_loop3A_307 = arith.constant 2 : i32
        %parallel_loop3A_308 = arith.muli %parallel_loop3A_307, %parallel_loop3A_306 : i32
        %parallel_loop3A_309 = arith.constant 15 : i32
        %parallel_loop3A_310 = arith.andi %parallel_loop3A_306, %parallel_loop3A_309 : i32
        %parallel_loop3A_311 = arith.index_cast %parallel_loop3A_308 : i32 to index
        %parallel_loop3A_312 = arith.constant 0 : index
        %parallel_loop3A_313 = tpu.vector_load %arg9[%parallel_loop3A_311, %parallel_loop3A_312] {strides = array<i32>} : memref<64x256xi32, #tpu.memory_space<vmem>>, vector<1x16xi32>,
        %parallel_loop3A_314 = vector.shape_cast %parallel_loop3A_313 : vector<1x16xi32> to vector<16xi32>
        %parallel_loop3A_315 = arith.constant 1 : i32
        %parallel_loop3A_316 = arith.addi %parallel_loop3A_308, %parallel_loop3A_315 : i32
        %parallel_loop3A_317 = arith.index_cast %parallel_loop3A_316 : i32 to index
        %parallel_loop3A_318 = arith.constant 0 : index
        %parallel_loop3A_319 = tpu.vector_load %arg9[%parallel_loop3A_317, %parallel_loop3A_318] {strides = array<i32>} : memref<64x256xi32, #tpu.memory_space<vmem>>, vector<1x16xi32>,
        %parallel_loop3A_320 = vector.shape_cast %parallel_loop3A_319 : vector<1x16xi32> to vector<16xi32>
        %parallel_loop3A_321 = arith.constant 16 : i32
        %parallel_loop3A_322 = vector.broadcast %parallel_loop3A_321 : i32 to vector<16xi32>
        %parallel_loop3A_323 = arith.shli %parallel_loop3A_314, %parallel_loop3A_322 : vector<16xi32>
        %parallel_loop3A_324 = tpu.bitcast %parallel_loop3A_323 : vector<16xi32> -> vector<16xf32>
        %parallel_loop3A_325 = arith.constant 16 : i32
        %parallel_loop3A_326 = vector.broadcast %parallel_loop3A_325 : i32 to vector<16xi32>
        %parallel_loop3A_327 = arith.shli %parallel_loop3A_320, %parallel_loop3A_326 : vector<16xi32>
        %parallel_loop3A_328 = tpu.bitcast %parallel_loop3A_327 : vector<16xi32> -> vector<16xf32>
        %parallel_loop3A_329 = arith.addf %parallel_loop3A_324, %parallel_loop3A_328 : vector<16xf32>
        %parallel_loop3A_330 = vector.broadcast %parallel_loop3A_268 : i32 to vector<16xi32>
        %parallel_loop3A_331 = arith.andi %parallel_loop3A_314, %parallel_loop3A_330 : vector<16xi32>
        %parallel_loop3A_332 = tpu.bitcast %parallel_loop3A_331 : vector<16xi32> -> vector<16xf32>
        %parallel_loop3A_333 = vector.broadcast %parallel_loop3A_268 : i32 to vector<16xi32>
        %parallel_loop3A_334 = arith.andi %parallel_loop3A_320, %parallel_loop3A_333 : vector<16xi32>
        %parallel_loop3A_335 = tpu.bitcast %parallel_loop3A_334 : vector<16xi32> -> vector<16xf32>
        %parallel_loop3A_336 = arith.addf %parallel_loop3A_332, %parallel_loop3A_335 : vector<16xf32>
        %parallel_loop3A_337 = arith.index_cast %parallel_loop3A_310 : i32 to index
        %parallel_loop3A_338 = arith.constant 0 : index
        %parallel_loop3A_339 = tpu.vector_load %arg7[%parallel_loop3A_337, %parallel_loop3A_338] {strides = array<i32>} : memref<16x512xf32, #tpu.memory_space<vmem>>, vector<1x16xf32>,
        %parallel_loop3A_340 = vector.shape_cast %parallel_loop3A_339 : vector<1x16xf32> to vector<16xf32>
        %parallel_loop3A_341 = arith.addf %parallel_loop3A_329, %parallel_loop3A_340 : vector<16xf32>
        %parallel_loop3A_342 = arith.index_cast %parallel_loop3A_306 : i32 to index
        %parallel_loop3A_343 = arith.constant 0 : index
        %parallel_loop3A_344 = tpu.vector_load %arg11[%parallel_loop3A_342, %parallel_loop3A_343] {strides = array<i32>} : memref<32x512xf32, #tpu.memory_space<vmem>>, vector<1x16xf32>,
        %parallel_loop3A_345 = vector.shape_cast %parallel_loop3A_344 : vector<1x16xf32> to vector<16xf32>
        %parallel_loop3A_346 = vector.shape_cast %parallel_loop3A_341 : vector<16xf32> to vector<1x16xf32>
        tpu.vector_store %arg11[%parallel_loop3A_342, %parallel_loop3A_343], %parallel_loop3A_346 {strides = array<i32>} : memref<32x512xf32, #tpu.memory_space<vmem>>, vector<1x16xf32>,
        %parallel_loop3A_347 = arith.index_cast %parallel_loop3A_310 : i32 to index
        %parallel_loop3A_348 = arith.constant 16 : index
        %parallel_loop3A_349 = tpu.vector_load %arg7[%parallel_loop3A_347, %parallel_loop3A_348] {strides = array<i32>} : memref<16x512xf32, #tpu.memory_space<vmem>>, vector<1x16xf32>,
        %parallel_loop3A_350 = vector.shape_cast %parallel_loop3A_349 : vector<1x16xf32> to vector<16xf32>
        %parallel_loop3A_351 = arith.addf %parallel_loop3A_336, %parallel_loop3A_350 : vector<16xf32>
        %parallel_loop3A_352 = arith.index_cast %parallel_loop3A_306 : i32 to index
        %parallel_loop3A_353 = arith.constant 16 : index
        %parallel_loop3A_354 = tpu.vector_load %arg11[%parallel_loop3A_352, %parallel_loop3A_353] {strides = array<i32>} : memref<32x512xf32, #tpu.memory_space<vmem>>, vector<1x16xf32>,
        %parallel_loop3A_355 = vector.shape_cast %parallel_loop3A_354 : vector<1x16xf32> to vector<16xf32>
        %parallel_loop3A_356 = vector.shape_cast %parallel_loop3A_351 : vector<16xf32> to vector<1x16xf32>
        tpu.vector_store %arg11[%parallel_loop3A_352, %parallel_loop3A_353], %parallel_loop3A_356 {strides = array<i32>} : memref<32x512xf32, #tpu.memory_space<vmem>>, vector<1x16xf32>,
        %parallel_loop3A_357 = arith.index_cast %parallel_loop3A_308 : i32 to index
        %parallel_loop3A_358 = arith.constant 16 : index
        %parallel_loop3A_359 = tpu.vector_load %arg9[%parallel_loop3A_357, %parallel_loop3A_358] {strides = array<i32>} : memref<64x256xi32, #tpu.memory_space<vmem>>, vector<1x16xi32>,
        %parallel_loop3A_360 = vector.shape_cast %parallel_loop3A_359 : vector<1x16xi32> to vector<16xi32>
        %parallel_loop3A_361 = arith.constant 1 : i32
        %parallel_loop3A_362 = arith.addi %parallel_loop3A_308, %parallel_loop3A_361 : i32
        %parallel_loop3A_363 = arith.index_cast %parallel_loop3A_362 : i32 to index
        %parallel_loop3A_364 = arith.constant 16 : index
        %parallel_loop3A_365 = tpu.vector_load %arg9[%parallel_loop3A_363, %parallel_loop3A_364] {strides = array<i32>} : memref<64x256xi32, #tpu.memory_space<vmem>>, vector<1x16xi32>,
        %parallel_loop3A_366 = vector.shape_cast %parallel_loop3A_365 : vector<1x16xi32> to vector<16xi32>
        %parallel_loop3A_367 = arith.constant 16 : i32
        %parallel_loop3A_368 = vector.broadcast %parallel_loop3A_367 : i32 to vector<16xi32>
        %parallel_loop3A_369 = arith.shli %parallel_loop3A_360, %parallel_loop3A_368 : vector<16xi32>
        %parallel_loop3A_370 = tpu.bitcast %parallel_loop3A_369 : vector<16xi32> -> vector<16xf32>
        %parallel_loop3A_371 = arith.constant 16 : i32
        %parallel_loop3A_372 = vector.broadcast %parallel_loop3A_371 : i32 to vector<16xi32>
        %parallel_loop3A_373 = arith.shli %parallel_loop3A_366, %parallel_loop3A_372 : vector<16xi32>
        %parallel_loop3A_374 = tpu.bitcast %parallel_loop3A_373 : vector<16xi32> -> vector<16xf32>
        %parallel_loop3A_375 = arith.addf %parallel_loop3A_370, %parallel_loop3A_374 : vector<16xf32>
        %parallel_loop3A_376 = vector.broadcast %parallel_loop3A_268 : i32 to vector<16xi32>
        %parallel_loop3A_377 = arith.andi %parallel_loop3A_360, %parallel_loop3A_376 : vector<16xi32>
        %parallel_loop3A_378 = tpu.bitcast %parallel_loop3A_377 : vector<16xi32> -> vector<16xf32>
        %parallel_loop3A_379 = vector.broadcast %parallel_loop3A_268 : i32 to vector<16xi32>
        %parallel_loop3A_380 = arith.andi %parallel_loop3A_366, %parallel_loop3A_379 : vector<16xi32>
        %parallel_loop3A_381 = tpu.bitcast %parallel_loop3A_380 : vector<16xi32> -> vector<16xf32>
        %parallel_loop3A_382 = arith.addf %parallel_loop3A_378, %parallel_loop3A_381 : vector<16xf32>
        %parallel_loop3A_383 = arith.index_cast %parallel_loop3A_310 : i32 to index
        %parallel_loop3A_384 = arith.constant 32 : index
        %parallel_loop3A_385 = tpu.vector_load %arg7[%parallel_loop3A_383, %parallel_loop3A_384] {strides = array<i32>} : memref<16x512xf32, #tpu.memory_space<vmem>>, vector<1x16xf32>,
        %parallel_loop3A_386 = vector.shape_cast %parallel_loop3A_385 : vector<1x16xf32> to vector<16xf32>
        %parallel_loop3A_387 = arith.addf %parallel_loop3A_375, %parallel_loop3A_386 : vector<16xf32>
        %parallel_loop3A_388 = arith.index_cast %parallel_loop3A_306 : i32 to index
        %parallel_loop3A_389 = arith.constant 32 : index
        %parallel_loop3A_390 = tpu.vector_load %arg11[%parallel_loop3A_388, %parallel_loop3A_389] {strides = array<i32>} : memref<32x512xf32, #tpu.memory_space<vmem>>, vector<1x16xf32>,
        %parallel_loop3A_391 = vector.shape_cast %parallel_loop3A_390 : vector<1x16xf32> to vector<16xf32>
        %parallel_loop3A_392 = vector.shape_cast %parallel_loop3A_387 : vector<16xf32> to vector<1x16xf32>
        tpu.vector_store %arg11[%parallel_loop3A_388, %parallel_loop3A_389], %parallel_loop3A_392 {strides = array<i32>} : memref<32x512xf32, #tpu.memory_space<vmem>>, vector<1x16xf32>,
        %parallel_loop3A_393 = arith.index_cast %parallel_loop3A_310 : i32 to index
        %parallel_loop3A_394 = arith.constant 48 : index
        %parallel_loop3A_395 = tpu.vector_load %arg7[%parallel_loop3A_393, %parallel_loop3A_394] {strides = array<i32>} : memref<16x512xf32, #tpu.memory_space<vmem>>, vector<1x16xf32>,
        %parallel_loop3A_396 = vector.shape_cast %parallel_loop3A_395 : vector<1x16xf32> to vector<16xf32>
        %parallel_loop3A_397 = arith.addf %parallel_loop3A_382, %parallel_loop3A_396 : vector<16xf32>
        %parallel_loop3A_398 = arith.index_cast %parallel_loop3A_306 : i32 to index
        %parallel_loop3A_399 = arith.constant 48 : index
        %parallel_loop3A_400 = tpu.vector_load %arg11[%parallel_loop3A_398, %parallel_loop3A_399] {strides = array<i32>} : memref<32x512xf32, #tpu.memory_space<vmem>>, vector<1x16xf32>,
        %parallel_loop3A_401 = vector.shape_cast %parallel_loop3A_400 : vector<1x16xf32> to vector<16xf32>
        %parallel_loop3A_402 = vector.shape_cast %parallel_loop3A_397 : vector<16xf32> to vector<1x16xf32>
        tpu.vector_store %arg11[%parallel_loop3A_398, %parallel_loop3A_399], %parallel_loop3A_402 {strides = array<i32>} : memref<32x512xf32, #tpu.memory_space<vmem>>, vector<1x16xf32>,
        %parallel_loop3A_403 = arith.index_cast %parallel_loop3A_308 : i32 to index
        %parallel_loop3A_404 = arith.constant 32 : index
        %parallel_loop3A_405 = tpu.vector_load %arg9[%parallel_loop3A_403, %parallel_loop3A_404] {strides = array<i32>} : memref<64x256xi32, #tpu.memory_space<vmem>>, vector<1x16xi32>,
        %parallel_loop3A_406 = vector.shape_cast %parallel_loop3A_405 : vector<1x16xi32> to vector<16xi32>
        %parallel_loop3A_407 = arith.constant 1 : i32
        %parallel_loop3A_408 = arith.addi %parallel_loop3A_308, %parallel_loop3A_407 : i32
        %parallel_loop3A_409 = arith.index_cast %parallel_loop3A_408 : i32 to index
        %parallel_loop3A_410 = arith.constant 32 : index
        %parallel_loop3A_411 = tpu.vector_load %arg9[%parallel_loop3A_409, %parallel_loop3A_410] {strides = array<i32>} : memref<64x256xi32, #tpu.memory_space<vmem>>, vector<1x16xi32>,
        %parallel_loop3A_412 = vector.shape_cast %parallel_loop3A_411 : vector<1x16xi32> to vector<16xi32>
        %parallel_loop3A_413 = arith.constant 16 : i32
        %parallel_loop3A_414 = vector.broadcast %parallel_loop3A_413 : i32 to vector<16xi32>
        %parallel_loop3A_415 = arith.shli %parallel_loop3A_406, %parallel_loop3A_414 : vector<16xi32>
        %parallel_loop3A_416 = tpu.bitcast %parallel_loop3A_415 : vector<16xi32> -> vector<16xf32>
        %parallel_loop3A_417 = arith.constant 16 : i32
        %parallel_loop3A_418 = vector.broadcast %parallel_loop3A_417 : i32 to vector<16xi32>
        %parallel_loop3A_419 = arith.shli %parallel_loop3A_412, %parallel_loop3A_418 : vector<16xi32>
        %parallel_loop3A_420 = tpu.bitcast %parallel_loop3A_419 : vector<16xi32> -> vector<16xf32>
        %parallel_loop3A_421 = arith.addf %parallel_loop3A_416, %parallel_loop3A_420 : vector<16xf32>
        %parallel_loop3A_422 = vector.broadcast %parallel_loop3A_268 : i32 to vector<16xi32>
        %parallel_loop3A_423 = arith.andi %parallel_loop3A_406, %parallel_loop3A_422 : vector<16xi32>
        %parallel_loop3A_424 = tpu.bitcast %parallel_loop3A_423 : vector<16xi32> -> vector<16xf32>
        %parallel_loop3A_425 = vector.broadcast %parallel_loop3A_268 : i32 to vector<16xi32>
        %parallel_loop3A_426 = arith.andi %parallel_loop3A_412, %parallel_loop3A_425 : vector<16xi32>
        %parallel_loop3A_427 = tpu.bitcast %parallel_loop3A_426 : vector<16xi32> -> vector<16xf32>
        %parallel_loop3A_428 = arith.addf %parallel_loop3A_424, %parallel_loop3A_427 : vector<16xf32>
        %parallel_loop3A_429 = arith.index_cast %parallel_loop3A_310 : i32 to index
        %parallel_loop3A_430 = arith.constant 64 : index
        %parallel_loop3A_431 = tpu.vector_load %arg7[%parallel_loop3A_429, %parallel_loop3A_430] {strides = array<i32>} : memref<16x512xf32, #tpu.memory_space<vmem>>, vector<1x16xf32>,
        %parallel_loop3A_432 = vector.shape_cast %parallel_loop3A_431 : vector<1x16xf32> to vector<16xf32>
        %parallel_loop3A_433 = arith.addf %parallel_loop3A_421, %parallel_loop3A_432 : vector<16xf32>
        %parallel_loop3A_434 = arith.index_cast %parallel_loop3A_306 : i32 to index
        %parallel_loop3A_435 = arith.constant 64 : index
        %parallel_loop3A_436 = tpu.vector_load %arg11[%parallel_loop3A_434, %parallel_loop3A_435] {strides = array<i32>} : memref<32x512xf32, #tpu.memory_space<vmem>>, vector<1x16xf32>,
        %parallel_loop3A_437 = vector.shape_cast %parallel_loop3A_436 : vector<1x16xf32> to vector<16xf32>
        %parallel_loop3A_438 = vector.shape_cast %parallel_loop3A_433 : vector<16xf32> to vector<1x16xf32>
        tpu.vector_store %arg11[%parallel_loop3A_434, %parallel_loop3A_435], %parallel_loop3A_438 {strides = array<i32>} : memref<32x512xf32, #tpu.memory_space<vmem>>, vector<1x16xf32>,
        %parallel_loop3A_439 = arith.index_cast %parallel_loop3A_310 : i32 to index
        %parallel_loop3A_440 = arith.constant 80 : index
        %parallel_loop3A_441 = tpu.vector_load %arg7[%parallel_loop3A_439, %parallel_loop3A_440] {strides = array<i32>} : memref<16x512xf32, #tpu.memory_space<vmem>>, vector<1x16xf32>,
        %parallel_loop3A_442 = vector.shape_cast %parallel_loop3A_441 : vector<1x16xf32> to vector<16xf32>
        %parallel_loop3A_443 = arith.addf %parallel_loop3A_428, %parallel_loop3A_442 : vector<16xf32>
        %parallel_loop3A_444 = arith.index_cast %parallel_loop3A_306 : i32 to index
        %parallel_loop3A_445 = arith.constant 80 : index
        %parallel_loop3A_446 = tpu.vector_load %arg11[%parallel_loop3A_444, %parallel_loop3A_445] {strides = array<i32>} : memref<32x512xf32, #tpu.memory_space<vmem>>, vector<1x16xf32>,
        %parallel_loop3A_447 = vector.shape_cast %parallel_loop3A_446 : vector<1x16xf32> to vector<16xf32>
        %parallel_loop3A_448 = vector.shape_cast %parallel_loop3A_443 : vector<16xf32> to vector<1x16xf32>
        tpu.vector_store %arg11[%parallel_loop3A_444, %parallel_loop3A_445], %parallel_loop3A_448 {strides = array<i32>} : memref<32x512xf32, #tpu.memory_space<vmem>>, vector<1x16xf32>,
        %parallel_loop3A_449 = arith.index_cast %parallel_loop3A_308 : i32 to index
        %parallel_loop3A_450 = arith.constant 48 : index
        %parallel_loop3A_451 = tpu.vector_load %arg9[%parallel_loop3A_449, %parallel_loop3A_450] {strides = array<i32>} : memref<64x256xi32, #tpu.memory_space<vmem>>, vector<1x16xi32>,
        %parallel_loop3A_452 = vector.shape_cast %parallel_loop3A_451 : vector<1x16xi32> to vector<16xi32>
        %parallel_loop3A_453 = arith.constant 1 : i32
        %parallel_loop3A_454 = arith.addi %parallel_loop3A_308, %parallel_loop3A_453 : i32
        %parallel_loop3A_455 = arith.index_cast %parallel_loop3A_454 : i32 to index
        %parallel_loop3A_456 = arith.constant 48 : index
        %parallel_loop3A_457 = tpu.vector_load %arg9[%parallel_loop3A_455, %parallel_loop3A_456] {strides = array<i32>} : memref<64x256xi32, #tpu.memory_space<vmem>>, vector<1x16xi32>,
        %parallel_loop3A_458 = vector.shape_cast %parallel_loop3A_457 : vector<1x16xi32> to vector<16xi32>
        %parallel_loop3A_459 = arith.constant 16 : i32
        %parallel_loop3A_460 = vector.broadcast %parallel_loop3A_459 : i32 to vector<16xi32>
        %parallel_loop3A_461 = arith.shli %parallel_loop3A_452, %parallel_loop3A_460 : vector<16xi32>
        %parallel_loop3A_462 = tpu.bitcast %parallel_loop3A_461 : vector<16xi32> -> vector<16xf32>
        %parallel_loop3A_463 = arith.constant 16 : i32
        %parallel_loop3A_464 = vector.broadcast %parallel_loop3A_463 : i32 to vector<16xi32>
        %parallel_loop3A_465 = arith.shli %parallel_loop3A_458, %parallel_loop3A_464 : vector<16xi32>
        %parallel_loop3A_466 = tpu.bitcast %parallel_loop3A_465 : vector<16xi32> -> vector<16xf32>
        %parallel_loop3A_467 = arith.addf %parallel_loop3A_462, %parallel_loop3A_466 : vector<16xf32>
        %parallel_loop3A_468 = vector.broadcast %parallel_loop3A_268 : i32 to vector<16xi32>
        %parallel_loop3A_469 = arith.andi %parallel_loop3A_452, %parallel_loop3A_468 : vector<16xi32>
        %parallel_loop3A_470 = tpu.bitcast %parallel_loop3A_469 : vector<16xi32> -> vector<16xf32>
        %parallel_loop3A_471 = vector.broadcast %parallel_loop3A_268 : i32 to vector<16xi32>
        %parallel_loop3A_472 = arith.andi %parallel_loop3A_458, %parallel_loop3A_471 : vector<16xi32>
        %parallel_loop3A_473 = tpu.bitcast %parallel_loop3A_472 : vector<16xi32> -> vector<16xf32>
        %parallel_loop3A_474 = arith.addf %parallel_loop3A_470, %parallel_loop3A_473 : vector<16xf32>
        %parallel_loop3A_475 = arith.index_cast %parallel_loop3A_310 : i32 to index
        %parallel_loop3A_476 = arith.constant 96 : index
        %parallel_loop3A_477 = tpu.vector_load %arg7[%parallel_loop3A_475, %parallel_loop3A_476] {strides = array<i32>} : memref<16x512xf32, #tpu.memory_space<vmem>>, vector<1x16xf32>,
        %parallel_loop3A_478 = vector.shape_cast %parallel_loop3A_477 : vector<1x16xf32> to vector<16xf32>
        %parallel_loop3A_479 = arith.addf %parallel_loop3A_467, %parallel_loop3A_478 : vector<16xf32>
        %parallel_loop3A_480 = arith.index_cast %parallel_loop3A_306 : i32 to index
        %parallel_loop3A_481 = arith.constant 96 : index
        %parallel_loop3A_482 = tpu.vector_load %arg11[%parallel_loop3A_480, %parallel_loop3A_481] {strides = array<i32>} : memref<32x512xf32, #tpu.memory_space<vmem>>, vector<1x16xf32>,
        %parallel_loop3A_483 = vector.shape_cast %parallel_loop3A_482 : vector<1x16xf32> to vector<16xf32>
        %parallel_loop3A_484 = vector.shape_cast %parallel_loop3A_479 : vector<16xf32> to vector<1x16xf32>
        tpu.vector_store %arg11[%parallel_loop3A_480, %parallel_loop3A_481], %parallel_loop3A_484 {strides = array<i32>} : memref<32x512xf32, #tpu.memory_space<vmem>>, vector<1x16xf32>,
        %parallel_loop3A_485 = arith.index_cast %parallel_loop3A_310 : i32 to index
        %parallel_loop3A_486 = arith.constant 112 : index
        %parallel_loop3A_487 = tpu.vector_load %arg7[%parallel_loop3A_485, %parallel_loop3A_486] {strides = array<i32>} : memref<16x512xf32, #tpu.memory_space<vmem>>, vector<1x16xf32>,
        %parallel_loop3A_488 = vector.shape_cast %parallel_loop3A_487 : vector<1x16xf32> to vector<16xf32>
        %parallel_loop3A_489 = arith.addf %parallel_loop3A_474, %parallel_loop3A_488 : vector<16xf32>
        %parallel_loop3A_490 = arith.index_cast %parallel_loop3A_306 : i32 to index
        %parallel_loop3A_491 = arith.constant 112 : index
        %parallel_loop3A_492 = tpu.vector_load %arg11[%parallel_loop3A_490, %parallel_loop3A_491] {strides = array<i32>} : memref<32x512xf32, #tpu.memory_space<vmem>>, vector<1x16xf32>,
        %parallel_loop3A_493 = vector.shape_cast %parallel_loop3A_492 : vector<1x16xf32> to vector<16xf32>
        %parallel_loop3A_494 = vector.shape_cast %parallel_loop3A_489 : vector<16xf32> to vector<1x16xf32>
        tpu.vector_store %arg11[%parallel_loop3A_490, %parallel_loop3A_491], %parallel_loop3A_494 {strides = array<i32>} : memref<32x512xf32, #tpu.memory_space<vmem>>, vector<1x16xf32>,
        %parallel_loop3A_495 = arith.index_cast %parallel_loop3A_308 : i32 to index
        %parallel_loop3A_496 = arith.constant 64 : index
        %parallel_loop3A_497 = tpu.vector_load %arg9[%parallel_loop3A_495, %parallel_loop3A_496] {strides = array<i32>} : memref<64x256xi32, #tpu.memory_space<vmem>>, vector<1x16xi32>,
        %parallel_loop3A_498 = vector.shape_cast %parallel_loop3A_497 : vector<1x16xi32> to vector<16xi32>
        %parallel_loop3A_499 = arith.constant 1 : i32
        %parallel_loop3A_500 = arith.addi %parallel_loop3A_308, %parallel_loop3A_499 : i32
        %parallel_loop3A_501 = arith.index_cast %parallel_loop3A_500 : i32 to index
        %parallel_loop3A_502 = arith.constant 64 : index
        %parallel_loop3A_503 = tpu.vector_load %arg9[%parallel_loop3A_501, %parallel_loop3A_502] {strides = array<i32>} : memref<64x256xi32, #tpu.memory_space<vmem>>, vector<1x16xi32>,
        %parallel_loop3A_504 = vector.shape_cast %parallel_loop3A_503 : vector<1x16xi32> to vector<16xi32>
        %parallel_loop3A_505 = arith.constant 16 : i32
        %parallel_loop3A_506 = vector.broadcast %parallel_loop3A_505 : i32 to vector<16xi32>
        %parallel_loop3A_507 = arith.shli %parallel_loop3A_498, %parallel_loop3A_506 : vector<16xi32>
        %parallel_loop3A_508 = tpu.bitcast %parallel_loop3A_507 : vector<16xi32> -> vector<16xf32>
        %parallel_loop3A_509 = arith.constant 16 : i32
        %parallel_loop3A_510 = vector.broadcast %parallel_loop3A_509 : i32 to vector<16xi32>
        %parallel_loop3A_511 = arith.shli %parallel_loop3A_504, %parallel_loop3A_510 : vector<16xi32>
        %parallel_loop3A_512 = tpu.bitcast %parallel_loop3A_511 : vector<16xi32> -> vector<16xf32>
        %parallel_loop3A_513 = arith.addf %parallel_loop3A_508, %parallel_loop3A_512 : vector<16xf32>
        %parallel_loop3A_514 = vector.broadcast %parallel_loop3A_268 : i32 to vector<16xi32>
        %parallel_loop3A_515 = arith.andi %parallel_loop3A_498, %parallel_loop3A_514 : vector<16xi32>
        %parallel_loop3A_516 = tpu.bitcast %parallel_loop3A_515 : vector<16xi32> -> vector<16xf32>
        %parallel_loop3A_517 = vector.broadcast %parallel_loop3A_268 : i32 to vector<16xi32>
        %parallel_loop3A_518 = arith.andi %parallel_loop3A_504, %parallel_loop3A_517 : vector<16xi32>
        %parallel_loop3A_519 = tpu.bitcast %parallel_loop3A_518 : vector<16xi32> -> vector<16xf32>
        %parallel_loop3A_520 = arith.addf %parallel_loop3A_516, %parallel_loop3A_519 : vector<16xf32>
        %parallel_loop3A_521 = arith.index_cast %parallel_loop3A_310 : i32 to index
        %parallel_loop3A_522 = arith.constant 128 : index
        %parallel_loop3A_523 = tpu.vector_load %arg7[%parallel_loop3A_521, %parallel_loop3A_522] {strides = array<i32>} : memref<16x512xf32, #tpu.memory_space<vmem>>, vector<1x16xf32>,
        %parallel_loop3A_524 = vector.shape_cast %parallel_loop3A_523 : vector<1x16xf32> to vector<16xf32>
        %parallel_loop3A_525 = arith.addf %parallel_loop3A_513, %parallel_loop3A_524 : vector<16xf32>
        %parallel_loop3A_526 = arith.index_cast %parallel_loop3A_306 : i32 to index
        %parallel_loop3A_527 = arith.constant 128 : index
        %parallel_loop3A_528 = tpu.vector_load %arg11[%parallel_loop3A_526, %parallel_loop3A_527] {strides = array<i32>} : memref<32x512xf32, #tpu.memory_space<vmem>>, vector<1x16xf32>,
        %parallel_loop3A_529 = vector.shape_cast %parallel_loop3A_528 : vector<1x16xf32> to vector<16xf32>
        %parallel_loop3A_530 = vector.shape_cast %parallel_loop3A_525 : vector<16xf32> to vector<1x16xf32>
        tpu.vector_store %arg11[%parallel_loop3A_526, %parallel_loop3A_527], %parallel_loop3A_530 {strides = array<i32>} : memref<32x512xf32, #tpu.memory_space<vmem>>, vector<1x16xf32>,
        %parallel_loop3A_531 = arith.index_cast %parallel_loop3A_310 : i32 to index
        %parallel_loop3A_532 = arith.constant 144 : index
        %parallel_loop3A_533 = tpu.vector_load %arg7[%parallel_loop3A_531, %parallel_loop3A_532] {strides = array<i32>} : memref<16x512xf32, #tpu.memory_space<vmem>>, vector<1x16xf32>,
        %parallel_loop3A_534 = vector.shape_cast %parallel_loop3A_533 : vector<1x16xf32> to vector<16xf32>
        %parallel_loop3A_535 = arith.addf %parallel_loop3A_520, %parallel_loop3A_534 : vector<16xf32>
        %parallel_loop3A_536 = arith.index_cast %parallel_loop3A_306 : i32 to index
        %parallel_loop3A_537 = arith.constant 144 : index
        %parallel_loop3A_538 = tpu.vector_load %arg11[%parallel_loop3A_536, %parallel_loop3A_537] {strides = array<i32>} : memref<32x512xf32, #tpu.memory_space<vmem>>, vector<1x16xf32>,
        %parallel_loop3A_539 = vector.shape_cast %parallel_loop3A_538 : vector<1x16xf32> to vector<16xf32>
        %parallel_loop3A_540 = vector.shape_cast %parallel_loop3A_535 : vector<16xf32> to vector<1x16xf32>
        tpu.vector_store %arg11[%parallel_loop3A_536, %parallel_loop3A_537], %parallel_loop3A_540 {strides = array<i32>} : memref<32x512xf32, #tpu.memory_space<vmem>>, vector<1x16xf32>,
        %parallel_loop3A_541 = arith.index_cast %parallel_loop3A_308 : i32 to index
        %parallel_loop3A_542 = arith.constant 80 : index
        %parallel_loop3A_543 = tpu.vector_load %arg9[%parallel_loop3A_541, %parallel_loop3A_542] {strides = array<i32>} : memref<64x256xi32, #tpu.memory_space<vmem>>, vector<1x16xi32>,
        %parallel_loop3A_544 = vector.shape_cast %parallel_loop3A_543 : vector<1x16xi32> to vector<16xi32>
        %parallel_loop3A_545 = arith.constant 1 : i32
        %parallel_loop3A_546 = arith.addi %parallel_loop3A_308, %parallel_loop3A_545 : i32
        %parallel_loop3A_547 = arith.index_cast %parallel_loop3A_546 : i32 to index
        %parallel_loop3A_548 = arith.constant 80 : index
        %parallel_loop3A_549 = tpu.vector_load %arg9[%parallel_loop3A_547, %parallel_loop3A_548] {strides = array<i32>} : memref<64x256xi32, #tpu.memory_space<vmem>>, vector<1x16xi32>,
        %parallel_loop3A_550 = vector.shape_cast %parallel_loop3A_549 : vector<1x16xi32> to vector<16xi32>
        %parallel_loop3A_551 = arith.constant 16 : i32
        %parallel_loop3A_552 = vector.broadcast %parallel_loop3A_551 : i32 to vector<16xi32>
        %parallel_loop3A_553 = arith.shli %parallel_loop3A_544, %parallel_loop3A_552 : vector<16xi32>
        %parallel_loop3A_554 = tpu.bitcast %parallel_loop3A_553 : vector<16xi32> -> vector<16xf32>
        %parallel_loop3A_555 = arith.constant 16 : i32
        %parallel_loop3A_556 = vector.broadcast %parallel_loop3A_555 : i32 to vector<16xi32>
        %parallel_loop3A_557 = arith.shli %parallel_loop3A_550, %parallel_loop3A_556 : vector<16xi32>
        %parallel_loop3A_558 = tpu.bitcast %parallel_loop3A_557 : vector<16xi32> -> vector<16xf32>
        %parallel_loop3A_559 = arith.addf %parallel_loop3A_554, %parallel_loop3A_558 : vector<16xf32>
        %parallel_loop3A_560 = vector.broadcast %parallel_loop3A_268 : i32 to vector<16xi32>
        %parallel_loop3A_561 = arith.andi %parallel_loop3A_544, %parallel_loop3A_560 : vector<16xi32>
        %parallel_loop3A_562 = tpu.bitcast %parallel_loop3A_561 : vector<16xi32> -> vector<16xf32>
        %parallel_loop3A_563 = vector.broadcast %parallel_loop3A_268 : i32 to vector<16xi32>
        %parallel_loop3A_564 = arith.andi %parallel_loop3A_550, %parallel_loop3A_563 : vector<16xi32>
        %parallel_loop3A_565 = tpu.bitcast %parallel_loop3A_564 : vector<16xi32> -> vector<16xf32>
        %parallel_loop3A_566 = arith.addf %parallel_loop3A_562, %parallel_loop3A_565 : vector<16xf32>
        %parallel_loop3A_567 = arith.index_cast %parallel_loop3A_310 : i32 to index
        %parallel_loop3A_568 = arith.constant 160 : index
        %parallel_loop3A_569 = tpu.vector_load %arg7[%parallel_loop3A_567, %parallel_loop3A_568] {strides = array<i32>} : memref<16x512xf32, #tpu.memory_space<vmem>>, vector<1x16xf32>,
        %parallel_loop3A_570 = vector.shape_cast %parallel_loop3A_569 : vector<1x16xf32> to vector<16xf32>
        %parallel_loop3A_571 = arith.addf %parallel_loop3A_559, %parallel_loop3A_570 : vector<16xf32>
        %parallel_loop3A_572 = arith.index_cast %parallel_loop3A_306 : i32 to index
        %parallel_loop3A_573 = arith.constant 160 : index
        %parallel_loop3A_574 = tpu.vector_load %arg11[%parallel_loop3A_572, %parallel_loop3A_573] {strides = array<i32>} : memref<32x512xf32, #tpu.memory_space<vmem>>, vector<1x16xf32>,
        %parallel_loop3A_575 = vector.shape_cast %parallel_loop3A_574 : vector<1x16xf32> to vector<16xf32>
        %parallel_loop3A_576 = vector.shape_cast %parallel_loop3A_571 : vector<16xf32> to vector<1x16xf32>
        tpu.vector_store %arg11[%parallel_loop3A_572, %parallel_loop3A_573], %parallel_loop3A_576 {strides = array<i32>} : memref<32x512xf32, #tpu.memory_space<vmem>>, vector<1x16xf32>,
        %parallel_loop3A_577 = arith.index_cast %parallel_loop3A_310 : i32 to index
        %parallel_loop3A_578 = arith.constant 176 : index
        %parallel_loop3A_579 = tpu.vector_load %arg7[%parallel_loop3A_577, %parallel_loop3A_578] {strides = array<i32>} : memref<16x512xf32, #tpu.memory_space<vmem>>, vector<1x16xf32>,
        %parallel_loop3A_580 = vector.shape_cast %parallel_loop3A_579 : vector<1x16xf32> to vector<16xf32>
        %parallel_loop3A_581 = arith.addf %parallel_loop3A_566, %parallel_loop3A_580 : vector<16xf32>
        %parallel_loop3A_582 = arith.index_cast %parallel_loop3A_306 : i32 to index
        %parallel_loop3A_583 = arith.constant 176 : index
        %parallel_loop3A_584 = tpu.vector_load %arg11[%parallel_loop3A_582, %parallel_loop3A_583] {strides = array<i32>} : memref<32x512xf32, #tpu.memory_space<vmem>>, vector<1x16xf32>,
        %parallel_loop3A_585 = vector.shape_cast %parallel_loop3A_584 : vector<1x16xf32> to vector<16xf32>
        %parallel_loop3A_586 = vector.shape_cast %parallel_loop3A_581 : vector<16xf32> to vector<1x16xf32>
        tpu.vector_store %arg11[%parallel_loop3A_582, %parallel_loop3A_583], %parallel_loop3A_586 {strides = array<i32>} : memref<32x512xf32, #tpu.memory_space<vmem>>, vector<1x16xf32>,
        %parallel_loop3A_587 = arith.index_cast %parallel_loop3A_308 : i32 to index
        %parallel_loop3A_588 = arith.constant 96 : index
        %parallel_loop3A_589 = tpu.vector_load %arg9[%parallel_loop3A_587, %parallel_loop3A_588] {strides = array<i32>} : memref<64x256xi32, #tpu.memory_space<vmem>>, vector<1x16xi32>,
        %parallel_loop3A_590 = vector.shape_cast %parallel_loop3A_589 : vector<1x16xi32> to vector<16xi32>
        %parallel_loop3A_591 = arith.constant 1 : i32
        %parallel_loop3A_592 = arith.addi %parallel_loop3A_308, %parallel_loop3A_591 : i32
        %parallel_loop3A_593 = arith.index_cast %parallel_loop3A_592 : i32 to index
        %parallel_loop3A_594 = arith.constant 96 : index
        %parallel_loop3A_595 = tpu.vector_load %arg9[%parallel_loop3A_593, %parallel_loop3A_594] {strides = array<i32>} : memref<64x256xi32, #tpu.memory_space<vmem>>, vector<1x16xi32>,
        %parallel_loop3A_596 = vector.shape_cast %parallel_loop3A_595 : vector<1x16xi32> to vector<16xi32>
        %parallel_loop3A_597 = arith.constant 16 : i32
        %parallel_loop3A_598 = vector.broadcast %parallel_loop3A_597 : i32 to vector<16xi32>
        %parallel_loop3A_599 = arith.shli %parallel_loop3A_590, %parallel_loop3A_598 : vector<16xi32>
        %parallel_loop3A_600 = tpu.bitcast %parallel_loop3A_599 : vector<16xi32> -> vector<16xf32>
        %parallel_loop3A_601 = arith.constant 16 : i32
        %parallel_loop3A_602 = vector.broadcast %parallel_loop3A_601 : i32 to vector<16xi32>
        %parallel_loop3A_603 = arith.shli %parallel_loop3A_596, %parallel_loop3A_602 : vector<16xi32>
        %parallel_loop3A_604 = tpu.bitcast %parallel_loop3A_603 : vector<16xi32> -> vector<16xf32>
        %parallel_loop3A_605 = arith.addf %parallel_loop3A_600, %parallel_loop3A_604 : vector<16xf32>
        %parallel_loop3A_606 = vector.broadcast %parallel_loop3A_268 : i32 to vector<16xi32>
        %parallel_loop3A_607 = arith.andi %parallel_loop3A_590, %parallel_loop3A_606 : vector<16xi32>
        %parallel_loop3A_608 = tpu.bitcast %parallel_loop3A_607 : vector<16xi32> -> vector<16xf32>
        %parallel_loop3A_609 = vector.broadcast %parallel_loop3A_268 : i32 to vector<16xi32>
        %parallel_loop3A_610 = arith.andi %parallel_loop3A_596, %parallel_loop3A_609 : vector<16xi32>
        %parallel_loop3A_611 = tpu.bitcast %parallel_loop3A_610 : vector<16xi32> -> vector<16xf32>
        %parallel_loop3A_612 = arith.addf %parallel_loop3A_608, %parallel_loop3A_611 : vector<16xf32>
        %parallel_loop3A_613 = arith.index_cast %parallel_loop3A_310 : i32 to index
        %parallel_loop3A_614 = arith.constant 192 : index
        %parallel_loop3A_615 = tpu.vector_load %arg7[%parallel_loop3A_613, %parallel_loop3A_614] {strides = array<i32>} : memref<16x512xf32, #tpu.memory_space<vmem>>, vector<1x16xf32>,
        %parallel_loop3A_616 = vector.shape_cast %parallel_loop3A_615 : vector<1x16xf32> to vector<16xf32>
        %parallel_loop3A_617 = arith.addf %parallel_loop3A_605, %parallel_loop3A_616 : vector<16xf32>
        %parallel_loop3A_618 = arith.index_cast %parallel_loop3A_306 : i32 to index
        %parallel_loop3A_619 = arith.constant 192 : index
        %parallel_loop3A_620 = tpu.vector_load %arg11[%parallel_loop3A_618, %parallel_loop3A_619] {strides = array<i32>} : memref<32x512xf32, #tpu.memory_space<vmem>>, vector<1x16xf32>,
        %parallel_loop3A_621 = vector.shape_cast %parallel_loop3A_620 : vector<1x16xf32> to vector<16xf32>
        %parallel_loop3A_622 = vector.shape_cast %parallel_loop3A_617 : vector<16xf32> to vector<1x16xf32>
        tpu.vector_store %arg11[%parallel_loop3A_618, %parallel_loop3A_619], %parallel_loop3A_622 {strides = array<i32>} : memref<32x512xf32, #tpu.memory_space<vmem>>, vector<1x16xf32>,
        %parallel_loop3A_623 = arith.index_cast %parallel_loop3A_310 : i32 to index
        %parallel_loop3A_624 = arith.constant 208 : index
        %parallel_loop3A_625 = tpu.vector_load %arg7[%parallel_loop3A_623, %parallel_loop3A_624] {strides = array<i32>} : memref<16x512xf32, #tpu.memory_space<vmem>>, vector<1x16xf32>,
        %parallel_loop3A_626 = vector.shape_cast %parallel_loop3A_625 : vector<1x16xf32> to vector<16xf32>
        %parallel_loop3A_627 = arith.addf %parallel_loop3A_612, %parallel_loop3A_626 : vector<16xf32>
        %parallel_loop3A_628 = arith.index_cast %parallel_loop3A_306 : i32 to index
        %parallel_loop3A_629 = arith.constant 208 : index
        %parallel_loop3A_630 = tpu.vector_load %arg11[%parallel_loop3A_628, %parallel_loop3A_629] {strides = array<i32>} : memref<32x512xf32, #tpu.memory_space<vmem>>, vector<1x16xf32>,
        %parallel_loop3A_631 = vector.shape_cast %parallel_loop3A_630 : vector<1x16xf32> to vector<16xf32>
        %parallel_loop3A_632 = vector.shape_cast %parallel_loop3A_627 : vector<16xf32> to vector<1x16xf32>
        tpu.vector_store %arg11[%parallel_loop3A_628, %parallel_loop3A_629], %parallel_loop3A_632 {strides = array<i32>} : memref<32x512xf32, #tpu.memory_space<vmem>>, vector<1x16xf32>,
        %parallel_loop3A_633 = arith.index_cast %parallel_loop3A_308 : i32 to index
        %parallel_loop3A_634 = arith.constant 112 : index
        %parallel_loop3A_635 = tpu.vector_load %arg9[%parallel_loop3A_633, %parallel_loop3A_634] {strides = array<i32>} : memref<64x256xi32, #tpu.memory_space<vmem>>, vector<1x16xi32>,
        %parallel_loop3A_636 = vector.shape_cast %parallel_loop3A_635 : vector<1x16xi32> to vector<16xi32>
        %parallel_loop3A_637 = arith.constant 1 : i32
        %parallel_loop3A_638 = arith.addi %parallel_loop3A_308, %parallel_loop3A_637 : i32
        %parallel_loop3A_639 = arith.index_cast %parallel_loop3A_638 : i32 to index
        %parallel_loop3A_640 = arith.constant 112 : index
        %parallel_loop3A_641 = tpu.vector_load %arg9[%parallel_loop3A_639, %parallel_loop3A_640] {strides = array<i32>} : memref<64x256xi32, #tpu.memory_space<vmem>>, vector<1x16xi32>,
        %parallel_loop3A_642 = vector.shape_cast %parallel_loop3A_641 : vector<1x16xi32> to vector<16xi32>
        %parallel_loop3A_643 = arith.constant 16 : i32
        %parallel_loop3A_644 = vector.broadcast %parallel_loop3A_643 : i32 to vector<16xi32>
        %parallel_loop3A_645 = arith.shli %parallel_loop3A_636, %parallel_loop3A_644 : vector<16xi32>
        %parallel_loop3A_646 = tpu.bitcast %parallel_loop3A_645 : vector<16xi32> -> vector<16xf32>
        %parallel_loop3A_647 = arith.constant 16 : i32
        %parallel_loop3A_648 = vector.broadcast %parallel_loop3A_647 : i32 to vector<16xi32>
        %parallel_loop3A_649 = arith.shli %parallel_loop3A_642, %parallel_loop3A_648 : vector<16xi32>
        %parallel_loop3A_650 = tpu.bitcast %parallel_loop3A_649 : vector<16xi32> -> vector<16xf32>
        %parallel_loop3A_651 = arith.addf %parallel_loop3A_646, %parallel_loop3A_650 : vector<16xf32>
        %parallel_loop3A_652 = vector.broadcast %parallel_loop3A_268 : i32 to vector<16xi32>
        %parallel_loop3A_653 = arith.andi %parallel_loop3A_636, %parallel_loop3A_652 : vector<16xi32>
        %parallel_loop3A_654 = tpu.bitcast %parallel_loop3A_653 : vector<16xi32> -> vector<16xf32>
        %parallel_loop3A_655 = vector.broadcast %parallel_loop3A_268 : i32 to vector<16xi32>
        %parallel_loop3A_656 = arith.andi %parallel_loop3A_642, %parallel_loop3A_655 : vector<16xi32>
        %parallel_loop3A_657 = tpu.bitcast %parallel_loop3A_656 : vector<16xi32> -> vector<16xf32>
        %parallel_loop3A_658 = arith.addf %parallel_loop3A_654, %parallel_loop3A_657 : vector<16xf32>
        %parallel_loop3A_659 = arith.index_cast %parallel_loop3A_310 : i32 to index
        %parallel_loop3A_660 = arith.constant 224 : index
        %parallel_loop3A_661 = tpu.vector_load %arg7[%parallel_loop3A_659, %parallel_loop3A_660] {strides = array<i32>} : memref<16x512xf32, #tpu.memory_space<vmem>>, vector<1x16xf32>,
        %parallel_loop3A_662 = vector.shape_cast %parallel_loop3A_661 : vector<1x16xf32> to vector<16xf32>
        %parallel_loop3A_663 = arith.addf %parallel_loop3A_651, %parallel_loop3A_662 : vector<16xf32>
        %parallel_loop3A_664 = arith.index_cast %parallel_loop3A_306 : i32 to index
        %parallel_loop3A_665 = arith.constant 224 : index
        %parallel_loop3A_666 = tpu.vector_load %arg11[%parallel_loop3A_664, %parallel_loop3A_665] {strides = array<i32>} : memref<32x512xf32, #tpu.memory_space<vmem>>, vector<1x16xf32>,
        %parallel_loop3A_667 = vector.shape_cast %parallel_loop3A_666 : vector<1x16xf32> to vector<16xf32>
        %parallel_loop3A_668 = vector.shape_cast %parallel_loop3A_663 : vector<16xf32> to vector<1x16xf32>
        tpu.vector_store %arg11[%parallel_loop3A_664, %parallel_loop3A_665], %parallel_loop3A_668 {strides = array<i32>} : memref<32x512xf32, #tpu.memory_space<vmem>>, vector<1x16xf32>,
        %parallel_loop3A_669 = arith.index_cast %parallel_loop3A_310 : i32 to index
        %parallel_loop3A_670 = arith.constant 240 : index
        %parallel_loop3A_671 = tpu.vector_load %arg7[%parallel_loop3A_669, %parallel_loop3A_670] {strides = array<i32>} : memref<16x512xf32, #tpu.memory_space<vmem>>, vector<1x16xf32>,
        %parallel_loop3A_672 = vector.shape_cast %parallel_loop3A_671 : vector<1x16xf32> to vector<16xf32>
        %parallel_loop3A_673 = arith.addf %parallel_loop3A_658, %parallel_loop3A_672 : vector<16xf32>
        %parallel_loop3A_674 = arith.index_cast %parallel_loop3A_306 : i32 to index
        %parallel_loop3A_675 = arith.constant 240 : index
        %parallel_loop3A_676 = tpu.vector_load %arg11[%parallel_loop3A_674, %parallel_loop3A_675] {strides = array<i32>} : memref<32x512xf32, #tpu.memory_space<vmem>>, vector<1x16xf32>,
        %parallel_loop3A_677 = vector.shape_cast %parallel_loop3A_676 : vector<1x16xf32> to vector<16xf32>
        %parallel_loop3A_678 = vector.shape_cast %parallel_loop3A_673 : vector<16xf32> to vector<1x16xf32>
        tpu.vector_store %arg11[%parallel_loop3A_674, %parallel_loop3A_675], %parallel_loop3A_678 {strides = array<i32>} : memref<32x512xf32, #tpu.memory_space<vmem>>, vector<1x16xf32>,
        %parallel_loop3A_679 = arith.index_cast %parallel_loop3A_308 : i32 to index
        %parallel_loop3A_680 = arith.constant 128 : index
        %parallel_loop3A_681 = tpu.vector_load %arg9[%parallel_loop3A_679, %parallel_loop3A_680] {strides = array<i32>} : memref<64x256xi32, #tpu.memory_space<vmem>>, vector<1x16xi32>,
        %parallel_loop3A_682 = vector.shape_cast %parallel_loop3A_681 : vector<1x16xi32> to vector<16xi32>
        %parallel_loop3A_683 = arith.constant 1 : i32
        %parallel_loop3A_684 = arith.addi %parallel_loop3A_308, %parallel_loop3A_683 : i32
        %parallel_loop3A_685 = arith.index_cast %parallel_loop3A_684 : i32 to index
        %parallel_loop3A_686 = arith.constant 128 : index
        %parallel_loop3A_687 = tpu.vector_load %arg9[%parallel_loop3A_685, %parallel_loop3A_686] {strides = array<i32>} : memref<64x256xi32, #tpu.memory_space<vmem>>, vector<1x16xi32>,
        %parallel_loop3A_688 = vector.shape_cast %parallel_loop3A_687 : vector<1x16xi32> to vector<16xi32>
        %parallel_loop3A_689 = arith.constant 16 : i32
        %parallel_loop3A_690 = vector.broadcast %parallel_loop3A_689 : i32 to vector<16xi32>
        %parallel_loop3A_691 = arith.shli %parallel_loop3A_682, %parallel_loop3A_690 : vector<16xi32>
        %parallel_loop3A_692 = tpu.bitcast %parallel_loop3A_691 : vector<16xi32> -> vector<16xf32>
        %parallel_loop3A_693 = arith.constant 16 : i32
        %parallel_loop3A_694 = vector.broadcast %parallel_loop3A_693 : i32 to vector<16xi32>
        %parallel_loop3A_695 = arith.shli %parallel_loop3A_688, %parallel_loop3A_694 : vector<16xi32>
        %parallel_loop3A_696 = tpu.bitcast %parallel_loop3A_695 : vector<16xi32> -> vector<16xf32>
        %parallel_loop3A_697 = arith.addf %parallel_loop3A_692, %parallel_loop3A_696 : vector<16xf32>
        %parallel_loop3A_698 = vector.broadcast %parallel_loop3A_268 : i32 to vector<16xi32>
        %parallel_loop3A_699 = arith.andi %parallel_loop3A_682, %parallel_loop3A_698 : vector<16xi32>
        %parallel_loop3A_700 = tpu.bitcast %parallel_loop3A_699 : vector<16xi32> -> vector<16xf32>
        %parallel_loop3A_701 = vector.broadcast %parallel_loop3A_268 : i32 to vector<16xi32>
        %parallel_loop3A_702 = arith.andi %parallel_loop3A_688, %parallel_loop3A_701 : vector<16xi32>
        %parallel_loop3A_703 = tpu.bitcast %parallel_loop3A_702 : vector<16xi32> -> vector<16xf32>
        %parallel_loop3A_704 = arith.addf %parallel_loop3A_700, %parallel_loop3A_703 : vector<16xf32>
        %parallel_loop3A_705 = arith.index_cast %parallel_loop3A_310 : i32 to index
        %parallel_loop3A_706 = arith.constant 256 : index
        %parallel_loop3A_707 = tpu.vector_load %arg7[%parallel_loop3A_705, %parallel_loop3A_706] {strides = array<i32>} : memref<16x512xf32, #tpu.memory_space<vmem>>, vector<1x16xf32>,
        %parallel_loop3A_708 = vector.shape_cast %parallel_loop3A_707 : vector<1x16xf32> to vector<16xf32>
        %parallel_loop3A_709 = arith.addf %parallel_loop3A_697, %parallel_loop3A_708 : vector<16xf32>
        %parallel_loop3A_710 = arith.index_cast %parallel_loop3A_306 : i32 to index
        %parallel_loop3A_711 = arith.constant 256 : index
        %parallel_loop3A_712 = tpu.vector_load %arg11[%parallel_loop3A_710, %parallel_loop3A_711] {strides = array<i32>} : memref<32x512xf32, #tpu.memory_space<vmem>>, vector<1x16xf32>,
        %parallel_loop3A_713 = vector.shape_cast %parallel_loop3A_712 : vector<1x16xf32> to vector<16xf32>
        %parallel_loop3A_714 = vector.shape_cast %parallel_loop3A_709 : vector<16xf32> to vector<1x16xf32>
        tpu.vector_store %arg11[%parallel_loop3A_710, %parallel_loop3A_711], %parallel_loop3A_714 {strides = array<i32>} : memref<32x512xf32, #tpu.memory_space<vmem>>, vector<1x16xf32>,
        %parallel_loop3A_715 = arith.index_cast %parallel_loop3A_310 : i32 to index
        %parallel_loop3A_716 = arith.constant 272 : index
        %parallel_loop3A_717 = tpu.vector_load %arg7[%parallel_loop3A_715, %parallel_loop3A_716] {strides = array<i32>} : memref<16x512xf32, #tpu.memory_space<vmem>>, vector<1x16xf32>,
        %parallel_loop3A_718 = vector.shape_cast %parallel_loop3A_717 : vector<1x16xf32> to vector<16xf32>
        %parallel_loop3A_719 = arith.addf %parallel_loop3A_704, %parallel_loop3A_718 : vector<16xf32>
        %parallel_loop3A_720 = arith.index_cast %parallel_loop3A_306 : i32 to index
        %parallel_loop3A_721 = arith.constant 272 : index
        %parallel_loop3A_722 = tpu.vector_load %arg11[%parallel_loop3A_720, %parallel_loop3A_721] {strides = array<i32>} : memref<32x512xf32, #tpu.memory_space<vmem>>, vector<1x16xf32>,
        %parallel_loop3A_723 = vector.shape_cast %parallel_loop3A_722 : vector<1x16xf32> to vector<16xf32>
        %parallel_loop3A_724 = vector.shape_cast %parallel_loop3A_719 : vector<16xf32> to vector<1x16xf32>
        tpu.vector_store %arg11[%parallel_loop3A_720, %parallel_loop3A_721], %parallel_loop3A_724 {strides = array<i32>} : memref<32x512xf32, #tpu.memory_space<vmem>>, vector<1x16xf32>,
        %parallel_loop3A_725 = arith.index_cast %parallel_loop3A_308 : i32 to index
        %parallel_loop3A_726 = arith.constant 144 : index
        %parallel_loop3A_727 = tpu.vector_load %arg9[%parallel_loop3A_725, %parallel_loop3A_726] {strides = array<i32>} : memref<64x256xi32, #tpu.memory_space<vmem>>, vector<1x16xi32>,
        %parallel_loop3A_728 = vector.shape_cast %parallel_loop3A_727 : vector<1x16xi32> to vector<16xi32>
        %parallel_loop3A_729 = arith.constant 1 : i32
        %parallel_loop3A_730 = arith.addi %parallel_loop3A_308, %parallel_loop3A_729 : i32
        %parallel_loop3A_731 = arith.index_cast %parallel_loop3A_730 : i32 to index
        %parallel_loop3A_732 = arith.constant 144 : index
        %parallel_loop3A_733 = tpu.vector_load %arg9[%parallel_loop3A_731, %parallel_loop3A_732] {strides = array<i32>} : memref<64x256xi32, #tpu.memory_space<vmem>>, vector<1x16xi32>,
        %parallel_loop3A_734 = vector.shape_cast %parallel_loop3A_733 : vector<1x16xi32> to vector<16xi32>
        %parallel_loop3A_735 = arith.constant 16 : i32
        %parallel_loop3A_736 = vector.broadcast %parallel_loop3A_735 : i32 to vector<16xi32>
        %parallel_loop3A_737 = arith.shli %parallel_loop3A_728, %parallel_loop3A_736 : vector<16xi32>
        %parallel_loop3A_738 = tpu.bitcast %parallel_loop3A_737 : vector<16xi32> -> vector<16xf32>
        %parallel_loop3A_739 = arith.constant 16 : i32
        %parallel_loop3A_740 = vector.broadcast %parallel_loop3A_739 : i32 to vector<16xi32>
        %parallel_loop3A_741 = arith.shli %parallel_loop3A_734, %parallel_loop3A_740 : vector<16xi32>
        %parallel_loop3A_742 = tpu.bitcast %parallel_loop3A_741 : vector<16xi32> -> vector<16xf32>
        %parallel_loop3A_743 = arith.addf %parallel_loop3A_738, %parallel_loop3A_742 : vector<16xf32>
        %parallel_loop3A_744 = vector.broadcast %parallel_loop3A_268 : i32 to vector<16xi32>
        %parallel_loop3A_745 = arith.andi %parallel_loop3A_728, %parallel_loop3A_744 : vector<16xi32>
        %parallel_loop3A_746 = tpu.bitcast %parallel_loop3A_745 : vector<16xi32> -> vector<16xf32>
        %parallel_loop3A_747 = vector.broadcast %parallel_loop3A_268 : i32 to vector<16xi32>
        %parallel_loop3A_748 = arith.andi %parallel_loop3A_734, %parallel_loop3A_747 : vector<16xi32>
        %parallel_loop3A_749 = tpu.bitcast %parallel_loop3A_748 : vector<16xi32> -> vector<16xf32>
        %parallel_loop3A_750 = arith.addf %parallel_loop3A_746, %parallel_loop3A_749 : vector<16xf32>
        %parallel_loop3A_751 = arith.index_cast %parallel_loop3A_310 : i32 to index
        %parallel_loop3A_752 = arith.constant 288 : index
        %parallel_loop3A_753 = tpu.vector_load %arg7[%parallel_loop3A_751, %parallel_loop3A_752] {strides = array<i32>} : memref<16x512xf32, #tpu.memory_space<vmem>>, vector<1x16xf32>,
        %parallel_loop3A_754 = vector.shape_cast %parallel_loop3A_753 : vector<1x16xf32> to vector<16xf32>
        %parallel_loop3A_755 = arith.addf %parallel_loop3A_743, %parallel_loop3A_754 : vector<16xf32>
        %parallel_loop3A_756 = arith.index_cast %parallel_loop3A_306 : i32 to index
        %parallel_loop3A_757 = arith.constant 288 : index
        %parallel_loop3A_758 = tpu.vector_load %arg11[%parallel_loop3A_756, %parallel_loop3A_757] {strides = array<i32>} : memref<32x512xf32, #tpu.memory_space<vmem>>, vector<1x16xf32>,
        %parallel_loop3A_759 = vector.shape_cast %parallel_loop3A_758 : vector<1x16xf32> to vector<16xf32>
        %parallel_loop3A_760 = vector.shape_cast %parallel_loop3A_755 : vector<16xf32> to vector<1x16xf32>
        tpu.vector_store %arg11[%parallel_loop3A_756, %parallel_loop3A_757], %parallel_loop3A_760 {strides = array<i32>} : memref<32x512xf32, #tpu.memory_space<vmem>>, vector<1x16xf32>,
        %parallel_loop3A_761 = arith.index_cast %parallel_loop3A_310 : i32 to index
        %parallel_loop3A_762 = arith.constant 304 : index
        %parallel_loop3A_763 = tpu.vector_load %arg7[%parallel_loop3A_761, %parallel_loop3A_762] {strides = array<i32>} : memref<16x512xf32, #tpu.memory_space<vmem>>, vector<1x16xf32>,
        %parallel_loop3A_764 = vector.shape_cast %parallel_loop3A_763 : vector<1x16xf32> to vector<16xf32>
        %parallel_loop3A_765 = arith.addf %parallel_loop3A_750, %parallel_loop3A_764 : vector<16xf32>
        %parallel_loop3A_766 = arith.index_cast %parallel_loop3A_306 : i32 to index
        %parallel_loop3A_767 = arith.constant 304 : index
        %parallel_loop3A_768 = tpu.vector_load %arg11[%parallel_loop3A_766, %parallel_loop3A_767] {strides = array<i32>} : memref<32x512xf32, #tpu.memory_space<vmem>>, vector<1x16xf32>,
        %parallel_loop3A_769 = vector.shape_cast %parallel_loop3A_768 : vector<1x16xf32> to vector<16xf32>
        %parallel_loop3A_770 = vector.shape_cast %parallel_loop3A_765 : vector<16xf32> to vector<1x16xf32>
        tpu.vector_store %arg11[%parallel_loop3A_766, %parallel_loop3A_767], %parallel_loop3A_770 {strides = array<i32>} : memref<32x512xf32, #tpu.memory_space<vmem>>, vector<1x16xf32>,
        %parallel_loop3A_771 = arith.index_cast %parallel_loop3A_308 : i32 to index
        %parallel_loop3A_772 = arith.constant 160 : index
        %parallel_loop3A_773 = tpu.vector_load %arg9[%parallel_loop3A_771, %parallel_loop3A_772] {strides = array<i32>} : memref<64x256xi32, #tpu.memory_space<vmem>>, vector<1x16xi32>,
        %parallel_loop3A_774 = vector.shape_cast %parallel_loop3A_773 : vector<1x16xi32> to vector<16xi32>
        %parallel_loop3A_775 = arith.constant 1 : i32
        %parallel_loop3A_776 = arith.addi %parallel_loop3A_308, %parallel_loop3A_775 : i32
        %parallel_loop3A_777 = arith.index_cast %parallel_loop3A_776 : i32 to index
        %parallel_loop3A_778 = arith.constant 160 : index
        %parallel_loop3A_779 = tpu.vector_load %arg9[%parallel_loop3A_777, %parallel_loop3A_778] {strides = array<i32>} : memref<64x256xi32, #tpu.memory_space<vmem>>, vector<1x16xi32>,
        %parallel_loop3A_780 = vector.shape_cast %parallel_loop3A_779 : vector<1x16xi32> to vector<16xi32>
        %parallel_loop3A_781 = arith.constant 16 : i32
        %parallel_loop3A_782 = vector.broadcast %parallel_loop3A_781 : i32 to vector<16xi32>
        %parallel_loop3A_783 = arith.shli %parallel_loop3A_774, %parallel_loop3A_782 : vector<16xi32>
        %parallel_loop3A_784 = tpu.bitcast %parallel_loop3A_783 : vector<16xi32> -> vector<16xf32>
        %parallel_loop3A_785 = arith.constant 16 : i32
        %parallel_loop3A_786 = vector.broadcast %parallel_loop3A_785 : i32 to vector<16xi32>
        %parallel_loop3A_787 = arith.shli %parallel_loop3A_780, %parallel_loop3A_786 : vector<16xi32>
        %parallel_loop3A_788 = tpu.bitcast %parallel_loop3A_787 : vector<16xi32> -> vector<16xf32>
        %parallel_loop3A_789 = arith.addf %parallel_loop3A_784, %parallel_loop3A_788 : vector<16xf32>
        %parallel_loop3A_790 = vector.broadcast %parallel_loop3A_268 : i32 to vector<16xi32>
        %parallel_loop3A_791 = arith.andi %parallel_loop3A_774, %parallel_loop3A_790 : vector<16xi32>
        %parallel_loop3A_792 = tpu.bitcast %parallel_loop3A_791 : vector<16xi32> -> vector<16xf32>
        %parallel_loop3A_793 = vector.broadcast %parallel_loop3A_268 : i32 to vector<16xi32>
        %parallel_loop3A_794 = arith.andi %parallel_loop3A_780, %parallel_loop3A_793 : vector<16xi32>
        %parallel_loop3A_795 = tpu.bitcast %parallel_loop3A_794 : vector<16xi32> -> vector<16xf32>
        %parallel_loop3A_796 = arith.addf %parallel_loop3A_792, %parallel_loop3A_795 : vector<16xf32>
        %parallel_loop3A_797 = arith.index_cast %parallel_loop3A_310 : i32 to index
        %parallel_loop3A_798 = arith.constant 320 : index
        %parallel_loop3A_799 = tpu.vector_load %arg7[%parallel_loop3A_797, %parallel_loop3A_798] {strides = array<i32>} : memref<16x512xf32, #tpu.memory_space<vmem>>, vector<1x16xf32>,
        %parallel_loop3A_800 = vector.shape_cast %parallel_loop3A_799 : vector<1x16xf32> to vector<16xf32>
        %parallel_loop3A_801 = arith.addf %parallel_loop3A_789, %parallel_loop3A_800 : vector<16xf32>
        %parallel_loop3A_802 = arith.index_cast %parallel_loop3A_306 : i32 to index
        %parallel_loop3A_803 = arith.constant 320 : index
        %parallel_loop3A_804 = tpu.vector_load %arg11[%parallel_loop3A_802, %parallel_loop3A_803] {strides = array<i32>} : memref<32x512xf32, #tpu.memory_space<vmem>>, vector<1x16xf32>,
        %parallel_loop3A_805 = vector.shape_cast %parallel_loop3A_804 : vector<1x16xf32> to vector<16xf32>
        %parallel_loop3A_806 = vector.shape_cast %parallel_loop3A_801 : vector<16xf32> to vector<1x16xf32>
        tpu.vector_store %arg11[%parallel_loop3A_802, %parallel_loop3A_803], %parallel_loop3A_806 {strides = array<i32>} : memref<32x512xf32, #tpu.memory_space<vmem>>, vector<1x16xf32>,
        %parallel_loop3A_807 = arith.index_cast %parallel_loop3A_310 : i32 to index
        %parallel_loop3A_808 = arith.constant 336 : index
        %parallel_loop3A_809 = tpu.vector_load %arg7[%parallel_loop3A_807, %parallel_loop3A_808] {strides = array<i32>} : memref<16x512xf32, #tpu.memory_space<vmem>>, vector<1x16xf32>,
        %parallel_loop3A_810 = vector.shape_cast %parallel_loop3A_809 : vector<1x16xf32> to vector<16xf32>
        %parallel_loop3A_811 = arith.addf %parallel_loop3A_796, %parallel_loop3A_810 : vector<16xf32>
        %parallel_loop3A_812 = arith.index_cast %parallel_loop3A_306 : i32 to index
        %parallel_loop3A_813 = arith.constant 336 : index
        %parallel_loop3A_814 = tpu.vector_load %arg11[%parallel_loop3A_812, %parallel_loop3A_813] {strides = array<i32>} : memref<32x512xf32, #tpu.memory_space<vmem>>, vector<1x16xf32>,
        %parallel_loop3A_815 = vector.shape_cast %parallel_loop3A_814 : vector<1x16xf32> to vector<16xf32>
        %parallel_loop3A_816 = vector.shape_cast %parallel_loop3A_811 : vector<16xf32> to vector<1x16xf32>
        tpu.vector_store %arg11[%parallel_loop3A_812, %parallel_loop3A_813], %parallel_loop3A_816 {strides = array<i32>} : memref<32x512xf32, #tpu.memory_space<vmem>>, vector<1x16xf32>,
        %parallel_loop3A_817 = arith.index_cast %parallel_loop3A_308 : i32 to index
        %parallel_loop3A_818 = arith.constant 176 : index
        %parallel_loop3A_819 = tpu.vector_load %arg9[%parallel_loop3A_817, %parallel_loop3A_818] {strides = array<i32>} : memref<64x256xi32, #tpu.memory_space<vmem>>, vector<1x16xi32>,
        %parallel_loop3A_820 = vector.shape_cast %parallel_loop3A_819 : vector<1x16xi32> to vector<16xi32>
        %parallel_loop3A_821 = arith.constant 1 : i32
        %parallel_loop3A_822 = arith.addi %parallel_loop3A_308, %parallel_loop3A_821 : i32
        %parallel_loop3A_823 = arith.index_cast %parallel_loop3A_822 : i32 to index
        %parallel_loop3A_824 = arith.constant 176 : index
        %parallel_loop3A_825 = tpu.vector_load %arg9[%parallel_loop3A_823, %parallel_loop3A_824] {strides = array<i32>} : memref<64x256xi32, #tpu.memory_space<vmem>>, vector<1x16xi32>,
        %parallel_loop3A_826 = vector.shape_cast %parallel_loop3A_825 : vector<1x16xi32> to vector<16xi32>
        %parallel_loop3A_827 = arith.constant 16 : i32
        %parallel_loop3A_828 = vector.broadcast %parallel_loop3A_827 : i32 to vector<16xi32>
        %parallel_loop3A_829 = arith.shli %parallel_loop3A_820, %parallel_loop3A_828 : vector<16xi32>
        %parallel_loop3A_830 = tpu.bitcast %parallel_loop3A_829 : vector<16xi32> -> vector<16xf32>
        %parallel_loop3A_831 = arith.constant 16 : i32
        %parallel_loop3A_832 = vector.broadcast %parallel_loop3A_831 : i32 to vector<16xi32>
        %parallel_loop3A_833 = arith.shli %parallel_loop3A_826, %parallel_loop3A_832 : vector<16xi32>
        %parallel_loop3A_834 = tpu.bitcast %parallel_loop3A_833 : vector<16xi32> -> vector<16xf32>
        %parallel_loop3A_835 = arith.addf %parallel_loop3A_830, %parallel_loop3A_834 : vector<16xf32>
        %parallel_loop3A_836 = vector.broadcast %parallel_loop3A_268 : i32 to vector<16xi32>
        %parallel_loop3A_837 = arith.andi %parallel_loop3A_820, %parallel_loop3A_836 : vector<16xi32>
        %parallel_loop3A_838 = tpu.bitcast %parallel_loop3A_837 : vector<16xi32> -> vector<16xf32>
        %parallel_loop3A_839 = vector.broadcast %parallel_loop3A_268 : i32 to vector<16xi32>
        %parallel_loop3A_840 = arith.andi %parallel_loop3A_826, %parallel_loop3A_839 : vector<16xi32>
        %parallel_loop3A_841 = tpu.bitcast %parallel_loop3A_840 : vector<16xi32> -> vector<16xf32>
        %parallel_loop3A_842 = arith.addf %parallel_loop3A_838, %parallel_loop3A_841 : vector<16xf32>
        %parallel_loop3A_843 = arith.index_cast %parallel_loop3A_310 : i32 to index
        %parallel_loop3A_844 = arith.constant 352 : index
        %parallel_loop3A_845 = tpu.vector_load %arg7[%parallel_loop3A_843, %parallel_loop3A_844] {strides = array<i32>} : memref<16x512xf32, #tpu.memory_space<vmem>>, vector<1x16xf32>,
        %parallel_loop3A_846 = vector.shape_cast %parallel_loop3A_845 : vector<1x16xf32> to vector<16xf32>
        %parallel_loop3A_847 = arith.addf %parallel_loop3A_835, %parallel_loop3A_846 : vector<16xf32>
        %parallel_loop3A_848 = arith.index_cast %parallel_loop3A_306 : i32 to index
        %parallel_loop3A_849 = arith.constant 352 : index
        %parallel_loop3A_850 = tpu.vector_load %arg11[%parallel_loop3A_848, %parallel_loop3A_849] {strides = array<i32>} : memref<32x512xf32, #tpu.memory_space<vmem>>, vector<1x16xf32>,
        %parallel_loop3A_851 = vector.shape_cast %parallel_loop3A_850 : vector<1x16xf32> to vector<16xf32>
        %parallel_loop3A_852 = vector.shape_cast %parallel_loop3A_847 : vector<16xf32> to vector<1x16xf32>
        tpu.vector_store %arg11[%parallel_loop3A_848, %parallel_loop3A_849], %parallel_loop3A_852 {strides = array<i32>} : memref<32x512xf32, #tpu.memory_space<vmem>>, vector<1x16xf32>,
        %parallel_loop3A_853 = arith.index_cast %parallel_loop3A_310 : i32 to index
        %parallel_loop3A_854 = arith.constant 368 : index
        %parallel_loop3A_855 = tpu.vector_load %arg7[%parallel_loop3A_853, %parallel_loop3A_854] {strides = array<i32>} : memref<16x512xf32, #tpu.memory_space<vmem>>, vector<1x16xf32>,
        %parallel_loop3A_856 = vector.shape_cast %parallel_loop3A_855 : vector<1x16xf32> to vector<16xf32>
        %parallel_loop3A_857 = arith.addf %parallel_loop3A_842, %parallel_loop3A_856 : vector<16xf32>
        %parallel_loop3A_858 = arith.index_cast %parallel_loop3A_306 : i32 to index
        %parallel_loop3A_859 = arith.constant 368 : index
        %parallel_loop3A_860 = tpu.vector_load %arg11[%parallel_loop3A_858, %parallel_loop3A_859] {strides = array<i32>} : memref<32x512xf32, #tpu.memory_space<vmem>>, vector<1x16xf32>,
        %parallel_loop3A_861 = vector.shape_cast %parallel_loop3A_860 : vector<1x16xf32> to vector<16xf32>
        %parallel_loop3A_862 = vector.shape_cast %parallel_loop3A_857 : vector<16xf32> to vector<1x16xf32>
        tpu.vector_store %arg11[%parallel_loop3A_858, %parallel_loop3A_859], %parallel_loop3A_862 {strides = array<i32>} : memref<32x512xf32, #tpu.memory_space<vmem>>, vector<1x16xf32>,
        %parallel_loop3A_863 = arith.index_cast %parallel_loop3A_308 : i32 to index
        %parallel_loop3A_864 = arith.constant 192 : index
        %parallel_loop3A_865 = tpu.vector_load %arg9[%parallel_loop3A_863, %parallel_loop3A_864] {strides = array<i32>} : memref<64x256xi32, #tpu.memory_space<vmem>>, vector<1x16xi32>,
        %parallel_loop3A_866 = vector.shape_cast %parallel_loop3A_865 : vector<1x16xi32> to vector<16xi32>
        %parallel_loop3A_867 = arith.constant 1 : i32
        %parallel_loop3A_868 = arith.addi %parallel_loop3A_308, %parallel_loop3A_867 : i32
        %parallel_loop3A_869 = arith.index_cast %parallel_loop3A_868 : i32 to index
        %parallel_loop3A_870 = arith.constant 192 : index
        %parallel_loop3A_871 = tpu.vector_load %arg9[%parallel_loop3A_869, %parallel_loop3A_870] {strides = array<i32>} : memref<64x256xi32, #tpu.memory_space<vmem>>, vector<1x16xi32>,
        %parallel_loop3A_872 = vector.shape_cast %parallel_loop3A_871 : vector<1x16xi32> to vector<16xi32>
        %parallel_loop3A_873 = arith.constant 16 : i32
        %parallel_loop3A_874 = vector.broadcast %parallel_loop3A_873 : i32 to vector<16xi32>
        %parallel_loop3A_875 = arith.shli %parallel_loop3A_866, %parallel_loop3A_874 : vector<16xi32>
        %parallel_loop3A_876 = tpu.bitcast %parallel_loop3A_875 : vector<16xi32> -> vector<16xf32>
        %parallel_loop3A_877 = arith.constant 16 : i32
        %parallel_loop3A_878 = vector.broadcast %parallel_loop3A_877 : i32 to vector<16xi32>
        %parallel_loop3A_879 = arith.shli %parallel_loop3A_872, %parallel_loop3A_878 : vector<16xi32>
        %parallel_loop3A_880 = tpu.bitcast %parallel_loop3A_879 : vector<16xi32> -> vector<16xf32>
        %parallel_loop3A_881 = arith.addf %parallel_loop3A_876, %parallel_loop3A_880 : vector<16xf32>
        %parallel_loop3A_882 = vector.broadcast %parallel_loop3A_268 : i32 to vector<16xi32>
        %parallel_loop3A_883 = arith.andi %parallel_loop3A_866, %parallel_loop3A_882 : vector<16xi32>
        %parallel_loop3A_884 = tpu.bitcast %parallel_loop3A_883 : vector<16xi32> -> vector<16xf32>
        %parallel_loop3A_885 = vector.broadcast %parallel_loop3A_268 : i32 to vector<16xi32>
        %parallel_loop3A_886 = arith.andi %parallel_loop3A_872, %parallel_loop3A_885 : vector<16xi32>
        %parallel_loop3A_887 = tpu.bitcast %parallel_loop3A_886 : vector<16xi32> -> vector<16xf32>
        %parallel_loop3A_888 = arith.addf %parallel_loop3A_884, %parallel_loop3A_887 : vector<16xf32>
        %parallel_loop3A_889 = arith.index_cast %parallel_loop3A_310 : i32 to index
        %parallel_loop3A_890 = arith.constant 384 : index
        %parallel_loop3A_891 = tpu.vector_load %arg7[%parallel_loop3A_889, %parallel_loop3A_890] {strides = array<i32>} : memref<16x512xf32, #tpu.memory_space<vmem>>, vector<1x16xf32>,
        %parallel_loop3A_892 = vector.shape_cast %parallel_loop3A_891 : vector<1x16xf32> to vector<16xf32>
        %parallel_loop3A_893 = arith.addf %parallel_loop3A_881, %parallel_loop3A_892 : vector<16xf32>
        %parallel_loop3A_894 = arith.index_cast %parallel_loop3A_306 : i32 to index
        %parallel_loop3A_895 = arith.constant 384 : index
        %parallel_loop3A_896 = tpu.vector_load %arg11[%parallel_loop3A_894, %parallel_loop3A_895] {strides = array<i32>} : memref<32x512xf32, #tpu.memory_space<vmem>>, vector<1x16xf32>,
        %parallel_loop3A_897 = vector.shape_cast %parallel_loop3A_896 : vector<1x16xf32> to vector<16xf32>
        %parallel_loop3A_898 = vector.shape_cast %parallel_loop3A_893 : vector<16xf32> to vector<1x16xf32>
        tpu.vector_store %arg11[%parallel_loop3A_894, %parallel_loop3A_895], %parallel_loop3A_898 {strides = array<i32>} : memref<32x512xf32, #tpu.memory_space<vmem>>, vector<1x16xf32>,
        %parallel_loop3A_899 = arith.index_cast %parallel_loop3A_310 : i32 to index
        %parallel_loop3A_900 = arith.constant 400 : index
        %parallel_loop3A_901 = tpu.vector_load %arg7[%parallel_loop3A_899, %parallel_loop3A_900] {strides = array<i32>} : memref<16x512xf32, #tpu.memory_space<vmem>>, vector<1x16xf32>,
        %parallel_loop3A_902 = vector.shape_cast %parallel_loop3A_901 : vector<1x16xf32> to vector<16xf32>
        %parallel_loop3A_903 = arith.addf %parallel_loop3A_888, %parallel_loop3A_902 : vector<16xf32>
        %parallel_loop3A_904 = arith.index_cast %parallel_loop3A_306 : i32 to index
        %parallel_loop3A_905 = arith.constant 400 : index
        %parallel_loop3A_906 = tpu.vector_load %arg11[%parallel_loop3A_904, %parallel_loop3A_905] {strides = array<i32>} : memref<32x512xf32, #tpu.memory_space<vmem>>, vector<1x16xf32>,
        %parallel_loop3A_907 = vector.shape_cast %parallel_loop3A_906 : vector<1x16xf32> to vector<16xf32>
        %parallel_loop3A_908 = vector.shape_cast %parallel_loop3A_903 : vector<16xf32> to vector<1x16xf32>
        tpu.vector_store %arg11[%parallel_loop3A_904, %parallel_loop3A_905], %parallel_loop3A_908 {strides = array<i32>} : memref<32x512xf32, #tpu.memory_space<vmem>>, vector<1x16xf32>,
        %parallel_loop3A_909 = arith.index_cast %parallel_loop3A_308 : i32 to index
        %parallel_loop3A_910 = arith.constant 208 : index
        %parallel_loop3A_911 = tpu.vector_load %arg9[%parallel_loop3A_909, %parallel_loop3A_910] {strides = array<i32>} : memref<64x256xi32, #tpu.memory_space<vmem>>, vector<1x16xi32>,
        %parallel_loop3A_912 = vector.shape_cast %parallel_loop3A_911 : vector<1x16xi32> to vector<16xi32>
        %parallel_loop3A_913 = arith.constant 1 : i32
        %parallel_loop3A_914 = arith.addi %parallel_loop3A_308, %parallel_loop3A_913 : i32
        %parallel_loop3A_915 = arith.index_cast %parallel_loop3A_914 : i32 to index
        %parallel_loop3A_916 = arith.constant 208 : index
        %parallel_loop3A_917 = tpu.vector_load %arg9[%parallel_loop3A_915, %parallel_loop3A_916] {strides = array<i32>} : memref<64x256xi32, #tpu.memory_space<vmem>>, vector<1x16xi32>,
        %parallel_loop3A_918 = vector.shape_cast %parallel_loop3A_917 : vector<1x16xi32> to vector<16xi32>
        %parallel_loop3A_919 = arith.constant 16 : i32
        %parallel_loop3A_920 = vector.broadcast %parallel_loop3A_919 : i32 to vector<16xi32>
        %parallel_loop3A_921 = arith.shli %parallel_loop3A_912, %parallel_loop3A_920 : vector<16xi32>
        %parallel_loop3A_922 = tpu.bitcast %parallel_loop3A_921 : vector<16xi32> -> vector<16xf32>
        %parallel_loop3A_923 = arith.constant 16 : i32
        %parallel_loop3A_924 = vector.broadcast %parallel_loop3A_923 : i32 to vector<16xi32>
        %parallel_loop3A_925 = arith.shli %parallel_loop3A_918, %parallel_loop3A_924 : vector<16xi32>
        %parallel_loop3A_926 = tpu.bitcast %parallel_loop3A_925 : vector<16xi32> -> vector<16xf32>
        %parallel_loop3A_927 = arith.addf %parallel_loop3A_922, %parallel_loop3A_926 : vector<16xf32>
        %parallel_loop3A_928 = vector.broadcast %parallel_loop3A_268 : i32 to vector<16xi32>
        %parallel_loop3A_929 = arith.andi %parallel_loop3A_912, %parallel_loop3A_928 : vector<16xi32>
        %parallel_loop3A_930 = tpu.bitcast %parallel_loop3A_929 : vector<16xi32> -> vector<16xf32>
        %parallel_loop3A_931 = vector.broadcast %parallel_loop3A_268 : i32 to vector<16xi32>
        %parallel_loop3A_932 = arith.andi %parallel_loop3A_918, %parallel_loop3A_931 : vector<16xi32>
        %parallel_loop3A_933 = tpu.bitcast %parallel_loop3A_932 : vector<16xi32> -> vector<16xf32>
        %parallel_loop3A_934 = arith.addf %parallel_loop3A_930, %parallel_loop3A_933 : vector<16xf32>
        %parallel_loop3A_935 = arith.index_cast %parallel_loop3A_310 : i32 to index
        %parallel_loop3A_936 = arith.constant 416 : index
        %parallel_loop3A_937 = tpu.vector_load %arg7[%parallel_loop3A_935, %parallel_loop3A_936] {strides = array<i32>} : memref<16x512xf32, #tpu.memory_space<vmem>>, vector<1x16xf32>,
        %parallel_loop3A_938 = vector.shape_cast %parallel_loop3A_937 : vector<1x16xf32> to vector<16xf32>
        %parallel_loop3A_939 = arith.addf %parallel_loop3A_927, %parallel_loop3A_938 : vector<16xf32>
        %parallel_loop3A_940 = arith.index_cast %parallel_loop3A_306 : i32 to index
        %parallel_loop3A_941 = arith.constant 416 : index
        %parallel_loop3A_942 = tpu.vector_load %arg11[%parallel_loop3A_940, %parallel_loop3A_941] {strides = array<i32>} : memref<32x512xf32, #tpu.memory_space<vmem>>, vector<1x16xf32>,
        %parallel_loop3A_943 = vector.shape_cast %parallel_loop3A_942 : vector<1x16xf32> to vector<16xf32>
        %parallel_loop3A_944 = vector.shape_cast %parallel_loop3A_939 : vector<16xf32> to vector<1x16xf32>
        tpu.vector_store %arg11[%parallel_loop3A_940, %parallel_loop3A_941], %parallel_loop3A_944 {strides = array<i32>} : memref<32x512xf32, #tpu.memory_space<vmem>>, vector<1x16xf32>,
        %parallel_loop3A_945 = arith.index_cast %parallel_loop3A_310 : i32 to index
        %parallel_loop3A_946 = arith.constant 432 : index
        %parallel_loop3A_947 = tpu.vector_load %arg7[%parallel_loop3A_945, %parallel_loop3A_946] {strides = array<i32>} : memref<16x512xf32, #tpu.memory_space<vmem>>, vector<1x16xf32>,
        %parallel_loop3A_948 = vector.shape_cast %parallel_loop3A_947 : vector<1x16xf32> to vector<16xf32>
        %parallel_loop3A_949 = arith.addf %parallel_loop3A_934, %parallel_loop3A_948 : vector<16xf32>
        %parallel_loop3A_950 = arith.index_cast %parallel_loop3A_306 : i32 to index
        %parallel_loop3A_951 = arith.constant 432 : index
        %parallel_loop3A_952 = tpu.vector_load %arg11[%parallel_loop3A_950, %parallel_loop3A_951] {strides = array<i32>} : memref<32x512xf32, #tpu.memory_space<vmem>>, vector<1x16xf32>,
        %parallel_loop3A_953 = vector.shape_cast %parallel_loop3A_952 : vector<1x16xf32> to vector<16xf32>
        %parallel_loop3A_954 = vector.shape_cast %parallel_loop3A_949 : vector<16xf32> to vector<1x16xf32>
        tpu.vector_store %arg11[%parallel_loop3A_950, %parallel_loop3A_951], %parallel_loop3A_954 {strides = array<i32>} : memref<32x512xf32, #tpu.memory_space<vmem>>, vector<1x16xf32>,
        %parallel_loop3A_955 = arith.index_cast %parallel_loop3A_308 : i32 to index
        %parallel_loop3A_956 = arith.constant 224 : index
        %parallel_loop3A_957 = tpu.vector_load %arg9[%parallel_loop3A_955, %parallel_loop3A_956] {strides = array<i32>} : memref<64x256xi32, #tpu.memory_space<vmem>>, vector<1x16xi32>,
        %parallel_loop3A_958 = vector.shape_cast %parallel_loop3A_957 : vector<1x16xi32> to vector<16xi32>
        %parallel_loop3A_959 = arith.constant 1 : i32
        %parallel_loop3A_960 = arith.addi %parallel_loop3A_308, %parallel_loop3A_959 : i32
        %parallel_loop3A_961 = arith.index_cast %parallel_loop3A_960 : i32 to index
        %parallel_loop3A_962 = arith.constant 224 : index
        %parallel_loop3A_963 = tpu.vector_load %arg9[%parallel_loop3A_961, %parallel_loop3A_962] {strides = array<i32>} : memref<64x256xi32, #tpu.memory_space<vmem>>, vector<1x16xi32>,
        %parallel_loop3A_964 = vector.shape_cast %parallel_loop3A_963 : vector<1x16xi32> to vector<16xi32>
        %parallel_loop3A_965 = arith.constant 16 : i32
        %parallel_loop3A_966 = vector.broadcast %parallel_loop3A_965 : i32 to vector<16xi32>
        %parallel_loop3A_967 = arith.shli %parallel_loop3A_958, %parallel_loop3A_966 : vector<16xi32>
        %parallel_loop3A_968 = tpu.bitcast %parallel_loop3A_967 : vector<16xi32> -> vector<16xf32>
        %parallel_loop3A_969 = arith.constant 16 : i32
        %parallel_loop3A_970 = vector.broadcast %parallel_loop3A_969 : i32 to vector<16xi32>
        %parallel_loop3A_971 = arith.shli %parallel_loop3A_964, %parallel_loop3A_970 : vector<16xi32>
        %parallel_loop3A_972 = tpu.bitcast %parallel_loop3A_971 : vector<16xi32> -> vector<16xf32>
        %parallel_loop3A_973 = arith.addf %parallel_loop3A_968, %parallel_loop3A_972 : vector<16xf32>
        %parallel_loop3A_974 = vector.broadcast %parallel_loop3A_268 : i32 to vector<16xi32>
        %parallel_loop3A_975 = arith.andi %parallel_loop3A_958, %parallel_loop3A_974 : vector<16xi32>
        %parallel_loop3A_976 = tpu.bitcast %parallel_loop3A_975 : vector<16xi32> -> vector<16xf32>
        %parallel_loop3A_977 = vector.broadcast %parallel_loop3A_268 : i32 to vector<16xi32>
        %parallel_loop3A_978 = arith.andi %parallel_loop3A_964, %parallel_loop3A_977 : vector<16xi32>
        %parallel_loop3A_979 = tpu.bitcast %parallel_loop3A_978 : vector<16xi32> -> vector<16xf32>
        %parallel_loop3A_980 = arith.addf %parallel_loop3A_976, %parallel_loop3A_979 : vector<16xf32>
        %parallel_loop3A_981 = arith.index_cast %parallel_loop3A_310 : i32 to index
        %parallel_loop3A_982 = arith.constant 448 : index
        %parallel_loop3A_983 = tpu.vector_load %arg7[%parallel_loop3A_981, %parallel_loop3A_982] {strides = array<i32>} : memref<16x512xf32, #tpu.memory_space<vmem>>, vector<1x16xf32>,
        %parallel_loop3A_984 = vector.shape_cast %parallel_loop3A_983 : vector<1x16xf32> to vector<16xf32>
        %parallel_loop3A_985 = arith.addf %parallel_loop3A_973, %parallel_loop3A_984 : vector<16xf32>
        %parallel_loop3A_986 = arith.index_cast %parallel_loop3A_306 : i32 to index
        %parallel_loop3A_987 = arith.constant 448 : index
        %parallel_loop3A_988 = tpu.vector_load %arg11[%parallel_loop3A_986, %parallel_loop3A_987] {strides = array<i32>} : memref<32x512xf32, #tpu.memory_space<vmem>>, vector<1x16xf32>,
        %parallel_loop3A_989 = vector.shape_cast %parallel_loop3A_988 : vector<1x16xf32> to vector<16xf32>
        %parallel_loop3A_990 = vector.shape_cast %parallel_loop3A_985 : vector<16xf32> to vector<1x16xf32>
        tpu.vector_store %arg11[%parallel_loop3A_986, %parallel_loop3A_987], %parallel_loop3A_990 {strides = array<i32>} : memref<32x512xf32, #tpu.memory_space<vmem>>, vector<1x16xf32>,
        %parallel_loop3A_991 = arith.index_cast %parallel_loop3A_310 : i32 to index
        %parallel_loop3A_992 = arith.constant 464 : index
        %parallel_loop3A_993 = tpu.vector_load %arg7[%parallel_loop3A_991, %parallel_loop3A_992] {strides = array<i32>} : memref<16x512xf32, #tpu.memory_space<vmem>>, vector<1x16xf32>,
        %parallel_loop3A_994 = vector.shape_cast %parallel_loop3A_993 : vector<1x16xf32> to vector<16xf32>
        %parallel_loop3A_995 = arith.addf %parallel_loop3A_980, %parallel_loop3A_994 : vector<16xf32>
        %parallel_loop3A_996 = arith.index_cast %parallel_loop3A_306 : i32 to index
        %parallel_loop3A_997 = arith.constant 464 : index
        %parallel_loop3A_998 = tpu.vector_load %arg11[%parallel_loop3A_996, %parallel_loop3A_997] {strides = array<i32>} : memref<32x512xf32, #tpu.memory_space<vmem>>, vector<1x16xf32>,
        %parallel_loop3A_999 = vector.shape_cast %parallel_loop3A_998 : vector<1x16xf32> to vector<16xf32>
        %parallel_loop3A_1000 = vector.shape_cast %parallel_loop3A_995 : vector<16xf32> to vector<1x16xf32>
        tpu.vector_store %arg11[%parallel_loop3A_996, %parallel_loop3A_997], %parallel_loop3A_1000 {strides = array<i32>} : memref<32x512xf32, #tpu.memory_space<vmem>>, vector<1x16xf32>,
        %parallel_loop3A_1001 = arith.index_cast %parallel_loop3A_308 : i32 to index
        %parallel_loop3A_1002 = arith.constant 240 : index
        %parallel_loop3A_1003 = tpu.vector_load %arg9[%parallel_loop3A_1001, %parallel_loop3A_1002] {strides = array<i32>} : memref<64x256xi32, #tpu.memory_space<vmem>>, vector<1x16xi32>,
        %parallel_loop3A_1004 = vector.shape_cast %parallel_loop3A_1003 : vector<1x16xi32> to vector<16xi32>
        %parallel_loop3A_1005 = arith.constant 1 : i32
        %parallel_loop3A_1006 = arith.addi %parallel_loop3A_308, %parallel_loop3A_1005 : i32
        %parallel_loop3A_1007 = arith.index_cast %parallel_loop3A_1006 : i32 to index
        %parallel_loop3A_1008 = arith.constant 240 : index
        %parallel_loop3A_1009 = tpu.vector_load %arg9[%parallel_loop3A_1007, %parallel_loop3A_1008] {strides = array<i32>} : memref<64x256xi32, #tpu.memory_space<vmem>>, vector<1x16xi32>,
        %parallel_loop3A_1010 = vector.shape_cast %parallel_loop3A_1009 : vector<1x16xi32> to vector<16xi32>
        %parallel_loop3A_1011 = arith.constant 16 : i32
        %parallel_loop3A_1012 = vector.broadcast %parallel_loop3A_1011 : i32 to vector<16xi32>
        %parallel_loop3A_1013 = arith.shli %parallel_loop3A_1004, %parallel_loop3A_1012 : vector<16xi32>
        %parallel_loop3A_1014 = tpu.bitcast %parallel_loop3A_1013 : vector<16xi32> -> vector<16xf32>
        %parallel_loop3A_1015 = arith.constant 16 : i32
        %parallel_loop3A_1016 = vector.broadcast %parallel_loop3A_1015 : i32 to vector<16xi32>
        %parallel_loop3A_1017 = arith.shli %parallel_loop3A_1010, %parallel_loop3A_1016 : vector<16xi32>
        %parallel_loop3A_1018 = tpu.bitcast %parallel_loop3A_1017 : vector<16xi32> -> vector<16xf32>
        %parallel_loop3A_1019 = arith.addf %parallel_loop3A_1014, %parallel_loop3A_1018 : vector<16xf32>
        %parallel_loop3A_1020 = vector.broadcast %parallel_loop3A_268 : i32 to vector<16xi32>
        %parallel_loop3A_1021 = arith.andi %parallel_loop3A_1004, %parallel_loop3A_1020 : vector<16xi32>
        %parallel_loop3A_1022 = tpu.bitcast %parallel_loop3A_1021 : vector<16xi32> -> vector<16xf32>
        %parallel_loop3A_1023 = vector.broadcast %parallel_loop3A_268 : i32 to vector<16xi32>
        %parallel_loop3A_1024 = arith.andi %parallel_loop3A_1010, %parallel_loop3A_1023 : vector<16xi32>
        %parallel_loop3A_1025 = tpu.bitcast %parallel_loop3A_1024 : vector<16xi32> -> vector<16xf32>
        %parallel_loop3A_1026 = arith.addf %parallel_loop3A_1022, %parallel_loop3A_1025 : vector<16xf32>
        %parallel_loop3A_1027 = arith.index_cast %parallel_loop3A_310 : i32 to index
        %parallel_loop3A_1028 = arith.constant 480 : index
        %parallel_loop3A_1029 = tpu.vector_load %arg7[%parallel_loop3A_1027, %parallel_loop3A_1028] {strides = array<i32>} : memref<16x512xf32, #tpu.memory_space<vmem>>, vector<1x16xf32>,
        %parallel_loop3A_1030 = vector.shape_cast %parallel_loop3A_1029 : vector<1x16xf32> to vector<16xf32>
        %parallel_loop3A_1031 = arith.addf %parallel_loop3A_1019, %parallel_loop3A_1030 : vector<16xf32>
        %parallel_loop3A_1032 = arith.index_cast %parallel_loop3A_306 : i32 to index
        %parallel_loop3A_1033 = arith.constant 480 : index
        %parallel_loop3A_1034 = tpu.vector_load %arg11[%parallel_loop3A_1032, %parallel_loop3A_1033] {strides = array<i32>} : memref<32x512xf32, #tpu.memory_space<vmem>>, vector<1x16xf32>,
        %parallel_loop3A_1035 = vector.shape_cast %parallel_loop3A_1034 : vector<1x16xf32> to vector<16xf32>
        %parallel_loop3A_1036 = vector.shape_cast %parallel_loop3A_1031 : vector<16xf32> to vector<1x16xf32>
        tpu.vector_store %arg11[%parallel_loop3A_1032, %parallel_loop3A_1033], %parallel_loop3A_1036 {strides = array<i32>} : memref<32x512xf32, #tpu.memory_space<vmem>>, vector<1x16xf32>,
        %parallel_loop3A_1037 = arith.index_cast %parallel_loop3A_310 : i32 to index
        %parallel_loop3A_1038 = arith.constant 496 : index
        %parallel_loop3A_1039 = tpu.vector_load %arg7[%parallel_loop3A_1037, %parallel_loop3A_1038] {strides = array<i32>} : memref<16x512xf32, #tpu.memory_space<vmem>>, vector<1x16xf32>,
        %parallel_loop3A_1040 = vector.shape_cast %parallel_loop3A_1039 : vector<1x16xf32> to vector<16xf32>
        %parallel_loop3A_1041 = arith.addf %parallel_loop3A_1026, %parallel_loop3A_1040 : vector<16xf32>
        %parallel_loop3A_1042 = arith.index_cast %parallel_loop3A_306 : i32 to index
        %parallel_loop3A_1043 = arith.constant 496 : index
        %parallel_loop3A_1044 = tpu.vector_load %arg11[%parallel_loop3A_1042, %parallel_loop3A_1043] {strides = array<i32>} : memref<32x512xf32, #tpu.memory_space<vmem>>, vector<1x16xf32>,
        %parallel_loop3A_1045 = vector.shape_cast %parallel_loop3A_1044 : vector<1x16xf32> to vector<16xf32>
        %parallel_loop3A_1046 = vector.shape_cast %parallel_loop3A_1041 : vector<16xf32> to vector<1x16xf32>
        tpu.vector_store %arg11[%parallel_loop3A_1042, %parallel_loop3A_1043], %parallel_loop3A_1046 {strides = array<i32>} : memref<32x512xf32, #tpu.memory_space<vmem>>, vector<1x16xf32>,
      } {sc.loop_unroll_factor = 2 : i64, sc.parallel_access}
      %lt3A_269 = arith.constant 3 : i32
      %lt3A_270 = arith.cmpi slt, %scan3A_124, %lt3A_269 : i32
      %convert_element_type3A_271 = arith.extui %lt3A_270 : i1 to i32
      %cond3A_272 = arith.constant 0 : i32
      %cond3A_273 = arith.cmpi ne, %convert_element_type3A_271, %cond3A_272 : i32
      scf.if %cond3A_273 {
        %add3A_306 = arith.constant 2 : i32
        %add3A_307 = arith.addi %add3A_215, %add3A_306 : i32
        %mul3A_308 = arith.constant 64 : i32
        %mul3A_309 = arith.muli %add3A_307, %mul3A_308 : i32
        %add3A_310 = arith.constant 0 : i32
        %add3A_311 = arith.addi %mul3A_309, %add3A_310 : i32
        %mul3A_312 = arith.constant 64 : i32
        %mul3A_313 = arith.muli %add3A_307, %mul3A_312 : i32
        %add3A_314 = arith.constant 16 : i32
        %add3A_315 = arith.addi %mul3A_313, %add3A_314 : i32
        %mul3A_316 = arith.constant 64 : i32
        %mul3A_317 = arith.muli %add3A_307, %mul3A_316 : i32
        %add3A_318 = arith.constant 32 : i32
        %add3A_319 = arith.addi %mul3A_317, %add3A_318 : i32
        %mul3A_320 = arith.constant 64 : i32
        %mul3A_321 = arith.muli %add3A_307, %mul3A_320 : i32
        %add3A_322 = arith.constant 48 : i32
        %add3A_323 = arith.addi %mul3A_321, %add3A_322 : i32
        %dma_start3A_324 = arith.constant 0 : i32
        %dma_start3A_325 = arith.constant 0 : i32
        %dma_start3A_326 = tpu.memref_slice %arg9[%dma_start3A_324, %dma_start3A_325] : memref<64x256xi32, #tpu.memory_space<vmem>> -> memref<16x256xi32, #tpu.memory_space<vmem>>
        %dma_start3A_327 = tpu.memref_slice %arg6[%add3A_311] : memref<512xi32, #tpu.memory_space<vmem>> -> memref<16xi32, #tpu.memory_space<vmem>>
        %dma_start3A_328 = arith.constant 0 : i32
        %dma_start3A_329 = arith.constant 0 : i32
        %dma_start3A_330 = tpu.memref_slice %arg3[%dma_start3A_328, %dma_start3A_329] : memref<576x256xi32, #tpu.memory_space<hbm>> -> memref<576x256xi32, #tpu.memory_space<hbm>>
        tpu.enqueue_indirect_dma source(%dma_start3A_330 : memref<576x256xi32, #tpu.memory_space<hbm>>) target(%dma_start3A_326 : memref<16x256xi32, #tpu.memory_space<vmem>>) offsets(%dma_start3A_327 : memref<16xi32, #tpu.memory_space<vmem>>) semaphore(%arg13 : memref<!tpu.dma_semaphore, #tpu.memory_space<semaphore_mem>>)
        %dma_start3A_331 = arith.constant 16 : i32
        %dma_start3A_332 = arith.constant 0 : i32
        %dma_start3A_333 = tpu.memref_slice %arg9[%dma_start3A_331, %dma_start3A_332] : memref<64x256xi32, #tpu.memory_space<vmem>> -> memref<16x256xi32, #tpu.memory_space<vmem>>
        %dma_start3A_334 = tpu.memref_slice %arg6[%add3A_315] : memref<512xi32, #tpu.memory_space<vmem>> -> memref<16xi32, #tpu.memory_space<vmem>>
        %dma_start3A_335 = arith.constant 0 : i32
        %dma_start3A_336 = arith.constant 0 : i32
        %dma_start3A_337 = tpu.memref_slice %arg3[%dma_start3A_335, %dma_start3A_336] : memref<576x256xi32, #tpu.memory_space<hbm>> -> memref<576x256xi32, #tpu.memory_space<hbm>>
        tpu.enqueue_indirect_dma source(%dma_start3A_337 : memref<576x256xi32, #tpu.memory_space<hbm>>) target(%dma_start3A_333 : memref<16x256xi32, #tpu.memory_space<vmem>>) offsets(%dma_start3A_334 : memref<16xi32, #tpu.memory_space<vmem>>) semaphore(%arg13 : memref<!tpu.dma_semaphore, #tpu.memory_space<semaphore_mem>>)
        %dma_start3A_338 = arith.constant 32 : i32
        %dma_start3A_339 = arith.constant 0 : i32
        %dma_start3A_340 = tpu.memref_slice %arg9[%dma_start3A_338, %dma_start3A_339] : memref<64x256xi32, #tpu.memory_space<vmem>> -> memref<16x256xi32, #tpu.memory_space<vmem>>
        %dma_start3A_341 = tpu.memref_slice %arg6[%add3A_319] : memref<512xi32, #tpu.memory_space<vmem>> -> memref<16xi32, #tpu.memory_space<vmem>>
        %dma_start3A_342 = arith.constant 0 : i32
        %dma_start3A_343 = arith.constant 0 : i32
        %dma_start3A_344 = tpu.memref_slice %arg3[%dma_start3A_342, %dma_start3A_343] : memref<576x256xi32, #tpu.memory_space<hbm>> -> memref<576x256xi32, #tpu.memory_space<hbm>>
        tpu.enqueue_indirect_dma source(%dma_start3A_344 : memref<576x256xi32, #tpu.memory_space<hbm>>) target(%dma_start3A_340 : memref<16x256xi32, #tpu.memory_space<vmem>>) offsets(%dma_start3A_341 : memref<16xi32, #tpu.memory_space<vmem>>) semaphore(%arg13 : memref<!tpu.dma_semaphore, #tpu.memory_space<semaphore_mem>>)
        %dma_start3A_345 = arith.constant 48 : i32
        %dma_start3A_346 = arith.constant 0 : i32
        %dma_start3A_347 = tpu.memref_slice %arg9[%dma_start3A_345, %dma_start3A_346] : memref<64x256xi32, #tpu.memory_space<vmem>> -> memref<16x256xi32, #tpu.memory_space<vmem>>
        %dma_start3A_348 = tpu.memref_slice %arg6[%add3A_323] : memref<512xi32, #tpu.memory_space<vmem>> -> memref<16xi32, #tpu.memory_space<vmem>>
        %dma_start3A_349 = arith.constant 0 : i32
        %dma_start3A_350 = arith.constant 0 : i32
        %dma_start3A_351 = tpu.memref_slice %arg3[%dma_start3A_349, %dma_start3A_350] : memref<576x256xi32, #tpu.memory_space<hbm>> -> memref<576x256xi32, #tpu.memory_space<hbm>>
        tpu.enqueue_indirect_dma source(%dma_start3A_351 : memref<576x256xi32, #tpu.memory_space<hbm>>) target(%dma_start3A_347 : memref<16x256xi32, #tpu.memory_space<vmem>>) offsets(%dma_start3A_348 : memref<16xi32, #tpu.memory_space<vmem>>) semaphore(%arg13 : memref<!tpu.dma_semaphore, #tpu.memory_space<semaphore_mem>>)
      } else {
      }
      %mul3A_274 = arith.constant 2 : i32
      %mul3A_275 = arith.muli %mul3A_274, %add3A_215 : i32
      %add3A_276 = arith.constant 0 : i32
      %add3A_277 = arith.addi %mul3A_275, %add3A_276 : i32
      %mul3A_278 = arith.constant 2 : i32
      %mul3A_279 = arith.muli %mul3A_278, %add3A_215 : i32
      %add3A_280 = arith.constant 1 : i32
      %add3A_281 = arith.addi %mul3A_279, %add3A_280 : i32
      %dma_start3A_282 = arith.constant 0 : i32
      %dma_start3A_283 = arith.constant 0 : i32
      %dma_start3A_284 = tpu.memref_slice %arg11[%dma_start3A_282, %dma_start3A_283] : memref<32x512xf32, #tpu.memory_space<vmem>> -> memref<16x512xf32, #tpu.memory_space<vmem>>
      %dma_start3A_285 = arith.constant 0 : i32
      %dma_start3A_286 = tpu.memref_slice %arg5[%add3A_277, %mul3A_2, %dma_start3A_285] : memref<16x512x512xf32, #tpu.memory_space<hbm>> -> memref<1x16x512xf32, #tpu.memory_space<hbm>>
      %dma_start3A_287 = tpu.memref_squeeze %dma_start3A_286 : memref<1x16x512xf32, #tpu.memory_space<hbm>> -> memref<16x512xf32, #tpu.memory_space<hbm>>
      %dma_start3A_288 = arith.constant 0 : i32
      %dma_start3A_289 = tpu.memref_slice %arg5[%add3A_277, %mul3A_2, %dma_start3A_288] : memref<16x512x512xf32, #tpu.memory_space<hbm>> -> memref<1x16x512xf32, #tpu.memory_space<hbm>>
      %dma_start3A_290 = tpu.memref_squeeze %dma_start3A_289 : memref<1x16x512xf32, #tpu.memory_space<hbm>> -> memref<16x512xf32, #tpu.memory_space<hbm>>
      %dma_start3A_291 = arith.constant 0 : i32
      %dma_start3A_292 = arith.constant 0 : i32
      %dma_start3A_293 = tpu.memref_slice %arg11[%dma_start3A_291, %dma_start3A_292] : memref<32x512xf32, #tpu.memory_space<vmem>> -> memref<16x512xf32, #tpu.memory_space<vmem>>
      tpu.enqueue_dma source(%dma_start3A_293 : memref<16x512xf32, #tpu.memory_space<vmem>>) target(%dma_start3A_290 : memref<16x512xf32, #tpu.memory_space<hbm>>) target_semaphore(%arg15 : memref<!tpu.dma_semaphore, #tpu.memory_space<semaphore_mem>>)
      %dma_start3A_294 = arith.constant 16 : i32
      %dma_start3A_295 = arith.constant 0 : i32
      %dma_start3A_296 = tpu.memref_slice %arg11[%dma_start3A_294, %dma_start3A_295] : memref<32x512xf32, #tpu.memory_space<vmem>> -> memref<16x512xf32, #tpu.memory_space<vmem>>
      %dma_start3A_297 = arith.constant 0 : i32
      %dma_start3A_298 = tpu.memref_slice %arg5[%add3A_281, %mul3A_2, %dma_start3A_297] : memref<16x512x512xf32, #tpu.memory_space<hbm>> -> memref<1x16x512xf32, #tpu.memory_space<hbm>>
      %dma_start3A_299 = tpu.memref_squeeze %dma_start3A_298 : memref<1x16x512xf32, #tpu.memory_space<hbm>> -> memref<16x512xf32, #tpu.memory_space<hbm>>
      %dma_start3A_300 = arith.constant 0 : i32
      %dma_start3A_301 = tpu.memref_slice %arg5[%add3A_281, %mul3A_2, %dma_start3A_300] : memref<16x512x512xf32, #tpu.memory_space<hbm>> -> memref<1x16x512xf32, #tpu.memory_space<hbm>>
      %dma_start3A_302 = tpu.memref_squeeze %dma_start3A_301 : memref<1x16x512xf32, #tpu.memory_space<hbm>> -> memref<16x512xf32, #tpu.memory_space<hbm>>
      %dma_start3A_303 = arith.constant 16 : i32
      %dma_start3A_304 = arith.constant 0 : i32
      %dma_start3A_305 = tpu.memref_slice %arg11[%dma_start3A_303, %dma_start3A_304] : memref<32x512xf32, #tpu.memory_space<vmem>> -> memref<16x512xf32, #tpu.memory_space<vmem>>
      tpu.enqueue_dma source(%dma_start3A_305 : memref<16x512xf32, #tpu.memory_space<vmem>>) target(%dma_start3A_302 : memref<16x512xf32, #tpu.memory_space<hbm>>) target_semaphore(%arg15 : memref<!tpu.dma_semaphore, #tpu.memory_space<semaphore_mem>>)
    }
    %scan3A_72 = arith.constant 4 : i32
    %dma_wait3A = arith.constant 12 : i32
    %dma_wait3A_73 = arith.constant 0 : i32
    %dma_wait3A_74 = arith.constant 0 : i32
    %dma_wait3A_75 = tpu.memref_slice %arg10[%dma_wait3A_73, %dma_wait3A_74] : memref<32x512xf32, #tpu.memory_space<vmem>> -> memref<16x512xf32, #tpu.memory_space<vmem>>
    %dma_wait3A_76 = arith.constant 0 : i32
    %dma_wait3A_77 = tpu.memref_slice %arg5[%dma_wait3A, %mul3A_2, %dma_wait3A_76] : memref<16x512x512xf32, #tpu.memory_space<hbm>> -> memref<1x16x512xf32, #tpu.memory_space<hbm>>
    %dma_wait3A_78 = tpu.memref_squeeze %dma_wait3A_77 : memref<1x16x512xf32, #tpu.memory_space<hbm>> -> memref<16x512xf32, #tpu.memory_space<hbm>>
    %dma_wait3A_79 = arith.constant 0 : i32
    %dma_wait3A_80 = tpu.memref_slice %arg5[%dma_wait3A, %mul3A_2, %dma_wait3A_79] : memref<16x512x512xf32, #tpu.memory_space<hbm>> -> memref<1x16x512xf32, #tpu.memory_space<hbm>>
    %dma_wait3A_81 = tpu.memref_squeeze %dma_wait3A_80 : memref<1x16x512xf32, #tpu.memory_space<hbm>> -> memref<16x512xf32, #tpu.memory_space<hbm>>
    %dma_wait3A_82 = arith.constant 0 : i32
    %dma_wait3A_83 = arith.constant 0 : i32
    %dma_wait3A_84 = tpu.memref_slice %arg10[%dma_wait3A_82, %dma_wait3A_83] : memref<32x512xf32, #tpu.memory_space<vmem>> -> memref<16x512xf32, #tpu.memory_space<vmem>>
    tpu.wait_dma2 semaphore(%arg14 : memref<!tpu.dma_semaphore, #tpu.memory_space<semaphore_mem>>) src(%dma_wait3A_84 : memref<16x512xf32, #tpu.memory_space<vmem>>) dst(%dma_wait3A_81 : memref<16x512xf32, #tpu.memory_space<hbm>>)
    %dma_wait3A_85 = arith.constant 13 : i32
    %dma_wait3A_86 = arith.constant 16 : i32
    %dma_wait3A_87 = arith.constant 0 : i32
    %dma_wait3A_88 = tpu.memref_slice %arg10[%dma_wait3A_86, %dma_wait3A_87] : memref<32x512xf32, #tpu.memory_space<vmem>> -> memref<16x512xf32, #tpu.memory_space<vmem>>
    %dma_wait3A_89 = arith.constant 0 : i32
    %dma_wait3A_90 = tpu.memref_slice %arg5[%dma_wait3A_85, %mul3A_2, %dma_wait3A_89] : memref<16x512x512xf32, #tpu.memory_space<hbm>> -> memref<1x16x512xf32, #tpu.memory_space<hbm>>
    %dma_wait3A_91 = tpu.memref_squeeze %dma_wait3A_90 : memref<1x16x512xf32, #tpu.memory_space<hbm>> -> memref<16x512xf32, #tpu.memory_space<hbm>>
    %dma_wait3A_92 = arith.constant 0 : i32
    %dma_wait3A_93 = tpu.memref_slice %arg5[%dma_wait3A_85, %mul3A_2, %dma_wait3A_92] : memref<16x512x512xf32, #tpu.memory_space<hbm>> -> memref<1x16x512xf32, #tpu.memory_space<hbm>>
    %dma_wait3A_94 = tpu.memref_squeeze %dma_wait3A_93 : memref<1x16x512xf32, #tpu.memory_space<hbm>> -> memref<16x512xf32, #tpu.memory_space<hbm>>
    %dma_wait3A_95 = arith.constant 16 : i32
    %dma_wait3A_96 = arith.constant 0 : i32
    %dma_wait3A_97 = tpu.memref_slice %arg10[%dma_wait3A_95, %dma_wait3A_96] : memref<32x512xf32, #tpu.memory_space<vmem>> -> memref<16x512xf32, #tpu.memory_space<vmem>>
    tpu.wait_dma2 semaphore(%arg14 : memref<!tpu.dma_semaphore, #tpu.memory_space<semaphore_mem>>) src(%dma_wait3A_97 : memref<16x512xf32, #tpu.memory_space<vmem>>) dst(%dma_wait3A_94 : memref<16x512xf32, #tpu.memory_space<hbm>>)
    %dma_wait3A_98 = arith.constant 14 : i32
    %dma_wait3A_99 = arith.constant 0 : i32
    %dma_wait3A_100 = arith.constant 0 : i32
    %dma_wait3A_101 = tpu.memref_slice %arg11[%dma_wait3A_99, %dma_wait3A_100] : memref<32x512xf32, #tpu.memory_space<vmem>> -> memref<16x512xf32, #tpu.memory_space<vmem>>
    %dma_wait3A_102 = arith.constant 0 : i32
    %dma_wait3A_103 = tpu.memref_slice %arg5[%dma_wait3A_98, %mul3A_2, %dma_wait3A_102] : memref<16x512x512xf32, #tpu.memory_space<hbm>> -> memref<1x16x512xf32, #tpu.memory_space<hbm>>
    %dma_wait3A_104 = tpu.memref_squeeze %dma_wait3A_103 : memref<1x16x512xf32, #tpu.memory_space<hbm>> -> memref<16x512xf32, #tpu.memory_space<hbm>>
    %dma_wait3A_105 = arith.constant 0 : i32
    %dma_wait3A_106 = tpu.memref_slice %arg5[%dma_wait3A_98, %mul3A_2, %dma_wait3A_105] : memref<16x512x512xf32, #tpu.memory_space<hbm>> -> memref<1x16x512xf32, #tpu.memory_space<hbm>>
    %dma_wait3A_107 = tpu.memref_squeeze %dma_wait3A_106 : memref<1x16x512xf32, #tpu.memory_space<hbm>> -> memref<16x512xf32, #tpu.memory_space<hbm>>
    %dma_wait3A_108 = arith.constant 0 : i32
    %dma_wait3A_109 = arith.constant 0 : i32
    %dma_wait3A_110 = tpu.memref_slice %arg11[%dma_wait3A_108, %dma_wait3A_109] : memref<32x512xf32, #tpu.memory_space<vmem>> -> memref<16x512xf32, #tpu.memory_space<vmem>>
    tpu.wait_dma2 semaphore(%arg15 : memref<!tpu.dma_semaphore, #tpu.memory_space<semaphore_mem>>) src(%dma_wait3A_110 : memref<16x512xf32, #tpu.memory_space<vmem>>) dst(%dma_wait3A_107 : memref<16x512xf32, #tpu.memory_space<hbm>>)
    %dma_wait3A_111 = arith.constant 15 : i32
    %dma_wait3A_112 = arith.constant 16 : i32
    %dma_wait3A_113 = arith.constant 0 : i32
    %dma_wait3A_114 = tpu.memref_slice %arg11[%dma_wait3A_112, %dma_wait3A_113] : memref<32x512xf32, #tpu.memory_space<vmem>> -> memref<16x512xf32, #tpu.memory_space<vmem>>
    %dma_wait3A_115 = arith.constant 0 : i32
    %dma_wait3A_116 = tpu.memref_slice %arg5[%dma_wait3A_111, %mul3A_2, %dma_wait3A_115] : memref<16x512x512xf32, #tpu.memory_space<hbm>> -> memref<1x16x512xf32, #tpu.memory_space<hbm>>
    %dma_wait3A_117 = tpu.memref_squeeze %dma_wait3A_116 : memref<1x16x512xf32, #tpu.memory_space<hbm>> -> memref<16x512xf32, #tpu.memory_space<hbm>>
    %dma_wait3A_118 = arith.constant 0 : i32
    %dma_wait3A_119 = tpu.memref_slice %arg5[%dma_wait3A_111, %mul3A_2, %dma_wait3A_118] : memref<16x512x512xf32, #tpu.memory_space<hbm>> -> memref<1x16x512xf32, #tpu.memory_space<hbm>>
    %dma_wait3A_120 = tpu.memref_squeeze %dma_wait3A_119 : memref<1x16x512xf32, #tpu.memory_space<hbm>> -> memref<16x512xf32, #tpu.memory_space<hbm>>
    %dma_wait3A_121 = arith.constant 16 : i32
    %dma_wait3A_122 = arith.constant 0 : i32
    %dma_wait3A_123 = tpu.memref_slice %arg11[%dma_wait3A_121, %dma_wait3A_122] : memref<32x512xf32, #tpu.memory_space<vmem>> -> memref<16x512xf32, #tpu.memory_space<vmem>>
    tpu.wait_dma2 semaphore(%arg15 : memref<!tpu.dma_semaphore, #tpu.memory_space<semaphore_mem>>) src(%dma_wait3A_123 : memref<16x512xf32, #tpu.memory_space<vmem>>) dst(%dma_wait3A_120 : memref<16x512xf32, #tpu.memory_space<hbm>>)
    return
  }
}

module attributes {stable_mosaic.version = 14 : i64} {
  func.func @_fold_body(%arg0: memref<16x512xf32, #tpu.memory_space<vmem>>, %arg1: memref<32x512xf32, #tpu.memory_space<vmem>>, %arg2: memref<64x512xf32, #tpu.memory_space<vmem>>, %arg3: memref<1536x512xf32, #tpu.memory_space<vmem>>, %arg4: memref<1x512xf32, #tpu.memory_space<vmem>>, %arg5: memref<576x512xf32, #tpu.memory_space<vmem>>) attributes {dimension_semantics = [], scalar_prefetch = 0 : i64, scratch_operands = 0 : i64, tpu.core_type = #tpu.core_type<tc>} {
    %get3A = arith.constant 0 : index
    %get3A_0 = arith.constant 0 : index
    %get3A_1 = vector.load %arg4[%get3A, %get3A_0] : memref<1x512xf32, #tpu.memory_space<vmem>>, vector<1x512xf32>
    %get3A_2 = arith.constant 0 : index
    %get3A_3 = arith.constant 0 : index
    %get3A_4 = vector.load %arg0[%get3A_2, %get3A_3] : memref<16x512xf32, #tpu.memory_space<vmem>>, vector<16x512xf32>
    %get3A_5 = arith.constant 0 : index
    %get3A_6 = arith.constant 0 : index
    %get3A_7 = vector.load %arg3[%get3A_5, %get3A_6] : memref<1536x512xf32, #tpu.memory_space<vmem>>, vector<512x512xf32>
    %dot_general3A = arith.constant dense<0.000000e+00> : vector<16x512xf32>
    %dot_general3A_8 = tpu.matmul %get3A_4, %get3A_7, %dot_general3A {dimension_numbers = #tpu.dot_dimension_numbers<[1], [0], [0], [1], [0, 0, 1, 1], [], []>, transpose_lhs_hint = false} : vector<16x512xf32>, vector<512x512xf32>, vector<16x512xf32> -> vector<16x512xf32>
    %add3A = vector.broadcast %get3A_1 : vector<1x512xf32> to vector<16x512xf32>
    %add3A_9 = arith.addf %dot_general3A_8, %add3A : vector<16x512xf32>
    %get3A_10 = arith.constant 0 : index
    %get3A_11 = arith.constant 0 : index
    %get3A_12 = vector.load %arg1[%get3A_10, %get3A_11] : memref<32x512xf32, #tpu.memory_space<vmem>>, vector<32x512xf32>
    %get3A_13 = arith.constant 512 : index
    %get3A_14 = arith.constant 0 : index
    %get3A_15 = vector.load %arg3[%get3A_13, %get3A_14] : memref<1536x512xf32, #tpu.memory_space<vmem>>, vector<512x512xf32>
    %dot_general3A_16 = arith.constant dense<0.000000e+00> : vector<32x512xf32>
    %dot_general3A_17 = tpu.matmul %get3A_12, %get3A_15, %dot_general3A_16 {dimension_numbers = #tpu.dot_dimension_numbers<[1], [0], [0], [1], [0, 0, 1, 1], [], []>, transpose_lhs_hint = false} : vector<32x512xf32>, vector<512x512xf32>, vector<32x512xf32> -> vector<32x512xf32>
    %broadcast_in_dim3A = vector.shape_cast %add3A_9 : vector<16x512xf32> to vector<16x1x512xf32>
    %broadcast_in_dim3A_18 = vector.shape_cast %dot_general3A_17 : vector<32x512xf32> to vector<1x32x512xf32>
    %add3A_19 = vector.broadcast %broadcast_in_dim3A : vector<16x1x512xf32> to vector<16x32x512xf32>
    %add3A_20 = vector.broadcast %broadcast_in_dim3A_18 : vector<1x32x512xf32> to vector<16x32x512xf32>
    %add3A_21 = arith.addf %add3A_19, %add3A_20 : vector<16x32x512xf32>
    %reshape3A = vector.shape_cast %add3A_21 : vector<16x32x512xf32> to vector<512x512xf32>
    %swap3A = arith.constant 0 : index
    %swap3A_22 = arith.constant 0 : index
    %swap3A_23 = vector.load %arg5[%swap3A, %swap3A_22] : memref<576x512xf32, #tpu.memory_space<vmem>>, vector<512x512xf32>
    tpu.vector_store %arg5[%swap3A, %swap3A_22], %reshape3A {strides = array<i32>} : memref<576x512xf32, #tpu.memory_space<vmem>>, vector<512x512xf32>,
    %get3A_24 = arith.constant 0 : index
    %get3A_25 = arith.constant 0 : index
    %get3A_26 = vector.load %arg2[%get3A_24, %get3A_25] : memref<64x512xf32, #tpu.memory_space<vmem>>, vector<64x512xf32>
    %get3A_27 = arith.constant 1024 : index
    %get3A_28 = arith.constant 0 : index
    %get3A_29 = vector.load %arg3[%get3A_27, %get3A_28] : memref<1536x512xf32, #tpu.memory_space<vmem>>, vector<512x512xf32>
    %dot_general3A_30 = arith.constant dense<0.000000e+00> : vector<64x512xf32>
    %dot_general3A_31 = tpu.matmul %get3A_26, %get3A_29, %dot_general3A_30 {dimension_numbers = #tpu.dot_dimension_numbers<[1], [0], [0], [1], [0, 0, 1, 1], [], []>, transpose_lhs_hint = false} : vector<64x512xf32>, vector<512x512xf32>, vector<64x512xf32> -> vector<64x512xf32>
    %swap3A_32 = arith.constant 512 : index
    %swap3A_33 = arith.constant 0 : index
    %swap3A_34 = vector.load %arg5[%swap3A_32, %swap3A_33] : memref<576x512xf32, #tpu.memory_space<vmem>>, vector<64x512xf32>
    tpu.vector_store %arg5[%swap3A_32, %swap3A_33], %dot_general3A_31 {strides = array<i32>} : memref<576x512xf32, #tpu.memory_space<vmem>>, vector<64x512xf32>,
    return
  }
}

</mosaic_0001>

<sc_bundles>
// kernel: _run.4.cloned.1.call-start
scs
__scs_entry_jumppad:
0x0: {  	(pc) =	sbr.rel $0x88, $3  }
0x1: {  	(tag) =	ssettag $0x0;
	lr =	simm.s32 $0x1  }
0x2: {  	[smem:$0x3F99] =	sst lr;
	_ =	strace $0xD0000000  }
0x3: {  	_ = 	snop  }
0x4: {  	_ = 	snop  }
0x5: {  	_ = 	snop  }
0x6: {  	_ = 	snop  }
0x7: {  	_ = 	snop  }
__scs_overlays_trampoline_lowered:
0x8: {  	[smem:$0x3FA8] =	sst s0  }
0x9: {  	[smem:$0x3FA9] =	sst s1  }
0xa: {  	[smem:$0x3FAA] =	sst s2  }
0xb: {  	[smem:$0x3FAB] =	sst s3  }
0xc: {  	[smem:$0x3FAC] =	sst s4  }
0xd: {  	[smem:$0x3FAD] =	sst s5  }
0xe: {  	[smem:$0x3FAE] =	sst s6  }
0xf: {  	[smem:$0x3FAF] =	sst s7  }
0x10: {  	[smem:$0x3FB0] =	sst s8  }
0x11: {  	[smem:$0x3FB1] =	sst s9;
	s0 =	simm.s32 @!p0 $0x0  }
0x12: {  	s1 =	sld [smem:$0x3F97];
	s0 =	simm.s32 @p0 $0x1  }
0x13: {  	[smem:$0x3FB2] =	sst s0;
	s0 =	simm.s32 @!p1 $0x0  }
0x14: {  	s2 =	sld [smem:$0x3F96];
	s0 =	simm.s32 @p1 $0x1  }
0x15: {  	[smem:$0x3FB3] =	sst s0;
	s0 =	simm.s32 @!p2 $0x0  }
0x16: {  	s3 =	sld [smem:$0x3FDB];
	s0 =	simm.s32 @p2 $0x1  }
0x17: {  	s4 =	simm.s32 $0x1BF5;
	[smem:$0x3FB5] =	sst s0  }
0x18: {  	s0 =	sld [smem:$0x3F98];
	_ =	swait.ge [sflag:s4], $0x0  }
0x19: {  	s7 =	sld [smem:$0x3F99]  }
0x1a: {  	s8 =	sadd.s32 $0xFFFFE003, lr  }
0x1b: {  	s9 =	sadd.s32 $0xFFFFFEF7, lr;
	s5 =	simm.s32 $0xFFFFFFFF;
	p2 =	slt.u32 s8, $0xFFFFF086  }
0x1c: {  	p1 =	slt.u32 s9, $0xF7A;
	s5 =	simm.s32 @!p2 $0x0  }
0x1d: {  	s5 =	simm.s32 @p1 $0x1;
	p0 =	seq.s32 s7, s2  }
0x1e: {  	s7 =	smul.u32 @!p0 $0xF7A, s2;
	p2 =	seq.s32 @!p0 s5, $0x0  }
0x1f: {  	s9 =	smul.u32 $0xF7A, s1;
	s8 =	simm.s32 @!p0 $0x1BF5;
	p2 =	por !p2, p0  }
0x20: {  	[sflag:s8] =	ssyncset.s32 @!p0 $0xFFFFF086;
	s6 =	sadd.s32 @!p0 s3, s7;
	s7 =	simm.s32 @!p0 $0x108  }
0x21: {  	s3 =	sadd.s32 s3, s9;
	s6 =	sadd.s32 @!p0 $0x88, s6;
	s7 =	simm.s32 @p2 $0x1082  }
0x22: {  	[simem:s7], [sflag:s8] =	dma.local @!p0 [hbm:s6], $0xF7A  }
0x23: {  	s9 =	sor.u32 $0xD0000000, s2;
	s6 =	simm.s32 $0x108;
	_ =	swait.ge @!p0 [sflag:s8], $0x0  }
0x24: {  	s3 =	sadd.s32 $0x88, s3;
	s6 =	simm.s32 @!p1 $0x1082;
	[sflag:s4] =	ssyncset.s32 $0xFFFFF086  }
0x25: {  	[simem:s6], [sflag:s4] =	dma.local [hbm:s3], $0xF7A  }
0x26: {  	[smem:$0x3F99] =	sst s1;
	(tag) =	ssettag s2;
	_ =	strace s9  }
0x27: {  	s1 =	sld [smem:$0x3FA9]  }
0x28: {  	s2 =	sld [smem:$0x3FAA]  }
0x29: {  	s4 =	sld [smem:$0x3FAC]  }
0x2a: {  	p0 =	seq.s32 s5, $0x0;
	s5 =	sld [smem:$0x3FAD]  }
0x2b: {  	s6 =	sld [smem:$0x3FAE]  }
0x2c: {  	s7 =	sld [smem:$0x3FAF]  }
0x2d: {  	s3 =	simm.s32 $0x108;
	s8 =	sld [smem:$0x3FB0]  }
0x2e: {  	s3 =	simm.s32 @!p0 $0x1082;
	s9 =	sld [smem:$0x3FB1]  }
0x2f: {  	lr =	sadd.s32 s0, s3;
	s0 =	sld [smem:$0x3FA8]  }
0x30: {  	s3 =	sld [smem:$0x3FAB]  }
0x31: {  	[smem:$0x3FB4] =	sst s10  }
0x32: {  	s10 =	sld [smem:$0x3FB2];
	_ =	sdelay $0x3  }
0x33: {  	p0 =	seq.s32 s10, $0x1;
	s10 =	sld [smem:$0x3FB4];
	_ =	sdelay $0x3  }
0x34: {  	[smem:$0x3FB4] =	sst s10  }
0x35: {  	s10 =	sld [smem:$0x3FB3];
	_ =	sdelay $0x3  }
0x36: {  	p1 =	seq.s32 s10, $0x1;
	s10 =	sld [smem:$0x3FB4];
	_ =	sdelay $0x3  }
0x37: {  	[smem:$0x3FB4] =	sst s10  }
0x38: {  	s10 =	sld [smem:$0x3FB5]  }
0x39: {  	_ = 	snop;
	(pc) =	sbr.ind lr, $3  }
0x3a: {  	_ = 	snop  }
0x3b: {  	_ = 	snop  }
0x3c: {  	p2 =	seq.s32 s10, $0x1;
	s10 =	sld [smem:$0x3FB4]  }
0x3d: {  	_ =	shalt  }
0x3e: {  	_ =	shalt  }
0x3f: {  	_ =	shalt  }
0x40: {  	_ =	shalt  }
0x41: {  	_ =	shalt  }
0x42: {  	_ =	shalt  }
0x43: {  	_ =	shalt  }
0x44: {  	_ =	shalt  }
0x45: {  	_ =	shalt  }
0x46: {  	_ =	shalt  }
0x47: {  	_ =	shalt  }
0x48: {  	_ =	shalt  }
0x49: {  	_ =	shalt  }
0x4a: {  	_ =	shalt  }
0x4b: {  	_ =	shalt  }
0x4c: {  	_ =	shalt  }
0x4d: {  	_ =	shalt  }
0x4e: {  	_ =	shalt  }
0x4f: {  	_ =	shalt  }
0x50: {  	_ =	shalt  }
0x51: {  	_ =	shalt  }
0x52: {  	_ =	shalt  }
0x53: {  	_ =	shalt  }
0x54: {  	_ =	shalt  }
0x55: {  	_ =	shalt  }
0x56: {  	_ =	shalt  }
0x57: {  	_ =	shalt  }
0x58: {  	_ =	shalt  }
0x59: {  	_ =	shalt  }
0x5a: {  	_ =	shalt  }
0x5b: {  	_ =	shalt  }
0x5c: {  	_ =	shalt  }
0x5d: {  	_ =	shalt  }
0x5e: {  	_ =	shalt  }
0x5f: {  	_ =	shalt  }
0x60: {  	_ =	shalt  }
0x61: {  	_ =	shalt  }
0x62: {  	_ =	shalt  }
0x63: {  	_ =	shalt  }
0x64: {  	_ =	shalt  }
0x65: {  	_ =	shalt  }
0x66: {  	_ =	shalt  }
0x67: {  	_ =	shalt  }
0x68: {  	_ =	shalt  }
0x69: {  	_ =	shalt  }
0x6a: {  	_ =	shalt  }
0x6b: {  	_ =	shalt  }
0x6c: {  	_ =	shalt  }
0x6d: {  	_ =	shalt  }
0x6e: {  	_ =	shalt  }
0x6f: {  	_ =	shalt  }
0x70: {  	_ =	shalt  }
0x71: {  	_ =	shalt  }
0x72: {  	_ =	shalt  }
0x73: {  	_ =	shalt  }
0x74: {  	_ =	shalt  }
0x75: {  	_ =	shalt  }
0x76: {  	_ =	shalt  }
0x77: {  	_ =	shalt  }
0x78: {  	_ =	shalt  }
0x79: {  	_ =	shalt  }
0x7a: {  	_ =	shalt  }
0x7b: {  	_ =	shalt  }
0x7c: {  	_ =	shalt  }
0x7d: {  	_ =	shalt  }
0x7e: {  	_ =	shalt  }
0x7f: {  	_ =	shalt  }
0x80: {  	_ =	shalt  }
0x81: {  	_ =	shalt  }
0x82: {  	_ =	shalt  }
0x83: {  	_ =	shalt  }
0x84: {  	_ =	shalt  }
0x85: {  	_ =	shalt  }
0x86: {  	_ =	shalt  }
0x87: {  	_ =	shalt  }
.Lfunc_end0:
.L_simem_size_0:
called_computation_lowered:
.L_overlay_start_0:
0x88: {  	s2 =	sld [smem:$0x3FD9]  }
0x89: {  	s3 =	sld [smem:$0x3FFE];
	_ =	sdelay $0x1  }
0x8a: {  	s1 =	srdreg.scid  }
0x8b: {  	s0 =	sand.u32 $0x1, s1  }
0x8c: {  	s17 =	sshll.u32 s0, $0xA;
	s2 =	sadd.s32 s3, s2  }
0x8d: {  	s2 =	sadd.s32 s2, s17  }
0x8e: {  	[smem:$0x3FC0] =	sst s2  }
0x8f: {  	_ = 	snop  }
0x90: {  	s2 =	sld [smem:$0x3FD0];
	(tm) =	ssettm $0x1  }
0x91: {  	s18 =	sld [smem:$0x3FFB];
	_ =	sdelay $0x3  }
0x92: {  	_ =	strace s18  }
0x93: {  	s3 =	sld [smem:$0x3FFC];
	_ =	sdelay $0x3  }
0x94: {  	_ =	strace s3  }
0x95: {  	s3 =	sld [smem:$0x3FFD];
	_ =	sdelay $0x3  }
0x96: {  	_ =	strace s3  }
0x97: {  	_ =	strace $0x8FFFFFFF  }
0x98: {  	s19 =	sld [smem:$0x3FDB];
	_ =	sdelay $0x1  }
0x99: {  	s4 =	simm.s32 $_scs_section_size  }
0x9a: {  	s5 =	simm.s32 $_size__tile_overlayer_lowered;
	s6 =	simm.s32 $_tile_overlayer_lowered  }
0x9b: {  	s22 =	simm.s32 $0x1BFF;
	s21 =	sshll.u32 s6, $0x1;
	s3 =	sadd.s32 s4, s19  }
0x9c: {  	s7 =	simm.s32 $0x0;
	s20 =	sshll.u32 s5, $0x1;
	s5 =	sadd.s32 s21, s3  }
0x9d: {  	[timem:s7], [sflag:s22] =	dma.local [hbm:s5], s20  }
0x9e: {  	_ =	swait.ge [sflag:s22], s20  }
0x9f: {  	s4 =	ssub.s32 $0x0, s20;
	[sflag:s22] =	ssyncset.done $0x0  }
0xa0: {  	[sflag:s22] =	ssyncadd.s32 s4;
	_ =	sdelay $0x1  }
0xa1: {  	s23 =	simm.s32 $0x1B8B  }
0xa2: {  	_ =	swait.ge [sflag:s23], $0x1  }
0xa3: {  	[sflag:s23] =	ssyncset.done $0x0  }
0xa4: {  	s25 =	simm.s32 $0x1B8E;
	s24 =	sld [smem:$0x3FFE];
	[sflag:s23] =	ssyncadd.s32 $0xFFFFFFFF  }
0xa5: {  	s26 =	simm.s32 $execute0_lowered;
	[smem:$0x3FD2] =	sst s25  }
0xa6: {  	s5 =	sshll.u32 s26, $0x1;
	_ =	strace $0x80000046;
	[dreg:$0x1] =	wrdreg $0xFFFFFFFF  }
0xa7: {  	s28 =	simm.s32 $_size_execute0_lowered;
	s3 =	sadd.s32 s3, s5;
	[dreg:$0x0] =	wrdreg $0x0  }
0xa8: {  	s5 =	sshll.u32 s28, $0x1;
	[dreg:$0x2] =	wrdreg s3  }
0xa9: {  	[dreg:$0x3] =	wrdreg s5  }
0xaa: {  	[dreg:$0x4] =	wrdreg $0xC0  }
0xab: {  	_ =	task [dreg:s7], $0x5FFFF  }
0xac: {  	[dreg:$0x1] =	wrdreg $0xFFFFFFFF  }
0xad: {  	[dreg:$0x0] =	wrdreg $0x60  }
0xae: {  	[dreg:$0x2] =	wrdreg s24  }
0xaf: {  	[dreg:$0x3] =	wrdreg s2  }
0xb0: {  	[dreg:$0x4] =	wrdreg $0x9  }
0xb1: {  	_ =	task.clear_ibuf [dreg:s7], $0x5FFFF;
	_ =	strace $0x90000046  }
0xb2: {  	s29 =	simm.s32 $0x9;
	_ =	strace $0x80000048  }
0xb3: {  	_ =	swait.ge [sflag:s29], $0x1  }
0xb4: {  	[sflag:s29] =	ssyncadd.s32 $0xFFFFFFFF  }
0xb5: {  	_ =	strace $0x90000048  }
0xb6: {  	_ =	sfence  }
0xb7: {  	s30 =	sld [smem:$0x0];
	_ =	sdelay $0x2  }
0xb8: {  	s31 =	sshll.u32 s1, $0xD;
	s1 =	sshrl.u32 s1, $0x2  }
0xb9: {  	s3 =	sand.u32 $0x4000, s31;
	s1 =	sadd.s32 s1, s30  }
0xba: {  	s0 =	sor.u32 s3, s0;
	s1 =	sshll.u32 s1, $0x11  }
0xbb: {  	s0 =	sor.u32 s1, s0  }
0xbc: {  	s0 =	sadd.s32 $0x8F2B, s0  }
0xbd: {  	[sflag:s0] =	ssyncadd.remote.s32 $0x1  }
0xbe: {  	_ =	sfence.sel $0xFFFF  }
0xbf: {  	[dreg:$0x0] =	wrdreg $0xFFFFFFFF;
	(pc) =	sbr.abs _section_cstart, $3  }
0xc0: {  	[dreg:$0x1] =	wrdreg $0xFFFFFFFF  }
0xc1: {  	_ =	task.clear_ibuf [dreg:s7], $0x2FFFF;
	_ =	strace $0x9FFFFFFF  }
0xc2: {  	(tm) =	ssettm $0x7FFFFFFF  }
0xc3: {  	_ =	shalt  }
tec
execute0_lowered:
.L_overlay_start_1:
0x0: {  	(tag) =	ssettag $0x1  }
0x1: {  	s0 =	rddreg [dreg:$0x0]  }
0x2: {  	s4 =	rddreg [dreg:$0x1]  }
0x3: {  	s1 =	srdreg.scid;
	s2 =	stileid.u32;
	s3 =	simm.s32 $0x0  }
0x4: {  	s1 =	sand.u32 $0x1, s1;
	[smem:$0x7FF] =	sst s3;
	s6 =	sadd.s32 $0xC00, s0  }
0x5: {  	s28 =	sadd.s32 $0x8000, s4;
	_ =	strace $0x80000047;
	[smem:$0x7F6] =	sst s6  }
0x6: {  	s2 =	sshll.u32 s2, $0x1;
	s29 =	sadd.s32 $0x10000, s4;
	[smem:$0x7FA] =	sst s28  }
0x7: {  	s30 =	sadd.s32 $0x18000, s4;
	s2 =	sor.u32 s1, s2;
	[smem:$0x7FB] =	sst s29  }
0x8: {  	s1 =	ssub.s32 $0x2, s1;
	[smem:$0x7FC] =	sst s30;
	s24 =	sshll.u32 s2, $0x6  }
0x9: {  	s5 =	sshll.u32 s2, $0xA;
	s25 =	sshrl.u32 s1, $0x1;
	s3 =	sadd.s32 s24, s0  }
0xa: {  	[smem:$0x7F7] =	sst s5;
	s0 =	sadd.s32 s5, s0;
	s26 =	sadd.s32 $0x5400, s3  }
0xb: {  	v2 =	vlaneseq.u32;
	s1 =	ssub.s32 s1, s25;
	s0 =	sadd.s32 $0x5C00, s0;
	[smem:$0x7F8] =	sst s26  }
0xc: {  	vm0 =	vmmov $0xffff;
	v1 =	vshrl.u32 v2, $0x3;
	s31 =	smax.u32 s1, $0x1;
	[smem:$0x7F9] =	sst s0  }
0xd: {  	v0 =	vand.u32 $0x7, v2;
	v2 =	vor.u32 $0x8, v2;
	v1 =	vmul.u32 $0x8, v1;
	s2 =	simm.s32 $0x0;
	[smem:$0x7FD] =	sst s31  }
.LBB2_1:
0xe: {  	s1 =	sld [smem:$0x7F8];
	_ =	sdelay $0x1  }
0xf: {  	[smem:$0x7F5] =	sst s2;
	s0 =	simm.s32 $0x0;
	s12 =	simm.s32 $0x5  }
0x10: {  	[tilespmem:s0], [sflag:$0x5] =	stream.linear.gather [hbm4b:s1+s0], $0x200, $0x38;
	[tilespmem:$0x12200] =	vst v63  }
0x11: {  	_ =	swait.ge [sflag:s12], $0x200  }
0x12: {  	s13 =	sld [smem:$0x7F9]  }
0x13: {  	[sflag:s12] =	ssyncset.done $0x0  }
0x14: {  	s3 =	simm.s32 $0x200;
	[sflag:s12] =	ssyncadd.s32 $0xFFFFFE00  }
0x15: {  	[tilespmem:s3], [sflag:$0x5] =	stream.linear.gather [hbm4b:s13+s0], $0x2000, $0x38;
	[tilespmem:$0x12200] =	vst v63  }
0x16: {  	_ =	swait.ge [sflag:s12], $0x2000  }
0x17: {  	[sflag:s12] =	ssyncset.done $0x0  }
0x18: {  	[sflag:s12] =	ssyncadd.s32 $0xFFFFE000  }
0x19: {  	v3 =	vld [tilespmem:$0x0];
	_ =	sdelay $0x4  }
0x1a: {  	v4 =	vshll.u32 v3, $0x1  }
0x1b: {  	v3 =	vand.u32 $0x7, v3;
	v4 =	vand.u32 $0xFFFFFFF0, v4  }
0x1c: {  	v3 =	vor.u32 v3, v4  }
0x1d: {  	v4 =	vperm.xlane v3, v0;
	_ =	sdelay $0x1  }
0x1e: {  	v3 =	vperm.xlane v3, v2;
	v4 =	vadd.s32 v1, v4;
	_ =	sdelay $0x1  }
0x1f: {  	s14 =	sld [smem:$0x7F6];
	v3 =	vadd.s32 v1, v3;
	_ =	sdelay $0x1  }
0x20: {  	s15 =	simm.s32 $0x2200  }
0x21: {  	[tilespmem:s15], [sflag:$0x1] =	stream.indirect_vreg.gather [hbm4b:s14+s0], $0x80, v4, vm0, $0xb8;
	[tilespmem:$0x12200] =	vst v63  }
0x22: {  	s16 =	simm.s32 $0x2A00  }
0x23: {  	[tilespmem:s16], [sflag:$0x1] =	stream.indirect_vreg.gather [hbm4b:s14+s0], $0x80, v3, vm0, $0xb8;
	[tilespmem:$0x12200] =	vst v63  }
0x24: {  	v3 =	vld [tilespmem:$0x10];
	_ =	sdelay $0x4  }
0x25: {  	v57 =	vshll.u32 v3, $0x1  }
0x26: {  	v3 =	vand.u32 $0x7, v3;
	v4 =	vand.u32 $0xFFFFFFF0, v57  }
0x27: {  	v3 =	vor.u32 v3, v4  }
0x28: {  	v4 =	vperm.xlane v3, v0;
	_ =	sdelay $0x1  }
0x29: {  	v3 =	vperm.xlane v3, v2;
	v4 =	vadd.s32 v1, v4;
	_ =	sdelay $0x1  }
0x2a: {  	v3 =	vadd.s32 v1, v3;
	_ =	sdelay $0x1  }
0x2b: {  	s17 =	simm.s32 $0x3200  }
0x2c: {  	[tilespmem:s17], [sflag:$0x1] =	stream.indirect_vreg.gather [hbm4b:s14+s0], $0x80, v4, vm0, $0xb8;
	[tilespmem:$0x12200] =	vst v63  }
0x2d: {  	s18 =	simm.s32 $0x3A00  }
0x2e: {  	[tilespmem:s18], [sflag:$0x1] =	stream.indirect_vreg.gather [hbm4b:s14+s0], $0x80, v3, vm0, $0xb8;
	[tilespmem:$0x12200] =	vst v63  }
0x2f: {  	v3 =	vld [tilespmem:$0x20];
	_ =	sdelay $0x4  }
0x30: {  	v58 =	vshll.u32 v3, $0x1  }
0x31: {  	v3 =	vand.u32 $0x7, v3;
	v4 =	vand.u32 $0xFFFFFFF0, v58  }
0x32: {  	v3 =	vor.u32 v3, v4  }
0x33: {  	v4 =	vperm.xlane v3, v0;
	_ =	sdelay $0x1  }
0x34: {  	v3 =	vperm.xlane v3, v2;
	v4 =	vadd.s32 v1, v4;
	_ =	sdelay $0x1  }
0x35: {  	v3 =	vadd.s32 v1, v3;
	_ =	sdelay $0x1  }
0x36: {  	s19 =	simm.s32 $0x4200  }
0x37: {  	[tilespmem:s19], [sflag:$0x1] =	stream.indirect_vreg.gather [hbm4b:s14+s0], $0x80, v4, vm0, $0xb8;
	[tilespmem:$0x12200] =	vst v63  }
0x38: {  	s20 =	simm.s32 $0x4A00  }
0x39: {  	[tilespmem:s20], [sflag:$0x1] =	stream.indirect_vreg.gather [hbm4b:s14+s0], $0x80, v3, vm0, $0xb8;
	[tilespmem:$0x12200] =	vst v63  }
0x3a: {  	v3 =	vld [tilespmem:$0x30];
	_ =	sdelay $0x4  }
0x3b: {  	v59 =	vshll.u32 v3, $0x1  }
0x3c: {  	v3 =	vand.u32 $0x7, v3;
	v4 =	vand.u32 $0xFFFFFFF0, v59  }
0x3d: {  	v3 =	vor.u32 v3, v4  }
0x3e: {  	v4 =	vperm.xlane v3, v0;
	_ =	sdelay $0x1  }
0x3f: {  	v3 =	vperm.xlane v3, v2;
	v4 =	vadd.s32 v1, v4;
	_ =	sdelay $0x1  }
0x40: {  	v3 =	vadd.s32 v1, v3;
	_ =	sdelay $0x1  }
0x41: {  	s21 =	simm.s32 $0x5200  }
0x42: {  	[tilespmem:s21], [sflag:$0x1] =	stream.indirect_vreg.gather [hbm4b:s14+s0], $0x80, v4, vm0, $0xb8;
	[tilespmem:$0x12200] =	vst v63  }
0x43: {  	s22 =	simm.s32 $0x5A00  }
0x44: {  	[tilespmem:s22], [sflag:$0x1] =	stream.indirect_vreg.gather [hbm4b:s14+s0], $0x80, v3, vm0, $0xb8;
	[tilespmem:$0x12200] =	vst v63  }
0x45: {  	v3 =	vld [tilespmem:$0x40];
	_ =	sdelay $0x4  }
0x46: {  	v60 =	vshll.u32 v3, $0x1  }
0x47: {  	v3 =	vand.u32 $0x7, v3;
	v4 =	vand.u32 $0xFFFFFFF0, v60  }
0x48: {  	v3 =	vor.u32 v3, v4  }
0x49: {  	v4 =	vperm.xlane v3, v0;
	_ =	sdelay $0x1  }
0x4a: {  	v3 =	vperm.xlane v3, v2;
	v4 =	vadd.s32 v1, v4;
	_ =	sdelay $0x1  }
0x4b: {  	v3 =	vadd.s32 v1, v3;
	_ =	sdelay $0x1  }
0x4c: {  	s23 =	simm.s32 $0x6200  }
0x4d: {  	[tilespmem:s23], [sflag:$0x2] =	stream.indirect_vreg.gather [hbm4b:s14+s0], $0x80, v4, vm0, $0xb8;
	[tilespmem:$0x12200] =	vst v63  }
0x4e: {  	s24 =	simm.s32 $0x6A00  }
0x4f: {  	[tilespmem:s24], [sflag:$0x2] =	stream.indirect_vreg.gather [hbm4b:s14+s0], $0x80, v3, vm0, $0xb8;
	[tilespmem:$0x12200] =	vst v63  }
0x50: {  	v3 =	vld [tilespmem:$0x50];
	_ =	sdelay $0x4  }
0x51: {  	v61 =	vshll.u32 v3, $0x1  }
0x52: {  	v3 =	vand.u32 $0x7, v3;
	v4 =	vand.u32 $0xFFFFFFF0, v61  }
0x53: {  	v3 =	vor.u32 v3, v4  }
0x54: {  	v4 =	vperm.xlane v3, v0;
	_ =	sdelay $0x1  }
0x55: {  	v3 =	vperm.xlane v3, v2;
	v4 =	vadd.s32 v1, v4;
	_ =	sdelay $0x1  }
0x56: {  	v3 =	vadd.s32 v1, v3;
	_ =	sdelay $0x1  }
0x57: {  	s25 =	simm.s32 $0x7200  }
0x58: {  	[tilespmem:s25], [sflag:$0x2] =	stream.indirect_vreg.gather [hbm4b:s14+s0], $0x80, v4, vm0, $0xb8;
	[tilespmem:$0x12200] =	vst v63  }
0x59: {  	s26 =	simm.s32 $0x7A00  }
0x5a: {  	[tilespmem:s26], [sflag:$0x2] =	stream.indirect_vreg.gather [hbm4b:s14+s0], $0x80, v3, vm0, $0xb8;
	[tilespmem:$0x12200] =	vst v63  }
0x5b: {  	v3 =	vld [tilespmem:$0x60];
	_ =	sdelay $0x4  }
0x5c: {  	v62 =	vshll.u32 v3, $0x1  }
0x5d: {  	v3 =	vand.u32 $0x7, v3;
	v4 =	vand.u32 $0xFFFFFFF0, v62  }
0x5e: {  	v3 =	vor.u32 v3, v4  }
0x5f: {  	v4 =	vperm.xlane v3, v0;
	_ =	sdelay $0x1  }
0x60: {  	v3 =	vperm.xlane v3, v2;
	v4 =	vadd.s32 v1, v4;
	_ =	sdelay $0x1  }
0x61: {  	v3 =	vadd.s32 v1, v3;
	_ =	sdelay $0x1  }
0x62: {  	s28 =	simm.s32 $0x8200  }
0x63: {  	[tilespmem:s28], [sflag:$0x2] =	stream.indirect_vreg.gather [hbm4b:s14+s0], $0x80, v4, vm0, $0xb8;
	[tilespmem:$0x12200] =	vst v63  }
0x64: {  	s29 =	simm.s32 $0x8A00  }
0x65: {  	[tilespmem:s29], [sflag:$0x2] =	stream.indirect_vreg.gather [hbm4b:s14+s0], $0x80, v3, vm0, $0xb8;
	[tilespmem:$0x12200] =	vst v63  }
0x66: {  	v3 =	vld [tilespmem:$0x70];
	_ =	sdelay $0x4  }
0x67: {  	v63 =	vshll.u32 v3, $0x1  }
0x68: {  	v3 =	vand.u32 $0x7, v3;
	v4 =	vand.u32 $0xFFFFFFF0, v63  }
0x69: {  	v3 =	vor.u32 v3, v4  }
0x6a: {  	v4 =	vperm.xlane v3, v0;
	_ =	sdelay $0x1  }
0x6b: {  	v3 =	vperm.xlane v3, v2;
	v4 =	vadd.s32 v1, v4;
	_ =	sdelay $0x1  }
0x6c: {  	v3 =	vadd.s32 v1, v3;
	_ =	sdelay $0x1  }
0x6d: {  	s30 =	simm.s32 $0x9200  }
0x6e: {  	[tilespmem:s30], [sflag:$0x2] =	stream.indirect_vreg.gather [hbm4b:s14+s0], $0x80, v4, vm0, $0xb8;
	[tilespmem:$0x12200] =	vst v63  }
0x6f: {  	s31 =	simm.s32 $0x9A00;
	s1 =	simm.s32 $0x0  }
0x70: {  	[tilespmem:s31], [sflag:$0x2] =	stream.indirect_vreg.gather [hbm4b:s14+s0], $0x80, v3, vm0, $0xb8;
	[tilespmem:$0x12200] =	vst v63  }
.LBB2_2:
0x71: {  	[smem:$0x7F1] =	sst s1;
	s0 =	simm.s32 $0x1  }
0x72: {  	_ =	swait.ge [sflag:s0], $0x1000  }
0x73: {  	[sflag:s0] =	ssyncset.done $0x0  }
0x74: {  	[sflag:s0] =	ssyncadd.s32 $0xFFFFF000  }
0x75: {  	_ =	swait.ge [sflag:s0], $0x1000  }
0x76: {  	[sflag:s0] =	ssyncset.done $0x0  }
0x77: {  	[sflag:s0] =	ssyncadd.s32 $0xFFFFF000  }
0x78: {  	_ =	swait.ge [sflag:s0], $0x1000  }
0x79: {  	[sflag:s0] =	ssyncset.done $0x0  }
0x7a: {  	[sflag:s0] =	ssyncadd.s32 $0xFFFFF000  }
0x7b: {  	_ =	swait.ge [sflag:s0], $0x1000  }
0x7c: {  	p1 =	seq.s32 s1, $0x0;
	[sflag:s0] =	ssyncset.done $0x0  }
0x7d: {  	[sflag:s0] =	ssyncadd.s32 $0xFFFFF000;
	s0 =	simm.s32 @!p1 $0x3  }
0x7e: {  	_ =	swait.ge @!p1 [sflag:s0], $0x2000  }
0x7f: {  	[sflag:s0] =	ssyncset.done @!p1 $0x0  }
0x80: {  	s9 =	simm.s32 $0x0;
	[sflag:s0] =	ssyncadd.s32 @!p1 $0xFFFFE000  }
0x81: {  	s25 =	simm.s32 $0x100;
	s2 =	sand.u32 $0x3800, s9;
	_ =	swait.ge @!p1 [sflag:s0], $0x2000  }
0x82: {  	s1 =	sand.u32 $0x300, s25;
	s4 =	sadd.s32 $0x2200, s2;
	[sflag:s0] =	ssyncset.done @!p1 $0x0  }
0x83: {  	s26 =	sadd.s32 s1, s4;
	[sflag:s0] =	ssyncadd.s32 @!p1 $0xFFFFE000  }
0x84: {  	v3 =	vld [tilespmem:s26+$0x0]  }
0x85: {  	s7 =	simm.s32 $0x80;
	s8 =	sand.u32 $0x1000, s9;
	v4 =	vld [tilespmem:s26+$0x80]  }
0x86: {  	s6 =	sor.u32 $0x200, s8;
	s1 =	sand.u32 $0x380, s7  }
0x87: {  	s2 =	sadd.s32 s1, s6  }
0x88: {  	v5 =	vld [tilespmem:s2+$0x0];
	_ =	sdelay $0x1  }
0x89: {  	v6 =	vshll.u32 v3, $0x10;
	v7 =	vshll.u32 v4, $0x10  }
0x8a: {  	v6 =	vadd.f32 v7, v6  }
0x8b: {  	s3 =	sand.u32 $0x3000, s9  }
0x8c: {  	s7 =	sadd.s32 $0xA200, s3;
	v5 =	vadd.f32 v6, v5  }
0x8d: {  	s3 =	sadd.s32 s1, s7  }
0x8e: {  	[tilespmem:s3+$0x0] =	vst v5  }
0x8f: {  	v5 =	vld [tilespmem:s2+$0x10];
	_ =	sdelay $0x1  }
0x90: {  	v3 =	vand.u32 $0xFFFF0000, v3;
	v4 =	vand.u32 $0xFFFF0000, v4  }
0x91: {  	s10 =	simm.s32 $0x0;
	v3 =	vadd.f32 v4, v3  }
0x92: {  	s1 =	sand.u32 $0x200, s10  }
0x93: {  	s5 =	sadd.s32 s1, s4;
	v3 =	vadd.f32 v5, v3  }
0x94: {  	v4 =	vld [tilespmem:s5+$0x0]  }
0x95: {  	s11 =	simm.s32 $0x0;
	v5 =	vld [tilespmem:s5+$0x80];
	[tilespmem:s3+$0x10] =	vst v3  }
0x96: {  	s1 =	sand.u32 $0x300, s11;
	v3 =	vld [tilespmem:s26+$0x10]  }
0x97: {  	s31 =	sadd.s32 s1, s6;
	v6 =	vld [tilespmem:s26+$0x90]  }
0x98: {  	v7 =	vld [tilespmem:s31+$0x0];
	_ =	sdelay $0x1  }
0x99: {  	v8 =	vshll.u32 v4, $0x10;
	v10 =	vld [tilespmem:s2+$0x20];
	v9 =	vshll.u32 v5, $0x10  }
0x9a: {  	v8 =	vadd.f32 v9, v8  }
0x9b: {  	v9 =	vshll.u32 v3, $0x10;
	v11 =	vshll.u32 v6, $0x10  }
0x9c: {  	v7 =	vadd.f32 v8, v7;
	v8 =	vadd.f32 v11, v9  }
0x9d: {  	s4 =	sadd.s32 s1, s7  }
0x9e: {  	[tilespmem:s4+$0x0] =	vst v7;
	v7 =	vadd.f32 v8, v10  }
0x9f: {  	v8 =	vld [tilespmem:s31+$0x10]  }
0xa0: {  	[tilespmem:s3+$0x20] =	vst v7  }
0xa1: {  	v4 =	vand.u32 $0xFFFF0000, v4;
	v5 =	vand.u32 $0xFFFF0000, v5;
	v7 =	vld [tilespmem:s2+$0x30]  }
0xa2: {  	v4 =	vadd.f32 v5, v4  }
0xa3: {  	v3 =	vand.u32 $0xFFFF0000, v3;
	v5 =	vand.u32 $0xFFFF0000, v6  }
0xa4: {  	v3 =	vadd.f32 v5, v3;
	v4 =	vadd.f32 v8, v4;
	_ =	sdelay $0x1  }
0xa5: {  	[tilespmem:s4+$0x10] =	vst v4;
	v3 =	vadd.f32 v7, v3  }
0xa6: {  	v4 =	vld [tilespmem:s5+$0x10]  }
0xa7: {  	v5 =	vld [tilespmem:s5+$0x90];
	[tilespmem:s3+$0x30] =	vst v3  }
0xa8: {  	v3 =	vld [tilespmem:s26+$0x20]  }
0xa9: {  	v6 =	vld [tilespmem:s26+$0xA0]  }
0xaa: {  	v7 =	vld [tilespmem:s31+$0x20];
	_ =	sdelay $0x1  }
0xab: {  	v10 =	vld [tilespmem:s2+$0x40];
	v8 =	vshll.u32 v4, $0x10;
	v9 =	vshll.u32 v5, $0x10  }
0xac: {  	v8 =	vadd.f32 v9, v8  }
0xad: {  	v9 =	vshll.u32 v3, $0x10;
	v11 =	vshll.u32 v6, $0x10  }
0xae: {  	v7 =	vadd.f32 v8, v7;
	v8 =	vadd.f32 v11, v9;
	_ =	sdelay $0x1  }
0xaf: {  	[tilespmem:s4+$0x20] =	vst v7;
	v7 =	vadd.f32 v8, v10  }
0xb0: {  	v8 =	vld [tilespmem:s31+$0x30]  }
0xb1: {  	[tilespmem:s3+$0x40] =	vst v7  }
0xb2: {  	v4 =	vand.u32 $0xFFFF0000, v4;
	v5 =	vand.u32 $0xFFFF0000, v5;
	v7 =	vld [tilespmem:s2+$0x50]  }
0xb3: {  	v4 =	vadd.f32 v5, v4  }
0xb4: {  	v3 =	vand.u32 $0xFFFF0000, v3;
	v5 =	vand.u32 $0xFFFF0000, v6  }
0xb5: {  	v3 =	vadd.f32 v5, v3;
	v4 =	vadd.f32 v8, v4;
	_ =	sdelay $0x1  }
0xb6: {  	[tilespmem:s4+$0x30] =	vst v4;
	v3 =	vadd.f32 v7, v3  }
0xb7: {  	v4 =	vld [tilespmem:s5+$0x20]  }
0xb8: {  	v5 =	vld [tilespmem:s5+$0xA0];
	[tilespmem:s3+$0x50] =	vst v3  }
0xb9: {  	v3 =	vld [tilespmem:s26+$0x30]  }
0xba: {  	v6 =	vld [tilespmem:s26+$0xB0]  }
0xbb: {  	v7 =	vld [tilespmem:s31+$0x40];
	_ =	sdelay $0x1  }
0xbc: {  	v10 =	vld [tilespmem:s2+$0x60];
	v8 =	vshll.u32 v4, $0x10;
	v9 =	vshll.u32 v5, $0x10  }
0xbd: {  	v8 =	vadd.f32 v9, v8  }
0xbe: {  	v9 =	vshll.u32 v3, $0x10;
	v11 =	vshll.u32 v6, $0x10  }
0xbf: {  	v7 =	vadd.f32 v8, v7;
	v8 =	vadd.f32 v11, v9;
	_ =	sdelay $0x1  }
0xc0: {  	[tilespmem:s4+$0x40] =	vst v7;
	v7 =	vadd.f32 v8, v10  }
0xc1: {  	v8 =	vld [tilespmem:s31+$0x50]  }
0xc2: {  	[tilespmem:s3+$0x60] =	vst v7  }
0xc3: {  	v4 =	vand.u32 $0xFFFF0000, v4;
	v5 =	vand.u32 $0xFFFF0000, v5;
	v7 =	vld [tilespmem:s2+$0x70]  }
0xc4: {  	v4 =	vadd.f32 v5, v4  }
0xc5: {  	v3 =	vand.u32 $0xFFFF0000, v3;
	v5 =	vand.u32 $0xFFFF0000, v6  }
0xc6: {  	v3 =	vadd.f32 v5, v3;
	v4 =	vadd.f32 v8, v4;
	_ =	sdelay $0x1  }
0xc7: {  	[tilespmem:s4+$0x50] =	vst v4;
	v3 =	vadd.f32 v7, v3  }
0xc8: {  	v4 =	vld [tilespmem:s5+$0x30]  }
0xc9: {  	v5 =	vld [tilespmem:s5+$0xB0];
	[tilespmem:s3+$0x70] =	vst v3  }
0xca: {  	v3 =	vld [tilespmem:s26+$0x40]  }
0xcb: {  	v6 =	vld [tilespmem:s26+$0xC0]  }
0xcc: {  	v7 =	vld [tilespmem:s31+$0x60];
	_ =	sdelay $0x1  }
0xcd: {  	v10 =	vld [tilespmem:s2+$0x400];
	v8 =	vshll.u32 v4, $0x10;
	v9 =	vshll.u32 v5, $0x10  }
0xce: {  	v8 =	vadd.f32 v9, v8  }
0xcf: {  	v9 =	vshll.u32 v3, $0x10;
	v11 =	vshll.u32 v6, $0x10  }
0xd0: {  	v7 =	vadd.f32 v8, v7;
	v8 =	vadd.f32 v11, v9;
	_ =	sdelay $0x1  }
0xd1: {  	[tilespmem:s4+$0x60] =	vst v7;
	v7 =	vadd.f32 v8, v10  }
0xd2: {  	v8 =	vld [tilespmem:s31+$0x70]  }
0xd3: {  	[tilespmem:s3+$0x400] =	vst v7  }
0xd4: {  	v4 =	vand.u32 $0xFFFF0000, v4;
	v5 =	vand.u32 $0xFFFF0000, v5;
	v7 =	vld [tilespmem:s2+$0x410]  }
0xd5: {  	v4 =	vadd.f32 v5, v4  }
0xd6: {  	v3 =	vand.u32 $0xFFFF0000, v3;
	v5 =	vand.u32 $0xFFFF0000, v6  }
0xd7: {  	v3 =	vadd.f32 v5, v3;
	v4 =	vadd.f32 v8, v4;
	_ =	sdelay $0x1  }
0xd8: {  	[tilespmem:s4+$0x70] =	vst v4;
	v3 =	vadd.f32 v7, v3  }
0xd9: {  	v4 =	vld [tilespmem:s5+$0x40]  }
0xda: {  	v5 =	vld [tilespmem:s5+$0xC0];
	[tilespmem:s3+$0x410] =	vst v3  }
0xdb: {  	v3 =	vld [tilespmem:s26+$0x50]  }
0xdc: {  	v6 =	vld [tilespmem:s26+$0xD0]  }
0xdd: {  	v7 =	vld [tilespmem:s31+$0x400];
	_ =	sdelay $0x1  }
0xde: {  	v10 =	vld [tilespmem:s2+$0x420];
	v8 =	vshll.u32 v4, $0x10;
	v9 =	vshll.u32 v5, $0x10  }
0xdf: {  	v8 =	vadd.f32 v9, v8  }
0xe0: {  	s12 =	simm.s32 $0x400;
	v9 =	vshll.u32 v3, $0x10;
	v11 =	vshll.u32 v6, $0x10  }
0xe1: {  	s15 =	simm.s32 $0x300;
	s14 =	sand.u32 $0x3800, s12;
	v7 =	vadd.f32 v8, v7;
	v8 =	vadd.f32 v11, v9  }
0xe2: {  	s16 =	sand.u32 $0x300, s15;
	s8 =	sadd.s32 $0x2200, s14  }
0xe3: {  	s13 =	sadd.s32 s16, s8;
	[tilespmem:s4+$0x400] =	vst v7;
	v7 =	vadd.f32 v8, v10  }
0xe4: {  	v9 =	vld [tilespmem:s13+$0x80]  }
0xe5: {  	s18 =	simm.s32 $0x180;
	s17 =	sand.u32 $0x1000, s12;
	[tilespmem:s3+$0x420] =	vst v7;
	v7 =	vld [tilespmem:s13+$0x0]  }
0xe6: {  	s19 =	sand.u32 $0x380, s18;
	s10 =	sor.u32 $0x200, s17  }
0xe7: {  	s23 =	sadd.s32 s19, s10  }
0xe8: {  	v10 =	vld [tilespmem:s23+$0x0];
	_ =	sdelay $0x1  }
0xe9: {  	v11 =	vld [tilespmem:s2+$0x430];
	v13 =	vshll.u32 v9, $0x10;
	v12 =	vshll.u32 v7, $0x10  }
0xea: {  	v12 =	vadd.f32 v13, v12  }
0xeb: {  	s1 =	sand.u32 $0x3000, s12;
	v3 =	vand.u32 $0xFFFF0000, v3;
	v6 =	vand.u32 $0xFFFF0000, v6  }
0xec: {  	s1 =	sadd.s32 $0xA200, s1;
	v3 =	vadd.f32 v6, v3;
	v6 =	vadd.f32 v12, v10  }
0xed: {  	s6 =	sadd.s32 s19, s1  }
0xee: {  	v3 =	vadd.f32 v11, v3;
	[tilespmem:s6+$0x0] =	vst v6  }
0xef: {  	v6 =	vld [tilespmem:s23+$0x10]  }
0xf0: {  	[tilespmem:s3+$0x430] =	vst v3  }
0xf1: {  	v9 =	vand.u32 $0xFFFF0000, v9;
	v7 =	vand.u32 $0xFFFF0000, v7;
	v3 =	vld [tilespmem:s26+$0x60]  }
0xf2: {  	v7 =	vadd.f32 v9, v7;
	v10 =	vld [tilespmem:s26+$0xE0];
	_ =	sdelay $0x1  }
0xf3: {  	v6 =	vadd.f32 v6, v7  }
0xf4: {  	v7 =	vld [tilespmem:s2+$0x440]  }
0xf5: {  	[tilespmem:s6+$0x10] =	vst v6  }
0xf6: {  	v9 =	vshll.u32 v10, $0x10;
	v6 =	vshll.u32 v3, $0x10;
	v11 =	vld [tilespmem:s13+$0x10]  }
0xf7: {  	v6 =	vadd.f32 v9, v6;
	v9 =	vld [tilespmem:s13+$0x90];
	_ =	sdelay $0x1  }
0xf8: {  	v6 =	vadd.f32 v6, v7  }
0xf9: {  	v7 =	vld [tilespmem:s23+$0x20]  }
0xfa: {  	[tilespmem:s3+$0x440] =	vst v6  }
0xfb: {  	v6 =	vld [tilespmem:s2+$0x450];
	v12 =	vshll.u32 v11, $0x10;
	v13 =	vshll.u32 v9, $0x10  }
0xfc: {  	v12 =	vadd.f32 v13, v12  }
0xfd: {  	v10 =	vand.u32 $0xFFFF0000, v10;
	v3 =	vand.u32 $0xFFFF0000, v3  }
0xfe: {  	v3 =	vadd.f32 v10, v3;
	v7 =	vadd.f32 v12, v7;
	_ =	sdelay $0x1  }
0xff: {  	v3 =	vadd.f32 v6, v3;
	[tilespmem:s6+$0x20] =	vst v7  }
0x100: {  	v6 =	vld [tilespmem:s23+$0x30]  }
0x101: {  	s20 =	simm.s32 $0x200;
	[tilespmem:s3+$0x450] =	vst v3  }
0x102: {  	s7 =	sand.u32 $0x200, s20;
	v9 =	vand.u32 $0xFFFF0000, v9;
	v7 =	vand.u32 $0xFFFF0000, v11;
	v3 =	vld [tilespmem:s26+$0x70]  }
0x103: {  	s12 =	sadd.s32 s7, s8;
	v7 =	vadd.f32 v9, v7;
	v10 =	vld [tilespmem:s26+$0xF0]  }
0x104: {  	s21 =	simm.s32 $0x100;
	v11 =	vld [tilespmem:s12+$0x80]  }
0x105: {  	s0 =	sand.u32 $0x300, s21;
	v9 =	vld [tilespmem:s12+$0x0];
	v6 =	vadd.f32 v6, v7  }
0x106: {  	s30 =	sadd.s32 s0, s10;
	v7 =	vld [tilespmem:s2+$0x460]  }
0x107: {  	v12 =	vld [tilespmem:s30+$0x0];
	[tilespmem:s6+$0x30] =	vst v6  }
0x108: {  	v6 =	vshll.u32 v3, $0x10;
	v13 =	vshll.u32 v10, $0x10;
	v14 =	vld [tilespmem:s13+$0x20]  }
0x109: {  	v6 =	vadd.f32 v13, v6;
	v13 =	vld [tilespmem:s13+$0xA0]  }
0x10a: {  	v8 =	vld [tilespmem:s31+$0x410];
	v16 =	vshll.u32 v11, $0x10;
	v15 =	vshll.u32 v9, $0x10  }
0x10b: {  	v15 =	vadd.f32 v16, v15;
	v6 =	vadd.f32 v6, v7  }
0x10c: {  	v4 =	vand.u32 $0xFFFF0000, v4;
	v5 =	vand.u32 $0xFFFF0000, v5;
	v7 =	vld [tilespmem:s23+$0x40]  }
0x10d: {  	v4 =	vadd.f32 v5, v4;
	v5 =	vadd.f32 v15, v12;
	[tilespmem:s3+$0x460] =	vst v6  }
0x10e: {  	s0 =	sadd.s32 s0, s1;
	v6 =	vld [tilespmem:s2+$0x470];
	v12 =	vshll.u32 v14, $0x10;
	v15 =	vshll.u32 v13, $0x10  }
0x10f: {  	v4 =	vadd.f32 v8, v4;
	[tilespmem:s0+$0x0] =	vst v5;
	v5 =	vadd.f32 v15, v12  }
0x110: {  	v3 =	vand.u32 $0xFFFF0000, v3;
	v10 =	vand.u32 $0xFFFF0000, v10;
	v8 =	vld [tilespmem:s30+$0x10]  }
0x111: {  	s22 =	sand.u32 $0x3, s9;
	[tilespmem:s4+$0x410] =	vst v4;
	v3 =	vadd.f32 v10, v3;
	v4 =	vadd.f32 v5, v7  }
0x112: {  	s15 =	sshll.u32 s22, $0x8;
	v10 =	vld [tilespmem:s5+$0xD0];
	v7 =	vand.u32 $0xFFFF0000, v9;
	v9 =	vand.u32 $0xFFFF0000, v11  }
0x113: {  	s1 =	sadd.s32 $0x0, s15;
	v5 =	vld [tilespmem:s5+$0x50];
	v7 =	vadd.f32 v9, v7;
	v3 =	vadd.f32 v6, v3;
	[tilespmem:s6+$0x40] =	vst v4  }
0x114: {  	s10 =	sadd.s32 $0x100, s1;
	v4 =	vld [tilespmem:s23+$0x50]  }
0x115: {  	s7 =	sadd.s32 $0x180, s1;
	s24 =	sor.u32 $0x400, s10;
	v6 =	vld [tilespmem:s31+$0x420];
	v7 =	vadd.f32 v8, v7;
	[tilespmem:s3+$0x470] =	vst v3  }
0x116: {  	s1 =	sor.u32 $0x400, s7;
	v9 =	vand.u32 $0xFFFF0000, v13;
	v8 =	vand.u32 $0xFFFF0000, v14;
	v3 =	vld [tilespmem:s24+$0x2200]  }
0x117: {  	v8 =	vadd.f32 v9, v8;
	[tilespmem:s0+$0x10] =	vst v7;
	v7 =	vld [tilespmem:s1+$0x2200]  }
0x118: {  	v11 =	vshll.u32 v10, $0x10;
	v9 =	vshll.u32 v5, $0x10;
	v12 =	vld [tilespmem:s12+$0x10]  }
0x119: {  	v9 =	vadd.f32 v11, v9;
	v11 =	vld [tilespmem:s12+$0x90];
	v4 =	vadd.f32 v4, v8  }
0x11a: {  	v8 =	vld [tilespmem:s2+$0x800]  }
0x11b: {  	v6 =	vadd.f32 v9, v6;
	v9 =	vld [tilespmem:s30+$0x20];
	[tilespmem:s6+$0x50] =	vst v4  }
0x11c: {  	v4 =	vshll.u32 v3, $0x10;
	v13 =	vshll.u32 v7, $0x10;
	v14 =	vld [tilespmem:s13+$0x30]  }
0x11d: {  	[tilespmem:s4+$0x420] =	vst v6;
	v4 =	vadd.f32 v13, v4;
	v6 =	vld [tilespmem:s13+$0xB0]  }
0x11e: {  	v13 =	vld [tilespmem:s31+$0x430];
	v15 =	vshll.u32 v12, $0x10;
	v41 =	vshll.u32 v11, $0x10  }
0x11f: {  	v15 =	vadd.f32 v41, v15;
	v4 =	vadd.f32 v4, v8  }
0x120: {  	v5 =	vand.u32 $0xFFFF0000, v5;
	v8 =	vand.u32 $0xFFFF0000, v10;
	v10 =	vld [tilespmem:s23+$0x60]  }
0x121: {  	v5 =	vadd.f32 v8, v5;
	v8 =	vadd.f32 v15, v9;
	[tilespmem:s3+$0x800] =	vst v4  }
0x122: {  	v4 =	vld [tilespmem:s2+$0x810];
	v9 =	vshll.u32 v14, $0x10;
	v15 =	vshll.u32 v6, $0x10  }
0x123: {  	v5 =	vadd.f32 v13, v5;
	[tilespmem:s0+$0x20] =	vst v8;
	v8 =	vadd.f32 v15, v9  }
0x124: {  	v3 =	vand.u32 $0xFFFF0000, v3;
	v7 =	vand.u32 $0xFFFF0000, v7;
	v9 =	vld [tilespmem:s30+$0x30]  }
0x125: {  	v3 =	vadd.f32 v7, v3;
	[tilespmem:s4+$0x430] =	vst v5;
	v5 =	vadd.f32 v8, v10  }
0x126: {  	v7 =	vld [tilespmem:s5+$0x60];
	v8 =	vand.u32 $0xFFFF0000, v12;
	v10 =	vand.u32 $0xFFFF0000, v11  }
0x127: {  	v11 =	vld [tilespmem:s5+$0xE0];
	v8 =	vadd.f32 v10, v8;
	v3 =	vadd.f32 v4, v3;
	[tilespmem:s6+$0x60] =	vst v5  }
0x128: {  	v4 =	vld [tilespmem:s23+$0x70]  }
0x129: {  	s25 =	sor.u32 $0x410, s10;
	v5 =	vld [tilespmem:s31+$0x440];
	v8 =	vadd.f32 v9, v8;
	[tilespmem:s3+$0x810] =	vst v3  }
0x12a: {  	s26 =	sor.u32 $0x410, s7;
	v6 =	vand.u32 $0xFFFF0000, v6;
	v9 =	vand.u32 $0xFFFF0000, v14;
	v3 =	vld [tilespmem:s25+$0x2200]  }
0x12b: {  	v6 =	vadd.f32 v6, v9;
	[tilespmem:s0+$0x30] =	vst v8;
	v8 =	vld [tilespmem:s26+$0x2200]  }
0x12c: {  	v9 =	vshll.u32 v7, $0x10;
	v10 =	vshll.u32 v11, $0x10;
	v12 =	vld [tilespmem:s12+$0x20]  }
0x12d: {  	v9 =	vadd.f32 v10, v9;
	v10 =	vld [tilespmem:s12+$0xA0];
	v4 =	vadd.f32 v4, v6  }
0x12e: {  	v6 =	vld [tilespmem:s2+$0x820]  }
0x12f: {  	v5 =	vadd.f32 v9, v5;
	v9 =	vld [tilespmem:s30+$0x40];
	[tilespmem:s6+$0x70] =	vst v4  }
0x130: {  	v4 =	vshll.u32 v3, $0x10;
	v13 =	vshll.u32 v8, $0x10;
	v14 =	vld [tilespmem:s13+$0x40]  }
0x131: {  	[tilespmem:s4+$0x440] =	vst v5;
	v4 =	vadd.f32 v13, v4;
	v5 =	vld [tilespmem:s13+$0xC0]  }
0x132: {  	v13 =	vld [tilespmem:s31+$0x450];
	v15 =	vshll.u32 v12, $0x10;
	v42 =	vshll.u32 v10, $0x10  }
0x133: {  	v15 =	vadd.f32 v42, v15;
	v4 =	vadd.f32 v4, v6  }
0x134: {  	v6 =	vand.u32 $0xFFFF0000, v7;
	v7 =	vand.u32 $0xFFFF0000, v11;
	v11 =	vld [tilespmem:s23+$0x400]  }
0x135: {  	v6 =	vadd.f32 v7, v6;
	v7 =	vadd.f32 v15, v9;
	[tilespmem:s3+$0x820] =	vst v4  }
0x136: {  	v4 =	vld [tilespmem:s2+$0x830];
	v9 =	vshll.u32 v14, $0x10;
	v15 =	vshll.u32 v5, $0x10  }
0x137: {  	v6 =	vadd.f32 v13, v6;
	[tilespmem:s0+$0x40] =	vst v7;
	v7 =	vadd.f32 v15, v9  }
0x138: {  	v3 =	vand.u32 $0xFFFF0000, v3;
	v8 =	vand.u32 $0xFFFF0000, v8;
	v9 =	vld [tilespmem:s30+$0x50]  }
0x139: {  	v3 =	vadd.f32 v8, v3;
	[tilespmem:s4+$0x450] =	vst v6;
	v6 =	vadd.f32 v7, v11  }
0x13a: {  	v8 =	vand.u32 $0xFFFF0000, v12;
	v10 =	vand.u32 $0xFFFF0000, v10;
	v7 =	vld [tilespmem:s5+$0x70]  }
0x13b: {  	v8 =	vadd.f32 v10, v8;
	v11 =	vld [tilespmem:s5+$0xF0];
	v3 =	vadd.f32 v4, v3;
	[tilespmem:s6+$0x400] =	vst v6  }
0x13c: {  	v4 =	vld [tilespmem:s23+$0x410]  }
0x13d: {  	s5 =	sor.u32 $0x420, s10;
	v6 =	vld [tilespmem:s31+$0x460];
	v8 =	vadd.f32 v9, v8;
	[tilespmem:s3+$0x830] =	vst v3  }
0x13e: {  	s8 =	sor.u32 $0x420, s7;
	v5 =	vand.u32 $0xFFFF0000, v5;
	v9 =	vand.u32 $0xFFFF0000, v14;
	v3 =	vld [tilespmem:s5+$0x2200]  }
0x13f: {  	v5 =	vadd.f32 v5, v9;
	[tilespmem:s0+$0x50] =	vst v8;
	v8 =	vld [tilespmem:s8+$0x2200]  }
0x140: {  	v9 =	vshll.u32 v7, $0x10;
	v10 =	vshll.u32 v11, $0x10;
	v12 =	vld [tilespmem:s12+$0x30]  }
0x141: {  	v9 =	vadd.f32 v10, v9;
	v10 =	vld [tilespmem:s12+$0xB0];
	v4 =	vadd.f32 v4, v5  }
0x142: {  	v5 =	vld [tilespmem:s2+$0x840]  }
0x143: {  	v6 =	vadd.f32 v9, v6;
	v9 =	vld [tilespmem:s30+$0x60];
	[tilespmem:s6+$0x410] =	vst v4  }
0x144: {  	v4 =	vld [tilespmem:s13+$0x50]  }
0x145: {  	[tilespmem:s4+$0x460] =	vst v6;
	v6 =	vshll.u32 v3, $0x10;
	v13 =	vshll.u32 v8, $0x10;
	v14 =	vld [tilespmem:s13+$0xD0]  }
0x146: {  	v15 =	vld [tilespmem:s31+$0x470];
	v6 =	vadd.f32 v13, v6  }
0x147: {  	v7 =	vand.u32 $0xFFFF0000, v7;
	v13 =	vshll.u32 v12, $0x10;
	v43 =	vshll.u32 v10, $0x10  }
0x148: {  	v11 =	vand.u32 $0xFFFF0000, v11;
	v13 =	vadd.f32 v43, v13;
	v5 =	vadd.f32 v6, v5;
	v6 =	vld [tilespmem:s23+$0x420]  }
0x149: {  	p0 =	por $0x0, $0x0;
	s1 =	simm.s32 $0x1;
	v7 =	vadd.f32 v11, v7  }
0x14a: {  	s1 =	simm.s32 @!p0 $0x0;
	v9 =	vadd.f32 v13, v9;
	[tilespmem:s3+$0x840] =	vst v5;
	v5 =	vshll.u32 v4, $0x10;
	v11 =	vshll.u32 v14, $0x10  }
0x14b: {  	s1 =	sshll.u32 s1, $0x9;
	v7 =	vadd.f32 v15, v7;
	v13 =	vld [tilespmem:s2+$0x850];
	v5 =	vadd.f32 v11, v5  }
0x14c: {  	s8 =	sadd.s32 $0x0, s1;
	[tilespmem:s0+$0x60] =	vst v9  }
0x14d: {  	s5 =	sadd.s32 $0x80, s8;
	s1 =	sor.u32 $0x400, s8;
	v3 =	vand.u32 $0xFFFF0000, v3;
	v8 =	vand.u32 $0xFFFF0000, v8;
	[tilespmem:s4+$0x470] =	vst v7;
	v7 =	vld [tilespmem:s30+$0x70];
	v5 =	vadd.f32 v5, v6  }
0x14e: {  	s11 =	sor.u32 $0x400, s5;
	v3 =	vadd.f32 v8, v3;
	v6 =	vld [tilespmem:s1+$0x2200]  }
0x14f: {  	v8 =	vand.u32 $0xFFFF0000, v12;
	v9 =	vand.u32 $0xFFFF0000, v10;
	v10 =	vld [tilespmem:s11+$0x2200];
	[tilespmem:s6+$0x420] =	vst v5  }
0x150: {  	v5 =	vadd.f32 v9, v8;
	v3 =	vadd.f32 v13, v3;
	v8 =	vld [tilespmem:s23+$0x430];
	_ =	sdelay $0x1  }
0x151: {  	s11 =	sor.u32 $0x430, s10;
	v9 =	vld [tilespmem:s31+$0x800];
	v5 =	vadd.f32 v7, v5;
	[tilespmem:s3+$0x850] =	vst v3;
	v3 =	vand.u32 $0xFFFF0000, v4;
	v4 =	vand.u32 $0xFFFF0000, v14  }
0x152: {  	s14 =	sor.u32 $0x430, s7;
	v7 =	vld [tilespmem:s11+$0x2200];
	v3 =	vadd.f32 v4, v3  }
0x153: {  	v4 =	vld [tilespmem:s14+$0x2200];
	[tilespmem:s0+$0x70] =	vst v5  }
0x154: {  	v11 =	vshll.u32 v10, $0x10;
	v5 =	vshll.u32 v6, $0x10;
	v12 =	vld [tilespmem:s12+$0x40];
	v3 =	vadd.f32 v8, v3  }
0x155: {  	s19 =	simm.s32 $0x800;
	v5 =	vadd.f32 v11, v5;
	v11 =	vld [tilespmem:s2+$0x860]  }
0x156: {  	s17 =	simm.s32 $0x500;
	s16 =	sand.u32 $0x3800, s19;
	v8 =	vld [tilespmem:s12+$0xC0];
	[tilespmem:s6+$0x430] =	vst v3  }
0x157: {  	s18 =	sand.u32 $0x300, s17;
	s16 =	sadd.s32 $0x2200, s16;
	v3 =	vadd.f32 v5, v9;
	v5 =	vld [tilespmem:s13+$0x60]  }
0x158: {  	s11 =	sadd.s32 s18, s16;
	v9 =	vshll.u32 v7, $0x10;
	v13 =	vshll.u32 v4, $0x10;
	v14 =	vld [tilespmem:s13+$0xE0]  }
0x159: {  	v17 =	vld [tilespmem:s11+$0x0];
	v9 =	vadd.f32 v13, v9  }
0x15a: {  	[tilespmem:s4+$0x800] =	vst v3;
	v3 =	vld [tilespmem:s30+$0x400]  }
0x15b: {  	v9 =	vadd.f32 v9, v11;
	v11 =	vld [tilespmem:s23+$0x440]  }
0x15c: {  	v15 =	vshll.u32 v12, $0x10;
	v13 =	vld [tilespmem:s31+$0x810];
	v44 =	vshll.u32 v8, $0x10  }
0x15d: {  	s20 =	sand.u32 $0x1000, s19;
	s14 =	simm.s32 $0x280;
	v18 =	vld [tilespmem:s11+$0x80];
	v15 =	vadd.f32 v44, v15;
	[tilespmem:s3+$0x860] =	vst v9;
	v9 =	vshll.u32 v5, $0x10;
	v45 =	vshll.u32 v14, $0x10  }
0x15e: {  	s1 =	sor.u32 $0x200, s20;
	v10 =	vand.u32 $0xFFFF0000, v10;
	v6 =	vand.u32 $0xFFFF0000, v6;
	s17 =	sand.u32 $0x380, s14;
	v19 =	vld [tilespmem:s2+$0x870];
	v9 =	vadd.f32 v45, v9  }
0x15f: {  	v6 =	vadd.f32 v10, v6;
	s22 =	sadd.s32 s17, s1;
	v3 =	vadd.f32 v15, v3  }
0x160: {  	v10 =	vld [tilespmem:s22+$0x0];
	v7 =	vand.u32 $0xFFFF0000, v7;
	v4 =	vand.u32 $0xFFFF0000, v4;
	v9 =	vadd.f32 v9, v11  }
0x161: {  	v6 =	vadd.f32 v13, v6;
	[tilespmem:s0+$0x400] =	vst v3;
	v3 =	vadd.f32 v4, v7  }
0x162: {  	v4 =	vshll.u32 v17, $0x10;
	v7 =	vld [tilespmem:s30+$0x410];
	[tilespmem:s6+$0x440] =	vst v9;
	v9 =	vshll.u32 v18, $0x10  }
0x163: {  	s21 =	sor.u32 $0x410, s8;
	[tilespmem:s4+$0x810] =	vst v6;
	v6 =	vadd.f32 v19, v3;
	v11 =	vld [tilespmem:s23+$0x450];
	v9 =	vadd.f32 v9, v4  }
0x164: {  	s24 =	sand.u32 $0x3000, s19;
	s18 =	sor.u32 $0x410, s5;
	v3 =	vld [tilespmem:s21+$0x2200]  }
0x165: {  	s25 =	sor.u32 $0x440, s10;
	s14 =	sadd.s32 $0xA200, s24;
	v5 =	vand.u32 $0xFFFF0000, v5;
	v4 =	vld [tilespmem:s18+$0x2200];
	[tilespmem:s3+$0x870] =	vst v6;
	v6 =	vand.u32 $0xFFFF0000, v14;
	v9 =	vadd.f32 v9, v10  }
0x166: {  	s26 =	sor.u32 $0x440, s7;
	s3 =	sadd.s32 s17, s14;
	v10 =	vld [tilespmem:s25+$0x2200];
	v5 =	vadd.f32 v6, v5  }
0x167: {  	v8 =	vand.u32 $0xFFFF0000, v8;
	v6 =	vand.u32 $0xFFFF0000, v12;
	v12 =	vld [tilespmem:s26+$0x2200];
	[tilespmem:s3+$0x0] =	vst v9  }
0x168: {  	v6 =	vadd.f32 v8, v6;
	v5 =	vadd.f32 v11, v5;
	v8 =	vld [tilespmem:s22+$0x10]  }
0x169: {  	v9 =	vld [tilespmem:s31+$0x820]  }
0x16a: {  	v6 =	vadd.f32 v7, v6;
	v7 =	vld [tilespmem:s2+$0xC00];
	v11 =	vand.u32 $0xFFFF0000, v18;
	[tilespmem:s6+$0x450] =	vst v5;
	v5 =	vand.u32 $0xFFFF0000, v17  }
0x16b: {  	v13 =	vld [tilespmem:s13+$0x70];
	v5 =	vadd.f32 v11, v5  }
0x16c: {  	[tilespmem:s0+$0x410] =	vst v6;
	v6 =	vld [tilespmem:s13+$0xF0]  }
0x16d: {  	s9 =	sand.u32 $0x7, s9;
	v14 =	vshll.u32 v10, $0x10;
	v15 =	vshll.u32 v12, $0x10;
	v11 =	vld [tilespmem:s12+$0x50];
	v5 =	vadd.f32 v8, v5  }
0x16e: {  	s9 =	sshll.u32 s9, $0x7;
	v14 =	vadd.f32 v15, v14;
	v15 =	vld [tilespmem:s23+$0x460]  }
0x16f: {  	s9 =	sadd.s32 $0x0, s9;
	v20 =	vld [tilespmem:s30+$0x420];
	[tilespmem:s3+$0x10] =	vst v5  }
0x170: {  	s19 =	sadd.s32 $0x80, s9;
	v5 =	vadd.f32 v14, v7;
	v7 =	vld [tilespmem:s11+$0x10]  }
0x171: {  	s9 =	sor.u32 $0xC00, s19;
	v14 =	vshll.u32 v13, $0x10;
	v46 =	vshll.u32 v6, $0x10;
	v47 =	vld [tilespmem:s11+$0x90]  }
0x172: {  	s18 =	simm.s32 $0x400;
	v48 =	vshll.u32 v3, $0x10;
	v49 =	vshll.u32 v4, $0x10;
	v8 =	vld [tilespmem:s12+$0xD0];
	[tilespmem:s9+$0xA200] =	vst v5;
	v5 =	vadd.f32 v46, v14  }
0x173: {  	v14 =	vadd.f32 v49, v48;
	s9 =	sand.u32 $0x200, s18;
	v50 =	vld [tilespmem:s2+$0xC10]  }
0x174: {  	s16 =	sadd.s32 s9, s16;
	v5 =	vadd.f32 v5, v15;
	v15 =	vld [tilespmem:s22+$0x20]  }
0x175: {  	v10 =	vand.u32 $0xFFFF0000, v10;
	v12 =	vand.u32 $0xFFFF0000, v12;
	v9 =	vadd.f32 v14, v9;
	v14 =	vld [tilespmem:s16+$0x0]  }
0x176: {  	s20 =	simm.s32 $0x200;
	v10 =	vadd.f32 v12, v10;
	v12 =	vld [tilespmem:s16+$0x80];
	[tilespmem:s6+$0x460] =	vst v5;
	v5 =	vshll.u32 v7, $0x10;
	v51 =	vshll.u32 v47, $0x10  }
0x177: {  	v52 =	vshll.u32 v11, $0x10;
	s9 =	sand.u32 $0x300, s20;
	v22 =	vld [tilespmem:s23+$0x470];
	v5 =	vadd.f32 v51, v5  }
0x178: {  	v13 =	vand.u32 $0xFFFF0000, v13;
	v21 =	vshll.u32 v8, $0x10;
	s25 =	sadd.s32 s9, s1;
	v10 =	vadd.f32 v50, v10  }
0x179: {  	s21 =	sor.u32 $0xC10, s19;
	s13 =	simm.s32 $0x2;
	v6 =	vand.u32 $0xFFFF0000, v6;
	v53 =	vadd.f32 v21, v52;
	[tilespmem:s4+$0x820] =	vst v9;
	v9 =	vld [tilespmem:s25+$0x0];
	v5 =	vadd.f32 v5, v15  }
0x17a: {  	s24 =	sor.u32 $0x450, s10;
	s26 =	sand.u32 $0x3, s13;
	v6 =	vadd.f32 v6, v13;
	v15 =	vld [tilespmem:s31+$0x830];
	[tilespmem:s21+$0xA200] =	vst v10  }
0x17b: {  	s18 =	sshll.u32 s26, $0x8;
	v54 =	vshll.u32 v14, $0x10;
	v55 =	vshll.u32 v12, $0x10;
	v10 =	vadd.f32 v53, v20;
	v13 =	vld [tilespmem:s24+$0x2200];
	[tilespmem:s3+$0x20] =	vst v5  }
0x17c: {  	s20 =	sor.u32 $0x450, s7;
	s1 =	sadd.s32 $0x400, s18;
	v5 =	vadd.f32 v55, v54;
	v6 =	vadd.f32 v22, v6;
	v56 =	vld [tilespmem:s22+$0x30]  }
0x17d: {  	s29 =	sadd.s32 $0x100, s1;
	[tilespmem:s0+$0x420] =	vst v10;
	v10 =	vld [tilespmem:s20+$0x2200]  }
0x17e: {  	s18 =	sadd.s32 $0x180, s1;
	s21 =	sor.u32 $0x400, s29;
	v57 =	vld [tilespmem:s30+$0x430];
	v5 =	vadd.f32 v5, v9;
	[tilespmem:s6+$0x470] =	vst v6;
	v6 =	vand.u32 $0xFFFF0000, v7;
	v7 =	vand.u32 $0xFFFF0000, v47  }
0x17f: {  	s1 =	sor.u32 $0x400, s18;
	s24 =	sadd.s32 s9, s14;
	v9 =	vld [tilespmem:s21+$0x2200];
	v6 =	vadd.f32 v7, v6  }
0x180: {  	v8 =	vand.u32 $0xFFFF0000, v8;
	v7 =	vand.u32 $0xFFFF0000, v11;
	[tilespmem:s24+$0x0] =	vst v5;
	v5 =	vld [tilespmem:s1+$0x2200]  }
0x181: {  	v7 =	vadd.f32 v8, v7;
	v8 =	vld [tilespmem:s25+$0x10];
	v6 =	vadd.f32 v56, v6  }
0x182: {  	v11 =	vld [tilespmem:s2+$0xC20]  }
0x183: {  	v14 =	vand.u32 $0xFFFF0000, v14;
	v12 =	vand.u32 $0xFFFF0000, v12;
	v58 =	vld [tilespmem:s23+$0x800];
	v7 =	vadd.f32 v57, v7;
	[tilespmem:s3+$0x30] =	vst v6  }
0x184: {  	v6 =	vadd.f32 v12, v14;
	v12 =	vld [tilespmem:s11+$0x20]  }
0x185: {  	[tilespmem:s0+$0x430] =	vst v7;
	v7 =	vshll.u32 v9, $0x10;
	v14 =	vshll.u32 v5, $0x10;
	v59 =	vld [tilespmem:s11+$0xA0]  }
0x186: {  	v60 =	vld [tilespmem:s12+$0x60];
	v6 =	vadd.f32 v8, v6;
	v7 =	vadd.f32 v14, v7  }
0x187: {  	v8 =	vld [tilespmem:s12+$0xE0]  }
0x188: {  	[tilespmem:s24+$0x10] =	vst v6;
	v6 =	vadd.f32 v7, v58;
	v7 =	vld [tilespmem:s22+$0x40]  }
0x189: {  	v3 =	vand.u32 $0xFFFF0000, v3;
	v4 =	vand.u32 $0xFFFF0000, v4;
	v14 =	vld [tilespmem:s16+$0x10]  }
0x18a: {  	v3 =	vadd.f32 v4, v3;
	v4 =	vld [tilespmem:s16+$0x90];
	[tilespmem:s6+$0x800] =	vst v6;
	v6 =	vshll.u32 v12, $0x10;
	v61 =	vshll.u32 v59, $0x10  }
0x18b: {  	v62 =	vshll.u32 v13, $0x10;
	v63 =	vshll.u32 v10, $0x10;
	v24 =	vld [tilespmem:s23+$0x810];
	v6 =	vadd.f32 v61, v6  }
0x18c: {  	v3 =	vadd.f32 v15, v3;
	v15 =	vadd.f32 v63, v62  }
0x18d: {  	v9 =	vand.u32 $0xFFFF0000, v9;
	v5 =	vand.u32 $0xFFFF0000, v5;
	v25 =	vld [tilespmem:s25+$0x20];
	v6 =	vadd.f32 v6, v7  }
0x18e: {  	[tilespmem:s4+$0x830] =	vst v3;
	v3 =	vadd.f32 v15, v11;
	v5 =	vadd.f32 v5, v9;
	v7 =	vld [tilespmem:s30+$0x440]  }
0x18f: {  	v11 =	vshll.u32 v60, $0x10;
	v15 =	vshll.u32 v14, $0x10;
	v26 =	vshll.u32 v4, $0x10;
	[tilespmem:s3+$0x40] =	vst v6  }
0x190: {  	s14 =	sor.u32 $0xC20, s19;
	v6 =	vshll.u32 v8, $0x10;
	v15 =	vadd.f32 v26, v15;
	v5 =	vadd.f32 v24, v5;
	v27 =	vld [tilespmem:s22+$0x50]  }
0x191: {  	[tilespmem:s14+$0xA200] =	vst v3;
	v3 =	vadd.f32 v6, v11  }
0x192: {  	s17 =	sor.u32 $0x410, s29;
	v6 =	vld [tilespmem:s2+$0xC30];
	v11 =	vadd.f32 v15, v25;
	[tilespmem:s6+$0x810] =	vst v5;
	v5 =	vand.u32 $0xFFFF0000, v12;
	v12 =	vand.u32 $0xFFFF0000, v59  }
0x193: {  	s20 =	sor.u32 $0x410, s18;
	v3 =	vadd.f32 v3, v7;
	v7 =	vld [tilespmem:s17+$0x2200];
	v5 =	vadd.f32 v12, v5  }
0x194: {  	v10 =	vand.u32 $0xFFFF0000, v10;
	v12 =	vand.u32 $0xFFFF0000, v13;
	[tilespmem:s24+$0x20] =	vst v11;
	v11 =	vld [tilespmem:s20+$0x2200]  }
0x195: {  	v10 =	vadd.f32 v10, v12;
	[tilespmem:s0+$0x440] =	vst v3;
	v3 =	vld [tilespmem:s25+$0x30];
	v5 =	vadd.f32 v27, v5  }
0x196: {  	v13 =	vld [tilespmem:s23+$0x820]  }
0x197: {  	v4 =	vand.u32 $0xFFFF0000, v4;
	v12 =	vld [tilespmem:s30+$0x450];
	v6 =	vadd.f32 v6, v10;
	v10 =	vand.u32 $0xFFFF0000, v14;
	[tilespmem:s3+$0x50] =	vst v5  }
0x198: {  	s21 =	sor.u32 $0xC30, s19;
	v4 =	vadd.f32 v4, v10;
	v5 =	vld [tilespmem:s11+$0x30]  }
0x199: {  	s9 =	sor.u32 $0x420, s5;
	[tilespmem:s21+$0xA200] =	vst v6;
	v6 =	vshll.u32 v7, $0x10;
	v10 =	vshll.u32 v11, $0x10;
	v14 =	vld [tilespmem:s11+$0xB0]  }
0x19a: {  	s26 =	sor.u32 $0x420, s8;
	v28 =	vld [tilespmem:s9+$0x2200];
	v3 =	vadd.f32 v3, v4;
	v4 =	vadd.f32 v10, v6  }
0x19b: {  	v9 =	vld [tilespmem:s26+$0x2200];
	v8 =	vand.u32 $0xFFFF0000, v8;
	v6 =	vand.u32 $0xFFFF0000, v60  }
0x19c: {  	v6 =	vadd.f32 v8, v6;
	[tilespmem:s24+$0x30] =	vst v3;
	v3 =	vadd.f32 v4, v13;
	v4 =	vld [tilespmem:s22+$0x60]  }
0x19d: {  	v8 =	vld [tilespmem:s16+$0x20]  }
0x19e: {  	v6 =	vadd.f32 v12, v6;
	v12 =	vld [tilespmem:s16+$0xA0];
	[tilespmem:s6+$0x820] =	vst v3;
	v3 =	vshll.u32 v5, $0x10;
	v13 =	vshll.u32 v14, $0x10  }
0x19f: {  	v29 =	vld [tilespmem:s23+$0x830];
	v3 =	vadd.f32 v13, v3  }
0x1a0: {  	v31 =	vld [tilespmem:s25+$0x40]  }
0x1a1: {  	v7 =	vand.u32 $0xFFFF0000, v7;
	v11 =	vand.u32 $0xFFFF0000, v11;
	v13 =	vld [tilespmem:s31+$0x840];
	[tilespmem:s0+$0x450] =	vst v6;
	v3 =	vadd.f32 v3, v4  }
0x1a2: {  	v30 =	vshll.u32 v28, $0x10;
	v7 =	vadd.f32 v11, v7;
	v6 =	vld [tilespmem:s12+$0x70];
	v4 =	vshll.u32 v9, $0x10  }
0x1a3: {  	v11 =	vld [tilespmem:s12+$0xF0];
	v4 =	vadd.f32 v30, v4;
	[tilespmem:s3+$0x60] =	vst v3  }
0x1a4: {  	s26 =	sor.u32 $0x460, s10;
	v32 =	vshll.u32 v12, $0x10;
	v3 =	vshll.u32 v8, $0x10;
	v7 =	vadd.f32 v29, v7;
	v33 =	vld [tilespmem:s22+$0x70]  }
0x1a5: {  	v15 =	vld [tilespmem:s26+$0x2200];
	v3 =	vadd.f32 v32, v3  }
0x1a6: {  	v5 =	vand.u32 $0xFFFF0000, v5;
	s12 =	sor.u32 $0x420, s29;
	v4 =	vadd.f32 v4, v13;
	v13 =	vld [tilespmem:s30+$0x460];
	[tilespmem:s6+$0x830] =	vst v7;
	v7 =	vand.u32 $0xFFFF0000, v14  }
0x1a7: {  	s14 =	sor.u32 $0x420, s18;
	v3 =	vadd.f32 v3, v31;
	v14 =	vld [tilespmem:s12+$0x2200];
	v5 =	vadd.f32 v7, v5  }
0x1a8: {  	[tilespmem:s4+$0x840] =	vst v4;
	v4 =	vld [tilespmem:s14+$0x2200]  }
0x1a9: {  	v35 =	vshll.u32 v11, $0x10;
	v7 =	vshll.u32 v6, $0x10;
	v36 =	vld [tilespmem:s31+$0x850];
	[tilespmem:s24+$0x40] =	vst v3;
	v3 =	vadd.f32 v33, v5  }
0x1aa: {  	v39 =	vld [tilespmem:s23+$0x840];
	v5 =	vadd.f32 v35, v7  }
0x1ab: {  	v7 =	vld [tilespmem:s25+$0x50];
	[tilespmem:s3+$0x70] =	vst v3  }
0x1ac: {  	v9 =	vand.u32 $0xFFFF0000, v9;
	v3 =	vand.u32 $0xFFFF0000, v28;
	v5 =	vadd.f32 v5, v13;
	v13 =	vld [tilespmem:s11+$0x40]  }
0x1ad: {  	s9 =	sor.u32 $0x460, s7;
	v3 =	vadd.f32 v3, v9;
	v9 =	vshll.u32 v14, $0x10;
	v40 =	vshll.u32 v4, $0x10;
	v41 =	vld [tilespmem:s11+$0xC0]  }
0x1ae: {  	v10 =	vld [tilespmem:s9+$0x2200];
	v8 =	vand.u32 $0xFFFF0000, v8;
	[tilespmem:s0+$0x460] =	vst v5;
	v5 =	vadd.f32 v40, v9  }
0x1af: {  	v11 =	vand.u32 $0xFFFF0000, v11;
	v9 =	vand.u32 $0xFFFF0000, v12;
	v3 =	vadd.f32 v36, v3;
	v12 =	vld [tilespmem:s30+$0x470]  }
0x1b0: {  	v6 =	vand.u32 $0xFFFF0000, v6;
	v8 =	vadd.f32 v9, v8;
	v9 =	vld [tilespmem:s22+$0x400];
	v5 =	vadd.f32 v5, v39  }
0x1b1: {  	s20 =	sor.u32 $0x430, s8;
	v34 =	vld [tilespmem:s2+$0xC40];
	v6 =	vadd.f32 v11, v6;
	[tilespmem:s4+$0x850] =	vst v3  }
0x1b2: {  	p0 =	por !p0, !p0;
	s9 =	simm.s32 $0x1;
	v3 =	vadd.f32 v7, v8;
	v11 =	vld [tilespmem:s20+$0x2200];
	[tilespmem:s6+$0x840] =	vst v5;
	v5 =	vshll.u32 v13, $0x10;
	v7 =	vshll.u32 v41, $0x10  }
0x1b3: {  	s21 =	sor.u32 $0x430, s5;
	s9 =	simm.s32 @!p0 $0x0;
	v8 =	vld [tilespmem:s23+$0x850];
	v5 =	vadd.f32 v7, v5  }
0x1b4: {  	s9 =	sshll.u32 s9, $0x9;
	v7 =	vld [tilespmem:s21+$0x2200];
	[tilespmem:s24+$0x50] =	vst v3;
	v6 =	vadd.f32 v12, v6  }
0x1b5: {  	v4 =	vand.u32 $0xFFFF0000, v4;
	s20 =	sadd.s32 $0x400, s9;
	v3 =	vand.u32 $0xFFFF0000, v14;
	v12 =	vld [tilespmem:s16+$0x30];
	v5 =	vadd.f32 v5, v9  }
0x1b6: {  	s26 =	sor.u32 $0x400, s20;
	v3 =	vadd.f32 v4, v3;
	[tilespmem:s0+$0x470] =	vst v6;
	v6 =	vld [tilespmem:s16+$0xB0]  }
0x1b7: {  	v37 =	vshll.u32 v15, $0x10;
	v38 =	vshll.u32 v10, $0x10;
	s21 =	sadd.s32 $0x80, s20;
	v4 =	vld [tilespmem:s26+$0x2200];
	[tilespmem:s3+$0x400] =	vst v5  }
0x1b8: {  	v16 =	vadd.f32 v38, v37;
	s9 =	sor.u32 $0x400, s21;
	v3 =	vadd.f32 v8, v3;
	v5 =	vld [tilespmem:s22+$0x410]  }
0x1b9: {  	v9 =	vld [tilespmem:s9+$0x2200]  }
0x1ba: {  	v16 =	vadd.f32 v16, v34;
	s12 =	sor.u32 $0x430, s29;
	v8 =	vld [tilespmem:s25+$0x60];
	[tilespmem:s6+$0x850] =	vst v3;
	v3 =	vand.u32 $0xFFFF0000, v13;
	v13 =	vand.u32 $0xFFFF0000, v41  }
0x1bb: {  	s17 =	sor.u32 $0xC40, s19;
	s14 =	sor.u32 $0x430, s18;
	v14 =	vand.u32 $0xFFFF0000, v15;
	v15 =	vld [tilespmem:s12+$0x2200];
	v3 =	vadd.f32 v13, v3  }
0x1bc: {  	[tilespmem:s17+$0xA200] =	vst v16;
	v13 =	vld [tilespmem:s14+$0x2200]  }
0x1bd: {  	v16 =	vld [tilespmem:s2+$0xC50];
	v42 =	vshll.u32 v12, $0x10;
	v43 =	vshll.u32 v6, $0x10;
	v3 =	vadd.f32 v5, v3  }
0x1be: {  	v10 =	vand.u32 $0xFFFF0000, v10;
	v44 =	vld [tilespmem:s30+$0x800];
	v5 =	vadd.f32 v43, v42  }
0x1bf: {  	v10 =	vadd.f32 v10, v14;
	v45 =	vld [tilespmem:s23+$0x860];
	[tilespmem:s3+$0x410] =	vst v3  }
0x1c0: {  	v3 =	vadd.f32 v5, v8;
	v5 =	vshll.u32 v4, $0x10;
	v8 =	vshll.u32 v9, $0x10;
	v46 =	vld [tilespmem:s11+$0x50]  }
0x1c1: {  	v5 =	vadd.f32 v8, v5;
	v8 =	vshll.u32 v15, $0x10;
	v47 =	vshll.u32 v13, $0x10;
	v48 =	vld [tilespmem:s11+$0xD0]  }
0x1c2: {  	v14 =	vld [tilespmem:s31+$0x860];
	v10 =	vadd.f32 v16, v10;
	[tilespmem:s24+$0x60] =	vst v3;
	v3 =	vadd.f32 v47, v8  }
0x1c3: {  	s17 =	sor.u32 $0xC50, s19;
	v51 =	vld [tilespmem:s25+$0x70];
	v5 =	vadd.f32 v5, v44  }
0x1c4: {  	v49 =	vshll.u32 v11, $0x10;
	s26 =	sor.u32 $0x470, s10;
	v50 =	vshll.u32 v7, $0x10;
	[tilespmem:s17+$0xA200] =	vst v10;
	v52 =	vld [tilespmem:s22+$0x420];
	v10 =	vadd.f32 v3, v45  }
0x1c5: {  	v12 =	vand.u32 $0xFFFF0000, v12;
	v6 =	vand.u32 $0xFFFF0000, v6;
	v8 =	vadd.f32 v50, v49;
	v3 =	vld [tilespmem:s26+$0x2200];
	[tilespmem:s0+$0x800] =	vst v5  }
0x1c6: {  	v5 =	vadd.f32 v6, v12;
	v6 =	vld [tilespmem:s30+$0x810];
	[tilespmem:s6+$0x860] =	vst v10;
	v10 =	vshll.u32 v46, $0x10;
	v12 =	vshll.u32 v48, $0x10  }
0x1c7: {  	s9 =	sor.u32 $0x470, s7;
	v9 =	vand.u32 $0xFFFF0000, v9;
	v8 =	vadd.f32 v8, v14;
	v53 =	vld [tilespmem:s23+$0x870];
	v10 =	vadd.f32 v12, v10  }
0x1c8: {  	v13 =	vand.u32 $0xFFFF0000, v13;
	v14 =	vand.u32 $0xFFFF0000, v4;
	v4 =	vld [tilespmem:s9+$0x2200];
	v5 =	vadd.f32 v51, v5  }
0x1c9: {  	v9 =	vadd.f32 v9, v14;
	[tilespmem:s4+$0x860] =	vst v8;
	v8 =	vand.u32 $0xFFFF0000, v15;
	v12 =	vld [tilespmem:s2+$0xC60];
	v10 =	vadd.f32 v10, v52  }
0x1ca: {  	v14 =	vld [tilespmem:s31+$0x870];
	[tilespmem:s24+$0x70] =	vst v5;
	v5 =	vadd.f32 v13, v8  }
0x1cb: {  	v13 =	vld [tilespmem:s16+$0x40];
	v6 =	vadd.f32 v6, v9;
	[tilespmem:s3+$0x420] =	vst v10  }
0x1cc: {  	v5 =	vadd.f32 v53, v5;
	v8 =	vld [tilespmem:s22+$0x430]  }
0x1cd: {  	s12 =	sor.u32 $0x410, s20;
	v9 =	vld [tilespmem:s16+$0xC0];
	[tilespmem:s0+$0x810] =	vst v6  }
0x1ce: {  	s14 =	sor.u32 $0x440, s29;
	v6 =	vand.u32 $0xFFFF0000, v48;
	v10 =	vld [tilespmem:s12+$0x2200];
	[tilespmem:s6+$0x870] =	vst v5;
	v5 =	vand.u32 $0xFFFF0000, v46  }
0x1cf: {  	s17 =	sor.u32 $0x440, s18;
	v15 =	vld [tilespmem:s14+$0x2200];
	v5 =	vadd.f32 v6, v5  }
0x1d0: {  	s26 =	sor.u32 $0x410, s21;
	v54 =	vld [tilespmem:s17+$0x2200]  }
0x1d1: {  	v55 =	vshll.u32 v4, $0x10;
	v56 =	vld [tilespmem:s26+$0x2200];
	v6 =	vshll.u32 v3, $0x10;
	v5 =	vadd.f32 v8, v5  }
0x1d2: {  	v57 =	vld [tilespmem:s23+$0xC00];
	v6 =	vadd.f32 v55, v6  }
0x1d3: {  	v8 =	vld [tilespmem:s30+$0x820];
	[tilespmem:s3+$0x430] =	vst v5  }
0x1d4: {  	v7 =	vand.u32 $0xFFFF0000, v7;
	v5 =	vadd.f32 v6, v12;
	v6 =	vand.u32 $0xFFFF0000, v11;
	v11 =	vld [tilespmem:s11+$0x60]  }
0x1d5: {  	s6 =	sand.u32 $0x7, s13;
	v12 =	vshll.u32 v15, $0x10;
	v58 =	vshll.u32 v54, $0x10;
	v59 =	vld [tilespmem:s11+$0xE0];
	v6 =	vadd.f32 v7, v6  }
0x1d6: {  	s1 =	sshll.u32 s6, $0x7;
	v61 =	vshll.u32 v10, $0x10;
	v62 =	vshll.u32 v56, $0x10;
	v7 =	vadd.f32 v58, v12;
	v12 =	vld [tilespmem:s25+$0x400]  }
0x1d7: {  	s7 =	sor.u32 $0xC60, s19;
	s1 =	sadd.s32 $0x400, s1;
	v21 =	vadd.f32 v62, v61;
	v6 =	vadd.f32 v14, v6  }
0x1d8: {  	v60 =	vshll.u32 v13, $0x10;
	v23 =	vshll.u32 v9, $0x10;
	s17 =	sadd.s32 $0x80, s1;
	v63 =	vld [tilespmem:s22+$0x440];
	[tilespmem:s7+$0xA200] =	vst v5;
	v7 =	vadd.f32 v7, v57  }
0x1d9: {  	s9 =	sor.u32 $0x440, s8;
	s1 =	sor.u32 $0xC00, s17;
	v14 =	vadd.f32 v23, v60;
	v5 =	vld [tilespmem:s2+$0xC70];
	v8 =	vadd.f32 v21, v8;
	[tilespmem:s4+$0x870] =	vst v6  }
0x1da: {  	[tilespmem:s1+$0xA200] =	vst v7;
	v7 =	vshll.u32 v11, $0x10;
	v24 =	vshll.u32 v59, $0x10;
	v6 =	vld [tilespmem:s9+$0x2200]  }
0x1db: {  	[tilespmem:s0+$0x820] =	vst v8;
	v25 =	vld [tilespmem:s23+$0xC10];
	v7 =	vadd.f32 v24, v7;
	v12 =	vadd.f32 v14, v12  }
0x1dc: {  	s12 =	sor.u32 $0x440, s5;
	v8 =	vld [tilespmem:s30+$0x830]  }
0x1dd: {  	s26 =	simm.s32 $0x700;
	s4 =	simm.s32 $0xC00;
	v14 =	vand.u32 $0xFFFF0000, v15;
	v15 =	vand.u32 $0xFFFF0000, v54;
	v26 =	vadd.f32 v7, v63;
	v7 =	vld [tilespmem:s12+$0x2200];
	[tilespmem:s24+$0x400] =	vst v12  }
0x1de: {  	s14 =	simm.s32 $0x700;
	v10 =	vand.u32 $0xFFFF0000, v10;
	s13 =	sand.u32 $0x3800, s4;
	v12 =	vadd.f32 v15, v14;
	v15 =	vand.u32 $0xFFFF0000, v56;
	v14 =	vld [tilespmem:s25+$0x410];
	[dreg:$0xb] =	wrdreg s26  }
0x1df: {  	s7 =	sand.u32 $0x300, s14;
	s6 =	sadd.s32 $0x2200, s13;
	v10 =	vadd.f32 v15, v10;
	[tilespmem:s3+$0x440] =	vst v26  }
0x1e0: {  	s2 =	sadd.s32 s7, s6;
	v12 =	vadd.f32 v25, v12;
	v15 =	vld [tilespmem:s22+$0x450]  }
0x1e1: {  	s9 =	sor.u32 $0xC10, s17;
	v27 =	vld [tilespmem:s2+$0x0];
	v8 =	vadd.f32 v8, v10  }
0x1e2: {  	s13 =	sand.u32 $0x1000, s4;
	s12 =	sor.u32 $0x450, s29;
	v28 =	vld [tilespmem:s2+$0x80];
	v10 =	vand.u32 $0xFFFF0000, v11;
	v11 =	vand.u32 $0xFFFF0000, v59;
	[tilespmem:s9+$0xA200] =	vst v12  }
0x1e3: {  	s14 =	sor.u32 $0x450, s18;
	s7 =	sor.u32 $0x200, s13;
	s13 =	simm.s32 $0x380;
	v10 =	vadd.f32 v11, v10;
	[tilespmem:s0+$0x830] =	vst v8;
	v12 =	vld [tilespmem:s12+$0x2200]  }
0x1e4: {  	v13 =	vand.u32 $0xFFFF0000, v13;
	v9 =	vand.u32 $0xFFFF0000, v9;
	s26 =	sor.u32 $0x420, s20;
	s12 =	simm.s32 $0x380;
	v11 =	vld [tilespmem:s14+$0x2200];
	[dreg:$0x10] =	wrdreg s13  }
0x1e5: {  	v9 =	vadd.f32 v9, v13;
	s14 =	sand.u32 $0x380, s12;
	v8 =	vld [tilespmem:s26+$0x2200];
	v10 =	vadd.f32 v15, v10  }
0x1e6: {  	s26 =	sadd.s32 s14, s7;
	v15 =	vld [tilespmem:s23+$0xC20]  }
0x1e7: {  	v13 =	vld [tilespmem:s26+$0x0];
	[tilespmem:s3+$0x450] =	vst v10;
	v10 =	vadd.f32 v14, v9  }
0x1e8: {  	v29 =	vld [tilespmem:s11+$0x70]  }
0x1e9: {  	s12 =	simm.s32 $0xC00;
	v9 =	vshll.u32 v27, $0x10;
	v14 =	vshll.u32 v28, $0x10;
	v30 =	vld [tilespmem:s11+$0xF0];
	s11 =	sor.u32 $0x420, s21;
	[tilespmem:s24+$0x410] =	vst v10  }
0x1ea: {  	v14 =	vadd.f32 v14, v9;
	v9 =	vld [tilespmem:s11+$0x2200];
	[dreg:$0x9] =	wrdreg s12  }
0x1eb: {  	s13 =	sand.u32 $0x3000, s4;
	v31 =	vshll.u32 v11, $0x10;
	v10 =	vshll.u32 v12, $0x10;
	v32 =	vld [tilespmem:s16+$0x50]  }
0x1ec: {  	s1 =	sadd.s32 $0xA200, s13;
	v10 =	vadd.f32 v31, v10;
	v13 =	vadd.f32 v14, v13;
	v14 =	vld [tilespmem:s22+$0x460]  }
0x1ed: {  	s11 =	sadd.s32 s14, s1;
	v33 =	vld [tilespmem:s16+$0xD0]  }
0x1ee: {  	v10 =	vadd.f32 v10, v15;
	[tilespmem:s11+$0x0] =	vst v13  }
0x1ef: {  	s4 =	simm.s32 $0x600;
	s14 =	sor.u32 $0xC20, s17;
	v15 =	vshll.u32 v29, $0x10;
	v34 =	vshll.u32 v30, $0x10;
	v13 =	vld [tilespmem:s26+$0x10]  }
0x1f0: {  	s9 =	sand.u32 $0x200, s4;
	v16 =	vand.u32 $0xFFFF0000, v27;
	v17 =	vand.u32 $0xFFFF0000, v28;
	v36 =	vld [tilespmem:s25+$0x420];
	[tilespmem:s14+$0xA200] =	vst v10;
	v15 =	vadd.f32 v34, v15  }
0x1f1: {  	s13 =	sadd.s32 s9, s6;
	v16 =	vadd.f32 v17, v16;
	v11 =	vand.u32 $0xFFFF0000, v11;
	v12 =	vand.u32 $0xFFFF0000, v12;
	v35 =	vld [tilespmem:s23+$0xC30]  }
0x1f2: {  	v37 =	vld [tilespmem:s13+$0x0];
	v14 =	vadd.f32 v15, v14;
	v15 =	vshll.u32 v32, $0x10;
	v24 =	vshll.u32 v33, $0x10  }
0x1f3: {  	s9 =	simm.s32 $0x300;
	v11 =	vadd.f32 v11, v12;
	v25 =	vld [tilespmem:s13+$0x80];
	v12 =	vadd.f32 v24, v15  }
0x1f4: {  	s9 =	sand.u32 $0x300, s9;
	v10 =	vld [tilespmem:s31+$0xC00];
	[tilespmem:s3+$0x460] =	vst v14;
	v13 =	vadd.f32 v13, v16  }
0x1f5: {  	s28 =	sadd.s32 s9, s7;
	v14 =	vld [tilespmem:s22+$0x470];
	v12 =	vadd.f32 v12, v36  }
0x1f6: {  	v15 =	vld [tilespmem:s28+$0x0];
	v11 =	vadd.f32 v35, v11;
	[tilespmem:s11+$0x10] =	vst v13  }
0x1f7: {  	s12 =	sor.u32 $0xC30, s17;
	v38 =	vand.u32 $0xFFFF0000, v29;
	v39 =	vand.u32 $0xFFFF0000, v30;
	s14 =	simm.s32 $0x4;
	[tilespmem:s24+$0x420] =	vst v12;
	v13 =	vld [tilespmem:s2+$0x10]  }
0x1f8: {  	v40 =	vshll.u32 v7, $0x10;
	s4 =	sand.u32 $0x3, s14;
	v16 =	vadd.f32 v39, v38;
	[tilespmem:s12+$0xA200] =	vst v11;
	v11 =	vshll.u32 v6, $0x10;
	v41 =	vld [tilespmem:s2+$0x90]  }
0x1f9: {  	s10 =	smov.u32 s22;
	v43 =	vshll.u32 v25, $0x10;
	s22 =	sor.u32 $0x460, s29;
	v12 =	vshll.u32 v37, $0x10;
	s12 =	sshll.u32 s4, $0x8;
	v44 =	vld [tilespmem:s25+$0x430];
	v11 =	vadd.f32 v40, v11  }
0x1fa: {  	v12 =	vadd.f32 v43, v12;
	v42 =	vld [tilespmem:s22+$0x2200];
	s6 =	sadd.s32 $0x800, s12;
	v14 =	vadd.f32 v14, v16  }
0x1fb: {  	s14 =	sor.u32 $0x460, s18;
	s22 =	sadd.s32 $0x100, s6;
	v10 =	vadd.f32 v11, v10;
	v11 =	vld [tilespmem:s26+$0x20]  }
0x1fc: {  	v21 =	vand.u32 $0xFFFF0000, v32;
	v20 =	vand.u32 $0xFFFF0000, v33;
	v45 =	vld [tilespmem:s14+$0x2200];
	v12 =	vadd.f32 v12, v15;
	s7 =	sadd.s32 $0x180, s6;
	s4 =	sor.u32 $0x400, s22;
	[tilespmem:s3+$0x470] =	vst v14  }
0x1fd: {  	s15 =	sadd.s32 $0x0, s15;
	s12 =	sadd.s32 s9, s1;
	v15 =	vadd.f32 v20, v21;
	s14 =	sor.u32 $0x400, s7;
	v14 =	vld [tilespmem:s4+$0x2200];
	v46 =	vshll.u32 v13, $0x10;
	v47 =	vshll.u32 v41, $0x10  }
0x1fe: {  	s6 =	smov.u32 s25;
	s25 =	sor.u32 $0xC00, s15;
	[tilespmem:s12+$0x0] =	vst v12;
	v48 =	vld [tilespmem:s14+$0x2200];
	v12 =	vadd.f32 v47, v46  }
0x1ff: {  	[tilespmem:s25+$0xA200] =	vst v10;
	v10 =	vadd.f32 v44, v15;
	v15 =	vld [tilespmem:s28+$0x10]  }
0x200: {  	v55 =	vld [tilespmem:s10+$0x800];
	v11 =	vadd.f32 v12, v11  }
0x201: {  	v50 =	vand.u32 $0xFFFF0000, v25;
	[tilespmem:s24+$0x430] =	vst v10;
	v10 =	vld [tilespmem:s23+$0xC40];
	v12 =	vand.u32 $0xFFFF0000, v37  }
0x202: {  	v49 =	vld [tilespmem:s31+$0xC10];
	v12 =	vadd.f32 v50, v12;
	[tilespmem:s11+$0x20] =	vst v11  }
0x203: {  	v52 =	vshll.u32 v42, $0x10;
	v53 =	vshll.u32 v45, $0x10;
	v11 =	vld [tilespmem:s26+$0x30]  }
0x204: {  	v20 =	vadd.f32 v53, v52;
	v51 =	vld [tilespmem:s16+$0x60];
	v12 =	vadd.f32 v15, v12  }
0x205: {  	v7 =	vand.u32 $0xFFFF0000, v7;
	v13 =	vand.u32 $0xFFFF0000, v13;
	v54 =	vand.u32 $0xFFFF0000, v41;
	v15 =	vld [tilespmem:s16+$0xE0]  }
0x206: {  	v6 =	vand.u32 $0xFFFF0000, v6;
	v13 =	vadd.f32 v54, v13;
	v10 =	vadd.f32 v20, v10;
	[tilespmem:s12+$0x10] =	vst v12;
	v12 =	vld [tilespmem:s6+$0x440]  }
0x207: {  	v6 =	vadd.f32 v7, v6;
	s4 =	sor.u32 $0xC40, s17;
	v56 =	vshll.u32 v14, $0x10;
	v57 =	vshll.u32 v48, $0x10;
	v7 =	vld [tilespmem:s13+$0x10]  }
0x208: {  	[tilespmem:s4+$0xA200] =	vst v10;
	v58 =	vld [tilespmem:s13+$0x90];
	v10 =	vadd.f32 v11, v13;
	v11 =	vadd.f32 v57, v56  }
0x209: {  	v13 =	vld [tilespmem:s23+$0xC50]  }
0x20a: {  	v18 =	vand.u32 $0xFFFF0000, v42;
	v16 =	vand.u32 $0xFFFF0000, v45;
	v61 =	vld [tilespmem:s28+$0x20];
	[tilespmem:s11+$0x30] =	vst v10;
	v10 =	vadd.f32 v11, v55  }
0x20b: {  	v6 =	vadd.f32 v49, v6;
	v59 =	vshll.u32 v51, $0x10;
	v60 =	vshll.u32 v15, $0x10;
	v62 =	vld [tilespmem:s2+$0x20]  }
0x20c: {  	s9 =	sor.u32 $0xC10, s15;
	v16 =	vadd.f32 v16, v18;
	v11 =	vadd.f32 v60, v59;
	v63 =	vld [tilespmem:s2+$0xA0];
	[tilespmem:s3+$0x800] =	vst v10  }
0x20d: {  	[tilespmem:s9+$0xA200] =	vst v6;
	v6 =	vshll.u32 v7, $0x10;
	v25 =	vld [tilespmem:s10+$0x810]  }
0x20e: {  	v30 =	vld [tilespmem:s30+$0x840];
	v12 =	vadd.f32 v11, v12;
	v11 =	vshll.u32 v58, $0x10;
	v13 =	vadd.f32 v13, v16  }
0x20f: {  	s14 =	sor.u32 $0x450, s8;
	s4 =	sor.u32 $0xC50, s17;
	v27 =	vld [tilespmem:s26+$0x40];
	v26 =	vadd.f32 v11, v6;
	v6 =	vand.u32 $0xFFFF0000, v14;
	v14 =	vand.u32 $0xFFFF0000, v48  }
0x210: {  	v32 =	vshll.u32 v8, $0x10;
	s25 =	sor.u32 $0x450, s5;
	v10 =	vld [tilespmem:s14+$0x2200];
	[tilespmem:s4+$0xA200] =	vst v13;
	v13 =	vadd.f32 v14, v6  }
0x211: {  	v11 =	vld [tilespmem:s25+$0x2200];
	[tilespmem:s24+$0x440] =	vst v12;
	v12 =	vadd.f32 v26, v61;
	v14 =	vshll.u32 v62, $0x10;
	v28 =	vshll.u32 v63, $0x10  }
0x212: {  	v33 =	vshll.u32 v9, $0x10;
	s9 =	sor.u32 $0x470, s29;
	v29 =	vld [tilespmem:s6+$0x450];
	v14 =	vadd.f32 v28, v14;
	v13 =	vadd.f32 v25, v13  }
0x213: {  	v18 =	vadd.f32 v33, v32;
	v6 =	vld [tilespmem:s9+$0x2200];
	[tilespmem:s12+$0x20] =	vst v12  }
0x214: {  	v15 =	vand.u32 $0xFFFF0000, v15;
	s14 =	sor.u32 $0x410, s22;
	v12 =	vand.u32 $0xFFFF0000, v51;
	v31 =	vld [tilespmem:s28+$0x30];
	v14 =	vadd.f32 v14, v27;
	[tilespmem:s3+$0x810] =	vst v13  }
0x215: {  	s25 =	sor.u32 $0x410, s7;
	v16 =	vadd.f32 v18, v30;
	v12 =	vadd.f32 v15, v12;
	v13 =	vld [tilespmem:s14+$0x2200]  }
0x216: {  	v7 =	vand.u32 $0xFFFF0000, v7;
	v34 =	vand.u32 $0xFFFF0000, v58;
	v15 =	vld [tilespmem:s25+$0x2200];
	[tilespmem:s11+$0x40] =	vst v14  }
0x217: {  	[tilespmem:s0+$0x840] =	vst v16;
	v12 =	vadd.f32 v29, v12;
	v14 =	vadd.f32 v34, v7;
	v35 =	vld [tilespmem:s26+$0x50]  }
0x218: {  	v40 =	vld [tilespmem:s30+$0x850]  }
0x219: {  	v36 =	vand.u32 $0xFFFF0000, v63;
	v37 =	vld [tilespmem:s10+$0x820];
	[tilespmem:s24+$0x450] =	vst v12;
	v12 =	vadd.f32 v31, v14;
	v14 =	vand.u32 $0xFFFF0000, v62  }
0x21a: {  	s4 =	sor.u32 $0x470, s18;
	v56 =	vld [tilespmem:s23+$0xC60];
	v14 =	vadd.f32 v36, v14  }
0x21b: {  	v7 =	vld [tilespmem:s4+$0x2200];
	[tilespmem:s12+$0x30] =	vst v12;
	v12 =	vshll.u32 v13, $0x10;
	v39 =	vshll.u32 v15, $0x10  }
0x21c: {  	v41 =	vld [tilespmem:s13+$0x20];
	v14 =	vadd.f32 v35, v14;
	v12 =	vadd.f32 v39, v12  }
0x21d: {  	v8 =	vand.u32 $0xFFFF0000, v8;
	v9 =	vand.u32 $0xFFFF0000, v9;
	v42 =	vld [tilespmem:s13+$0xA0]  }
0x21e: {  	v8 =	vadd.f32 v9, v8;
	v9 =	vld [tilespmem:s28+$0x40];
	[tilespmem:s11+$0x50] =	vst v14;
	v12 =	vadd.f32 v12, v37  }
0x21f: {  	v14 =	vld [tilespmem:s2+$0x30]  }
0x220: {  	v43 =	vld [tilespmem:s2+$0xB0];
	[tilespmem:s3+$0x820] =	vst v12  }
0x221: {  	v8 =	vadd.f32 v40, v8;
	v12 =	vld [tilespmem:s10+$0x830]  }
0x222: {  	v38 =	vld [tilespmem:s16+$0x70];
	v45 =	vshll.u32 v41, $0x10;
	v46 =	vshll.u32 v42, $0x10  }
0x223: {  	v44 =	vld [tilespmem:s16+$0xF0];
	[tilespmem:s0+$0x850] =	vst v8;
	v13 =	vand.u32 $0xFFFF0000, v13;
	v15 =	vand.u32 $0xFFFF0000, v15;
	v8 =	vadd.f32 v46, v45  }
0x224: {  	s9 =	sor.u32 $0x430, s20;
	v13 =	vadd.f32 v15, v13;
	v48 =	vld [tilespmem:s26+$0x60]  }
0x225: {  	v47 =	vld [tilespmem:s9+$0x2200];
	v8 =	vadd.f32 v8, v9  }
0x226: {  	v9 =	vld [tilespmem:s6+$0x460];
	v49 =	vshll.u32 v14, $0x10;
	v50 =	vshll.u32 v43, $0x10;
	v12 =	vadd.f32 v12, v13  }
0x227: {  	[tilespmem:s12+$0x40] =	vst v8;
	v8 =	vadd.f32 v50, v49;
	v13 =	vld [tilespmem:s31+$0xC20]  }
0x228: {  	v51 =	vshll.u32 v10, $0x10;
	s16 =	sor.u32 $0x420, s22;
	v52 =	vshll.u32 v38, $0x10;
	v53 =	vshll.u32 v44, $0x10;
	v26 =	vld [tilespmem:s28+$0x50];
	[tilespmem:s3+$0x830] =	vst v12  }
0x229: {  	s18 =	sor.u32 $0x420, s7;
	v54 =	vshll.u32 v11, $0x10;
	v24 =	vadd.f32 v53, v52;
	v8 =	vadd.f32 v8, v48;
	v12 =	vld [tilespmem:s16+$0x2200]  }
0x22a: {  	v22 =	vadd.f32 v54, v51;
	v20 =	vand.u32 $0xFFFF0000, v41;
	v17 =	vand.u32 $0xFFFF0000, v42;
	v55 =	vld [tilespmem:s18+$0x2200]  }
0x22b: {  	v63 =	vld [tilespmem:s30+$0x860];
	v17 =	vadd.f32 v17, v20;
	v9 =	vadd.f32 v24, v9;
	[tilespmem:s11+$0x60] =	vst v8  }
0x22c: {  	v8 =	vadd.f32 v22, v13;
	v13 =	vld [tilespmem:s26+$0x70]  }
0x22d: {  	s14 =	sor.u32 $0x430, s21;
	s25 =	sor.u32 $0xC20, s15;
	v57 =	vld [tilespmem:s10+$0x840];
	[tilespmem:s24+$0x460] =	vst v9;
	v9 =	vadd.f32 v26, v17  }
0x22e: {  	v15 =	vld [tilespmem:s14+$0x2200];
	v14 =	vand.u32 $0xFFFF0000, v14;
	v18 =	vand.u32 $0xFFFF0000, v43;
	[tilespmem:s25+$0xA200] =	vst v8  }
0x22f: {  	v8 =	vld [tilespmem:s6+$0x470];
	[tilespmem:s12+$0x50] =	vst v9;
	v9 =	vadd.f32 v18, v14;
	v14 =	vshll.u32 v12, $0x10;
	v59 =	vshll.u32 v55, $0x10  }
0x230: {  	v60 =	vshll.u32 v6, $0x10;
	v62 =	vld [tilespmem:s13+$0x30];
	v14 =	vadd.f32 v59, v14  }
0x231: {  	v61 =	vshll.u32 v7, $0x10;
	v16 =	vand.u32 $0xFFFF0000, v38;
	v9 =	vadd.f32 v13, v9;
	v13 =	vld [tilespmem:s13+$0xB0]  }
0x232: {  	v19 =	vand.u32 $0xFFFF0000, v44;
	v24 =	vadd.f32 v61, v60;
	v58 =	vld [tilespmem:s31+$0xC30];
	v14 =	vadd.f32 v14, v57  }
0x233: {  	v10 =	vand.u32 $0xFFFF0000, v10;
	v11 =	vand.u32 $0xFFFF0000, v11;
	v16 =	vadd.f32 v19, v16;
	[tilespmem:s11+$0x70] =	vst v9;
	v9 =	vld [tilespmem:s28+$0x60]  }
0x234: {  	p0 =	por !p0, !p0;
	s1 =	simm.s32 $0x1;
	v10 =	vadd.f32 v11, v10;
	v11 =	vadd.f32 v24, v56;
	v28 =	vld [tilespmem:s2+$0x40];
	[tilespmem:s3+$0x840] =	vst v14  }
0x235: {  	s1 =	simm.s32 @!p0 $0x0;
	s4 =	sor.u32 $0xC60, s17;
	v14 =	vadd.f32 v8, v16;
	v29 =	vld [tilespmem:s10+$0x850]  }
0x236: {  	s1 =	sshll.u32 s1, $0x9;
	[tilespmem:s4+$0xA200] =	vst v11;
	v11 =	vshll.u32 v62, $0x10;
	v31 =	vld [tilespmem:s2+$0xC0];
	v30 =	vshll.u32 v13, $0x10  }
0x237: {  	s18 =	sadd.s32 $0x800, s1;
	v12 =	vand.u32 $0xFFFF0000, v12;
	v8 =	vld [tilespmem:s23+$0xC70];
	[tilespmem:s24+$0x470] =	vst v14;
	v14 =	vand.u32 $0xFFFF0000, v55;
	v11 =	vadd.f32 v30, v11  }
0x238: {  	s1 =	sor.u32 $0x400, s18;
	s16 =	sadd.s32 $0x80, s18;
	v10 =	vadd.f32 v58, v10;
	v34 =	vld [tilespmem:s26+$0x400];
	v12 =	vadd.f32 v14, v12  }
0x239: {  	s9 =	sor.u32 $0xC30, s15;
	v33 =	vshll.u32 v47, $0x10;
	s14 =	sor.u32 $0x400, s16;
	v32 =	vld [tilespmem:s1+$0x2200];
	v14 =	vshll.u32 v15, $0x10;
	v11 =	vadd.f32 v11, v9  }
0x23a: {  	s23 =	sor.u32 $0x460, s8;
	[tilespmem:s9+$0xA200] =	vst v10;
	v35 =	vld [tilespmem:s14+$0x2200];
	v14 =	vadd.f32 v14, v33;
	v10 =	vadd.f32 v29, v12  }
0x23b: {  	v9 =	vld [tilespmem:s23+$0x2200];
	[tilespmem:s12+$0x60] =	vst v11  }
0x23c: {  	s14 =	sor.u32 $0x430, s22;
	s23 =	sor.u32 $0x470, s8;
	v12 =	vadd.f32 v14, v63;
	v14 =	vshll.u32 v31, $0x10;
	v11 =	vshll.u32 v28, $0x10;
	v36 =	vld [tilespmem:s28+$0x70];
	[tilespmem:s3+$0x850] =	vst v10  }
0x23d: {  	s25 =	simm.s32 $0x1;
	v11 =	vadd.f32 v14, v11;
	v14 =	vld [tilespmem:s14+$0x2200];
	[smem:$0x7F0] =	sst s23  }
0x23e: {  	s1 =	sand.u32 $0x3, s25;
	s25 =	sor.u32 $0x470, s5;
	[tilespmem:s0+$0x860] =	vst v12  }
0x23f: {  	[smem:$0x7CA] =	sst s25  }
0x240: {  	v10 =	vand.u32 $0xFFFF0000, v62;
	v12 =	vand.u32 $0xFFFF0000, v13;
	v11 =	vadd.f32 v11, v34;
	v13 =	vld [tilespmem:s30+$0x870]  }
0x241: {  	s4 =	sor.u32 $0x430, s7;
	v10 =	vadd.f32 v12, v10;
	v12 =	vld [tilespmem:s6+$0x800]  }
0x242: {  	s9 =	sor.u32 $0x460, s5;
	s5 =	sor.u32 $0x450, s20;
	v38 =	vld [tilespmem:s4+$0x2200];
	[tilespmem:s11+$0x400] =	vst v11  }
0x243: {  	s1 =	sshll.u32 s1, $0x8;
	v40 =	vld [tilespmem:s26+$0x410];
	[smem:$0x7CB] =	sst s5  }
0x244: {  	s8 =	sor.u32 $0xC40, s15;
	s23 =	sor.u32 $0xC50, s15;
	v16 =	vadd.f32 v36, v10;
	v10 =	vld [tilespmem:s9+$0x2200];
	s9 =	sor.u32 $0x460, s20  }
0x245: {  	s14 =	sor.u32 $0xC70, s15;
	[dreg:$0x1a] =	wrdreg s9;
	s9 =	sor.u32 $0x470, s20  }
0x246: {  	v37 =	vand.u32 $0xFFFF0000, v47;
	v15 =	vand.u32 $0xFFFF0000, v15;
	s25 =	sor.u32 $0xC60, s15;
	s15 =	sadd.s32 $0x400, s1;
	[dreg:$0x8] =	wrdreg s9  }
0x247: {  	v15 =	vadd.f32 v15, v37;
	s1 =	simm.s32 $0x2;
	s4 =	sor.u32 $0x440, s20;
	s20 =	sor.u32 $0x450, s21;
	[tilespmem:s12+$0x70] =	vst v16  }
0x248: {  	v39 =	vshll.u32 v35, $0x10;
	v11 =	vshll.u32 v32, $0x10;
	s5 =	sand.u32 $0x3, s1;
	v42 =	vld [tilespmem:s10+$0x860];
	[smem:$0x7CC] =	sst s20;
	s20 =	sor.u32 $0x460, s21  }
0x249: {  	v11 =	vadd.f32 v39, v11;
	s1 =	sor.u32 $0x440, s21;
	v13 =	vadd.f32 v13, v15;
	s21 =	sor.u32 $0x470, s21;
	[dreg:$0x1c] =	wrdreg s20  }
0x24a: {  	[dreg:$0x6] =	wrdreg s21  }
0x24b: {  	v11 =	vadd.f32 v11, v12;
	s20 =	sor.u32 $0xC10, s15;
	v12 =	vld [tilespmem:s13+$0x40];
	[tilespmem:s0+$0x870] =	vst v13  }
0x24c: {  	s21 =	sor.u32 $0xC20, s15;
	v13 =	vld [tilespmem:s13+$0xC0];
	[smem:$0x7CD] =	sst s20  }
0x24d: {  	v41 =	vand.u32 $0xFFFF0000, v31;
	v15 =	vand.u32 $0xFFFF0000, v28;
	[smem:$0x7CE] =	sst s21;
	s20 =	sor.u32 $0xC30, s15  }
0x24e: {  	v15 =	vadd.f32 v41, v15;
	[smem:$0x7CF] =	sst s20  }
0x24f: {  	s21 =	sor.u32 $0xC40, s15;
	[tilespmem:s24+$0x800] =	vst v11  }
0x250: {  	v45 =	vld [tilespmem:s4+$0x2200];
	v11 =	vadd.f32 v40, v15;
	s4 =	sor.u32 $0xC50, s15;
	[dreg:$0x17] =	wrdreg s21  }
0x251: {  	s9 =	sshll.u32 s5, $0x8;
	s5 =	sor.u32 $0xC00, s15;
	[dreg:$0xf] =	wrdreg s4  }
0x252: {  	s20 =	sor.u32 $0xC70, s15;
	s21 =	sor.u32 $0xC60, s15;
	s15 =	sor.u32 $0x420, s18;
	v46 =	vld [tilespmem:s6+$0x810];
	[tilespmem:s11+$0x410] =	vst v11  }
0x253: {  	v47 =	vld [tilespmem:s28+$0x400];
	[smem:$0x7D0] =	sst s15;
	s15 =	sor.u32 $0x430, s18  }
0x254: {  	v43 =	vshll.u32 v14, $0x10;
	v44 =	vshll.u32 v38, $0x10;
	[smem:$0x7D1] =	sst s15;
	s15 =	sor.u32 $0x440, s18  }
0x255: {  	v15 =	vadd.f32 v44, v43;
	[smem:$0x7D2] =	sst s15;
	s15 =	sor.u32 $0x450, s18  }
0x256: {  	[smem:$0x7D3] =	sst s15;
	s15 =	sor.u32 $0x460, s18  }
0x257: {  	v11 =	vadd.f32 v15, v42;
	[dreg:$0x1d] =	wrdreg s15;
	s15 =	sor.u32 $0x470, s18  }
0x258: {  	[dreg:$0xc] =	wrdreg s15  }
0x259: {  	s0 =	sadd.s32 $0x800, s9;
	s9 =	sor.u32 $0x410, s18;
	s18 =	sor.u32 $0x420, s16;
	v49 =	vld [tilespmem:s2+$0x50];
	[tilespmem:s3+$0x860] =	vst v11  }
0x25a: {  	v52 =	vld [tilespmem:s2+$0xD0];
	[smem:$0x7D4] =	sst s18;
	s18 =	sor.u32 $0x430, s16  }
0x25b: {  	[smem:$0x7D5] =	sst s18;
	s18 =	sor.u32 $0x440, s16  }
0x25c: {  	v53 =	vld [tilespmem:s10+$0x870];
	[smem:$0x7D6] =	sst s18;
	s18 =	sor.u32 $0x450, s16  }
0x25d: {  	[smem:$0x7D7] =	sst s18;
	s18 =	sor.u32 $0x460, s16  }
0x25e: {  	v48 =	vand.u32 $0xFFFF0000, v35;
	v15 =	vand.u32 $0xFFFF0000, v32;
	s15 =	sor.u32 $0x410, s16;
	s16 =	sor.u32 $0x470, s16;
	[smem:$0x7D8] =	sst s18  }
0x25f: {  	v4 =	vand.u32 $0xFFFF0000, v4;
	v3 =	vand.u32 $0xFFFF0000, v3;
	v15 =	vadd.f32 v48, v15;
	[dreg:$0x12] =	wrdreg s16  }
0x260: {  	v3 =	vadd.f32 v4, v3;
	s18 =	sor.u32 $0xC00, s0;
	v4 =	vld [tilespmem:s31+$0xC40]  }
0x261: {  	v15 =	vadd.f32 v46, v15;
	v54 =	vld [tilespmem:s26+$0x420];
	[smem:$0x7D9] =	sst s18;
	s18 =	sor.u32 $0xC10, s0  }
0x262: {  	v50 =	vshll.u32 v12, $0x10;
	v51 =	vshll.u32 v13, $0x10;
	[smem:$0x7DA] =	sst s18  }
0x263: {  	v11 =	vadd.f32 v51, v50;
	s18 =	sor.u32 $0xC20, s0;
	[tilespmem:s24+$0x810] =	vst v15  }
0x264: {  	s4 =	sor.u32 $0xC30, s0;
	v55 =	vld [tilespmem:s1+$0x2200];
	[smem:$0x7DB] =	sst s18  }
0x265: {  	v14 =	vand.u32 $0xFFFF0000, v14;
	v18 =	vand.u32 $0xFFFF0000, v38;
	v11 =	vadd.f32 v11, v47;
	[smem:$0x7DC] =	sst s4;
	s18 =	sor.u32 $0xC40, s0  }
0x266: {  	v56 =	vshll.u32 v9, $0x10;
	v14 =	vadd.f32 v18, v14;
	v15 =	vshll.u32 v10, $0x10;
	[dreg:$0x1b] =	wrdreg s18  }
0x267: {  	p0 =	por !p0, !p0;
	s16 =	simm.s32 $0x1;
	v15 =	vadd.f32 v15, v56;
	s4 =	sor.u32 $0xC60, s0;
	[tilespmem:s12+$0x400] =	vst v11  }
0x268: {  	s16 =	simm.s32 @!p0 $0x0;
	v14 =	vadd.f32 v53, v14;
	v57 =	vld [tilespmem:s9+$0x2200];
	s9 =	simm.s32 $0x3;
	[dreg:$0xa] =	wrdreg s4  }
0x269: {  	v61 =	vadd.f32 v5, v3;
	s29 =	sor.u32 $0xC70, s0;
	v3 =	vadd.f32 v15, v4;
	s1 =	sand.u32 $0x3, s9;
	s4 =	sshll.u32 s16, $0x9;
	v59 =	vld [tilespmem:s28+$0x410]  }
0x26a: {  	v58 =	vshll.u32 v52, $0x10;
	s18 =	sor.u32 $0xC50, s0;
	v11 =	vshll.u32 v49, $0x10;
	v60 =	vld [tilespmem:s15+$0x2200];
	s0 =	sshll.u32 s1, $0x8;
	s1 =	sadd.s32 $0xC00, s4;
	[tilespmem:s3+$0x870] =	vst v14  }
0x26b: {  	v4 =	vand.u32 $0xFFFF0000, v12;
	v11 =	vadd.f32 v58, v11;
	s9 =	sor.u32 $0xC70, s19;
	v12 =	vld [tilespmem:s30+$0xC00];
	s4 =	sor.u32 $0x440, s22;
	[tilespmem:s8+$0xA200] =	vst v3;
	s19 =	sor.u32 $0x400, s1  }
0x26c: {  	v3 =	vld [tilespmem:s4+$0x2200];
	s15 =	sor.u32 $0x410, s1;
	[smem:$0x7DD] =	sst s19  }
0x26d: {  	v11 =	vadd.f32 v11, v54;
	[smem:$0x7DE] =	sst s15;
	s19 =	sor.u32 $0x420, s1  }
0x26e: {  	[smem:$0x7DF] =	sst s19  }
0x26f: {  	s15 =	sor.u32 $0x430, s1;
	[tilespmem:s11+$0x420] =	vst v11  }
0x270: {  	v5 =	vand.u32 $0xFFFF0000, v6;
	v6 =	vand.u32 $0xFFFF0000, v13;
	s19 =	sor.u32 $0x440, s1;
	v13 =	vld [tilespmem:s31+$0xC50];
	[smem:$0x7E0] =	sst s15  }
0x271: {  	[smem:$0x7E1] =	sst s19;
	s15 =	sor.u32 $0x450, s1  }
0x272: {  	v7 =	vand.u32 $0xFFFF0000, v7;
	s19 =	sor.u32 $0x460, s1;
	[smem:$0x7E2] =	sst s15  }
0x273: {  	v5 =	vadd.f32 v7, v5;
	s3 =	sadd.s32 $0x80, s1;
	s1 =	sor.u32 $0x470, s1;
	[smem:$0x7E3] =	sst s19  }
0x274: {  	v4 =	vadd.f32 v6, v4;
	v6 =	vshll.u32 v45, $0x10;
	v7 =	vshll.u32 v55, $0x10;
	[dreg:$0x1f] =	wrdreg s1;
	s15 =	sor.u32 $0x400, s3  }
0x275: {  	v6 =	vadd.f32 v7, v6;
	s19 =	sor.u32 $0x410, s3;
	v7 =	vld [tilespmem:s26+$0x430];
	[smem:$0x7E4] =	sst s15  }
0x276: {  	s4 =	sor.u32 $0x420, s3;
	v4 =	vadd.f32 v59, v4;
	v14 =	vld [tilespmem:s6+$0x820];
	[smem:$0x7E5] =	sst s19  }
0x277: {  	s16 =	smov.u32 s7;
	s7 =	smov.u32 s12;
	[smem:$0x7E6] =	sst s4  }
0x278: {  	s15 =	sor.u32 $0x440, s16;
	s19 =	sor.u32 $0x430, s3;
	[tilespmem:s7+$0x410] =	vst v4  }
0x279: {  	v8 =	vadd.f32 v8, v5;
	s4 =	sor.u32 $0x440, s3;
	v5 =	vld [tilespmem:s15+$0x2200];
	[smem:$0x7E7] =	sst s19  }
0x27a: {  	s15 =	sor.u32 $0x450, s3;
	[smem:$0x7E8] =	sst s4  }
0x27b: {  	[smem:$0x7E9] =	sst s15  }
0x27c: {  	s19 =	sor.u32 $0x460, s3;
	[tilespmem:s9+$0xA200] =	vst v61  }
0x27d: {  	s9 =	smov.u32 s24;
	s24 =	sor.u32 $0x470, s3;
	[smem:$0x7EA] =	sst s19  }
0x27e: {  	s0 =	sadd.s32 $0xC00, s0;
	s3 =	sor.u32 $0xC70, s17;
	[smem:$0x7EB] =	sst s24  }
0x27f: {  	v9 =	vand.u32 $0xFFFF0000, v9;
	v11 =	vand.u32 $0xFFFF0000, v52;
	v4 =	vand.u32 $0xFFFF0000, v49;
	s4 =	sor.u32 $0xC10, s0;
	v62 =	vld [tilespmem:s13+$0x50];
	[tilespmem:s3+$0xA200] =	vst v8  }
0x280: {  	v10 =	vand.u32 $0xFFFF0000, v10;
	v6 =	vadd.f32 v6, v12;
	v20 =	vadd.f32 v11, v4;
	s15 =	sor.u32 $0xC20, s0;
	v11 =	vld [tilespmem:s13+$0xD0];
	[smem:$0x7EC] =	sst s4  }
0x281: {  	v9 =	vadd.f32 v10, v9;
	[smem:$0x7ED] =	sst s15  }
0x282: {  	s17 =	sor.u32 $0xC30, s0;
	[tilespmem:s5+$0xA200] =	vst v6  }
0x283: {  	v9 =	vadd.f32 v13, v9;
	s19 =	sor.u32 $0xC40, s0;
	v6 =	vadd.f32 v7, v20;
	v7 =	vld [tilespmem:s10+$0xC00];
	[smem:$0x7EE] =	sst s17  }
0x284: {  	[smem:$0x7EF] =	sst s19  }
0x285: {  	[tilespmem:s23+$0xA200] =	vst v9  }
0x286: {  	s23 =	sld [smem:$0x7F0];
	[tilespmem:s11+$0x430] =	vst v6  }
0x287: {  	v12 =	vshll.u32 v57, $0x10;
	v15 =	vshll.u32 v60, $0x10;
	s1 =	sld [smem:$0x7F1]  }
0x288: {  	s12 =	simm.s32 $0x4;
	s8 =	smov.u32 s30;
	s30 =	sor.u32 $0xC00, s0;
	v8 =	vadd.f32 v15, v12  }
0x289: {  	s3 =	simm.s32 $0x6;
	s15 =	sor.u32 $0xC70, s0;
	s17 =	sor.u32 $0xC50, s0;
	v12 =	vld [tilespmem:s28+$0x420]  }
0x28a: {  	v10 =	vand.u32 $0xFFFF0000, v45;
	v4 =	vand.u32 $0xFFFF0000, v55;
	v8 =	vadd.f32 v8, v14;
	s19 =	sor.u32 $0xC60, s0;
	v6 =	vld [tilespmem:s8+$0xC10];
	[smem:$0x7F3] =	sst s3;
	s0 =	sshll.u32 s1, $0x11  }
0x28b: {  	v4 =	vadd.f32 v4, v10;
	v10 =	vand.u32 $0xFFFF0000, v60;
	s24 =	sand.u32 $0x7, s12;
	v9 =	vand.u32 $0xFFFF0000, v57;
	[smem:$0x7F2] =	sst s0  }
0x28c: {  	v15 =	vshll.u32 v3, $0x10;
	v63 =	vshll.u32 v5, $0x10;
	s4 =	simm.s32 $0xC00;
	s5 =	sshll.u32 s24, $0x7;
	s24 =	simm.s32 $0x800;
	v9 =	vadd.f32 v10, v9;
	[tilespmem:s9+$0x820] =	vst v8  }
0x28d: {  	v14 =	vshll.u32 v62, $0x10;
	v13 =	vand.u32 $0xFFFF0000, v62;
	s3 =	simm.s32 $0x4;
	s1 =	simm.s32 $0x4;
	v10 =	vld [tilespmem:s2+$0x60];
	v8 =	vadd.f32 v63, v15;
	[smem:$0x7F4] =	sst s4  }
.LBB2_3:
0x28e: {  	[smem:$0x7B3] =	sst s19  }
0x28f: {  	[smem:$0x7B1] =	sst s25  }
0x290: {  	[smem:$0x7B2] =	sst s21  }
0x291: {  	[smem:$0x7BA] =	sst s14  }
0x292: {  	[smem:$0x7BC] =	sst s29  }
0x293: {  	[smem:$0x7BB] =	sst s20  }
0x294: {  	[smem:$0x7BD] =	sst s15  }
0x295: {  	[smem:$0x7C4] =	sst s30  }
0x296: {  	[smem:$0x7C8] =	sst s17  }
0x297: {  	[smem:$0x7C7] =	sst s18  }
0x298: {  	[smem:$0x7C5] =	sst s1  }
0x299: {  	[smem:$0x7B8] =	sst s3  }
0x29a: {  	s0 =	sand.u32 $0x3, s1;
	p0 =	por !p0, !p0;
	s20 =	rddreg [dreg:$0x9]  }
0x29b: {  	s19 =	sadd.s32 s24, s5;
	s18 =	smov.u32 s12;
	s24 =	rddreg [dreg:$0xb]  }
0x29c: {  	s4 =	sld [smem:$0x7CA];
	s17 =	smov.u32 s7;
	s15 =	sshll.u32 s0, $0x8  }
0x29d: {  	s0 =	simm.s32 $0x1;
	s21 =	sadd.s32 $0x80, s19;
	s12 =	sadd.s32 $0x400, s20  }
0x29e: {  	v15 =	vshll.u32 v11, $0x10;
	s3 =	sadd.s32 $0x200, s24;
	s19 =	sld [smem:$0x7CD];
	s0 =	simm.s32 @!p0 $0x0  }
0x29f: {  	v16 =	vld [tilespmem:s2+$0xE0];
	v14 =	vadd.f32 v15, v14;
	s1 =	sor.u32 $0xC00, s21;
	s25 =	sadd.s32 $0xFFFFFF00, s3;
	[dreg:$0xb] =	wrdreg s3  }
0x2a0: {  	v11 =	vand.u32 $0xFFFF0000, v11;
	v15 =	vld [tilespmem:s6+$0x830];
	s3 =	sand.u32 $0x300, s3;
	s24 =	sand.u32 $0x1000, s12;
	v8 =	vadd.f32 v8, v7;
	s0 =	sshll.u32 s0, $0x9  }
0x2a1: {  	[dreg:$0x9] =	wrdreg s12;
	v7 =	vadd.f32 v11, v13;
	v11 =	vld [tilespmem:s23+$0x2200];
	s23 =	sand.u32 $0x3800, s12;
	s20 =	sadd.s32 s12, s0;
	v12 =	vadd.f32 v14, v12  }
0x2a2: {  	v13 =	vld [tilespmem:s26+$0x440];
	s0 =	sadd.s32 $0x2200, s23;
	[tilespmem:s1+$0xA200] =	vst v8;
	s1 =	sand.u32 $0x200, s25;
	s25 =	sadd.s32 $0x80, s20  }
0x2a3: {  	v4 =	vadd.f32 v6, v4;
	s23 =	sadd.s32 s3, s0;
	s5 =	sor.u32 $0x400, s20;
	v6 =	vld [tilespmem:s10+$0xC10];
	[tilespmem:s7+$0x420] =	vst v12;
	s7 =	smov.u32 s8  }
0x2a4: {  	v8 =	vshll.u32 v10, $0x10;
	v12 =	vshll.u32 v16, $0x10;
	s8 =	sadd.s32 s1, s0;
	[smem:$0x7B5] =	sst s5;
	s14 =	sor.u32 $0x400, s25;
	v17 =	vld [tilespmem:s23+$0x0]  }
0x2a5: {  	v3 =	vand.u32 $0xFFFF0000, v3;
	v5 =	vand.u32 $0xFFFF0000, v5;
	s5 =	rddreg [dreg:$0x10];
	s0 =	sor.u32 $0x200, s24;
	s24 =	sor.u32 $0xC10, s21;
	v14 =	vld [tilespmem:s4+$0x2200];
	v8 =	vadd.f32 v12, v8  }
0x2a6: {  	v3 =	vadd.f32 v5, v3;
	[smem:$0x7B6] =	sst s14;
	[tilespmem:s19+$0xA200] =	vst v4;
	s4 =	sor.u32 $0x410, s25;
	v12 =	vld [tilespmem:s23+$0x80];
	s3 =	sadd.s32 $0x100, s5;
	v4 =	vadd.f32 v15, v9  }
0x2a7: {  	s19 =	sor.u32 $0x410, s20;
	[smem:$0x7C3] =	sst s4;
	v9 =	vld [tilespmem:s8+$0x0];
	s30 =	sand.u32 $0x380, s3;
	v8 =	vadd.f32 v8, v13  }
0x2a8: {  	s5 =	sor.u32 $0x450, s22;
	[dreg:$0x10] =	wrdreg s3;
	v13 =	vld [tilespmem:s8+$0x80];
	s29 =	sadd.s32 s30, s0;
	[tilespmem:s9+$0x830] =	vst v4;
	v3 =	vadd.f32 v6, v3  }
0x2a9: {  	v5 =	vshll.u32 v11, $0x10;
	s14 =	sadd.s32 $0xFFFFFF80, s3;
	[smem:$0x7C2] =	sst s19;
	s3 =	smov.u32 s10;
	v6 =	vld [tilespmem:s29+$0x0];
	[tilespmem:s11+$0x440] =	vst v8  }
0x2aa: {  	v11 =	vand.u32 $0xFFFF0000, v11;
	s4 =	sand.u32 $0x300, s14;
	s14 =	sor.u32 $0x430, s25;
	v4 =	vshll.u32 v14, $0x10;
	v8 =	vand.u32 $0xFFFF0000, v14;
	v14 =	vld [tilespmem:s26+$0x450];
	[tilespmem:s24+$0xA200] =	vst v3;
	s24 =	sor.u32 $0x430, s20  }
0x2ab: {  	v3 =	vadd.f32 v8, v11;
	[smem:$0x7AE] =	sst s24;
	v11 =	vld [tilespmem:s5+$0x2200];
	s5 =	sor.u32 $0x450, s16;
	s24 =	sor.u32 $0x440, s20  }
0x2ac: {  	[smem:$0x7C0] =	sst s24;
	s24 =	sadd.s32 s15, s12;
	v15 =	vld [tilespmem:s5+$0x2200];
	s5 =	sand.u32 $0x3000, s12  }
0x2ad: {  	[smem:$0x7AF] =	sst s14;
	s15 =	sor.u32 $0xC00, s24;
	s10 =	sadd.s32 $0xA200, s5  }
0x2ae: {  	[smem:$0x7C6] =	sst s15;
	s15 =	sor.u32 $0xC20, s24;
	s30 =	sadd.s32 s30, s10  }
0x2af: {  	[smem:$0x7B0] =	sst s15;
	s15 =	sadd.s32 s4, s10;
	s10 =	sor.u32 $0x460, s20  }
0x2b0: {  	[smem:$0x7B7] =	sst s10;
	s10 =	sor.u32 $0x460, s25  }
0x2b1: {  	v4 =	vadd.f32 v4, v5;
	v5 =	vshll.u32 v17, $0x10;
	v8 =	vshll.u32 v12, $0x10;
	[smem:$0x7B9] =	sst s10;
	s10 =	sor.u32 $0xC40, s24  }
0x2b2: {  	s0 =	sadd.s32 s4, s0;
	v5 =	vadd.f32 v8, v5;
	v8 =	vand.u32 $0xFFFF0000, v10;
	v10 =	vand.u32 $0xFFFF0000, v16;
	[smem:$0x7BF] =	sst s10  }
0x2b3: {  	s14 =	sor.u32 $0x440, s25;
	v19 =	vld [tilespmem:s0+$0x0];
	v8 =	vadd.f32 v10, v8;
	s10 =	sld [smem:$0x7D0]  }
0x2b4: {  	[smem:$0x7C1] =	sst s14;
	s14 =	sor.u32 $0x450, s25;
	v5 =	vadd.f32 v5, v6;
	v6 =	vld [tilespmem:s28+$0x430]  }
0x2b5: {  	s1 =	sor.u32 $0x420, s20;
	s19 =	sor.u32 $0x420, s25;
	[smem:$0x7AD] =	sst s14;
	v8 =	vadd.f32 v14, v8;
	v14 =	vld [tilespmem:s3+$0xC20]  }
0x2b6: {  	s14 =	smov.u32 s9;
	v57 =	vshll.u32 v9, $0x10;
	s9 =	sor.u32 $0xC10, s24;
	[tilespmem:s30+$0x0] =	vst v5;
	v5 =	vld [tilespmem:s10+$0x2200];
	s10 =	sor.u32 $0xC50, s24  }
0x2b7: {  	v9 =	vand.u32 $0xFFFF0000, v9;
	v18 =	vshll.u32 v13, $0x10;
	v13 =	vand.u32 $0xFFFF0000, v13;
	s5 =	smov.u32 s31;
	s31 =	sor.u32 $0x450, s20;
	[smem:$0x7C9] =	sst s10  }
0x2b8: {  	v10 =	vadd.f32 v18, v57;
	v9 =	vadd.f32 v13, v9;
	s4 =	sor.u32 $0xC30, s24;
	v13 =	vld [tilespmem:s29+$0x10];
	[tilespmem:s11+$0x450] =	vst v8;
	s10 =	sor.u32 $0x470, s25;
	s25 =	sld [smem:$0x7F4]  }
0x2b9: {  	[smem:$0x7B4] =	sst s4;
	s4 =	sor.u32 $0x470, s20;
	s20 =	sor.u32 $0xC60, s24;
	v59 =	vld [tilespmem:s2+$0x70]  }
0x2ba: {  	v10 =	vadd.f32 v10, v19;
	v6 =	vadd.f32 v6, v7;
	v7 =	vld [tilespmem:s2+$0xF0];
	s2 =	smov.u32 s23;
	s23 =	sld [smem:$0x7D4];
	s24 =	sor.u32 $0xC70, s24  }
0x2bb: {  	[smem:$0x7BE] =	sst s24;
	s24 =	smov.u32 s25  }
0x2bc: {  	v60 =	vand.u32 $0xFFFF0000, v17;
	v12 =	vand.u32 $0xFFFF0000, v12;
	[tilespmem:s15+$0x0] =	vst v10;
	s25 =	smov.u32 s12;
	s12 =	smov.u32 s18;
	s18 =	sld [smem:$0x7DF]  }
0x2bd: {  	v10 =	vadd.f32 v12, v60;
	v12 =	vld [tilespmem:s23+$0x2200];
	s23 =	sld [smem:$0x7E6]  }
0x2be: {  	[smem:$0x7F4] =	sst s25  }
0x2bf: {  	s25 =	smov.u32 s18;
	s18 =	sld [smem:$0x7F3];
	_ =	sdelay $0x2  }
0x2c0: {  	[smem:$0x7D0] =	sst s25;
	s25 =	sadd.s32 $0x2, s18;
	s18 =	smov.u32 s23  }
0x2c1: {  	v8 =	vshll.u32 v11, $0x10;
	v58 =	vshll.u32 v15, $0x10;
	s23 =	smov.u32 s19;
	[smem:$0x7D4] =	sst s18  }
0x2c2: {  	v8 =	vadd.f32 v58, v8;
	[smem:$0x7E6] =	sst s23  }
0x2c3: {  	[smem:$0x7F3] =	sst s25  }
0x2c4: {  	v8 =	vadd.f32 v8, v14;
	p2 =	slt.u32 s25, $0x1E;
	s25 =	smov.u32 s1;
	s1 =	sld [smem:$0x7EC]  }
0x2c5: {  	s23 =	sor.u32 $0xC20, s21;
	[smem:$0x7DF] =	sst s25  }
0x2c6: {  	v10 =	vadd.f32 v13, v10;
	v13 =	vld [tilespmem:s26+$0x460];
	[tilespmem:s23+$0xA200] =	vst v8;
	s23 =	sld [smem:$0x7DA]  }
0x2c7: {  	s19 =	smov.u32 s1;
	s1 =	rddreg [dreg:$0xc]  }
0x2c8: {  	[smem:$0x7DA] =	sst s19  }
0x2c9: {  	s19 =	rddreg [dreg:$0x1f]  }
0x2ca: {  	v14 =	vld [tilespmem:s0+$0x10];
	s25 =	smov.u32 s23;
	s23 =	smov.u32 s9;
	s9 =	rddreg [dreg:$0x12]  }
0x2cb: {  	[smem:$0x7CD] =	sst s25  }
0x2cc: {  	[smem:$0x7EC] =	sst s23  }
0x2cd: {  	v11 =	vand.u32 $0xFFFF0000, v11;
	v15 =	vand.u32 $0xFFFF0000, v15;
	[tilespmem:s17+$0x430] =	vst v6;
	v8 =	vld [tilespmem:s3+$0xC30];
	s18 =	smov.u32 s1;
	s25 =	rddreg [dreg:$0x8]  }
0x2ce: {  	v11 =	vadd.f32 v15, v11;
	v61 =	vshll.u32 v59, $0x10;
	v62 =	vshll.u32 v7, $0x10;
	v15 =	vld [tilespmem:s13+$0xE0];
	[tilespmem:s30+$0x10] =	vst v10;
	[dreg:$0x8] =	wrdreg s18  }
0x2cf: {  	v16 =	vadd.f32 v62, v61;
	v9 =	vadd.f32 v14, v9;
	v63 =	vld [tilespmem:s2+$0x10];
	s23 =	smov.u32 s25;
	s25 =	smov.u32 s19;
	s19 =	rddreg [dreg:$0x6]  }
0x2d0: {  	v14 =	vld [tilespmem:s2+$0x90];
	[dreg:$0xc] =	wrdreg s25  }
0x2d1: {  	v13 =	vadd.f32 v16, v13;
	v10 =	vld [tilespmem:s13+$0x60];
	[tilespmem:s15+$0x10] =	vst v9;
	s18 =	smov.u32 s4;
	s25 =	smov.u32 s19;
	s19 =	sld [smem:$0x7EB]  }
0x2d2: {  	v9 =	vld [tilespmem:s28+$0x440];
	[dreg:$0x1f] =	wrdreg s18;
	s18 =	smov.u32 s9;
	v8 =	vadd.f32 v8, v11  }
0x2d3: {  	v25 =	vand.u32 $0xFFFF0000, v59;
	v7 =	vand.u32 $0xFFFF0000, v7;
	[dreg:$0x6] =	wrdreg s18;
	v11 =	vld [tilespmem:s29+$0x20];
	[tilespmem:s11+$0x460] =	vst v13;
	s18 =	sor.u32 $0xC30, s21  }
0x2d4: {  	v7 =	vadd.f32 v7, v25;
	v6 =	vshll.u32 v5, $0x10;
	[smem:$0x7CA] =	sst s25;
	v13 =	vld [tilespmem:s26+$0x470];
	[tilespmem:s18+$0xA200] =	vst v8;
	s25 =	smov.u32 s19;
	s19 =	sor.u32 $0x460, s22  }
0x2d5: {  	v5 =	vand.u32 $0xFFFF0000, v5;
	v23 =	vshll.u32 v14, $0x10;
	v8 =	vshll.u32 v63, $0x10;
	[dreg:$0x12] =	wrdreg s25;
	v24 =	vld [tilespmem:s19+$0x2200];
	s25 =	sor.u32 $0x460, s16  }
0x2d6: {  	s12 =	sadd.s32 $0x2, s12;
	v22 =	vshll.u32 v12, $0x10;
	v12 =	vand.u32 $0xFFFF0000, v12;
	v8 =	vadd.f32 v23, v8;
	v26 =	vld [tilespmem:s25+$0x2200]  }
0x2d7: {  	v5 =	vadd.f32 v12, v5;
	v21 =	vshll.u32 v15, $0x10;
	v20 =	vld [tilespmem:s8+$0x10];
	s4 =	sand.u32 $0x3, s12;
	v12 =	vshll.u32 v10, $0x10  }
0x2d8: {  	v27 =	vld [tilespmem:s8+$0x90];
	s1 =	sshll.u32 s4, $0x8;
	v8 =	vadd.f32 v8, v11;
	v11 =	vadd.f32 v21, v12  }
0x2d9: {  	s9 =	smov.u32 s10;
	s1 =	sadd.s32 s24, s1;
	v12 =	vld [tilespmem:s3+$0xC40];
	v7 =	vadd.f32 v13, v7  }
0x2da: {  	v15 =	vand.u32 $0xFFFF0000, v15;
	[smem:$0x7EB] =	sst s9;
	s19 =	sadd.s32 $0x100, s1;
	v13 =	vld [tilespmem:s0+$0x20];
	[tilespmem:s30+$0x20] =	vst v8;
	v8 =	vadd.f32 v11, v9  }
0x2db: {  	v10 =	vand.u32 $0xFFFF0000, v10;
	s1 =	sadd.s32 $0x180, s1;
	s9 =	sor.u32 $0x400, s19;
	v9 =	vld [tilespmem:s29+$0x30];
	[tilespmem:s11+$0x470] =	vst v7;
	v7 =	vshll.u32 v24, $0x10;
	v11 =	vshll.u32 v26, $0x10  }
0x2dc: {  	v10 =	vadd.f32 v15, v10;
	s10 =	sor.u32 $0x400, s1;
	[tilespmem:s17+$0x440] =	vst v8;
	v8 =	vld [tilespmem:s9+$0x2200];
	v7 =	vadd.f32 v11, v7  }
0x2dd: {  	s4 =	sld [smem:$0x7D3];
	v15 =	vshll.u32 v20, $0x10;
	v19 =	vand.u32 $0xFFFF0000, v63;
	v14 =	vand.u32 $0xFFFF0000, v14;
	v28 =	vld [tilespmem:s10+$0x2200]  }
0x2de: {  	v14 =	vadd.f32 v14, v19;
	v29 =	vld [tilespmem:s28+$0x450];
	v11 =	vshll.u32 v27, $0x10;
	v7 =	vadd.f32 v7, v12  }
0x2df: {  	s18 =	sor.u32 $0xC40, s21;
	s25 =	sld [smem:$0x7CB];
	v11 =	vadd.f32 v11, v15;
	v15 =	vld [tilespmem:s6+$0x840]  }
0x2e0: {  	s10 =	smov.u32 s4;
	v9 =	vadd.f32 v9, v14;
	v14 =	vld [tilespmem:s26+$0x800];
	[tilespmem:s18+$0xA200] =	vst v7;
	s18 =	sld [smem:$0x7E2]  }
0x2e1: {  	[smem:$0x7CB] =	sst s10;
	v7 =	vadd.f32 v11, v13;
	v11 =	vld [tilespmem:s3+$0xC50]  }
0x2e2: {  	v30 =	vld [tilespmem:s25+$0x2200];
	v31 =	vand.u32 $0xFFFF0000, v26;
	s10 =	sld [smem:$0x7CC];
	v13 =	vshll.u32 v28, $0x10;
	[tilespmem:s30+$0x30] =	vst v9;
	v9 =	vshll.u32 v8, $0x10  }
0x2e3: {  	v10 =	vadd.f32 v29, v10;
	[tilespmem:s15+$0x20] =	vst v7;
	v7 =	vld [tilespmem:s2+$0x20];
	v9 =	vadd.f32 v13, v9;
	v13 =	vand.u32 $0xFFFF0000, v24;
	s25 =	smov.u32 s18;
	s18 =	sld [smem:$0x7D7]  }
0x2e4: {  	v6 =	vadd.f32 v22, v6;
	s4 =	sld [smem:$0x7E9];
	v32 =	vld [tilespmem:s2+$0xA0];
	v13 =	vadd.f32 v31, v13  }
0x2e5: {  	v33 =	vld [tilespmem:s0+$0x30];
	[tilespmem:s17+$0x450] =	vst v10;
	[smem:$0x7D3] =	sst s25;
	v9 =	vadd.f32 v9, v14  }
0x2e6: {  	v6 =	vadd.f32 v6, v15;
	v10 =	vadd.f32 v11, v13;
	v11 =	vld [tilespmem:s10+$0x2200];
	s25 =	smov.u32 s18;
	s18 =	sld [smem:$0x7AD]  }
0x2e7: {  	v20 =	vand.u32 $0xFFFF0000, v20;
	v16 =	vand.u32 $0xFFFF0000, v27;
	s10 =	smov.u32 s4;
	v13 =	vld [tilespmem:s29+$0x40];
	[tilespmem:s11+$0x800] =	vst v9  }
0x2e8: {  	v12 =	vadd.f32 v16, v20;
	[tilespmem:s14+$0x840] =	vst v6;
	[smem:$0x7D7] =	sst s10;
	s10 =	sor.u32 $0xC50, s21;
	v15 =	vld [tilespmem:s26+$0x810]  }
0x2e9: {  	v8 =	vand.u32 $0xFFFF0000, v8;
	[smem:$0x7CC] =	sst s25;
	v34 =	vshll.u32 v32, $0x10;
	v37 =	vld [tilespmem:s13+$0x70];
	[tilespmem:s10+$0xA200] =	vst v10;
	v10 =	vshll.u32 v7, $0x10;
	s25 =	smov.u32 s18;
	s18 =	sor.u32 $0x470, s22  }
0x2ea: {  	v12 =	vadd.f32 v33, v12;
	v6 =	vadd.f32 v34, v10;
	v10 =	vand.u32 $0xFFFF0000, v28;
	[smem:$0x7E9] =	sst s25;
	v35 =	vld [tilespmem:s18+$0x2200];
	s25 =	sor.u32 $0x470, s16  }
0x2eb: {  	v8 =	vadd.f32 v10, v8;
	v36 =	vld [tilespmem:s25+$0x2200]  }
0x2ec: {  	v9 =	vshll.u32 v30, $0x10;
	v38 =	vld [tilespmem:s13+$0xF0];
	s13 =	smov.u32 s8;
	[tilespmem:s15+$0x30] =	vst v12;
	v13 =	vadd.f32 v6, v13  }
0x2ed: {  	v10 =	vshll.u32 v11, $0x10;
	v6 =	vand.u32 $0xFFFF0000, v11;
	v11 =	vld [tilespmem:s13+$0x20];
	v8 =	vadd.f32 v15, v8  }
0x2ee: {  	s22 =	smov.u32 s19;
	v9 =	vadd.f32 v10, v9;
	v10 =	vld [tilespmem:s3+$0xC60];
	[tilespmem:s30+$0x40] =	vst v13  }
0x2ef: {  	s9 =	smov.u32 s31;
	v18 =	vand.u32 $0xFFFF0000, v32;
	s16 =	smov.u32 s1;
	s8 =	sor.u32 $0x410, s22;
	v12 =	vld [tilespmem:s29+$0x50];
	[tilespmem:s11+$0x810] =	vst v8  }
0x2f0: {  	[smem:$0x7E2] =	sst s9;
	v7 =	vand.u32 $0xFFFF0000, v7;
	s9 =	sor.u32 $0x410, s16;
	v8 =	vshll.u32 v35, $0x10;
	v39 =	vld [tilespmem:s8+$0x2200];
	v13 =	vshll.u32 v36, $0x10  }
0x2f1: {  	v14 =	vand.u32 $0xFFFF0000, v30;
	v7 =	vadd.f32 v18, v7;
	v40 =	vld [tilespmem:s9+$0x2200];
	v8 =	vadd.f32 v13, v8  }
0x2f2: {  	s4 =	sld [smem:$0x7AE];
	v22 =	vld [tilespmem:s13+$0xA0];
	v6 =	vadd.f32 v6, v14;
	v14 =	vshll.u32 v37, $0x10;
	v15 =	vand.u32 $0xFFFF0000, v37  }
0x2f3: {  	s10 =	sor.u32 $0xC60, s21;
	s18 =	sor.u32 $0xC70, s21;
	s21 =	sld [smem:$0x7E0];
	v23 =	vld [tilespmem:s0+$0x40];
	v20 =	vand.u32 $0xFFFF0000, v38;
	v13 =	vshll.u32 v38, $0x10;
	v8 =	vadd.f32 v8, v10  }
0x2f4: {  	s19 =	sld [smem:$0x7D1];
	v13 =	vadd.f32 v13, v14;
	v14 =	vadd.f32 v20, v15;
	v15 =	vld [tilespmem:s26+$0x820]  }
0x2f5: {  	s1 =	sld [smem:$0x7D8];
	v43 =	vld [tilespmem:s6+$0x850];
	v7 =	vadd.f32 v12, v7;
	[tilespmem:s10+$0xA200] =	vst v8  }
0x2f6: {  	s25 =	smov.u32 s21;
	s21 =	sld [smem:$0x7AF];
	v41 =	vshll.u32 v39, $0x10;
	v42 =	vshll.u32 v40, $0x10;
	v8 =	vld [tilespmem:s3+$0xC70]  }
0x2f7: {  	s8 =	smov.u32 s4;
	s4 =	sld [smem:$0x7DB];
	v44 =	vshll.u32 v22, $0x10;
	v10 =	vshll.u32 v11, $0x10;
	v12 =	vld [tilespmem:s28+$0x460];
	[tilespmem:s30+$0x50] =	vst v7;
	v7 =	vadd.f32 v42, v41  }
0x2f8: {  	[smem:$0x7D1] =	sst s25;
	v19 =	vand.u32 $0xFFFF0000, v35;
	v16 =	vand.u32 $0xFFFF0000, v36;
	v10 =	vadd.f32 v44, v10;
	v24 =	vld [tilespmem:s2+$0x30]  }
0x2f9: {  	s9 =	sld [smem:$0x7D5];
	v16 =	vadd.f32 v16, v19;
	v45 =	vld [tilespmem:s2+$0xB0];
	v7 =	vadd.f32 v7, v15  }
0x2fa: {  	[smem:$0x7E0] =	sst s8;
	s8 =	smov.u32 s4;
	v10 =	vadd.f32 v10, v23;
	v15 =	vld [tilespmem:s7+$0xC20]  }
0x2fb: {  	s4 =	sld [smem:$0x7B1];
	s10 =	smov.u32 s26;
	s26 =	smov.u32 s29;
	[tilespmem:s11+$0x820] =	vst v7;
	v7 =	vld [tilespmem:s5+$0xC60];
	v8 =	vadd.f32 v8, v16  }
0x2fc: {  	s3 =	sld [smem:$0x7CE];
	v12 =	vadd.f32 v13, v12;
	[tilespmem:s15+$0x40] =	vst v10;
	v13 =	vld [tilespmem:s26+$0x60]  }
0x2fd: {  	v5 =	vadd.f32 v43, v5;
	[smem:$0x7CE] =	sst s8;
	v10 =	vld [tilespmem:s0+$0x50];
	[tilespmem:s18+$0xA200] =	vst v8  }
0x2fe: {  	[tilespmem:s17+$0x460] =	vst v12;
	v46 =	vshll.u32 v24, $0x10;
	v47 =	vshll.u32 v45, $0x10;
	s18 =	sld [smem:$0x7E7];
	v8 =	vld [tilespmem:s10+$0x830]  }
0x2ff: {  	s25 =	smov.u32 s21;
	v17 =	vand.u32 $0xFFFF0000, v39;
	v49 =	vand.u32 $0xFFFF0000, v40;
	s8 =	sld [smem:$0x7B2];
	v48 =	vld [tilespmem:s28+$0x470];
	[tilespmem:s14+$0x850] =	vst v5;
	v12 =	vadd.f32 v47, v46  }
0x300: {  	v22 =	vand.u32 $0xFFFF0000, v22;
	v5 =	vadd.f32 v49, v17;
	v50 =	vld [tilespmem:s19+$0x2200];
	[smem:$0x7E7] =	sst s25  }
0x301: {  	v11 =	vand.u32 $0xFFFF0000, v11;
	v9 =	vadd.f32 v9, v15;
	v12 =	vadd.f32 v12, v13;
	v13 =	vld [tilespmem:s9+$0x2200];
	s19 =	smov.u32 s18;
	s9 =	sld [smem:$0x7ED]  }
0x302: {  	v11 =	vadd.f32 v22, v11;
	[smem:$0x7D5] =	sst s19  }
0x303: {  	v4 =	vadd.f32 v4, v7;
	v7 =	vld [tilespmem:s6+$0x860];
	[tilespmem:s3+$0xA200] =	vst v9;
	s19 =	sld [smem:$0x7B0];
	v5 =	vadd.f32 v8, v5  }
0x304: {  	[tilespmem:s30+$0x60] =	vst v12;
	s18 =	smov.u32 s9;
	v8 =	vadd.f32 v10, v11;
	s9 =	rddreg [dreg:$0xa]  }
0x305: {  	v10 =	vld [tilespmem:s26+$0x70];
	v11 =	vadd.f32 v48, v14;
	[smem:$0x7DB] =	sst s18;
	[tilespmem:s11+$0x830] =	vst v5  }
0x306: {  	v9 =	vld [tilespmem:s7+$0xC30];
	s21 =	smov.u32 s19;
	s18 =	sld [smem:$0x7B3];
	[tilespmem:s15+$0x50] =	vst v8  }
0x307: {  	[smem:$0x7ED] =	sst s21;
	[tilespmem:s17+$0x470] =	vst v11  }
0x308: {  	s25 =	sor.u32 $0x420, s22;
	v52 =	vld [tilespmem:s13+$0x30];
	[tilespmem:s4+$0xA200] =	vst v4;
	s4 =	sld [smem:$0x7CF]  }
0x309: {  	s3 =	sor.u32 $0x420, s16;
	v5 =	vld [tilespmem:s25+$0x2200];
	s25 =	smov.u32 s8;
	s8 =	sld [smem:$0x7DC]  }
0x30a: {  	v8 =	vshll.u32 v50, $0x10;
	v51 =	vshll.u32 v13, $0x10;
	v11 =	vld [tilespmem:s3+$0x2200];
	s3 =	sld [smem:$0x7E4]  }
0x30b: {  	v8 =	vadd.f32 v51, v8;
	v6 =	vadd.f32 v9, v6;
	s19 =	smov.u32 s18;
	s18 =	sld [smem:$0x7EE]  }
0x30c: {  	v4 =	vld [tilespmem:s13+$0xB0];
	[dreg:$0xa] =	wrdreg s19  }
0x30d: {  	s21 =	smov.u32 s9;
	v7 =	vadd.f32 v8, v7;
	v8 =	vld [tilespmem:s0+$0x60];
	[tilespmem:s4+$0xA200] =	vst v6;
	s9 =	smov.u32 s8;
	s4 =	sld [smem:$0x7B4]  }
0x30e: {  	[smem:$0x7CF] =	sst s9  }
0x30f: {  	s9 =	sld [smem:$0x7DD]  }
0x310: {  	s19 =	smov.u32 s20;
	s20 =	smov.u32 s18;
	s18 =	sld [smem:$0x7B5]  }
0x311: {  	[smem:$0x7DC] =	sst s20  }
0x312: {  	s8 =	smov.u32 s4;
	s4 =	sld [smem:$0x7B6]  }
0x313: {  	v15 =	vand.u32 $0xFFFF0000, v45;
	v14 =	vand.u32 $0xFFFF0000, v24;
	[smem:$0x7EE] =	sst s8  }
0x314: {  	v14 =	vadd.f32 v15, v14;
	v6 =	vld [tilespmem:s9+$0x2200];
	s9 =	rddreg [dreg:$0x1a]  }
0x315: {  	s20 =	smov.u32 s18;
	s18 =	rddreg [dreg:$0x1d]  }
0x316: {  	v9 =	vadd.f32 v10, v14;
	v14 =	vshll.u32 v52, $0x10;
	[tilespmem:s14+$0x860] =	vst v7;
	v7 =	vshll.u32 v4, $0x10;
	[smem:$0x7DD] =	sst s20  }
0x317: {  	v7 =	vadd.f32 v7, v14;
	v14 =	vld [tilespmem:s3+$0x2200];
	s20 =	smov.u32 s18;
	s3 =	sld [smem:$0x7B8]  }
0x318: {  	v10 =	vld [tilespmem:s10+$0x840];
	[dreg:$0x1a] =	wrdreg s20  }
0x319: {  	v12 =	vand.u32 $0xFFFF0000, v50;
	v13 =	vand.u32 $0xFFFF0000, v13;
	s8 =	smov.u32 s4;
	s4 =	sld [smem:$0x7E3]  }
0x31a: {  	v12 =	vadd.f32 v13, v12;
	[tilespmem:s30+$0x70] =	vst v9;
	v9 =	vshll.u32 v5, $0x10;
	v13 =	vshll.u32 v11, $0x10;
	s20 =	rddreg [dreg:$0x1c]  }
0x31b: {  	v53 =	vld [tilespmem:s2+$0x40];
	v9 =	vadd.f32 v13, v9;
	[smem:$0x7E4] =	sst s8;
	v7 =	vadd.f32 v7, v8  }
0x31c: {  	v13 =	vld [tilespmem:s2+$0xC0];
	s8 =	smov.u32 s4;
	s4 =	smov.u32 s1;
	s1 =	sld [smem:$0x7BD]  }
0x31d: {  	v5 =	vand.u32 $0xFFFF0000, v5;
	v11 =	vand.u32 $0xFFFF0000, v11;
	v9 =	vadd.f32 v9, v10;
	v10 =	vld [tilespmem:s28+$0x800];
	[tilespmem:s15+$0x60] =	vst v7;
	[dreg:$0x1d] =	wrdreg s8  }
0x31e: {  	v5 =	vadd.f32 v11, v5;
	v11 =	vld [tilespmem:s9+$0x2200];
	s9 =	sld [smem:$0x7B7]  }
0x31f: {  	v8 =	vld [tilespmem:s26+$0x400];
	[tilespmem:s11+$0x840] =	vst v9;
	s8 =	sld [smem:$0x7EA]  }
0x320: {  	v9 =	vld [tilespmem:s10+$0x850];
	[dreg:$0x1c] =	wrdreg s4  }
0x321: {  	v54 =	vshll.u32 v13, $0x10;
	v7 =	vshll.u32 v53, $0x10;
	s4 =	sld [smem:$0x7BE]  }
0x322: {  	v15 =	vand.u32 $0xFFFF0000, v52;
	v4 =	vand.u32 $0xFFFF0000, v4;
	v55 =	vld [tilespmem:s6+$0x870];
	v7 =	vadd.f32 v54, v7;
	s18 =	smov.u32 s9;
	s9 =	smov.u32 s8;
	s8 =	smov.u32 s6  }
0x323: {  	v4 =	vadd.f32 v4, v15;
	v15 =	vshll.u32 v6, $0x10;
	v56 =	vld [tilespmem:s0+$0x70];
	v57 =	vshll.u32 v14, $0x10;
	s6 =	smov.u32 s28;
	s28 =	smov.u32 s0;
	s0 =	sld [smem:$0x7EF]  }
0x324: {  	v7 =	vadd.f32 v7, v8;
	v8 =	vadd.f32 v57, v15;
	v15 =	vld [tilespmem:s20+$0x2200];
	[smem:$0x7E3] =	sst s18  }
0x325: {  	v5 =	vadd.f32 v9, v5;
	v9 =	vld [tilespmem:s7+$0xC40];
	[smem:$0x7D8] =	sst s9  }
0x326: {  	s18 =	sld [smem:$0x7B9];
	[tilespmem:s30+$0x400] =	vst v7;
	v7 =	vadd.f32 v8, v10;
	v10 =	vld [tilespmem:s5+$0xC70]  }
0x327: {  	v6 =	vand.u32 $0xFFFF0000, v6;
	v14 =	vand.u32 $0xFFFF0000, v14;
	s9 =	sor.u32 $0x430, s16;
	s5 =	rddreg [dreg:$0x17];
	v8 =	vadd.f32 v55, v12;
	v12 =	vld [tilespmem:s26+$0x410];
	[tilespmem:s11+$0x850] =	vst v5  }
0x328: {  	s31 =	smov.u32 s7;
	v6 =	vadd.f32 v14, v6;
	v4 =	vadd.f32 v56, v4;
	[tilespmem:s17+$0x800] =	vst v7;
	v14 =	vld [tilespmem:s9+$0x2200];
	s9 =	smov.u32 s17;
	s17 =	sld [smem:$0x7BB]  }
0x329: {  	s7 =	sor.u32 $0x430, s22;
	s20 =	smov.u32 s18;
	s18 =	sld [smem:$0x7BC]  }
0x32a: {  	v5 =	vld [tilespmem:s7+$0x2200];
	s7 =	smov.u32 s15;
	[tilespmem:s15+$0x70] =	vst v4;
	s15 =	sld [smem:$0x7BA]  }
0x32b: {  	v59 =	vld [tilespmem:s13+$0x40];
	[tilespmem:s14+$0x870] =	vst v8;
	s14 =	smov.u32 s17;
	s17 =	rddreg [dreg:$0x1b]  }
0x32c: {  	v13 =	vand.u32 $0xFFFF0000, v13;
	v7 =	vshll.u32 v11, $0x10;
	v58 =	vshll.u32 v15, $0x10;
	[smem:$0x7EA] =	sst s20;
	s20 =	smov.u32 s18;
	s18 =	smov.u32 s17  }
0x32d: {  	v4 =	vand.u32 $0xFFFF0000, v53;
	v7 =	vadd.f32 v58, v7;
	v3 =	vadd.f32 v10, v3;
	[dreg:$0x17] =	wrdreg s18  }
0x32e: {  	v4 =	vadd.f32 v13, v4;
	v13 =	vld [tilespmem:s13+$0xC0];
	s18 =	sld [smem:$0x7D2]  }
0x32f: {  	v7 =	vadd.f32 v7, v9;
	v9 =	vld [tilespmem:s28+$0x400];
	[tilespmem:s15+$0xA200] =	vst v3;
	s15 =	smov.u32 s4;
	s4 =	smov.u32 s0;
	s0 =	sld [smem:$0x7E1]  }
0x330: {  	v10 =	vld [tilespmem:s10+$0x860];
	v4 =	vadd.f32 v12, v4;
	[dreg:$0x1b] =	wrdreg s4  }
0x331: {  	v11 =	vand.u32 $0xFFFF0000, v11;
	v8 =	vand.u32 $0xFFFF0000, v15;
	v3 =	vld [tilespmem:s6+$0x810];
	[tilespmem:s5+$0xA200] =	vst v7;
	s5 =	sld [smem:$0x7BF]  }
0x332: {  	v8 =	vadd.f32 v8, v11;
	v11 =	vshll.u32 v14, $0x10;
	[tilespmem:s30+$0x410] =	vst v4;
	v4 =	vshll.u32 v5, $0x10;
	s4 =	smov.u32 s0;
	s0 =	sld [smem:$0x7E8]  }
0x333: {  	v4 =	vadd.f32 v11, v4;
	[smem:$0x7D2] =	sst s4  }
0x334: {  	s17 =	smov.u32 s5;
	s5 =	sld [smem:$0x7C0]  }
0x335: {  	v4 =	vadd.f32 v4, v10;
	v10 =	vld [tilespmem:s18+$0x2200];
	s18 =	sld [smem:$0x7D6]  }
0x336: {  	v12 =	vshll.u32 v59, $0x10;
	v60 =	vld [tilespmem:s2+$0x50];
	v7 =	vshll.u32 v13, $0x10;
	[smem:$0x7EF] =	sst s17  }
0x337: {  	v11 =	vand.u32 $0xFFFF0000, v13;
	v13 =	vld [tilespmem:s2+$0xD0];
	v7 =	vadd.f32 v7, v12;
	s4 =	smov.u32 s0;
	s0 =	sld [smem:$0x7C2]  }
0x338: {  	[smem:$0x7D6] =	sst s4  }
0x339: {  	v7 =	vadd.f32 v7, v9;
	v9 =	vld [tilespmem:s26+$0x420];
	s17 =	smov.u32 s5;
	s5 =	sld [smem:$0x7C1]  }
0x33a: {  	[tilespmem:s11+$0x860] =	vst v4;
	v12 =	vld [tilespmem:s18+$0x2200];
	s18 =	sld [smem:$0x7DE]  }
0x33b: {  	v15 =	vand.u32 $0xFFFF0000, v59;
	v3 =	vadd.f32 v3, v6;
	v4 =	vld [tilespmem:s10+$0x870];
	[smem:$0x7E1] =	sst s17;
	[tilespmem:s7+$0x400] =	vst v7  }
0x33c: {  	v11 =	vadd.f32 v11, v15;
	v6 =	vshll.u32 v60, $0x10;
	v7 =	vshll.u32 v13, $0x10;
	v15 =	vld [tilespmem:s8+$0xC00];
	s17 =	smov.u32 s5;
	s5 =	sld [smem:$0x7E5]  }
0x33d: {  	v61 =	vld [tilespmem:s28+$0x410];
	v6 =	vadd.f32 v7, v6;
	[tilespmem:s9+$0x810] =	vst v3;
	v3 =	vand.u32 $0xFFFF0000, v5;
	v5 =	vand.u32 $0xFFFF0000, v14;
	[smem:$0x7E8] =	sst s17  }
0x33e: {  	s4 =	smov.u32 s0;
	v3 =	vadd.f32 v5, v3;
	s17 =	sld [smem:$0x7C3]  }
0x33f: {  	v7 =	vld [tilespmem:s18+$0x2200];
	[smem:$0x7DE] =	sst s4;
	v6 =	vadd.f32 v6, v9  }
0x340: {  	v5 =	vshll.u32 v10, $0x10;
	s4 =	sld [smem:$0x7D9];
	v14 =	vshll.u32 v12, $0x10;
	v3 =	vadd.f32 v4, v3;
	v9 =	vld [tilespmem:s5+$0x2200]  }
0x341: {  	v5 =	vadd.f32 v14, v5;
	[tilespmem:s30+$0x420] =	vst v6;
	v6 =	vld [tilespmem:s31+$0xC50];
	s5 =	sld [smem:$0x7C4];
	s18 =	smov.u32 s17  }
0x342: {  	s29 =	smov.u32 s1;
	s1 =	sor.u32 $0x440, s22;
	v4 =	vand.u32 $0xFFFF0000, v12;
	v12 =	vld [tilespmem:s26+$0x430];
	[tilespmem:s11+$0x870] =	vst v3;
	[smem:$0x7E5] =	sst s18  }
0x343: {  	v10 =	vand.u32 $0xFFFF0000, v10;
	v5 =	vadd.f32 v5, v15;
	v3 =	vld [tilespmem:s1+$0x2200];
	s1 =	sld [smem:$0x7C5]  }
0x344: {  	v4 =	vadd.f32 v4, v10;
	v10 =	vadd.f32 v61, v11;
	s18 =	sld [smem:$0x7C6]  }
0x345: {  	s0 =	sor.u32 $0x440, s16;
	v14 =	vld [tilespmem:s6+$0x820];
	s17 =	smov.u32 s5;
	s5 =	rddreg [dreg:$0xf];
	[tilespmem:s4+$0xA200] =	vst v5  }
0x346: {  	v13 =	vand.u32 $0xFFFF0000, v13;
	v11 =	vshll.u32 v7, $0x10;
	[smem:$0x7D9] =	sst s17;
	v5 =	vld [tilespmem:s0+$0x2200];
	[tilespmem:s7+$0x410] =	vst v10;
	v10 =	vand.u32 $0xFFFF0000, v60  }
0x347: {  	s17 =	sld [smem:$0x7C7];
	v15 =	vshll.u32 v9, $0x10;
	v6 =	vadd.f32 v6, v8;
	v62 =	vld [tilespmem:s13+$0x50];
	v10 =	vadd.f32 v13, v10  }
.Ltmp0:
0x348: {  	s4 =	sld [smem:$0x7C8];
	v13 =	vadd.f32 v15, v11;
	v11 =	vld [tilespmem:s13+$0xD0];
	(pc) =	sbr.rel @p2 .LBB2_3-.Ltmp0, $4  }
0x349: {  	s3 =	sadd.s32 $0x2, s3;
	v7 =	vand.u32 $0xFFFF0000, v7;
	v9 =	vand.u32 $0xFFFF0000, v9;
	v8 =	vadd.f32 v12, v10;
	v12 =	vld [tilespmem:s28+$0x420];
	[tilespmem:s5+$0xA200] =	vst v6;
	s5 =	sld [smem:$0x7C9]  }
0x34a: {  	s11 =	smov.u32 s30;
	s30 =	smov.u32 s18;
	v9 =	vadd.f32 v9, v7;
	v7 =	vld [tilespmem:s10+$0xC00];
	s18 =	smov.u32 s17;
	v15 =	vadd.f32 v13, v14  }
0x34b: {  	s0 =	sand.u32 $0x7, s3;
	s1 =	sadd.s32 $0x1, s1;
	[dreg:$0xf] =	wrdreg s18;
	v63 =	vshll.u32 v5, $0x10;
	v6 =	vld [tilespmem:s8+$0xC10];
	[tilespmem:s11+$0x430] =	vst v8;
	v8 =	vshll.u32 v3, $0x10  }
0x34c: {  	s18 =	smov.u32 s4;
	[tilespmem:s9+$0x820] =	vst v15;
	s17 =	smov.u32 s5;
	v14 =	vshll.u32 v62, $0x10;
	v13 =	vand.u32 $0xFFFF0000, v62;
	v10 =	vld [tilespmem:s2+$0x60];
	s5 =	sshll.u32 s0, $0x7;
	v8 =	vadd.f32 v63, v8  }
0x34d: {  	v15 =	vshll.u32 v11, $0x10  }
0x34e: {  	v14 =	vadd.f32 v15, v14;
	_ =	sdelay $0x1  }
0x34f: {  	v12 =	vadd.f32 v14, v12;
	_ =	sdelay $0x1  }
0x350: {  	[tilespmem:s7+$0x420] =	vst v12  }
0x351: {  	v12 =	vld [tilespmem:s28+$0x430];
	_ =	sdelay $0x1  }
0x352: {  	v11 =	vand.u32 $0xFFFF0000, v11  }
0x353: {  	v11 =	vadd.f32 v11, v13  }
0x354: {  	v13 =	vld [tilespmem:s2+$0xE0]  }
0x355: {  	v11 =	vadd.f32 v12, v11;
	_ =	sdelay $0x1  }
0x356: {  	v12 =	vld [tilespmem:s26+$0x440];
	[tilespmem:s7+$0x430] =	vst v11  }
0x357: {  	v11 =	vld [tilespmem:s13+$0x60]  }
0x358: {  	v14 =	vshll.u32 v10, $0x10;
	v15 =	vshll.u32 v13, $0x10;
	v16 =	vld [tilespmem:s13+$0xE0]  }
0x359: {  	v14 =	vadd.f32 v15, v14;
	_ =	sdelay $0x1  }
0x35a: {  	v12 =	vadd.f32 v14, v12;
	v14 =	vld [tilespmem:s28+$0x440];
	_ =	sdelay $0x1  }
0x35b: {  	[tilespmem:s11+$0x440] =	vst v12;
	v12 =	vshll.u32 v11, $0x10;
	v15 =	vshll.u32 v16, $0x10  }
0x35c: {  	v17 =	vld [tilespmem:s26+$0x450];
	v12 =	vadd.f32 v15, v12;
	_ =	sdelay $0x1  }
0x35d: {  	v10 =	vand.u32 $0xFFFF0000, v10;
	v13 =	vand.u32 $0xFFFF0000, v13;
	v12 =	vadd.f32 v12, v14  }
0x35e: {  	v10 =	vadd.f32 v13, v10  }
0x35f: {  	[tilespmem:s7+$0x440] =	vst v12  }
0x360: {  	v10 =	vadd.f32 v17, v10;
	v12 =	vld [tilespmem:s28+$0x450];
	_ =	sdelay $0x1  }
0x361: {  	[tilespmem:s11+$0x450] =	vst v10;
	v10 =	vand.u32 $0xFFFF0000, v11;
	v11 =	vand.u32 $0xFFFF0000, v16  }
0x362: {  	v13 =	vld [tilespmem:s2+$0x70];
	v10 =	vadd.f32 v11, v10  }
0x363: {  	v11 =	vld [tilespmem:s2+$0xF0]  }
0x364: {  	v10 =	vadd.f32 v12, v10;
	_ =	sdelay $0x1  }
0x365: {  	v12 =	vld [tilespmem:s26+$0x460];
	[tilespmem:s7+$0x450] =	vst v10  }
0x366: {  	v10 =	vld [tilespmem:s13+$0x70]  }
0x367: {  	v15 =	vshll.u32 v13, $0x10;
	v52 =	vshll.u32 v11, $0x10;
	v14 =	vld [tilespmem:s13+$0xF0]  }
0x368: {  	v15 =	vadd.f32 v52, v15;
	_ =	sdelay $0x1  }
0x369: {  	v12 =	vadd.f32 v15, v12;
	v15 =	vld [tilespmem:s28+$0x460];
	_ =	sdelay $0x1  }
0x36a: {  	[tilespmem:s11+$0x460] =	vst v12;
	v12 =	vshll.u32 v10, $0x10;
	v53 =	vshll.u32 v14, $0x10  }
0x36b: {  	v54 =	vld [tilespmem:s26+$0x470];
	v12 =	vadd.f32 v53, v12;
	_ =	sdelay $0x1  }
0x36c: {  	v13 =	vand.u32 $0xFFFF0000, v13;
	v11 =	vand.u32 $0xFFFF0000, v11;
	v12 =	vadd.f32 v12, v15  }
0x36d: {  	v11 =	vadd.f32 v11, v13  }
0x36e: {  	[tilespmem:s7+$0x460] =	vst v12  }
0x36f: {  	s0 =	sadd.s32 $0x2, s12;
	v11 =	vadd.f32 v54, v11;
	s12 =	sld [smem:$0x7F4];
	v12 =	vld [tilespmem:s28+$0x470]  }
0x370: {  	s0 =	sand.u32 $0x3, s0  }
0x371: {  	s0 =	sshll.u32 s0, $0x8;
	v10 =	vand.u32 $0xFFFF0000, v10;
	[tilespmem:s11+$0x470] =	vst v11;
	v11 =	vand.u32 $0xFFFF0000, v14  }
0x372: {  	v10 =	vadd.f32 v11, v10;
	s0 =	sadd.s32 s12, s0  }
0x373: {  	s4 =	sadd.s32 $0x100, s0  }
0x374: {  	s0 =	sadd.s32 $0x180, s0;
	s1 =	sor.u32 $0x400, s4;
	v10 =	vadd.f32 v12, v10  }
0x375: {  	s2 =	sor.u32 $0x400, s0;
	v13 =	vld [tilespmem:s1+$0x2200]  }
0x376: {  	v11 =	vld [tilespmem:s2+$0x2200];
	[tilespmem:s7+$0x470] =	vst v10  }
0x377: {  	s13 =	sld [smem:$0x7DD]  }
0x378: {  	s2 =	sld [smem:$0x7E4]  }
0x379: {  	v12 =	vld [tilespmem:s26+$0x800]  }
0x37a: {  	v10 =	vld [tilespmem:s13+$0x2200]  }
0x37b: {  	v14 =	vld [tilespmem:s2+$0x2200];
	v15 =	vshll.u32 v13, $0x10;
	v55 =	vshll.u32 v11, $0x10  }
0x37c: {  	v15 =	vadd.f32 v55, v15;
	_ =	sdelay $0x1  }
0x37d: {  	v12 =	vadd.f32 v15, v12;
	v15 =	vld [tilespmem:s28+$0x800];
	_ =	sdelay $0x1  }
0x37e: {  	[tilespmem:s11+$0x800] =	vst v12;
	v12 =	vshll.u32 v10, $0x10;
	v56 =	vshll.u32 v14, $0x10  }
0x37f: {  	v57 =	vld [tilespmem:s26+$0x810];
	v12 =	vadd.f32 v56, v12;
	_ =	sdelay $0x1  }
0x380: {  	v13 =	vand.u32 $0xFFFF0000, v13;
	v11 =	vand.u32 $0xFFFF0000, v11;
	v12 =	vadd.f32 v12, v15  }
0x381: {  	v11 =	vadd.f32 v11, v13  }
0x382: {  	[tilespmem:s7+$0x800] =	vst v12  }
0x383: {  	v11 =	vadd.f32 v57, v11;
	v12 =	vld [tilespmem:s28+$0x810];
	_ =	sdelay $0x1  }
0x384: {  	v10 =	vand.u32 $0xFFFF0000, v10;
	[tilespmem:s11+$0x810] =	vst v11;
	v11 =	vand.u32 $0xFFFF0000, v14  }
0x385: {  	v10 =	vadd.f32 v11, v10;
	_ =	sdelay $0x1  }
0x386: {  	s13 =	sor.u32 $0x410, s4;
	v10 =	vadd.f32 v12, v10  }
0x387: {  	s2 =	sor.u32 $0x410, s0;
	v13 =	vld [tilespmem:s13+$0x2200]  }
0x388: {  	v11 =	vld [tilespmem:s2+$0x2200];
	[tilespmem:s7+$0x810] =	vst v10  }
0x389: {  	s13 =	sld [smem:$0x7DE]  }
0x38a: {  	s2 =	sld [smem:$0x7E5]  }
0x38b: {  	v12 =	vld [tilespmem:s26+$0x820]  }
0x38c: {  	v10 =	vld [tilespmem:s13+$0x2200]  }
0x38d: {  	v15 =	vshll.u32 v13, $0x10;
	v58 =	vshll.u32 v11, $0x10;
	v14 =	vld [tilespmem:s2+$0x2200]  }
0x38e: {  	v15 =	vadd.f32 v58, v15;
	_ =	sdelay $0x1  }
0x38f: {  	v12 =	vadd.f32 v15, v12;
	v15 =	vld [tilespmem:s28+$0x820]  }
0x390: {  	v59 =	vld [tilespmem:s6+$0x830]  }
0x391: {  	[tilespmem:s11+$0x820] =	vst v12;
	v12 =	vshll.u32 v10, $0x10;
	v60 =	vshll.u32 v14, $0x10  }
0x392: {  	v18 =	vld [tilespmem:s26+$0x830];
	v12 =	vadd.f32 v60, v12;
	_ =	sdelay $0x1  }
0x393: {  	v13 =	vand.u32 $0xFFFF0000, v13;
	v11 =	vand.u32 $0xFFFF0000, v11;
	v12 =	vadd.f32 v12, v15  }
0x394: {  	v9 =	vadd.f32 v59, v9;
	v11 =	vadd.f32 v11, v13  }
0x395: {  	[tilespmem:s7+$0x820] =	vst v12  }
0x396: {  	[tilespmem:s9+$0x830] =	vst v9;
	v9 =	vadd.f32 v18, v11;
	v11 =	vld [tilespmem:s28+$0x830]  }
0x397: {  	s13 =	sld [smem:$0x7D0]  }
0x398: {  	s2 =	sld [smem:$0x7D4];
	[tilespmem:s11+$0x830] =	vst v9;
	v9 =	vand.u32 $0xFFFF0000, v10;
	v10 =	vand.u32 $0xFFFF0000, v14  }
0x399: {  	v9 =	vadd.f32 v10, v9  }
0x39a: {  	v12 =	vld [tilespmem:s13+$0x2200]  }
0x39b: {  	v13 =	vld [tilespmem:s2+$0x2200];
	s13 =	sor.u32 $0x420, s4;
	v9 =	vadd.f32 v11, v9  }
0x39c: {  	s2 =	sor.u32 $0x420, s0;
	v14 =	vld [tilespmem:s13+$0x2200]  }
0x39d: {  	v10 =	vld [tilespmem:s2+$0x2200];
	[tilespmem:s7+$0x830] =	vst v9  }
0x39e: {  	v15 =	vld [tilespmem:s6+$0x840];
	s13 =	sld [smem:$0x7DF]  }
0x39f: {  	s2 =	sld [smem:$0x7E6]  }
0x3a0: {  	v62 =	vld [tilespmem:s26+$0x840];
	v11 =	vshll.u32 v12, $0x10;
	v61 =	vshll.u32 v13, $0x10  }
0x3a1: {  	v11 =	vadd.f32 v61, v11;
	v9 =	vld [tilespmem:s13+$0x2200]  }
0x3a2: {  	v21 =	vshll.u32 v14, $0x10;
	v19 =	vshll.u32 v10, $0x10;
	v63 =	vld [tilespmem:s2+$0x2200]  }
0x3a3: {  	v11 =	vadd.f32 v11, v15;
	v15 =	vadd.f32 v19, v21;
	_ =	sdelay $0x1  }
0x3a4: {  	[tilespmem:s9+$0x840] =	vst v11;
	v11 =	vadd.f32 v15, v62;
	v15 =	vld [tilespmem:s28+$0x840]  }
0x3a5: {  	v22 =	vld [tilespmem:s6+$0x850]  }
0x3a6: {  	[tilespmem:s11+$0x840] =	vst v11;
	v11 =	vshll.u32 v9, $0x10;
	v23 =	vshll.u32 v63, $0x10  }
0x3a7: {  	v12 =	vand.u32 $0xFFFF0000, v12;
	v13 =	vand.u32 $0xFFFF0000, v13;
	v24 =	vld [tilespmem:s26+$0x850];
	v11 =	vadd.f32 v23, v11  }
0x3a8: {  	v12 =	vadd.f32 v13, v12  }
0x3a9: {  	v13 =	vand.u32 $0xFFFF0000, v14;
	v10 =	vand.u32 $0xFFFF0000, v10;
	v11 =	vadd.f32 v11, v15  }
0x3aa: {  	v10 =	vadd.f32 v10, v13;
	v12 =	vadd.f32 v22, v12  }
0x3ab: {  	[tilespmem:s7+$0x840] =	vst v11  }
0x3ac: {  	[tilespmem:s9+$0x850] =	vst v12;
	v10 =	vadd.f32 v24, v10;
	v11 =	vld [tilespmem:s28+$0x850]  }
0x3ad: {  	s13 =	sld [smem:$0x7D1]  }
0x3ae: {  	v9 =	vand.u32 $0xFFFF0000, v9;
	s2 =	sld [smem:$0x7D5];
	[tilespmem:s11+$0x850] =	vst v10;
	v10 =	vand.u32 $0xFFFF0000, v63  }
0x3af: {  	v9 =	vadd.f32 v10, v9  }
0x3b0: {  	v12 =	vld [tilespmem:s13+$0x2200]  }
0x3b1: {  	v13 =	vld [tilespmem:s2+$0x2200];
	s13 =	sor.u32 $0x430, s4;
	v9 =	vadd.f32 v11, v9  }
0x3b2: {  	s2 =	sor.u32 $0x430, s0;
	v14 =	vld [tilespmem:s13+$0x2200]  }
0x3b3: {  	v10 =	vld [tilespmem:s2+$0x2200];
	[tilespmem:s7+$0x850] =	vst v9  }
0x3b4: {  	s13 =	sld [smem:$0x7E0]  }
0x3b5: {  	v11 =	vld [tilespmem:s6+$0x860];
	s2 =	sld [smem:$0x7E7]  }
0x3b6: {  	v15 =	vld [tilespmem:s26+$0x860]  }
0x3b7: {  	v25 =	vshll.u32 v12, $0x10;
	v26 =	vshll.u32 v13, $0x10;
	v9 =	vld [tilespmem:s13+$0x2200]  }
0x3b8: {  	v16 =	vadd.f32 v26, v25;
	v28 =	vshll.u32 v14, $0x10;
	v29 =	vshll.u32 v10, $0x10;
	v27 =	vld [tilespmem:s2+$0x2200]  }
0x3b9: {  	v17 =	vadd.f32 v29, v28  }
0x3ba: {  	v11 =	vadd.f32 v16, v11  }
0x3bb: {  	v30 =	vld [tilespmem:s28+$0x860];
	v15 =	vadd.f32 v17, v15  }
0x3bc: {  	[tilespmem:s9+$0x860] =	vst v11  }
0x3bd: {  	v11 =	vld [tilespmem:s6+$0x870];
	[tilespmem:s11+$0x860] =	vst v15;
	v15 =	vshll.u32 v9, $0x10;
	v31 =	vshll.u32 v27, $0x10  }
0x3be: {  	v12 =	vand.u32 $0xFFFF0000, v12;
	v13 =	vand.u32 $0xFFFF0000, v13;
	v32 =	vld [tilespmem:s26+$0x870];
	v15 =	vadd.f32 v31, v15  }
0x3bf: {  	v12 =	vadd.f32 v13, v12  }
0x3c0: {  	v13 =	vand.u32 $0xFFFF0000, v14;
	v10 =	vand.u32 $0xFFFF0000, v10;
	v14 =	vadd.f32 v15, v30  }
0x3c1: {  	v10 =	vadd.f32 v10, v13  }
0x3c2: {  	v11 =	vadd.f32 v11, v12;
	[tilespmem:s7+$0x860] =	vst v14  }
0x3c3: {  	v10 =	vadd.f32 v32, v10;
	v12 =	vld [tilespmem:s28+$0x870]  }
0x3c4: {  	[tilespmem:s9+$0x870] =	vst v11  }
0x3c5: {  	s5 =	sadd.s32 s24, s5;
	v9 =	vand.u32 $0xFFFF0000, v9;
	s9 =	sld [smem:$0x7D2];
	[tilespmem:s11+$0x870] =	vst v10;
	v10 =	vand.u32 $0xFFFF0000, v27;
	s11 =	sor.u32 $0x440, s4  }
0x3c6: {  	v7 =	vadd.f32 v8, v7;
	s2 =	sadd.s32 $0x80, s5;
	s13 =	sor.u32 $0x440, s0;
	v13 =	vld [tilespmem:s11+$0x2200];
	v8 =	vadd.f32 v10, v9  }
0x3c7: {  	s24 =	sor.u32 $0xC00, s2;
	v9 =	vld [tilespmem:s13+$0x2200]  }
0x3c8: {  	[tilespmem:s24+$0xA200] =	vst v7;
	v8 =	vadd.f32 v12, v8  }
0x3c9: {  	s1 =	sld [smem:$0x7D6];
	v10 =	vld [tilespmem:s10+$0xC10]  }
0x3ca: {  	[tilespmem:s7+$0x870] =	vst v8;
	v8 =	vld [tilespmem:s26+$0xC00]  }
0x3cb: {  	v3 =	vand.u32 $0xFFFF0000, v3;
	v5 =	vand.u32 $0xFFFF0000, v5;
	s7 =	sadd.s32 $0x2, s3  }
0x3cc: {  	v3 =	vadd.f32 v5, v3;
	v7 =	vld [tilespmem:s1+$0x2200];
	v5 =	vshll.u32 v13, $0x10;
	v15 =	vshll.u32 v9, $0x10;
	s1 =	sand.u32 $0x7, s7  }
0x3cd: {  	v5 =	vadd.f32 v15, v5;
	s1 =	sshll.u32 s1, $0x7  }
0x3ce: {  	v3 =	vadd.f32 v10, v3;
	s1 =	sadd.s32 s12, s1  }
0x3cf: {  	s11 =	sor.u32 $0xC10, s2;
	v11 =	vld [tilespmem:s9+$0x2200];
	s5 =	sld [smem:$0x7E1];
	s3 =	sadd.s32 $0x80, s1;
	v5 =	vadd.f32 v5, v8  }
0x3d0: {  	s9 =	sld [smem:$0x7E8];
	[tilespmem:s11+$0xA200] =	vst v3;
	s13 =	sor.u32 $0xC00, s3  }
0x3d1: {  	v33 =	vld [tilespmem:s6+$0xC00];
	[tilespmem:s13+$0xA200] =	vst v5  }
0x3d2: {  	v12 =	vld [tilespmem:s5+$0x2200];
	s5 =	sld [smem:$0x7CD]  }
0x3d3: {  	v4 =	vadd.f32 v6, v4;
	v14 =	vld [tilespmem:s9+$0x2200]  }
0x3d4: {  	v10 =	vshll.u32 v11, $0x10;
	v15 =	vshll.u32 v7, $0x10  }
0x3d5: {  	v3 =	vadd.f32 v15, v10;
	[tilespmem:s5+$0xA200] =	vst v4  }
0x3d6: {  	v8 =	vld [tilespmem:s28+$0xC00];
	s9 =	sld [smem:$0x7D9]  }
0x3d7: {  	v3 =	vadd.f32 v3, v33;
	v15 =	vld [tilespmem:s26+$0xC10]  }
0x3d8: {  	s12 =	sor.u32 $0x450, s22;
	v5 =	vshll.u32 v12, $0x10;
	v6 =	vshll.u32 v14, $0x10  }
0x3d9: {  	s24 =	sor.u32 $0x450, s16;
	v9 =	vand.u32 $0xFFFF0000, v9;
	v10 =	vld [tilespmem:s12+$0x2200];
	v5 =	vadd.f32 v6, v5;
	s7 =	sld [smem:$0x7CB];
	[tilespmem:s9+$0xA200] =	vst v3;
	v3 =	vand.u32 $0xFFFF0000, v13  }
0x3da: {  	v4 =	vld [tilespmem:s24+$0x2200];
	v3 =	vadd.f32 v9, v3  }
0x3db: {  	v5 =	vadd.f32 v5, v8;
	v8 =	vld [tilespmem:s6+$0xC10]  }
0x3dc: {  	v3 =	vadd.f32 v15, v3  }
0x3dd: {  	v7 =	vand.u32 $0xFFFF0000, v7;
	s11 =	sor.u32 $0xC10, s3;
	v6 =	vld [tilespmem:s7+$0x2200];
	s1 =	sld [smem:$0x7CC];
	[tilespmem:s30+$0xA200] =	vst v5;
	v5 =	vand.u32 $0xFFFF0000, v11  }
0x3de: {  	v13 =	vld [tilespmem:s10+$0xC20];
	v5 =	vadd.f32 v7, v5;
	[tilespmem:s11+$0xA200] =	vst v3  }
0x3df: {  	v11 =	vld [tilespmem:s28+$0xC10];
	s5 =	sld [smem:$0x7DA]  }
0x3e0: {  	v15 =	vshll.u32 v4, $0x10;
	v9 =	vld [tilespmem:s1+$0x2200];
	v3 =	vshll.u32 v10, $0x10;
	v5 =	vadd.f32 v8, v5  }
0x3e1: {  	v7 =	vand.u32 $0xFFFF0000, v12;
	v12 =	vand.u32 $0xFFFF0000, v14;
	v3 =	vadd.f32 v15, v3  }
0x3e2: {  	v7 =	vadd.f32 v12, v7;
	[tilespmem:s5+$0xA200] =	vst v5  }
0x3e3: {  	s12 =	sor.u32 $0x450, s4;
	v8 =	vld [tilespmem:s8+$0xC20];
	v3 =	vadd.f32 v3, v13;
	s7 =	sld [smem:$0x7EC]  }
0x3e4: {  	s13 =	sor.u32 $0x450, s0;
	s9 =	sor.u32 $0xC20, s2;
	v14 =	vld [tilespmem:s12+$0x2200];
	v7 =	vadd.f32 v11, v7;
	s24 =	sld [smem:$0x7D3]  }
0x3e5: {  	v12 =	vshll.u32 v6, $0x10;
	v5 =	vld [tilespmem:s13+$0x2200];
	v13 =	vshll.u32 v9, $0x10;
	s5 =	sld [smem:$0x7D7];
	[tilespmem:s9+$0xA200] =	vst v3  }
0x3e6: {  	[tilespmem:s7+$0xA200] =	vst v7;
	v7 =	vadd.f32 v13, v12  }
0x3e7: {  	v12 =	vld [tilespmem:s10+$0xC30]  }
0x3e8: {  	s11 =	sld [smem:$0x7CE];
	v7 =	vadd.f32 v7, v8;
	v8 =	vld [tilespmem:s26+$0xC20]  }
0x3e9: {  	v4 =	vand.u32 $0xFFFF0000, v4;
	v10 =	vand.u32 $0xFFFF0000, v10  }
0x3ea: {  	v4 =	vadd.f32 v4, v10;
	v13 =	vshll.u32 v14, $0x10;
	v34 =	vshll.u32 v5, $0x10  }
0x3eb: {  	v11 =	vld [tilespmem:s24+$0x2200];
	s1 =	sld [smem:$0x7E2];
	v13 =	vadd.f32 v34, v13;
	[tilespmem:s11+$0xA200] =	vst v7  }
0x3ec: {  	v10 =	vld [tilespmem:s8+$0xC30];
	v4 =	vadd.f32 v12, v4  }
0x3ed: {  	s12 =	sor.u32 $0xC30, s2;
	v15 =	vld [tilespmem:s5+$0x2200];
	v8 =	vadd.f32 v13, v8  }
0x3ee: {  	v6 =	vand.u32 $0xFFFF0000, v6;
	v9 =	vand.u32 $0xFFFF0000, v9;
	s24 =	sor.u32 $0xC20, s3;
	v3 =	vld [tilespmem:s1+$0x2200];
	s1 =	sld [smem:$0x7E9];
	[tilespmem:s12+$0xA200] =	vst v4  }
0x3ef: {  	v6 =	vadd.f32 v9, v6;
	[tilespmem:s24+$0xA200] =	vst v8  }
0x3f0: {  	v35 =	vld [tilespmem:s6+$0xC20];
	s9 =	sld [smem:$0x7CF]  }
0x3f1: {  	v7 =	vld [tilespmem:s1+$0x2200];
	v6 =	vadd.f32 v10, v6  }
0x3f2: {  	v9 =	vshll.u32 v11, $0x10;
	v12 =	vshll.u32 v15, $0x10  }
0x3f3: {  	v4 =	vadd.f32 v12, v9;
	[tilespmem:s9+$0xA200] =	vst v6  }
0x3f4: {  	v13 =	vld [tilespmem:s28+$0xC20];
	s11 =	sld [smem:$0x7DB]  }
0x3f5: {  	v4 =	vadd.f32 v4, v35;
	v12 =	vld [tilespmem:s26+$0xC30]  }
0x3f6: {  	s13 =	sor.u32 $0x460, s22;
	v8 =	vshll.u32 v3, $0x10;
	v10 =	vshll.u32 v7, $0x10  }
0x3f7: {  	s7 =	sor.u32 $0x460, s16;
	v5 =	vand.u32 $0xFFFF0000, v5;
	v9 =	vld [tilespmem:s13+$0x2200];
	v8 =	vadd.f32 v10, v8;
	s1 =	rddreg [dreg:$0x1a];
	[tilespmem:s11+$0xA200] =	vst v4;
	v4 =	vand.u32 $0xFFFF0000, v14  }
0x3f8: {  	v10 =	vld [tilespmem:s7+$0x2200];
	v4 =	vadd.f32 v5, v4;
	s12 =	sld [smem:$0x7ED]  }
0x3f9: {  	v8 =	vadd.f32 v8, v13;
	v5 =	vld [tilespmem:s6+$0xC30]  }
0x3fa: {  	v4 =	vadd.f32 v12, v4  }
0x3fb: {  	s13 =	sor.u32 $0xC30, s3;
	v6 =	vld [tilespmem:s1+$0x2200];
	s1 =	rddreg [dreg:$0x1c];
	[tilespmem:s12+$0xA200] =	vst v8;
	v8 =	vand.u32 $0xFFFF0000, v11;
	v11 =	vand.u32 $0xFFFF0000, v15  }
0x3fc: {  	v14 =	vld [tilespmem:s10+$0xC40];
	v8 =	vadd.f32 v11, v8;
	[tilespmem:s13+$0xA200] =	vst v4  }
0x3fd: {  	v12 =	vld [tilespmem:s28+$0xC30];
	s7 =	sld [smem:$0x7DC]  }
0x3fe: {  	v13 =	vld [tilespmem:s1+$0x2200];
	v15 =	vshll.u32 v10, $0x10;
	v4 =	vshll.u32 v9, $0x10;
	v5 =	vadd.f32 v5, v8  }
0x3ff: {  	v3 =	vand.u32 $0xFFFF0000, v3;
	v7 =	vand.u32 $0xFFFF0000, v7;
	v4 =	vadd.f32 v15, v4  }
0x400: {  	v3 =	vadd.f32 v7, v3;
	[tilespmem:s7+$0xA200] =	vst v5  }
0x401: {  	s24 =	sor.u32 $0x460, s4;
	v7 =	vld [tilespmem:s8+$0xC40];
	v4 =	vadd.f32 v4, v14;
	s11 =	sld [smem:$0x7EE]  }
0x402: {  	s5 =	sor.u32 $0x460, s0;
	s12 =	sor.u32 $0xC40, s2;
	v11 =	vld [tilespmem:s24+$0x2200];
	v3 =	vadd.f32 v12, v3;
	s9 =	sld [smem:$0x7D8]  }
0x403: {  	v8 =	vld [tilespmem:s5+$0x2200];
	v14 =	vshll.u32 v13, $0x10;
	s1 =	rddreg [dreg:$0x1d];
	v12 =	vshll.u32 v6, $0x10;
	[tilespmem:s12+$0xA200] =	vst v4  }
0x404: {  	v5 =	vld [tilespmem:s1+$0x2200];
	[tilespmem:s11+$0xA200] =	vst v3;
	v3 =	vadd.f32 v14, v12  }
0x405: {  	v15 =	vld [tilespmem:s9+$0x2200];
	s1 =	sld [smem:$0x7E3]  }
0x406: {  	v12 =	vld [tilespmem:s10+$0xC50];
	v3 =	vadd.f32 v3, v7  }
0x407: {  	s13 =	rddreg [dreg:$0x17];
	v7 =	vld [tilespmem:s26+$0xC40]  }
0x408: {  	v10 =	vand.u32 $0xFFFF0000, v10;
	v9 =	vand.u32 $0xFFFF0000, v9;
	v4 =	vld [tilespmem:s1+$0x2200];
	[tilespmem:s13+$0xA200] =	vst v3  }
0x409: {  	v9 =	vadd.f32 v10, v9;
	v36 =	vshll.u32 v8, $0x10;
	v14 =	vshll.u32 v11, $0x10;
	s1 =	sld [smem:$0x7EA];
	v10 =	vld [tilespmem:s8+$0xC50]  }
0x40a: {  	v14 =	vadd.f32 v36, v14  }
0x40b: {  	v13 =	vand.u32 $0xFFFF0000, v13;
	v6 =	vand.u32 $0xFFFF0000, v6;
	v37 =	vld [tilespmem:s6+$0xC40];
	v9 =	vadd.f32 v12, v9  }
0x40c: {  	s24 =	sor.u32 $0xC50, s2;
	v6 =	vadd.f32 v13, v6;
	v7 =	vadd.f32 v14, v7;
	v3 =	vld [tilespmem:s1+$0x2200]  }
0x40d: {  	s7 =	sor.u32 $0xC40, s3;
	v12 =	vshll.u32 v5, $0x10;
	v13 =	vshll.u32 v15, $0x10;
	s5 =	sld [smem:$0x7CA];
	[tilespmem:s24+$0xA200] =	vst v9  }
0x40e: {  	v9 =	vadd.f32 v13, v12;
	[tilespmem:s7+$0xA200] =	vst v7;
	v6 =	vadd.f32 v10, v6  }
0x40f: {  	v14 =	vld [tilespmem:s28+$0xC40];
	s11 =	rddreg [dreg:$0xf]  }
0x410: {  	v38 =	vld [tilespmem:s23+$0x2200];
	v9 =	vadd.f32 v9, v37;
	[tilespmem:s11+$0xA200] =	vst v6  }
0x411: {  	v39 =	vld [tilespmem:s5+$0x2200];
	v7 =	vshll.u32 v4, $0x10;
	v10 =	vshll.u32 v3, $0x10;
	s12 =	rddreg [dreg:$0x1b]  }
0x412: {  	v13 =	vld [tilespmem:s26+$0xC50];
	s1 =	rddreg [dreg:$0x8];
	v7 =	vadd.f32 v10, v7;
	[tilespmem:s12+$0xA200] =	vst v9  }
0x413: {  	s5 =	sor.u32 $0x470, s22;
	v6 =	vld [tilespmem:s1+$0x2200];
	s1 =	sld [smem:$0x7EF]  }
0x414: {  	v8 =	vand.u32 $0xFFFF0000, v8;
	v12 =	vld [tilespmem:s5+$0x2200];
	v9 =	vand.u32 $0xFFFF0000, v11;
	v7 =	vadd.f32 v7, v14  }
0x415: {  	v8 =	vadd.f32 v8, v9;
	v9 =	vld [tilespmem:s6+$0xC50]  }
0x416: {  	v21 =	vld [tilespmem:s8+$0xC60];
	[tilespmem:s1+$0xA200] =	vst v7  }
0x417: {  	s9 =	sor.u32 $0x470, s16;
	v5 =	vand.u32 $0xFFFF0000, v5;
	v11 =	vand.u32 $0xFFFF0000, v15;
	v8 =	vadd.f32 v13, v8;
	v13 =	vld [tilespmem:s28+$0xC50]  }
0x418: {  	v10 =	vld [tilespmem:s9+$0x2200];
	v5 =	vadd.f32 v11, v5  }
0x419: {  	v4 =	vand.u32 $0xFFFF0000, v4;
	v3 =	vand.u32 $0xFFFF0000, v3;
	v11 =	vld [tilespmem:s31+$0xC60]  }
0x41a: {  	s13 =	sor.u32 $0xC50, s3;
	v3 =	vadd.f32 v3, v4;
	v7 =	vld [tilespmem:s10+$0xC60];
	s1 =	rddreg [dreg:$0x6];
	v5 =	vadd.f32 v9, v5  }
0x41b: {  	s0 =	sor.u32 $0x470, s0;
	[tilespmem:s13+$0xA200] =	vst v8;
	v14 =	vld [tilespmem:s1+$0x2200]  }
0x41c: {  	s16 =	sor.u32 $0x470, s4;
	v4 =	vld [tilespmem:s0+$0x2200];
	[tilespmem:s18+$0xA200] =	vst v5;
	v3 =	vadd.f32 v13, v3  }
0x41d: {  	v8 =	vld [tilespmem:s16+$0x2200];
	s22 =	rddreg [dreg:$0xc]  }
0x41e: {  	v9 =	vld [tilespmem:s26+$0xC60];
	s23 =	rddreg [dreg:$0x12];
	[tilespmem:s17+$0xA200] =	vst v3  }
0x41f: {  	v15 =	vshll.u32 v10, $0x10;
	v5 =	vld [tilespmem:s22+$0x2200];
	v13 =	vshll.u32 v12, $0x10;
	s1 =	sld [smem:$0x7EB]  }
0x420: {  	v40 =	vld [tilespmem:s23+$0x2200];
	v13 =	vadd.f32 v15, v13;
	s24 =	rddreg [dreg:$0x1f]  }
0x421: {  	v41 =	vshll.u32 v39, $0x10;
	v20 =	vshll.u32 v4, $0x10;
	v3 =	vshll.u32 v38, $0x10;
	v15 =	vld [tilespmem:s24+$0x2200]  }
0x422: {  	v3 =	vadd.f32 v41, v3;
	v7 =	vadd.f32 v13, v7;
	v13 =	vshll.u32 v8, $0x10;
	v42 =	vld [tilespmem:s1+$0x2200]  }
0x423: {  	s4 =	sor.u32 $0xC60, s2;
	v22 =	vshll.u32 v6, $0x10;
	v23 =	vshll.u32 v14, $0x10;
	v13 =	vadd.f32 v20, v13  }
0x424: {  	v43 =	vld [tilespmem:s6+$0xC60];
	[tilespmem:s4+$0xA200] =	vst v7;
	v7 =	vand.u32 $0xFFFF0000, v12;
	v3 =	vadd.f32 v3, v11;
	v11 =	vadd.f32 v23, v22  }
0x425: {  	v12 =	vld [tilespmem:s28+$0xC60];
	v45 =	vshll.u32 v40, $0x10;
	v9 =	vadd.f32 v13, v9;
	v13 =	vshll.u32 v5, $0x10  }
0x426: {  	s5 =	sor.u32 $0xC60, s3;
	v10 =	vand.u32 $0xFFFF0000, v10;
	v44 =	vld [tilespmem:s10+$0xC70];
	[tilespmem:s25+$0xA200] =	vst v3;
	v3 =	vadd.f32 v45, v13  }
0x427: {  	[tilespmem:s5+$0xA200] =	vst v9;
	v9 =	vadd.f32 v11, v21;
	v13 =	vshll.u32 v15, $0x10;
	v46 =	vshll.u32 v42, $0x10  }
0x428: {  	v7 =	vadd.f32 v10, v7;
	v10 =	vld [tilespmem:s26+$0xC70];
	v11 =	vadd.f32 v46, v13  }
0x429: {  	v17 =	vand.u32 $0xFFFF0000, v38;
	v4 =	vand.u32 $0xFFFF0000, v4;
	v24 =	vld [tilespmem:s31+$0xC70];
	[tilespmem:s21+$0xA200] =	vst v9  }
0x42a: {  	v8 =	vand.u32 $0xFFFF0000, v8;
	v3 =	vadd.f32 v3, v43;
	v9 =	vadd.f32 v11, v12;
	v11 =	vld [tilespmem:s8+$0xC70]  }
0x42b: {  	v4 =	vadd.f32 v4, v8;
	v7 =	vadd.f32 v44, v7;
	s0 =	rddreg [dreg:$0xa];
	v13 =	vand.u32 $0xFFFF0000, v39  }
0x42c: {  	s7 =	sor.u32 $0xC70, s2;
	[tilespmem:s0+$0xA200] =	vst v3;
	v3 =	vand.u32 $0xFFFF0000, v6;
	v6 =	vand.u32 $0xFFFF0000, v14;
	v13 =	vadd.f32 v13, v17  }
0x42d: {  	v3 =	vadd.f32 v6, v3;
	[tilespmem:s7+$0xA200] =	vst v7;
	v4 =	vadd.f32 v10, v4  }
0x42e: {  	s8 =	sor.u32 $0xC70, s3;
	[tilespmem:s19+$0xA200] =	vst v9;
	v9 =	vadd.f32 v24, v13  }
0x42f: {  	v8 =	vld [tilespmem:s6+$0xC70];
	[tilespmem:s8+$0xA200] =	vst v4;
	v3 =	vadd.f32 v11, v3  }
0x430: {  	v6 =	vld [tilespmem:s28+$0xC70];
	[tilespmem:s14+$0xA200] =	vst v9  }
0x431: {  	v5 =	vand.u32 $0xFFFF0000, v5;
	v10 =	vand.u32 $0xFFFF0000, v40;
	[tilespmem:s20+$0xA200] =	vst v3  }
0x432: {  	v7 =	vand.u32 $0xFFFF0000, v15;
	v5 =	vadd.f32 v10, v5;
	v10 =	vand.u32 $0xFFFF0000, v42;
	s0 =	sld [smem:$0x7F1]  }
0x433: {  	v7 =	vadd.f32 v10, v7  }
0x434: {  	v4 =	vadd.f32 v8, v5  }
0x435: {  	v3 =	vadd.f32 v6, v7;
	p0 =	seq.s32 s0, $0x3  }
0x436: {  	[tilespmem:s29+$0xA200] =	vst v4;
	s0 =	sshll.u32 @!p0 s0, $0x7  }
0x437: {  	[tilespmem:s15+$0xA200] =	vst v3;
	s3 =	sand.u32 @!p0 $0x3FFFFF80, s0  }
0x438: {  	v3 =	vld @!p0 [tilespmem:s3+$0x80];
	_ =	sdelay $0x4  }
0x439: {  	v4 =	vshll.u32 @!p0 v3, $0x1  }
0x43a: {  	v5 =	vlaneseq.u32 @!p0;
	v3 =	vand.u32 @!p0 $0x7, v3;
	v4 =	vand.u32 @!p0 $0xFFFFFFF0, v4  }
0x43b: {  	v6 =	vshrl.u32 @!p0 v5, $0x3;
	v3 =	vor.u32 @!p0 v3, v4;
	v4 =	vand.u32 @!p0 $0x7, v5  }
0x43c: {  	v6 =	vmul.u32 @!p0 $0x8, v6;
	v7 =	vperm.xlane @!p0 v3, v4  }
0x43d: {  	v5 =	vor.u32 @!p0 $0x8, v5  }
0x43e: {  	v3 =	vperm.xlane @!p0 v3, v5;
	v7 =	vadd.s32 @!p0 v6, v7;
	_ =	sdelay $0x1  }
0x43f: {  	s2 =	sld [smem:$0x7F6];
	v3 =	vadd.s32 @!p0 v6, v3;
	_ =	sdelay $0x1  }
0x440: {  	vm1 =	vmmov @!p0 $0xffff;
	s1 =	simm.s32 @!p0 $0x2200;
	s0 =	simm.s32 @!p0 $0x0  }
0x441: {  	[tilespmem:s1], [sflag:$0x1] =	stream.indirect_vreg.gather @!p0 [hbm4b:s2+s0], $0x80, v7, vm1, $0xb8;
	[tilespmem:$0x12200] =	vst v63  }
0x442: {  	s1 =	simm.s32 @!p0 $0x2A00  }
0x443: {  	[tilespmem:s1], [sflag:$0x1] =	stream.indirect_vreg.gather @!p0 [hbm4b:s2+s0], $0x80, v3, vm1, $0xb8;
	[tilespmem:$0x12200] =	vst v63  }
0x444: {  	v3 =	vld @!p0 [tilespmem:s3+$0x90];
	_ =	sdelay $0x4  }
0x445: {  	v7 =	vshll.u32 @!p0 v3, $0x1  }
0x446: {  	v3 =	vand.u32 @!p0 $0x7, v3;
	v7 =	vand.u32 @!p0 $0xFFFFFFF0, v7  }
0x447: {  	v3 =	vor.u32 @!p0 v3, v7  }
0x448: {  	v7 =	vperm.xlane @!p0 v3, v4;
	_ =	sdelay $0x1  }
0x449: {  	v3 =	vperm.xlane @!p0 v3, v5;
	v7 =	vadd.s32 @!p0 v6, v7;
	_ =	sdelay $0x1  }
0x44a: {  	v3 =	vadd.s32 @!p0 v6, v3;
	_ =	sdelay $0x1  }
0x44b: {  	s1 =	simm.s32 @!p0 $0x3200  }
0x44c: {  	[tilespmem:s1], [sflag:$0x1] =	stream.indirect_vreg.gather @!p0 [hbm4b:s2+s0], $0x80, v7, vm1, $0xb8;
	[tilespmem:$0x12200] =	vst v63  }
0x44d: {  	s1 =	simm.s32 @!p0 $0x3A00  }
0x44e: {  	[tilespmem:s1], [sflag:$0x1] =	stream.indirect_vreg.gather @!p0 [hbm4b:s2+s0], $0x80, v3, vm1, $0xb8;
	[tilespmem:$0x12200] =	vst v63  }
0x44f: {  	v3 =	vld @!p0 [tilespmem:s3+$0xA0];
	_ =	sdelay $0x4  }
0x450: {  	v7 =	vshll.u32 @!p0 v3, $0x1  }
0x451: {  	v3 =	vand.u32 @!p0 $0x7, v3;
	v7 =	vand.u32 @!p0 $0xFFFFFFF0, v7  }
0x452: {  	v3 =	vor.u32 @!p0 v3, v7  }
0x453: {  	v7 =	vperm.xlane @!p0 v3, v4;
	_ =	sdelay $0x1  }
0x454: {  	v3 =	vperm.xlane @!p0 v3, v5;
	v7 =	vadd.s32 @!p0 v6, v7;
	_ =	sdelay $0x1  }
0x455: {  	v3 =	vadd.s32 @!p0 v6, v3;
	_ =	sdelay $0x1  }
0x456: {  	s1 =	simm.s32 @!p0 $0x4200  }
0x457: {  	[tilespmem:s1], [sflag:$0x1] =	stream.indirect_vreg.gather @!p0 [hbm4b:s2+s0], $0x80, v7, vm1, $0xb8;
	[tilespmem:$0x12200] =	vst v63  }
0x458: {  	s1 =	simm.s32 @!p0 $0x4A00  }
0x459: {  	[tilespmem:s1], [sflag:$0x1] =	stream.indirect_vreg.gather @!p0 [hbm4b:s2+s0], $0x80, v3, vm1, $0xb8;
	[tilespmem:$0x12200] =	vst v63  }
0x45a: {  	v3 =	vld @!p0 [tilespmem:s3+$0xB0];
	_ =	sdelay $0x4  }
0x45b: {  	v7 =	vshll.u32 @!p0 v3, $0x1  }
0x45c: {  	v3 =	vand.u32 @!p0 $0x7, v3;
	v7 =	vand.u32 @!p0 $0xFFFFFFF0, v7  }
0x45d: {  	v3 =	vor.u32 @!p0 v3, v7  }
0x45e: {  	v4 =	vperm.xlane @!p0 v3, v4;
	_ =	sdelay $0x1  }
0x45f: {  	v3 =	vperm.xlane @!p0 v3, v5;
	v4 =	vadd.s32 @!p0 v6, v4  }
0x460: {  	s12 =	rddreg [dreg:$0x1]  }
0x461: {  	s9 =	sld [smem:$0x7F7];
	v3 =	vadd.s32 @!p0 v6, v3  }
0x462: {  	s10 =	sld [smem:$0x7F2]  }
0x463: {  	s13 =	simm.s32 $0x0;
	s16 =	simm.s32 $0xC200;
	s1 =	simm.s32 @!p0 $0x5200  }
0x464: {  	[tilespmem:s1], [sflag:$0x1] =	stream.indirect_vreg.gather @!p0 [hbm4b:s2+s0], $0x80, v4, vm1, $0xb8;
	[tilespmem:$0x12200] =	vst v63  }
0x465: {  	s15 =	sld [smem:$0x7FA];
	s11 =	sor.u32 s9, s10;
	s1 =	simm.s32 @!p0 $0x5A00  }
0x466: {  	[tilespmem:s1], [sflag:$0x1] =	stream.indirect_vreg.gather @!p0 [hbm4b:s2+s0], $0x80, v3, vm1, $0xb8;
	[tilespmem:$0x12200] =	vst v63  }
0x467: {  	s14 =	simm.s32 $0xA200;
	[smem:$0x780] =	sst s3;
	s0 =	sadd.s32 s12, s11  }
0x468: {  	[hbm4b:s0+s13] =	stream.linear.scatter [tilespmem:s14], [sflag:$0x3], $0x2000, $0x38;
	[tilespmem:$0x12200] =	vst v63  }
0x469: {  	s17 =	simm.s32 $0x2;
	[smem:$0x781] =	sst s11;
	s0 =	sadd.s32 s11, s15  }
0x46a: {  	[hbm4b:s0+s13] =	stream.linear.scatter [tilespmem:s16], [sflag:$0x3], $0x2000, $0x38;
	[tilespmem:$0x12200] =	vst v63  }
0x46b: {  	_ =	swait.ge [sflag:s17], $0x1000  }
0x46c: {  	[sflag:s17] =	ssyncset.done $0x0  }
0x46d: {  	[sflag:s17] =	ssyncadd.s32 $0xFFFFF000  }
0x46e: {  	_ =	swait.ge [sflag:s17], $0x1000  }
0x46f: {  	[sflag:s17] =	ssyncset.done $0x0  }
0x470: {  	[sflag:s17] =	ssyncadd.s32 $0xFFFFF000  }
0x471: {  	_ =	swait.ge [sflag:s17], $0x1000  }
0x472: {  	[sflag:s17] =	ssyncset.done $0x0  }
0x473: {  	[sflag:s17] =	ssyncadd.s32 $0xFFFFF000  }
0x474: {  	_ =	swait.ge [sflag:s17], $0x1000  }
0x475: {  	[sflag:s17] =	ssyncset.done $0x0  }
0x476: {  	s0 =	simm.s32 @!p1 $0x4;
	[sflag:s17] =	ssyncadd.s32 $0xFFFFF000  }
0x477: {  	_ =	swait.ge @!p1 [sflag:s0], $0x2000  }
0x478: {  	[sflag:s0] =	ssyncset.done @!p1 $0x0  }
0x479: {  	s5 =	simm.s32 $0x0;
	[sflag:s0] =	ssyncadd.s32 @!p1 $0xFFFFE000  }
0x47a: {  	s18 =	simm.s32 $0x100;
	s19 =	sand.u32 $0x3800, s5;
	_ =	swait.ge @!p1 [sflag:s0], $0x2000  }
0x47b: {  	s2 =	sadd.s32 $0x6200, s19;
	s1 =	sand.u32 $0x300, s18;
	[sflag:s0] =	ssyncset.done @!p1 $0x0  }
0x47c: {  	s1 =	sadd.s32 s1, s2;
	[sflag:s0] =	ssyncadd.s32 @!p1 $0xFFFFE000  }
0x47d: {  	v3 =	vld [tilespmem:s1+$0x0]  }
0x47e: {  	s21 =	sand.u32 $0x1000, s5;
	s20 =	simm.s32 $0x80;
	v4 =	vld [tilespmem:s1+$0x80]  }
0x47f: {  	s22 =	sor.u32 $0x200, s21;
	s0 =	sand.u32 $0x380, s20  }
0x480: {  	s3 =	sadd.s32 s0, s22  }
0x481: {  	v5 =	vld [tilespmem:s3+$0x0];
	_ =	sdelay $0x1  }
0x482: {  	v6 =	vshll.u32 v3, $0x10;
	v7 =	vshll.u32 v4, $0x10  }
0x483: {  	v6 =	vadd.f32 v7, v6  }
0x484: {  	s23 =	sand.u32 $0x3000, s5  }
0x485: {  	s6 =	sadd.s32 $0xE200, s23;
	v5 =	vadd.f32 v6, v5  }
0x486: {  	s13 =	sadd.s32 s0, s6  }
0x487: {  	[tilespmem:s13+$0x0] =	vst v5  }
0x488: {  	v5 =	vld [tilespmem:s3+$0x10];
	_ =	sdelay $0x1  }
0x489: {  	v3 =	vand.u32 $0xFFFF0000, v3;
	v4 =	vand.u32 $0xFFFF0000, v4  }
0x48a: {  	s24 =	simm.s32 $0x0;
	v3 =	vadd.f32 v4, v3  }
0x48b: {  	s0 =	sand.u32 $0x200, s24  }
0x48c: {  	s2 =	sadd.s32 s0, s2;
	v3 =	vadd.f32 v5, v3  }
0x48d: {  	v4 =	vld [tilespmem:s2+$0x0]  }
0x48e: {  	s25 =	simm.s32 $0x0;
	v5 =	vld [tilespmem:s2+$0x80];
	[tilespmem:s13+$0x10] =	vst v3  }
0x48f: {  	s0 =	sand.u32 $0x300, s25;
	v3 =	vld [tilespmem:s1+$0x10]  }
0x490: {  	s28 =	sadd.s32 s0, s22;
	v6 =	vld [tilespmem:s1+$0x90]  }
0x491: {  	v7 =	vld [tilespmem:s28+$0x0];
	_ =	sdelay $0x1  }
0x492: {  	v8 =	vshll.u32 v4, $0x10;
	v10 =	vld [tilespmem:s3+$0x20];
	v9 =	vshll.u32 v5, $0x10  }
0x493: {  	v8 =	vadd.f32 v9, v8  }
0x494: {  	v9 =	vshll.u32 v3, $0x10;
	v11 =	vshll.u32 v6, $0x10  }
0x495: {  	v7 =	vadd.f32 v8, v7;
	v8 =	vadd.f32 v11, v9  }
0x496: {  	s4 =	sadd.s32 s0, s6  }
0x497: {  	[tilespmem:s4+$0x0] =	vst v7;
	v7 =	vadd.f32 v8, v10  }
0x498: {  	v8 =	vld [tilespmem:s28+$0x10]  }
0x499: {  	[tilespmem:s13+$0x20] =	vst v7  }
0x49a: {  	v4 =	vand.u32 $0xFFFF0000, v4;
	v5 =	vand.u32 $0xFFFF0000, v5;
	v7 =	vld [tilespmem:s3+$0x30]  }
0x49b: {  	v4 =	vadd.f32 v5, v4  }
0x49c: {  	v3 =	vand.u32 $0xFFFF0000, v3;
	v5 =	vand.u32 $0xFFFF0000, v6  }
0x49d: {  	v3 =	vadd.f32 v5, v3;
	v4 =	vadd.f32 v8, v4;
	_ =	sdelay $0x1  }
0x49e: {  	[tilespmem:s4+$0x10] =	vst v4;
	v3 =	vadd.f32 v7, v3  }
0x49f: {  	v4 =	vld [tilespmem:s2+$0x10]  }
0x4a0: {  	v5 =	vld [tilespmem:s2+$0x90];
	[tilespmem:s13+$0x30] =	vst v3  }
0x4a1: {  	v3 =	vld [tilespmem:s1+$0x20]  }
0x4a2: {  	v6 =	vld [tilespmem:s1+$0xA0]  }
0x4a3: {  	v7 =	vld [tilespmem:s28+$0x20];
	_ =	sdelay $0x1  }
0x4a4: {  	v10 =	vld [tilespmem:s3+$0x40];
	v8 =	vshll.u32 v4, $0x10;
	v9 =	vshll.u32 v5, $0x10  }
0x4a5: {  	v8 =	vadd.f32 v9, v8  }
0x4a6: {  	v9 =	vshll.u32 v3, $0x10;
	v11 =	vshll.u32 v6, $0x10  }
0x4a7: {  	v7 =	vadd.f32 v8, v7;
	v8 =	vadd.f32 v11, v9;
	_ =	sdelay $0x1  }
0x4a8: {  	[tilespmem:s4+$0x20] =	vst v7;
	v7 =	vadd.f32 v8, v10  }
0x4a9: {  	v8 =	vld [tilespmem:s28+$0x30]  }
0x4aa: {  	[tilespmem:s13+$0x40] =	vst v7  }
0x4ab: {  	v4 =	vand.u32 $0xFFFF0000, v4;
	v5 =	vand.u32 $0xFFFF0000, v5;
	v7 =	vld [tilespmem:s3+$0x50]  }
0x4ac: {  	v4 =	vadd.f32 v5, v4  }
0x4ad: {  	v3 =	vand.u32 $0xFFFF0000, v3;
	v5 =	vand.u32 $0xFFFF0000, v6  }
0x4ae: {  	v3 =	vadd.f32 v5, v3;
	v4 =	vadd.f32 v8, v4;
	_ =	sdelay $0x1  }
0x4af: {  	[tilespmem:s4+$0x30] =	vst v4;
	v3 =	vadd.f32 v7, v3  }
0x4b0: {  	v4 =	vld [tilespmem:s2+$0x20]  }
0x4b1: {  	v5 =	vld [tilespmem:s2+$0xA0];
	[tilespmem:s13+$0x50] =	vst v3  }
0x4b2: {  	v3 =	vld [tilespmem:s1+$0x30]  }
0x4b3: {  	v6 =	vld [tilespmem:s1+$0xB0]  }
0x4b4: {  	v7 =	vld [tilespmem:s28+$0x40];
	_ =	sdelay $0x1  }
0x4b5: {  	v10 =	vld [tilespmem:s3+$0x60];
	v8 =	vshll.u32 v4, $0x10;
	v9 =	vshll.u32 v5, $0x10  }
0x4b6: {  	v8 =	vadd.f32 v9, v8  }
0x4b7: {  	v9 =	vshll.u32 v3, $0x10;
	v11 =	vshll.u32 v6, $0x10  }
0x4b8: {  	v7 =	vadd.f32 v8, v7;
	v8 =	vadd.f32 v11, v9;
	_ =	sdelay $0x1  }
0x4b9: {  	[tilespmem:s4+$0x40] =	vst v7;
	v7 =	vadd.f32 v8, v10  }
0x4ba: {  	v8 =	vld [tilespmem:s28+$0x50]  }
0x4bb: {  	[tilespmem:s13+$0x60] =	vst v7  }
0x4bc: {  	v4 =	vand.u32 $0xFFFF0000, v4;
	v5 =	vand.u32 $0xFFFF0000, v5;
	v7 =	vld [tilespmem:s3+$0x70]  }
0x4bd: {  	v4 =	vadd.f32 v5, v4  }
0x4be: {  	v3 =	vand.u32 $0xFFFF0000, v3;
	v5 =	vand.u32 $0xFFFF0000, v6  }
0x4bf: {  	v3 =	vadd.f32 v5, v3;
	v4 =	vadd.f32 v8, v4;
	_ =	sdelay $0x1  }
0x4c0: {  	[tilespmem:s4+$0x50] =	vst v4;
	v3 =	vadd.f32 v7, v3  }
0x4c1: {  	v4 =	vld [tilespmem:s2+$0x30]  }
0x4c2: {  	v5 =	vld [tilespmem:s2+$0xB0];
	[tilespmem:s13+$0x70] =	vst v3  }
0x4c3: {  	v3 =	vld [tilespmem:s1+$0x40]  }
0x4c4: {  	v6 =	vld [tilespmem:s1+$0xC0]  }
0x4c5: {  	v7 =	vld [tilespmem:s28+$0x60];
	_ =	sdelay $0x1  }
0x4c6: {  	v10 =	vld [tilespmem:s3+$0x400];
	v8 =	vshll.u32 v4, $0x10;
	v9 =	vshll.u32 v5, $0x10  }
0x4c7: {  	v8 =	vadd.f32 v9, v8  }
0x4c8: {  	v9 =	vshll.u32 v3, $0x10;
	v11 =	vshll.u32 v6, $0x10  }
0x4c9: {  	v7 =	vadd.f32 v8, v7;
	v8 =	vadd.f32 v11, v9;
	_ =	sdelay $0x1  }
0x4ca: {  	[tilespmem:s4+$0x60] =	vst v7;
	v7 =	vadd.f32 v8, v10  }
0x4cb: {  	v8 =	vld [tilespmem:s28+$0x70]  }
0x4cc: {  	[tilespmem:s13+$0x400] =	vst v7  }
0x4cd: {  	v4 =	vand.u32 $0xFFFF0000, v4;
	v5 =	vand.u32 $0xFFFF0000, v5;
	v7 =	vld [tilespmem:s3+$0x410]  }
0x4ce: {  	v4 =	vadd.f32 v5, v4  }
0x4cf: {  	v3 =	vand.u32 $0xFFFF0000, v3;
	v5 =	vand.u32 $0xFFFF0000, v6  }
0x4d0: {  	v3 =	vadd.f32 v5, v3;
	v4 =	vadd.f32 v8, v4;
	_ =	sdelay $0x1  }
0x4d1: {  	[tilespmem:s4+$0x70] =	vst v4;
	v3 =	vadd.f32 v7, v3  }
0x4d2: {  	v4 =	vld [tilespmem:s2+$0x40]  }
0x4d3: {  	v5 =	vld [tilespmem:s2+$0xC0];
	[tilespmem:s13+$0x410] =	vst v3  }
0x4d4: {  	v3 =	vld [tilespmem:s1+$0x50]  }
0x4d5: {  	v6 =	vld [tilespmem:s1+$0xD0]  }
0x4d6: {  	v7 =	vld [tilespmem:s28+$0x400];
	_ =	sdelay $0x1  }
0x4d7: {  	v10 =	vld [tilespmem:s3+$0x420];
	v8 =	vshll.u32 v4, $0x10;
	v9 =	vshll.u32 v5, $0x10  }
0x4d8: {  	v8 =	vadd.f32 v9, v8  }
0x4d9: {  	s26 =	simm.s32 $0x400;
	v9 =	vshll.u32 v3, $0x10;
	v11 =	vshll.u32 v6, $0x10  }
0x4da: {  	s8 =	sand.u32 $0x3800, s26;
	s9 =	simm.s32 $0x300;
	v7 =	vadd.f32 v8, v7;
	v8 =	vadd.f32 v11, v9  }
0x4db: {  	s10 =	sadd.s32 $0x6200, s8;
	s11 =	sand.u32 $0x300, s9  }
0x4dc: {  	s8 =	sadd.s32 s11, s10;
	[tilespmem:s4+$0x400] =	vst v7;
	v7 =	vadd.f32 v8, v10  }
0x4dd: {  	v9 =	vld [tilespmem:s8+$0x80]  }
0x4de: {  	s12 =	sand.u32 $0x1000, s26;
	s14 =	simm.s32 $0x180;
	[tilespmem:s13+$0x420] =	vst v7;
	v7 =	vld [tilespmem:s8+$0x0]  }
0x4df: {  	s15 =	sor.u32 $0x200, s12;
	s16 =	sand.u32 $0x380, s14  }
0x4e0: {  	s0 =	sadd.s32 s16, s15  }
0x4e1: {  	v10 =	vld [tilespmem:s0+$0x0];
	_ =	sdelay $0x1  }
0x4e2: {  	v12 =	vshll.u32 v9, $0x10;
	v11 =	vshll.u32 v7, $0x10  }
0x4e3: {  	v11 =	vadd.f32 v12, v11  }
0x4e4: {  	s6 =	sand.u32 $0x3000, s26  }
0x4e5: {  	s17 =	sadd.s32 $0xE200, s6;
	v10 =	vadd.f32 v11, v10  }
0x4e6: {  	s6 =	sadd.s32 s16, s17  }
0x4e7: {  	[tilespmem:s6+$0x0] =	vst v10  }
0x4e8: {  	v10 =	vld [tilespmem:s0+$0x10];
	_ =	sdelay $0x1  }
0x4e9: {  	v9 =	vand.u32 $0xFFFF0000, v9;
	v7 =	vand.u32 $0xFFFF0000, v7  }
0x4ea: {  	v7 =	vadd.f32 v9, v7;
	_ =	sdelay $0x1  }
0x4eb: {  	v7 =	vadd.f32 v10, v7;
	_ =	sdelay $0x1  }
0x4ec: {  	[tilespmem:s6+$0x10] =	vst v7  }
0x4ed: {  	v7 =	vld [tilespmem:s8+$0x10]  }
0x4ee: {  	v9 =	vld [tilespmem:s8+$0x90];
	_ =	sdelay $0x2  }
0x4ef: {  	v10 =	vld [tilespmem:s0+$0x20];
	_ =	sdelay $0x1  }
0x4f0: {  	v11 =	vld [tilespmem:s3+$0x430];
	v12 =	vshll.u32 v7, $0x10;
	v13 =	vshll.u32 v9, $0x10  }
0x4f1: {  	v12 =	vadd.f32 v13, v12  }
0x4f2: {  	v3 =	vand.u32 $0xFFFF0000, v3;
	v6 =	vand.u32 $0xFFFF0000, v6  }
0x4f3: {  	v3 =	vadd.f32 v6, v3;
	v6 =	vadd.f32 v12, v10;
	_ =	sdelay $0x1  }
0x4f4: {  	v3 =	vadd.f32 v11, v3;
	[tilespmem:s6+$0x20] =	vst v6  }
0x4f5: {  	v6 =	vld [tilespmem:s0+$0x30]  }
0x4f6: {  	[tilespmem:s13+$0x430] =	vst v3  }
0x4f7: {  	v3 =	vld [tilespmem:s1+$0x60];
	v7 =	vand.u32 $0xFFFF0000, v7;
	v9 =	vand.u32 $0xFFFF0000, v9  }
0x4f8: {  	v7 =	vadd.f32 v9, v7;
	v10 =	vld [tilespmem:s1+$0xE0];
	_ =	sdelay $0x1  }
0x4f9: {  	v6 =	vadd.f32 v6, v7  }
0x4fa: {  	v7 =	vld [tilespmem:s3+$0x440]  }
0x4fb: {  	[tilespmem:s6+$0x30] =	vst v6  }
0x4fc: {  	v9 =	vshll.u32 v10, $0x10;
	v6 =	vshll.u32 v3, $0x10;
	v11 =	vld [tilespmem:s8+$0x20]  }
0x4fd: {  	v6 =	vadd.f32 v9, v6;
	v9 =	vld [tilespmem:s8+$0xA0];
	_ =	sdelay $0x1  }
0x4fe: {  	v6 =	vadd.f32 v6, v7  }
0x4ff: {  	v7 =	vld [tilespmem:s0+$0x40]  }
0x500: {  	[tilespmem:s13+$0x440] =	vst v6  }
0x501: {  	v6 =	vld [tilespmem:s3+$0x450];
	v12 =	vshll.u32 v11, $0x10;
	v13 =	vshll.u32 v9, $0x10  }
0x502: {  	v12 =	vadd.f32 v13, v12  }
0x503: {  	v10 =	vand.u32 $0xFFFF0000, v10;
	v3 =	vand.u32 $0xFFFF0000, v3  }
0x504: {  	v3 =	vadd.f32 v10, v3;
	v7 =	vadd.f32 v12, v7;
	_ =	sdelay $0x1  }
0x505: {  	v3 =	vadd.f32 v6, v3;
	[tilespmem:s6+$0x40] =	vst v7  }
0x506: {  	v6 =	vld [tilespmem:s0+$0x50]  }
0x507: {  	s18 =	simm.s32 $0x200;
	v8 =	vld [tilespmem:s28+$0x410];
	[tilespmem:s13+$0x450] =	vst v3  }
0x508: {  	s11 =	sand.u32 $0x200, s18;
	v9 =	vand.u32 $0xFFFF0000, v9;
	v7 =	vand.u32 $0xFFFF0000, v11;
	v3 =	vld [tilespmem:s1+$0x70]  }
0x509: {  	s14 =	sadd.s32 s11, s10;
	v7 =	vadd.f32 v9, v7;
	v10 =	vld [tilespmem:s1+$0xF0]  }
0x50a: {  	s19 =	simm.s32 $0x100;
	v11 =	vld [tilespmem:s14+$0x80]  }
0x50b: {  	v9 =	vld [tilespmem:s14+$0x0];
	s1 =	sand.u32 $0x300, s19;
	v6 =	vadd.f32 v6, v7  }
0x50c: {  	s21 =	sadd.s32 s1, s15;
	v7 =	vld [tilespmem:s3+$0x460]  }
0x50d: {  	v12 =	vld [tilespmem:s21+$0x0];
	[tilespmem:s6+$0x50] =	vst v6  }
0x50e: {  	v6 =	vshll.u32 v3, $0x10;
	v13 =	vshll.u32 v10, $0x10;
	v14 =	vld [tilespmem:s8+$0x30]  }
0x50f: {  	v6 =	vadd.f32 v13, v6;
	v13 =	vld [tilespmem:s8+$0xB0]  }
0x510: {  	v4 =	vand.u32 $0xFFFF0000, v4;
	v47 =	vshll.u32 v11, $0x10;
	v15 =	vshll.u32 v9, $0x10  }
0x511: {  	v5 =	vand.u32 $0xFFFF0000, v5;
	v15 =	vadd.f32 v47, v15;
	v6 =	vadd.f32 v6, v7  }
0x512: {  	v4 =	vadd.f32 v5, v4;
	v7 =	vld [tilespmem:s0+$0x60]  }
0x513: {  	v5 =	vadd.f32 v15, v12;
	[tilespmem:s13+$0x460] =	vst v6  }
0x514: {  	v4 =	vadd.f32 v8, v4;
	s1 =	sadd.s32 s1, s17;
	v6 =	vld [tilespmem:s3+$0x470];
	v12 =	vshll.u32 v14, $0x10;
	v15 =	vshll.u32 v13, $0x10  }
0x515: {  	[tilespmem:s1+$0x0] =	vst v5;
	v5 =	vadd.f32 v15, v12  }
0x516: {  	[tilespmem:s4+$0x410] =	vst v4;
	v3 =	vand.u32 $0xFFFF0000, v3;
	v10 =	vand.u32 $0xFFFF0000, v10;
	v8 =	vld [tilespmem:s21+$0x10]  }
0x517: {  	s20 =	sand.u32 $0x3, s5;
	v3 =	vadd.f32 v10, v3;
	v10 =	vld [tilespmem:s2+$0xD0];
	v4 =	vadd.f32 v5, v7  }
0x518: {  	s12 =	sshll.u32 s20, $0x8;
	v5 =	vld [tilespmem:s2+$0x50];
	v7 =	vand.u32 $0xFFFF0000, v9;
	v9 =	vand.u32 $0xFFFF0000, v11  }
0x519: {  	s7 =	sadd.s32 $0x0, s12;
	v7 =	vadd.f32 v9, v7;
	v3 =	vadd.f32 v6, v3;
	[tilespmem:s6+$0x60] =	vst v4  }
0x51a: {  	s9 =	sadd.s32 $0x100, s7;
	v4 =	vld [tilespmem:s0+$0x70]  }
0x51b: {  	s7 =	sadd.s32 $0x180, s7;
	s22 =	sor.u32 $0x400, s9;
	v6 =	vld [tilespmem:s28+$0x420];
	v7 =	vadd.f32 v8, v7;
	[tilespmem:s13+$0x470] =	vst v3  }
0x51c: {  	s23 =	sor.u32 $0x400, s7;
	v9 =	vand.u32 $0xFFFF0000, v13;
	v8 =	vand.u32 $0xFFFF0000, v14;
	v3 =	vld [tilespmem:s22+$0x6200]  }
0x51d: {  	v11 =	vshll.u32 v10, $0x10;
	v8 =	vadd.f32 v9, v8;
	[tilespmem:s1+$0x10] =	vst v7;
	v7 =	vld [tilespmem:s23+$0x6200];
	v9 =	vshll.u32 v5, $0x10  }
0x51e: {  	v12 =	vld [tilespmem:s14+$0x10];
	v9 =	vadd.f32 v11, v9  }
0x51f: {  	v11 =	vld [tilespmem:s14+$0x90];
	v4 =	vadd.f32 v4, v8  }
0x520: {  	v8 =	vld [tilespmem:s3+$0x800];
	v6 =	vadd.f32 v9, v6  }
0x521: {  	v9 =	vld [tilespmem:s21+$0x20];
	[tilespmem:s6+$0x70] =	vst v4  }
0x522: {  	v4 =	vshll.u32 v3, $0x10;
	v13 =	vshll.u32 v7, $0x10;
	v14 =	vld [tilespmem:s8+$0x40];
	[tilespmem:s4+$0x420] =	vst v6  }
0x523: {  	v4 =	vadd.f32 v13, v4;
	v6 =	vld [tilespmem:s8+$0xC0]  }
0x524: {  	v15 =	vshll.u32 v12, $0x10;
	v48 =	vshll.u32 v11, $0x10;
	v13 =	vld [tilespmem:s28+$0x430]  }
0x525: {  	v15 =	vadd.f32 v48, v15;
	v4 =	vadd.f32 v4, v8  }
0x526: {  	v5 =	vand.u32 $0xFFFF0000, v5;
	v8 =	vand.u32 $0xFFFF0000, v10;
	v10 =	vld [tilespmem:s0+$0x400]  }
0x527: {  	v5 =	vadd.f32 v8, v5;
	v8 =	vadd.f32 v15, v9;
	[tilespmem:s13+$0x800] =	vst v4  }
0x528: {  	v4 =	vld [tilespmem:s3+$0x810];
	v9 =	vshll.u32 v14, $0x10;
	v15 =	vshll.u32 v6, $0x10  }
0x529: {  	[tilespmem:s1+$0x20] =	vst v8;
	v5 =	vadd.f32 v13, v5;
	v8 =	vadd.f32 v15, v9  }
0x52a: {  	v3 =	vand.u32 $0xFFFF0000, v3;
	v7 =	vand.u32 $0xFFFF0000, v7;
	v9 =	vld [tilespmem:s21+$0x30]  }
0x52b: {  	v3 =	vadd.f32 v7, v3;
	[tilespmem:s4+$0x430] =	vst v5;
	v5 =	vadd.f32 v8, v10  }
0x52c: {  	v7 =	vld [tilespmem:s2+$0x60];
	v8 =	vand.u32 $0xFFFF0000, v12;
	v10 =	vand.u32 $0xFFFF0000, v11  }
0x52d: {  	v11 =	vld [tilespmem:s2+$0xE0];
	v8 =	vadd.f32 v10, v8;
	v3 =	vadd.f32 v4, v3;
	[tilespmem:s6+$0x400] =	vst v5  }
0x52e: {  	v4 =	vld [tilespmem:s0+$0x410]  }
0x52f: {  	s24 =	sor.u32 $0x410, s9;
	v5 =	vld [tilespmem:s28+$0x440];
	v8 =	vadd.f32 v9, v8;
	[tilespmem:s13+$0x810] =	vst v3  }
0x530: {  	s25 =	sor.u32 $0x410, s7;
	v6 =	vand.u32 $0xFFFF0000, v6;
	v9 =	vand.u32 $0xFFFF0000, v14;
	v3 =	vld [tilespmem:s24+$0x6200]  }
0x531: {  	v6 =	vadd.f32 v6, v9;
	[tilespmem:s1+$0x30] =	vst v8;
	v8 =	vld [tilespmem:s25+$0x6200]  }
0x532: {  	v9 =	vld [tilespmem:s14+$0x20]  }
0x533: {  	v10 =	vld [tilespmem:s14+$0xA0];
	v4 =	vadd.f32 v4, v6  }
0x534: {  	v6 =	vld [tilespmem:s3+$0x820]  }
0x535: {  	v12 =	vshll.u32 v7, $0x10;
	v13 =	vshll.u32 v11, $0x10;
	v14 =	vld [tilespmem:s21+$0x40];
	[tilespmem:s6+$0x410] =	vst v4  }
0x536: {  	v4 =	vadd.f32 v13, v12;
	v12 =	vshll.u32 v3, $0x10;
	v13 =	vshll.u32 v8, $0x10;
	v15 =	vld [tilespmem:s8+$0x50]  }
0x537: {  	v12 =	vadd.f32 v13, v12;
	v13 =	vld [tilespmem:s8+$0xD0]  }
0x538: {  	v49 =	vshll.u32 v10, $0x10;
	v4 =	vadd.f32 v4, v5;
	v5 =	vshll.u32 v9, $0x10  }
0x539: {  	v5 =	vadd.f32 v49, v5;
	v6 =	vadd.f32 v12, v6  }
0x53a: {  	[tilespmem:s4+$0x440] =	vst v4;
	v4 =	vld [tilespmem:s0+$0x420]  }
0x53b: {  	v12 =	vld [tilespmem:s28+$0x450];
	v5 =	vadd.f32 v5, v14;
	[tilespmem:s13+$0x820] =	vst v6  }
0x53c: {  	v6 =	vld [tilespmem:s3+$0x830];
	v14 =	vshll.u32 v15, $0x10;
	v50 =	vshll.u32 v13, $0x10  }
0x53d: {  	v7 =	vand.u32 $0xFFFF0000, v7;
	v11 =	vand.u32 $0xFFFF0000, v11;
	[tilespmem:s1+$0x40] =	vst v5;
	v5 =	vadd.f32 v50, v14  }
0x53e: {  	v7 =	vadd.f32 v11, v7;
	v3 =	vand.u32 $0xFFFF0000, v3;
	v8 =	vand.u32 $0xFFFF0000, v8;
	v11 =	vld [tilespmem:s21+$0x50]  }
0x53f: {  	v3 =	vadd.f32 v8, v3;
	v4 =	vadd.f32 v5, v4  }
0x540: {  	v8 =	vand.u32 $0xFFFF0000, v10;
	v5 =	vadd.f32 v12, v7;
	v7 =	vand.u32 $0xFFFF0000, v9  }
0x541: {  	v7 =	vadd.f32 v8, v7;
	v3 =	vadd.f32 v6, v3;
	[tilespmem:s6+$0x420] =	vst v4  }
0x542: {  	[tilespmem:s4+$0x450] =	vst v5;
	v4 =	vld [tilespmem:s0+$0x430]  }
0x543: {  	s26 =	sor.u32 $0x420, s9;
	v5 =	vld [tilespmem:s2+$0x70];
	v6 =	vadd.f32 v11, v7;
	[tilespmem:s13+$0x830] =	vst v3  }
0x544: {  	s11 =	sor.u32 $0x420, s7;
	v8 =	vand.u32 $0xFFFF0000, v13;
	v7 =	vand.u32 $0xFFFF0000, v15;
	v3 =	vld [tilespmem:s26+$0x6200]  }
0x545: {  	v7 =	vadd.f32 v8, v7;
	[tilespmem:s1+$0x50] =	vst v6;
	v6 =	vld [tilespmem:s11+$0x6200]  }
0x546: {  	v8 =	vld [tilespmem:s14+$0x30]  }
0x547: {  	v9 =	vld [tilespmem:s14+$0xB0];
	v4 =	vadd.f32 v4, v7  }
0x548: {  	v7 =	vld [tilespmem:s3+$0x840]  }
0x549: {  	v10 =	vld [tilespmem:s21+$0x60];
	[tilespmem:s6+$0x430] =	vst v4  }
0x54a: {  	v11 =	vshll.u32 v3, $0x10;
	v4 =	vld [tilespmem:s8+$0x60];
	v12 =	vshll.u32 v6, $0x10  }
0x54b: {  	v13 =	vld [tilespmem:s8+$0xE0];
	v11 =	vadd.f32 v12, v11  }
0x54c: {  	v14 =	vld [tilespmem:s2+$0xF0];
	v12 =	vshll.u32 v8, $0x10;
	v15 =	vshll.u32 v9, $0x10  }
0x54d: {  	v12 =	vadd.f32 v15, v12;
	v7 =	vadd.f32 v11, v7  }
0x54e: {  	v11 =	vld [tilespmem:s0+$0x440]  }
0x54f: {  	v15 =	vld [tilespmem:s28+$0x460];
	v10 =	vadd.f32 v12, v10;
	[tilespmem:s13+$0x840] =	vst v7  }
0x550: {  	v7 =	vshll.u32 v4, $0x10;
	v12 =	vshll.u32 v13, $0x10;
	v53 =	vld [tilespmem:s3+$0x850]  }
0x551: {  	v51 =	vshll.u32 v5, $0x10;
	v52 =	vshll.u32 v14, $0x10;
	v7 =	vadd.f32 v12, v7;
	[tilespmem:s1+$0x60] =	vst v10  }
0x552: {  	v3 =	vand.u32 $0xFFFF0000, v3;
	v6 =	vand.u32 $0xFFFF0000, v6;
	v12 =	vadd.f32 v52, v51;
	v10 =	vld [tilespmem:s21+$0x70]  }
0x553: {  	v3 =	vadd.f32 v6, v3;
	v7 =	vadd.f32 v7, v11  }
0x554: {  	v8 =	vand.u32 $0xFFFF0000, v8;
	v9 =	vand.u32 $0xFFFF0000, v9;
	v6 =	vadd.f32 v12, v15  }
0x555: {  	[tilespmem:s6+$0x440] =	vst v7;
	v7 =	vadd.f32 v9, v8;
	v3 =	vadd.f32 v53, v3  }
0x556: {  	[tilespmem:s4+$0x460] =	vst v6;
	v8 =	vld [tilespmem:s0+$0x450]  }
0x557: {  	s15 =	sor.u32 $0x430, s9;
	v6 =	vld [tilespmem:s28+$0x470];
	v7 =	vadd.f32 v10, v7;
	[tilespmem:s13+$0x850] =	vst v3  }
0x558: {  	s16 =	sor.u32 $0x430, s7;
	s17 =	simm.s32 $0x800;
	v3 =	vand.u32 $0xFFFF0000, v4;
	v4 =	vand.u32 $0xFFFF0000, v13;
	v9 =	vld [tilespmem:s15+$0x6200]  }
0x559: {  	s20 =	sand.u32 $0x3800, s17;
	s22 =	simm.s32 $0x500;
	v3 =	vadd.f32 v4, v3;
	[tilespmem:s1+$0x70] =	vst v7;
	v4 =	vld [tilespmem:s16+$0x6200]  }
0x55a: {  	s23 =	sand.u32 $0x300, s22;
	s15 =	sadd.s32 $0x6200, s20;
	v7 =	vld [tilespmem:s14+$0x40]  }
0x55b: {  	s11 =	sadd.s32 s23, s15;
	v3 =	vadd.f32 v8, v3;
	v8 =	vld [tilespmem:s3+$0x860]  }
0x55c: {  	v10 =	vld [tilespmem:s11+$0x0]  }
0x55d: {  	v13 =	vld [tilespmem:s11+$0x80];
	[tilespmem:s6+$0x450] =	vst v3  }
0x55e: {  	s24 =	sand.u32 $0x1000, s17;
	s25 =	simm.s32 $0x280;
	v5 =	vand.u32 $0xFFFF0000, v5;
	v12 =	vand.u32 $0xFFFF0000, v14;
	v3 =	vld [tilespmem:s8+$0x70]  }
0x55f: {  	s18 =	sor.u32 $0x200, s24;
	s26 =	sand.u32 $0x380, s25;
	v5 =	vadd.f32 v12, v5;
	v11 =	vld [tilespmem:s8+$0xF0]  }
0x560: {  	s24 =	sadd.s32 s26, s18;
	v12 =	vld [tilespmem:s14+$0xC0];
	v14 =	vshll.u32 v9, $0x10;
	v15 =	vshll.u32 v4, $0x10  }
0x561: {  	v5 =	vadd.f32 v6, v5;
	v6 =	vld [tilespmem:s24+$0x0];
	v14 =	vadd.f32 v15, v14  }
0x562: {  	p1 =	por $0x0, $0x0;
	s8 =	simm.s32 $0x1;
	v15 =	vld [tilespmem:s0+$0x460]  }
0x563: {  	s8 =	simm.s32 @!p1 $0x0;
	v58 =	vshll.u32 v7, $0x10;
	v55 =	vshll.u32 v10, $0x10;
	v8 =	vadd.f32 v14, v8  }
0x564: {  	v57 =	vld [tilespmem:s21+$0x400];
	s8 =	sshll.u32 s8, $0x9;
	v56 =	vshll.u32 v13, $0x10;
	v14 =	vshll.u32 v3, $0x10;
	v54 =	vshll.u32 v11, $0x10  }
0x565: {  	v59 =	vshll.u32 v12, $0x10;
	s8 =	sadd.s32 $0x0, s8;
	[tilespmem:s13+$0x860] =	vst v8;
	v8 =	vadd.f32 v56, v55;
	v14 =	vadd.f32 v54, v14  }
0x566: {  	s16 =	sand.u32 $0x3000, s17;
	[tilespmem:s4+$0x470] =	vst v5;
	v17 =	vadd.f32 v59, v58;
	s19 =	sor.u32 $0x400, s8;
	v5 =	vld [tilespmem:s3+$0x870]  }
0x567: {  	s25 =	sadd.s32 $0x80, s8;
	v6 =	vadd.f32 v8, v6;
	v14 =	vadd.f32 v14, v15;
	v15 =	vld [tilespmem:s19+$0x6200];
	s19 =	sadd.s32 $0xE200, s16  }
0x568: {  	v9 =	vand.u32 $0xFFFF0000, v9;
	v4 =	vand.u32 $0xFFFF0000, v4;
	s20 =	sor.u32 $0x400, s25;
	s2 =	sadd.s32 s26, s19  }
0x569: {  	v4 =	vadd.f32 v4, v9;
	v9 =	vadd.f32 v17, v57;
	v8 =	vld [tilespmem:s20+$0x6200];
	[tilespmem:s2+$0x0] =	vst v6  }
0x56a: {  	[tilespmem:s6+$0x460] =	vst v14;
	v14 =	vld [tilespmem:s24+$0x10]  }
0x56b: {  	[tilespmem:s1+$0x400] =	vst v9;
	v9 =	vand.u32 $0xFFFF0000, v10;
	v6 =	vld [tilespmem:s0+$0x470]  }
0x56c: {  	v10 =	vand.u32 $0xFFFF0000, v13;
	v4 =	vadd.f32 v5, v4;
	v5 =	vand.u32 $0xFFFF0000, v11;
	v11 =	vld [tilespmem:s28+$0x800]  }
0x56d: {  	v3 =	vand.u32 $0xFFFF0000, v3;
	v9 =	vadd.f32 v10, v9  }
0x56e: {  	s23 =	sor.u32 $0x440, s9;
	v60 =	vld [tilespmem:s21+$0x410];
	v3 =	vadd.f32 v5, v3;
	v13 =	vshll.u32 v8, $0x10;
	v5 =	vshll.u32 v15, $0x10;
	[tilespmem:s13+$0x870] =	vst v4  }
0x56f: {  	s16 =	simm.s32 $0x2;
	s26 =	sor.u32 $0x440, s7;
	v4 =	vand.u32 $0xFFFF0000, v7;
	v5 =	vadd.f32 v13, v5;
	v7 =	vld [tilespmem:s23+$0x6200];
	v9 =	vadd.f32 v14, v9  }
0x570: {  	s22 =	sand.u32 $0x3, s16;
	v10 =	vld [tilespmem:s26+$0x6200]  }
0x571: {  	s10 =	sshll.u32 s22, $0x8;
	s22 =	simm.s32 $0x400;
	v13 =	vld [tilespmem:s3+$0xC00];
	v3 =	vadd.f32 v6, v3;
	v6 =	vand.u32 $0xFFFF0000, v12;
	v5 =	vadd.f32 v5, v11;
	[tilespmem:s2+$0x10] =	vst v9  }
0x572: {  	s13 =	sand.u32 $0x200, s22;
	v4 =	vadd.f32 v6, v4;
	v6 =	vld [tilespmem:s11+$0x10]  }
0x573: {  	s13 =	sadd.s32 s13, s15;
	[tilespmem:s4+$0x800] =	vst v5;
	v5 =	vld [tilespmem:s11+$0x90]  }
0x574: {  	v8 =	vand.u32 $0xFFFF0000, v8;
	v15 =	vand.u32 $0xFFFF0000, v15;
	v62 =	vld [tilespmem:s13+$0x0]  }
0x575: {  	v8 =	vadd.f32 v8, v15;
	v15 =	vld [tilespmem:s13+$0x80];
	v4 =	vadd.f32 v60, v4  }
0x576: {  	v11 =	vld [tilespmem:s24+$0x20]  }
0x577: {  	s10 =	sadd.s32 $0x400, s10;
	v9 =	vld [tilespmem:s28+$0x810];
	[tilespmem:s1+$0x410] =	vst v4  }
0x578: {  	s17 =	sadd.s32 $0x100, s10;
	v4 =	vld [tilespmem:s14+$0x50];
	v14 =	vshll.u32 v6, $0x10;
	v61 =	vshll.u32 v5, $0x10  }
0x579: {  	s20 =	sor.u32 $0x400, s17;
	s15 =	sadd.s32 $0x180, s10;
	[tilespmem:s6+$0x470] =	vst v3;
	v12 =	vld [tilespmem:s14+$0xD0];
	v14 =	vadd.f32 v61, v14  }
0x57a: {  	s23 =	simm.s32 $0x200;
	s26 =	sor.u32 $0x400, s15;
	v3 =	vld [tilespmem:s20+$0x6200]  }
0x57b: {  	s5 =	sand.u32 $0x7, s5;
	s10 =	sand.u32 $0x300, s23;
	v63 =	vld [tilespmem:s26+$0x6200];
	v23 =	vshll.u32 v7, $0x10;
	v24 =	vshll.u32 v10, $0x10;
	v11 =	vadd.f32 v14, v11  }
0x57c: {  	s5 =	sshll.u32 s5, $0x7;
	s20 =	sadd.s32 s10, s18;
	v18 =	vadd.f32 v24, v23;
	v14 =	vld [tilespmem:s21+$0x420]  }
0x57d: {  	s5 =	sadd.s32 $0x0, s5;
	v8 =	vadd.f32 v9, v8;
	v9 =	vld [tilespmem:s20+$0x0];
	[tilespmem:s2+$0x20] =	vst v11  }
0x57e: {  	s23 =	sadd.s32 $0x80, s5;
	v13 =	vadd.f32 v18, v13;
	v25 =	vshll.u32 v12, $0x10;
	v11 =	vshll.u32 v4, $0x10;
	v26 =	vld [tilespmem:s24+$0x30]  }
0x57f: {  	s5 =	sor.u32 $0xC00, s23;
	v27 =	vshll.u32 v62, $0x10;
	v28 =	vshll.u32 v15, $0x10;
	v11 =	vadd.f32 v25, v11  }
0x580: {  	v29 =	vld [tilespmem:s0+$0x800];
	[tilespmem:s5+$0xE200] =	vst v13;
	v13 =	vadd.f32 v28, v27;
	v6 =	vand.u32 $0xFFFF0000, v6;
	v5 =	vand.u32 $0xFFFF0000, v5  }
0x581: {  	s22 =	sor.u32 $0x410, s8;
	v7 =	vand.u32 $0xFFFF0000, v7;
	v5 =	vadd.f32 v5, v6;
	[tilespmem:s4+$0x810] =	vst v8;
	v8 =	vadd.f32 v11, v14;
	v11 =	vld [tilespmem:s3+$0xC10]  }
0x582: {  	s26 =	sor.u32 $0x410, s25;
	v6 =	vld [tilespmem:s22+$0x6200];
	v9 =	vadd.f32 v13, v9;
	v13 =	vshll.u32 v3, $0x10;
	v14 =	vshll.u32 v63, $0x10  }
0x583: {  	v30 =	vld [tilespmem:s26+$0x6200];
	s26 =	sadd.s32 s10, s19;
	[tilespmem:s1+$0x420] =	vst v8;
	v8 =	vand.u32 $0xFFFF0000, v10;
	v10 =	vadd.f32 v14, v13;
	v5 =	vadd.f32 v26, v5  }
0x584: {  	[tilespmem:s26+$0x0] =	vst v9;
	v7 =	vadd.f32 v8, v7;
	v8 =	vld [tilespmem:s21+$0x430]  }
0x585: {  	v9 =	vld [tilespmem:s20+$0x10];
	[tilespmem:s2+$0x30] =	vst v5;
	v5 =	vadd.f32 v10, v29  }
0x586: {  	v4 =	vand.u32 $0xFFFF0000, v4;
	v10 =	vand.u32 $0xFFFF0000, v12;
	v7 =	vadd.f32 v11, v7;
	v11 =	vld [tilespmem:s11+$0x20]  }
0x587: {  	s10 =	sor.u32 $0xC10, s23;
	v4 =	vadd.f32 v10, v4;
	v10 =	vld [tilespmem:s11+$0xA0];
	[tilespmem:s6+$0x800] =	vst v5  }
0x588: {  	s18 =	sor.u32 $0x450, s9;
	[tilespmem:s10+$0xE200] =	vst v7;
	v5 =	vand.u32 $0xFFFF0000, v62;
	v7 =	vand.u32 $0xFFFF0000, v15;
	v12 =	vld [tilespmem:s0+$0x810]  }
0x589: {  	v13 =	vld [tilespmem:s18+$0x6200];
	v5 =	vadd.f32 v7, v5;
	v4 =	vadd.f32 v8, v4  }
0x58a: {  	v7 =	vld [tilespmem:s28+$0x820]  }
0x58b: {  	v3 =	vand.u32 $0xFFFF0000, v3;
	v8 =	vand.u32 $0xFFFF0000, v63;
	[tilespmem:s1+$0x430] =	vst v4;
	v4 =	vadd.f32 v9, v5;
	v5 =	vld [tilespmem:s24+$0x40]  }
0x58c: {  	v3 =	vadd.f32 v8, v3;
	v8 =	vld [tilespmem:s14+$0x60]  }
0x58d: {  	v9 =	vld [tilespmem:s14+$0xE0];
	v14 =	vshll.u32 v10, $0x10;
	[tilespmem:s26+$0x10] =	vst v4;
	v4 =	vshll.u32 v11, $0x10  }
0x58e: {  	v3 =	vadd.f32 v12, v3;
	v12 =	vld [tilespmem:s13+$0x10];
	v4 =	vadd.f32 v14, v4  }
0x58f: {  	v15 =	vshll.u32 v30, $0x10;
	v14 =	vshll.u32 v6, $0x10;
	v31 =	vld [tilespmem:s13+$0x90]  }
0x590: {  	s19 =	sor.u32 $0x410, s17;
	v14 =	vadd.f32 v15, v14;
	[tilespmem:s6+$0x810] =	vst v3;
	v4 =	vadd.f32 v4, v5;
	v5 =	vld [tilespmem:s21+$0x440]  }
0x591: {  	v3 =	vld [tilespmem:s19+$0x6200]  }
0x592: {  	v7 =	vadd.f32 v14, v7;
	v14 =	vld [tilespmem:s20+$0x20];
	[tilespmem:s2+$0x40] =	vst v4  }
0x593: {  	s22 =	sor.u32 $0x410, s15;
	v15 =	vshll.u32 v9, $0x10;
	v4 =	vshll.u32 v8, $0x10;
	v32 =	vld [tilespmem:s24+$0x50]  }
0x594: {  	v33 =	vld [tilespmem:s22+$0x6200];
	[tilespmem:s4+$0x820] =	vst v7;
	v4 =	vadd.f32 v15, v4;
	v7 =	vshll.u32 v12, $0x10;
	v15 =	vshll.u32 v31, $0x10  }
0x595: {  	s10 =	sor.u32 $0x450, s7;
	v10 =	vand.u32 $0xFFFF0000, v10;
	v11 =	vand.u32 $0xFFFF0000, v11;
	v34 =	vld [tilespmem:s28+$0x830];
	v7 =	vadd.f32 v15, v7  }
0x596: {  	v15 =	vld [tilespmem:s10+$0x6200];
	v4 =	vadd.f32 v4, v5;
	v5 =	vadd.f32 v10, v11  }
0x597: {  	v6 =	vand.u32 $0xFFFF0000, v6;
	v10 =	vand.u32 $0xFFFF0000, v30;
	v11 =	vld [tilespmem:s3+$0xC20];
	v7 =	vadd.f32 v7, v14  }
0x598: {  	v6 =	vadd.f32 v10, v6;
	[tilespmem:s1+$0x440] =	vst v4;
	v4 =	vld [tilespmem:s0+$0x820];
	v5 =	vadd.f32 v32, v5  }
0x599: {  	v10 =	vld [tilespmem:s21+$0x450];
	[tilespmem:s26+$0x20] =	vst v7  }
0x59a: {  	v14 =	vshll.u32 v3, $0x10;
	v35 =	vshll.u32 v33, $0x10;
	v6 =	vadd.f32 v34, v6;
	v7 =	vld [tilespmem:s20+$0x30];
	[tilespmem:s2+$0x50] =	vst v5  }
0x59b: {  	v14 =	vadd.f32 v35, v14;
	v36 =	vshll.u32 v15, $0x10;
	v5 =	vshll.u32 v13, $0x10;
	v37 =	vld [tilespmem:s11+$0x30]  }
0x59c: {  	s18 =	sor.u32 $0x420, s8;
	[tilespmem:s4+$0x830] =	vst v6;
	v5 =	vadd.f32 v36, v5;
	v6 =	vand.u32 $0xFFFF0000, v8;
	v8 =	vand.u32 $0xFFFF0000, v9;
	v9 =	vld [tilespmem:s11+$0xB0]  }
0x59d: {  	s19 =	sor.u32 $0x420, s25;
	v38 =	vld [tilespmem:s18+$0x6200];
	v6 =	vadd.f32 v8, v6;
	v4 =	vadd.f32 v14, v4  }
0x59e: {  	v8 =	vld [tilespmem:s19+$0x6200];
	v5 =	vadd.f32 v5, v11;
	v11 =	vand.u32 $0xFFFF0000, v12;
	v12 =	vand.u32 $0xFFFF0000, v31  }
0x59f: {  	s22 =	sor.u32 $0xC20, s23;
	v11 =	vadd.f32 v12, v11;
	v6 =	vadd.f32 v10, v6;
	[tilespmem:s6+$0x820] =	vst v4;
	v4 =	vld [tilespmem:s24+$0x60]  }
0x5a0: {  	[tilespmem:s22+$0xE200] =	vst v5;
	v5 =	vld [tilespmem:s0+$0x830]  }
0x5a1: {  	v10 =	vld [tilespmem:s3+$0xC30];
	[tilespmem:s1+$0x450] =	vst v6;
	v6 =	vadd.f32 v7, v11;
	v7 =	vshll.u32 v37, $0x10;
	v11 =	vshll.u32 v9, $0x10  }
0x5a2: {  	v3 =	vand.u32 $0xFFFF0000, v3;
	v12 =	vld [tilespmem:s14+$0x70];
	v7 =	vadd.f32 v11, v7;
	v11 =	vand.u32 $0xFFFF0000, v33  }
0x5a3: {  	v14 =	vld [tilespmem:s14+$0xF0];
	v3 =	vadd.f32 v11, v3  }
0x5a4: {  	v11 =	vld [tilespmem:s28+$0x840];
	[tilespmem:s26+$0x30] =	vst v6;
	v4 =	vadd.f32 v7, v4  }
0x5a5: {  	v6 =	vld [tilespmem:s13+$0x20];
	v3 =	vadd.f32 v5, v3  }
0x5a6: {  	v5 =	vld [tilespmem:s21+$0x460];
	[tilespmem:s2+$0x60] =	vst v4  }
0x5a7: {  	s10 =	sor.u32 $0x420, s17;
	v7 =	vshll.u32 v8, $0x10;
	v4 =	vshll.u32 v38, $0x10;
	v39 =	vld [tilespmem:s24+$0x70];
	[tilespmem:s6+$0x830] =	vst v3  }
0x5a8: {  	s14 =	sor.u32 $0x420, s15;
	v3 =	vadd.f32 v7, v4;
	v4 =	vshll.u32 v12, $0x10;
	v7 =	vshll.u32 v14, $0x10;
	v40 =	vld [tilespmem:s10+$0x6200]  }
0x5a9: {  	v9 =	vand.u32 $0xFFFF0000, v9;
	v4 =	vadd.f32 v7, v4;
	v7 =	vand.u32 $0xFFFF0000, v37;
	v41 =	vld [tilespmem:s14+$0x6200]  }
0x5aa: {  	v3 =	vadd.f32 v3, v11;
	v11 =	vld [tilespmem:s13+$0xA0];
	v7 =	vadd.f32 v9, v7  }
0x5ab: {  	v9 =	vand.u32 $0xFFFF0000, v13;
	v13 =	vand.u32 $0xFFFF0000, v15;
	v15 =	vld [tilespmem:s20+$0x40];
	v4 =	vadd.f32 v4, v5  }
0x5ac: {  	v5 =	vadd.f32 v13, v9;
	[tilespmem:s4+$0x840] =	vst v3;
	v3 =	vadd.f32 v39, v7;
	v7 =	vld [tilespmem:s0+$0x840]  }
0x5ad: {  	v8 =	vand.u32 $0xFFFF0000, v8;
	v12 =	vand.u32 $0xFFFF0000, v12;
	v9 =	vld [tilespmem:s28+$0x850];
	[tilespmem:s1+$0x460] =	vst v4  }
0x5ae: {  	v4 =	vadd.f32 v10, v5;
	v5 =	vld [tilespmem:s21+$0x470];
	v10 =	vshll.u32 v41, $0x10;
	[tilespmem:s2+$0x70] =	vst v3;
	v3 =	vshll.u32 v40, $0x10  }
0x5af: {  	s18 =	sor.u32 $0xC30, s23;
	v14 =	vand.u32 $0xFFFF0000, v14;
	v13 =	vand.u32 $0xFFFF0000, v38;
	v42 =	vld [tilespmem:s11+$0x40];
	v3 =	vadd.f32 v10, v3  }
0x5b0: {  	s19 =	sor.u32 $0x460, s9;
	v12 =	vadd.f32 v14, v12;
	v8 =	vadd.f32 v8, v13;
	[tilespmem:s18+$0xE200] =	vst v4;
	v4 =	vld [tilespmem:s11+$0xC0]  }
0x5b1: {  	v13 =	vshll.u32 v6, $0x10;
	v43 =	vshll.u32 v11, $0x10;
	v10 =	vld [tilespmem:s19+$0x6200];
	v3 =	vadd.f32 v3, v7  }
0x5b2: {  	p1 =	por !p1, !p1;
	s5 =	simm.s32 $0x1;
	s22 =	sor.u32 $0x460, s7;
	v13 =	vadd.f32 v43, v13;
	v14 =	vld [tilespmem:s24+$0x400]  }
0x5b3: {  	s5 =	simm.s32 @!p1 $0x0;
	v7 =	vld [tilespmem:s22+$0x6200];
	v5 =	vadd.f32 v5, v12;
	[tilespmem:s6+$0x840] =	vst v3  }
0x5b4: {  	s5 =	sshll.u32 s5, $0x9;
	v8 =	vadd.f32 v9, v8;
	v3 =	vadd.f32 v13, v15;
	v9 =	vld [tilespmem:s0+$0x850]  }
0x5b5: {  	s22 =	sadd.s32 $0x400, s5;
	v12 =	vshll.u32 v42, $0x10;
	v13 =	vshll.u32 v4, $0x10;
	[tilespmem:s1+$0x470] =	vst v5  }
0x5b6: {  	s14 =	sor.u32 $0x400, s22;
	v15 =	vld [tilespmem:s3+$0xC40];
	[tilespmem:s26+$0x40] =	vst v3;
	v3 =	vadd.f32 v13, v12;
	v12 =	vand.u32 $0xFFFF0000, v40;
	v13 =	vand.u32 $0xFFFF0000, v41  }
0x5b7: {  	[tilespmem:s4+$0x850] =	vst v8;
	v5 =	vld [tilespmem:s14+$0x6200];
	v8 =	vadd.f32 v13, v12  }
0x5b8: {  	s10 =	sor.u32 $0x430, s8;
	s5 =	sadd.s32 $0x80, s22;
	v44 =	vshll.u32 v10, $0x10;
	v45 =	vshll.u32 v7, $0x10;
	v46 =	vld [tilespmem:s20+$0x50];
	v3 =	vadd.f32 v3, v14  }
0x5b9: {  	s18 =	sor.u32 $0x400, s5;
	v12 =	vld [tilespmem:s10+$0x6200];
	v13 =	vadd.f32 v45, v44;
	v8 =	vadd.f32 v9, v8  }
0x5ba: {  	v6 =	vand.u32 $0xFFFF0000, v6;
	v11 =	vand.u32 $0xFFFF0000, v11;
	v9 =	vld [tilespmem:s18+$0x6200];
	[tilespmem:s2+$0x400] =	vst v3  }
0x5bb: {  	v6 =	vadd.f32 v11, v6;
	s19 =	sor.u32 $0x430, s17;
	v3 =	vadd.f32 v13, v15;
	v11 =	vld [tilespmem:s24+$0x410];
	[tilespmem:s6+$0x850] =	vst v8  }
0x5bc: {  	s14 =	sor.u32 $0xC40, s23;
	s18 =	sor.u32 $0x430, s15;
	v8 =	vld [tilespmem:s19+$0x6200]  }
0x5bd: {  	v4 =	vand.u32 $0xFFFF0000, v4;
	[tilespmem:s14+$0xE200] =	vst v3;
	v3 =	vand.u32 $0xFFFF0000, v42;
	v13 =	vld [tilespmem:s18+$0x6200]  }
0x5be: {  	v15 =	vld [tilespmem:s21+$0x800];
	v6 =	vadd.f32 v46, v6;
	v3 =	vadd.f32 v4, v3  }
0x5bf: {  	v14 =	vld [tilespmem:s3+$0xC50]  }
0x5c0: {  	v4 =	vld [tilespmem:s0+$0x860];
	[tilespmem:s26+$0x50] =	vst v6;
	v3 =	vadd.f32 v11, v3  }
0x5c1: {  	v6 =	vld [tilespmem:s13+$0x30]  }
0x5c2: {  	v11 =	vld [tilespmem:s13+$0xB0];
	[tilespmem:s2+$0x410] =	vst v3;
	v3 =	vshll.u32 v8, $0x10;
	v47 =	vshll.u32 v13, $0x10  }
0x5c3: {  	v10 =	vand.u32 $0xFFFF0000, v10;
	v7 =	vand.u32 $0xFFFF0000, v7;
	v48 =	vld [tilespmem:s11+$0x50];
	v3 =	vadd.f32 v47, v3  }
0x5c4: {  	v7 =	vadd.f32 v7, v10;
	s19 =	sor.u32 $0x430, s25;
	v10 =	vld [tilespmem:s11+$0xD0]  }
0x5c5: {  	v49 =	vld [tilespmem:s19+$0x6200];
	v3 =	vadd.f32 v3, v4  }
0x5c6: {  	v50 =	vshll.u32 v9, $0x10;
	v4 =	vadd.f32 v14, v7;
	v7 =	vld [tilespmem:s20+$0x60];
	v14 =	vshll.u32 v5, $0x10  }
0x5c7: {  	v53 =	vld [tilespmem:s24+$0x420];
	v51 =	vshll.u32 v6, $0x10;
	v52 =	vshll.u32 v11, $0x10;
	v14 =	vadd.f32 v50, v14;
	[tilespmem:s6+$0x860] =	vst v3  }
0x5c8: {  	s14 =	sor.u32 $0xC50, s23;
	v19 =	vadd.f32 v52, v51;
	v54 =	vld [tilespmem:s0+$0x870]  }
0x5c9: {  	s9 =	sor.u32 $0x470, s9;
	[tilespmem:s14+$0xE200] =	vst v4;
	v14 =	vadd.f32 v14, v15;
	v4 =	vshll.u32 v48, $0x10;
	v15 =	vshll.u32 v10, $0x10  }
0x5ca: {  	v3 =	vld [tilespmem:s9+$0x6200];
	v15 =	vadd.f32 v15, v4;
	v4 =	vand.u32 $0xFFFF0000, v8;
	v8 =	vand.u32 $0xFFFF0000, v13  }
0x5cb: {  	s7 =	sor.u32 $0x470, s7;
	v13 =	vld [tilespmem:s28+$0x860];
	v7 =	vadd.f32 v19, v7;
	v8 =	vadd.f32 v8, v4  }
0x5cc: {  	v4 =	vld [tilespmem:s7+$0x6200];
	[tilespmem:s1+$0x800] =	vst v14;
	v14 =	vadd.f32 v15, v53  }
0x5cd: {  	v55 =	vshll.u32 v49, $0x10;
	v15 =	vshll.u32 v12, $0x10;
	[tilespmem:s26+$0x60] =	vst v7;
	v7 =	vld [tilespmem:s21+$0x810];
	v8 =	vadd.f32 v54, v8  }
0x5ce: {  	v15 =	vadd.f32 v55, v15;
	v56 =	vld [tilespmem:s20+$0x70];
	[tilespmem:s2+$0x420] =	vst v14  }
0x5cf: {  	s18 =	sor.u32 $0x440, s17;
	v9 =	vand.u32 $0xFFFF0000, v9;
	v5 =	vand.u32 $0xFFFF0000, v5;
	v14 =	vld [tilespmem:s24+$0x430];
	[tilespmem:s6+$0x870] =	vst v8  }
0x5d0: {  	s19 =	sor.u32 $0x440, s15;
	v5 =	vadd.f32 v9, v5;
	v8 =	vadd.f32 v15, v13;
	v9 =	vld [tilespmem:s18+$0x6200]  }
0x5d1: {  	v6 =	vand.u32 $0xFFFF0000, v6;
	v11 =	vand.u32 $0xFFFF0000, v11;
	v13 =	vld [tilespmem:s19+$0x6200]  }
0x5d2: {  	v6 =	vadd.f32 v11, v6;
	v15 =	vld [tilespmem:s3+$0xC60];
	[tilespmem:s4+$0x860] =	vst v8;
	v5 =	vadd.f32 v7, v5  }
0x5d3: {  	v10 =	vand.u32 $0xFFFF0000, v10;
	v8 =	vand.u32 $0xFFFF0000, v48;
	v7 =	vld [tilespmem:s28+$0x870]  }
0x5d4: {  	s7 =	sor.u32 $0x410, s22;
	v6 =	vadd.f32 v56, v6;
	[tilespmem:s1+$0x810] =	vst v5;
	v5 =	vadd.f32 v10, v8;
	v8 =	vld [tilespmem:s0+$0xC00]  }
0x5d5: {  	s10 =	sor.u32 $0x410, s5;
	v10 =	vld [tilespmem:s7+$0x6200]  }
0x5d6: {  	s14 =	sand.u32 $0x7, s16;
	[tilespmem:s26+$0x70] =	vst v6;
	v11 =	vld [tilespmem:s10+$0x6200];
	v5 =	vadd.f32 v14, v5;
	v6 =	vshll.u32 v9, $0x10;
	v14 =	vshll.u32 v13, $0x10  }
0x5d7: {  	s6 =	sshll.u32 s14, $0x7;
	v57 =	vld [tilespmem:s13+$0x40];
	v6 =	vadd.f32 v14, v6  }
0x5d8: {  	s6 =	sadd.s32 $0x400, s6;
	v14 =	vld [tilespmem:s21+$0x820];
	[tilespmem:s2+$0x430] =	vst v5  }
0x5d9: {  	v58 =	vshll.u32 v4, $0x10;
	s18 =	sadd.s32 $0x80, s6;
	v5 =	vshll.u32 v3, $0x10;
	v59 =	vld [tilespmem:s11+$0x60];
	v6 =	vadd.f32 v6, v8  }
0x5da: {  	s6 =	sor.u32 $0xC00, s18;
	v5 =	vadd.f32 v58, v5;
	v8 =	vand.u32 $0xFFFF0000, v12;
	v12 =	vand.u32 $0xFFFF0000, v49;
	v60 =	vld [tilespmem:s11+$0xE0]  }
0x5db: {  	v8 =	vadd.f32 v12, v8;
	v12 =	vld [tilespmem:s13+$0xC0];
	v61 =	vshll.u32 v10, $0x10;
	v62 =	vshll.u32 v11, $0x10;
	[tilespmem:s6+$0xE200] =	vst v6  }
0x5dc: {  	v6 =	vadd.f32 v62, v61;
	v5 =	vadd.f32 v5, v15;
	v63 =	vld [tilespmem:s0+$0xC10]  }
0x5dd: {  	s16 =	sor.u32 $0xC60, s23;
	v7 =	vadd.f32 v7, v8;
	v8 =	vld [tilespmem:s24+$0x440]  }
0x5de: {  	v14 =	vadd.f32 v6, v14;
	v6 =	vand.u32 $0xFFFF0000, v9;
	v9 =	vand.u32 $0xFFFF0000, v13;
	[tilespmem:s16+$0xE200] =	vst v5  }
0x5df: {  	v15 =	vld [tilespmem:s20+$0x400];
	v13 =	vshll.u32 v59, $0x10;
	v24 =	vshll.u32 v60, $0x10;
	v9 =	vadd.f32 v9, v6;
	[tilespmem:s4+$0x870] =	vst v7  }
0x5e0: {  	s31 =	simm.s32 $0x700;
	v5 =	vld [tilespmem:s3+$0xC70];
	s4 =	simm.s32 $0xC00;
	v13 =	vadd.f32 v24, v13;
	[tilespmem:s1+$0x820] =	vst v14  }
0x5e1: {  	s19 =	sor.u32 $0x440, s8;
	s6 =	sor.u32 $0x440, s25;
	v6 =	vshll.u32 v57, $0x10;
	v7 =	vshll.u32 v12, $0x10;
	s14 =	sand.u32 $0x3800, s4;
	v14 =	vld [tilespmem:s21+$0x830];
	v9 =	vadd.f32 v63, v9  }
0x5e2: {  	s7 =	sor.u32 $0xC10, s18;
	s16 =	sand.u32 $0x300, s31;
	v25 =	vadd.f32 v7, v6;
	v7 =	vld [tilespmem:s6+$0x6200];
	s6 =	sadd.s32 $0x6200, s14;
	v8 =	vadd.f32 v13, v8  }
0x5e3: {  	v6 =	vld [tilespmem:s19+$0x6200];
	s14 =	sadd.s32 s16, s6;
	[tilespmem:s7+$0xE200] =	vst v9;
	v9 =	vand.u32 $0xFFFF0000, v10;
	v10 =	vand.u32 $0xFFFF0000, v11  }
0x5e4: {  	v26 =	vld [tilespmem:s14+$0x80];
	[tilespmem:s2+$0x440] =	vst v8;
	v8 =	vadd.f32 v10, v9  }
0x5e5: {  	s10 =	sor.u32 $0x450, s17;
	v13 =	vadd.f32 v25, v15;
	v9 =	vld [tilespmem:s24+$0x450]  }
0x5e6: {  	v11 =	vld [tilespmem:s10+$0x6200];
	v8 =	vadd.f32 v14, v8  }
0x5e7: {  	s9 =	smov.u32 s21;
	s19 =	sand.u32 $0x1000, s4;
	s21 =	simm.s32 $0x380;
	v15 =	vand.u32 $0xFFFF0000, v60;
	[tilespmem:s26+$0x400] =	vst v13;
	v13 =	vld [tilespmem:s14+$0x0];
	v14 =	vand.u32 $0xFFFF0000, v59  }
0x5e8: {  	s7 =	sor.u32 $0x200, s19;
	s19 =	simm.s32 $0x380;
	s10 =	sor.u32 $0x450, s15;
	v10 =	vld [tilespmem:s20+$0x410];
	v14 =	vadd.f32 v15, v14;
	[tilespmem:s1+$0x830] =	vst v8  }
0x5e9: {  	s3 =	sor.u32 $0x420, s22;
	s21 =	sand.u32 $0x380, s21;
	v15 =	vld [tilespmem:s10+$0x6200];
	[dreg:$0x11] =	wrdreg s19  }
0x5ea: {  	v17 =	vand.u32 $0xFFFF0000, v57;
	v12 =	vand.u32 $0xFFFF0000, v12;
	s29 =	sadd.s32 s21, s7;
	v9 =	vadd.f32 v9, v14;
	v8 =	vld [tilespmem:s3+$0x6200]  }
0x5eb: {  	v12 =	vadd.f32 v12, v17;
	v14 =	vld [tilespmem:s29+$0x0]  }
0x5ec: {  	v27 =	vld [tilespmem:s0+$0xC20];
	[tilespmem:s2+$0x450] =	vst v9  }
0x5ed: {  	v10 =	vadd.f32 v10, v12;
	v12 =	vshll.u32 v26, $0x10;
	v9 =	vshll.u32 v13, $0x10;
	v28 =	vld [tilespmem:s11+$0x70]  }
0x5ee: {  	s16 =	sor.u32 $0x420, s5;
	v29 =	vld [tilespmem:s11+$0xF0];
	v12 =	vadd.f32 v12, v9  }
0x5ef: {  	s19 =	sand.u32 $0x3000, s4;
	v9 =	vld [tilespmem:s16+$0x6200];
	[tilespmem:s26+$0x410] =	vst v10;
	v10 =	vshll.u32 v11, $0x10;
	v30 =	vshll.u32 v15, $0x10  }
0x5f0: {  	s3 =	sadd.s32 $0xE200, s19;
	v31 =	vld [tilespmem:s13+$0x50];
	v10 =	vadd.f32 v30, v10;
	v12 =	vadd.f32 v12, v14  }
0x5f1: {  	s11 =	sadd.s32 s21, s3;
	v14 =	vld [tilespmem:s24+$0x460]  }
0x5f2: {  	v32 =	vld [tilespmem:s13+$0xD0];
	v10 =	vadd.f32 v10, v27;
	[tilespmem:s11+$0x0] =	vst v12  }
0x5f3: {  	s21 =	sor.u32 $0xC20, s18;
	v33 =	vshll.u32 v28, $0x10;
	v34 =	vshll.u32 v29, $0x10;
	v12 =	vld [tilespmem:s29+$0x10]  }
0x5f4: {  	v16 =	vand.u32 $0xFFFF0000, v26;
	v13 =	vand.u32 $0xFFFF0000, v13;
	s16 =	simm.s32 $0x600;
	v36 =	vld [tilespmem:s20+$0x420];
	[tilespmem:s21+$0xE200] =	vst v10;
	v17 =	vadd.f32 v34, v33  }
0x5f5: {  	v13 =	vadd.f32 v16, v13;
	s10 =	sand.u32 $0x200, s16;
	v35 =	vld [tilespmem:s0+$0xC30]  }
0x5f6: {  	v11 =	vand.u32 $0xFFFF0000, v11;
	v15 =	vand.u32 $0xFFFF0000, v15;
	v10 =	vld [tilespmem:s28+$0xC00];
	s21 =	sadd.s32 s10, s6;
	v14 =	vadd.f32 v17, v14  }
0x5f7: {  	s19 =	simm.s32 $0x300;
	v11 =	vadd.f32 v15, v11;
	v38 =	vld [tilespmem:s21+$0x0]  }
0x5f8: {  	s10 =	sand.u32 $0x300, s19;
	v37 =	vshll.u32 v31, $0x10;
	v39 =	vshll.u32 v32, $0x10;
	v25 =	vld [tilespmem:s21+$0x80];
	[tilespmem:s2+$0x460] =	vst v14;
	v12 =	vadd.f32 v12, v13  }
0x5f9: {  	s30 =	sadd.s32 s10, s7;
	v13 =	vadd.f32 v39, v37;
	v14 =	vld [tilespmem:s24+$0x470]  }
0x5fa: {  	v15 =	vld [tilespmem:s30+$0x0];
	v11 =	vadd.f32 v35, v11;
	[tilespmem:s11+$0x10] =	vst v12  }
0x5fb: {  	s16 =	simm.s32 $0x4;
	v40 =	vand.u32 $0xFFFF0000, v28;
	v41 =	vand.u32 $0xFFFF0000, v29;
	s7 =	sor.u32 $0xC30, s18;
	v12 =	vadd.f32 v13, v36;
	v13 =	vld [tilespmem:s14+$0x10]  }
0x5fc: {  	v42 =	vshll.u32 v7, $0x10;
	s19 =	sor.u32 $0x460, s17;
	v16 =	vadd.f32 v41, v40;
	[tilespmem:s7+$0xE200] =	vst v11;
	v11 =	vshll.u32 v6, $0x10;
	s7 =	sand.u32 $0x3, s16;
	v43 =	vld [tilespmem:s14+$0x90]  }
0x5fd: {  	v45 =	vshll.u32 v25, $0x10;
	v44 =	vld [tilespmem:s19+$0x6200];
	v11 =	vadd.f32 v42, v11;
	s16 =	sshll.u32 s7, $0x8;
	[tilespmem:s26+$0x420] =	vst v12;
	v12 =	vshll.u32 v38, $0x10  }
0x5fe: {  	s7 =	sadd.s32 $0x800, s16;
	v12 =	vadd.f32 v45, v12;
	v46 =	vld [tilespmem:s20+$0x430];
	v14 =	vadd.f32 v14, v16  }
0x5ff: {  	s19 =	sor.u32 $0x460, s15;
	v10 =	vadd.f32 v11, v10;
	v11 =	vld [tilespmem:s29+$0x20];
	s6 =	sadd.s32 $0x100, s7  }
0x600: {  	v21 =	vand.u32 $0xFFFF0000, v31;
	v20 =	vand.u32 $0xFFFF0000, v32;
	v47 =	vld [tilespmem:s19+$0x6200];
	s7 =	sadd.s32 $0x180, s7;
	s19 =	sor.u32 $0x400, s6;
	v12 =	vadd.f32 v12, v15;
	[tilespmem:s2+$0x470] =	vst v14  }
0x601: {  	s16 =	sadd.s32 s10, s3;
	s3 =	sadd.s32 $0x0, s12;
	s12 =	sor.u32 $0x400, s7;
	v15 =	vadd.f32 v20, v21;
	v14 =	vld [tilespmem:s19+$0x6200];
	v48 =	vshll.u32 v13, $0x10;
	v49 =	vshll.u32 v43, $0x10  }
0x602: {  	v50 =	vld [tilespmem:s12+$0x6200];
	s12 =	sor.u32 $0xC00, s3;
	[tilespmem:s16+$0x0] =	vst v12;
	v12 =	vadd.f32 v49, v48  }
0x603: {  	[tilespmem:s12+$0xE200] =	vst v10;
	v10 =	vadd.f32 v46, v15;
	v15 =	vld [tilespmem:s30+$0x10]  }
0x604: {  	v57 =	vld [tilespmem:s24+$0x800];
	v11 =	vadd.f32 v12, v11  }
0x605: {  	v52 =	vand.u32 $0xFFFF0000, v25;
	v12 =	vand.u32 $0xFFFF0000, v38;
	[tilespmem:s26+$0x430] =	vst v10;
	v10 =	vld [tilespmem:s0+$0xC40]  }
0x606: {  	v51 =	vld [tilespmem:s28+$0xC10];
	v12 =	vadd.f32 v52, v12;
	[tilespmem:s11+$0x20] =	vst v11  }
0x607: {  	v54 =	vshll.u32 v44, $0x10;
	v55 =	vshll.u32 v47, $0x10;
	v11 =	vld [tilespmem:s29+$0x30]  }
0x608: {  	v20 =	vadd.f32 v55, v54;
	v53 =	vld [tilespmem:s13+$0x60];
	v12 =	vadd.f32 v15, v12  }
0x609: {  	v7 =	vand.u32 $0xFFFF0000, v7;
	v13 =	vand.u32 $0xFFFF0000, v13;
	v56 =	vand.u32 $0xFFFF0000, v43;
	v15 =	vld [tilespmem:s13+$0xE0]  }
0x60a: {  	v6 =	vand.u32 $0xFFFF0000, v6;
	v13 =	vadd.f32 v56, v13;
	[tilespmem:s16+$0x10] =	vst v12;
	v12 =	vld [tilespmem:s20+$0x440];
	v10 =	vadd.f32 v20, v10  }
0x60b: {  	v6 =	vadd.f32 v7, v6;
	s12 =	sor.u32 $0xC40, s18;
	v58 =	vshll.u32 v14, $0x10;
	v59 =	vshll.u32 v50, $0x10;
	v7 =	vld [tilespmem:s21+$0x10]  }
0x60c: {  	v60 =	vld [tilespmem:s21+$0x90];
	[tilespmem:s12+$0xE200] =	vst v10;
	v10 =	vadd.f32 v11, v13;
	v11 =	vadd.f32 v59, v58  }
0x60d: {  	v13 =	vld [tilespmem:s0+$0xC50]  }
0x60e: {  	v61 =	vshll.u32 v53, $0x10;
	v63 =	vld [tilespmem:s30+$0x20];
	v62 =	vshll.u32 v15, $0x10;
	[tilespmem:s11+$0x30] =	vst v10;
	v10 =	vadd.f32 v11, v57  }
0x60f: {  	v18 =	vand.u32 $0xFFFF0000, v44;
	v16 =	vand.u32 $0xFFFF0000, v47;
	v11 =	vadd.f32 v62, v61;
	v25 =	vld [tilespmem:s14+$0x20]  }
0x610: {  	v16 =	vadd.f32 v16, v18;
	v6 =	vadd.f32 v51, v6;
	v26 =	vld [tilespmem:s14+$0xA0];
	[tilespmem:s2+$0x800] =	vst v10  }
0x611: {  	s12 =	sor.u32 $0xC10, s3;
	v12 =	vadd.f32 v11, v12;
	v27 =	vld [tilespmem:s24+$0x810]  }
0x612: {  	[tilespmem:s12+$0xE200] =	vst v6;
	s12 =	sor.u32 $0x450, s8;
	v29 =	vld [tilespmem:s29+$0x40];
	v6 =	vshll.u32 v7, $0x10;
	v11 =	vshll.u32 v60, $0x10;
	v13 =	vadd.f32 v13, v16  }
0x613: {  	v10 =	vld [tilespmem:s12+$0x6200];
	s12 =	sor.u32 $0xC50, s18;
	v28 =	vadd.f32 v11, v6;
	v6 =	vand.u32 $0xFFFF0000, v14;
	v14 =	vand.u32 $0xFFFF0000, v50  }
0x614: {  	v32 =	vld [tilespmem:s9+$0x840];
	v34 =	vshll.u32 v8, $0x10;
	s10 =	sor.u32 $0x450, s25;
	[tilespmem:s12+$0xE200] =	vst v13;
	v13 =	vadd.f32 v14, v6  }
0x615: {  	v11 =	vld [tilespmem:s10+$0x6200];
	[tilespmem:s26+$0x440] =	vst v12;
	v12 =	vadd.f32 v28, v63;
	v14 =	vshll.u32 v25, $0x10;
	v30 =	vshll.u32 v26, $0x10  }
0x616: {  	s17 =	sor.u32 $0x470, s17;
	v35 =	vshll.u32 v9, $0x10;
	v31 =	vld [tilespmem:s20+$0x450];
	v14 =	vadd.f32 v30, v14;
	v13 =	vadd.f32 v27, v13  }
0x617: {  	v18 =	vadd.f32 v35, v34;
	v6 =	vld [tilespmem:s17+$0x6200];
	[tilespmem:s16+$0x20] =	vst v12  }
0x618: {  	v15 =	vand.u32 $0xFFFF0000, v15;
	s12 =	sor.u32 $0x410, s6;
	v12 =	vand.u32 $0xFFFF0000, v53;
	v33 =	vld [tilespmem:s30+$0x30];
	v14 =	vadd.f32 v14, v29;
	[tilespmem:s2+$0x810] =	vst v13  }
0x619: {  	v16 =	vadd.f32 v18, v32;
	s17 =	sor.u32 $0x410, s7;
	v12 =	vadd.f32 v15, v12;
	v13 =	vld [tilespmem:s12+$0x6200]  }
0x61a: {  	v7 =	vand.u32 $0xFFFF0000, v7;
	v36 =	vand.u32 $0xFFFF0000, v60;
	v15 =	vld [tilespmem:s17+$0x6200];
	[tilespmem:s11+$0x40] =	vst v14  }
0x61b: {  	[tilespmem:s1+$0x840] =	vst v16;
	v12 =	vadd.f32 v31, v12;
	v14 =	vadd.f32 v36, v7;
	v37 =	vld [tilespmem:s29+$0x50]  }
0x61c: {  	v42 =	vld [tilespmem:s9+$0x850]  }
0x61d: {  	v38 =	vand.u32 $0xFFFF0000, v26;
	v39 =	vld [tilespmem:s24+$0x820];
	[tilespmem:s26+$0x450] =	vst v12;
	v12 =	vadd.f32 v33, v14;
	v14 =	vand.u32 $0xFFFF0000, v25  }
0x61e: {  	v58 =	vld [tilespmem:s0+$0xC60];
	s12 =	sor.u32 $0x470, s15;
	v14 =	vadd.f32 v38, v14  }
0x61f: {  	v7 =	vld [tilespmem:s12+$0x6200];
	[tilespmem:s16+$0x30] =	vst v12;
	v12 =	vshll.u32 v13, $0x10;
	v41 =	vshll.u32 v15, $0x10  }
0x620: {  	v43 =	vld [tilespmem:s21+$0x20];
	v14 =	vadd.f32 v37, v14;
	v12 =	vadd.f32 v41, v12  }
0x621: {  	v8 =	vand.u32 $0xFFFF0000, v8;
	v9 =	vand.u32 $0xFFFF0000, v9;
	v44 =	vld [tilespmem:s21+$0xA0]  }
0x622: {  	v8 =	vadd.f32 v9, v8;
	v9 =	vld [tilespmem:s30+$0x40];
	[tilespmem:s11+$0x50] =	vst v14;
	v12 =	vadd.f32 v12, v39  }
0x623: {  	v14 =	vld [tilespmem:s14+$0x30]  }
0x624: {  	v45 =	vld [tilespmem:s14+$0xB0];
	[tilespmem:s2+$0x820] =	vst v12  }
0x625: {  	v8 =	vadd.f32 v42, v8;
	v12 =	vld [tilespmem:s24+$0x830]  }
0x626: {  	v40 =	vld [tilespmem:s13+$0x70];
	v47 =	vshll.u32 v43, $0x10;
	v48 =	vshll.u32 v44, $0x10  }
0x627: {  	v46 =	vld [tilespmem:s13+$0xF0];
	[tilespmem:s1+$0x850] =	vst v8;
	v13 =	vand.u32 $0xFFFF0000, v13;
	v15 =	vand.u32 $0xFFFF0000, v15;
	v8 =	vadd.f32 v48, v47  }
0x628: {  	s15 =	sor.u32 $0x430, s22;
	v13 =	vadd.f32 v15, v13;
	v50 =	vld [tilespmem:s29+$0x60]  }
0x629: {  	v49 =	vld [tilespmem:s15+$0x6200];
	v8 =	vadd.f32 v8, v9  }
0x62a: {  	v9 =	vld [tilespmem:s20+$0x460];
	v51 =	vshll.u32 v14, $0x10;
	v52 =	vshll.u32 v45, $0x10;
	v12 =	vadd.f32 v12, v13  }
0x62b: {  	[tilespmem:s16+$0x40] =	vst v8;
	v8 =	vadd.f32 v52, v51;
	v13 =	vld [tilespmem:s28+$0xC20]  }
0x62c: {  	v53 =	vshll.u32 v10, $0x10;
	s12 =	sor.u32 $0x420, s6;
	v54 =	vshll.u32 v40, $0x10;
	v55 =	vshll.u32 v46, $0x10;
	v26 =	vld [tilespmem:s30+$0x50];
	[tilespmem:s2+$0x830] =	vst v12  }
0x62d: {  	v56 =	vshll.u32 v11, $0x10;
	s13 =	sor.u32 $0x420, s7;
	v24 =	vadd.f32 v55, v54;
	v8 =	vadd.f32 v8, v50;
	v12 =	vld [tilespmem:s12+$0x6200]  }
0x62e: {  	v22 =	vadd.f32 v56, v53;
	v20 =	vand.u32 $0xFFFF0000, v43;
	v17 =	vand.u32 $0xFFFF0000, v44;
	v57 =	vld [tilespmem:s13+$0x6200]  }
0x62f: {  	v29 =	vld [tilespmem:s9+$0x860];
	v17 =	vadd.f32 v17, v20;
	v9 =	vadd.f32 v24, v9;
	[tilespmem:s11+$0x60] =	vst v8  }
0x630: {  	v8 =	vadd.f32 v22, v13;
	v13 =	vld [tilespmem:s29+$0x70]  }
0x631: {  	s17 =	sor.u32 $0x430, s5;
	s15 =	sor.u32 $0xC20, s3;
	v59 =	vld [tilespmem:s24+$0x840];
	[tilespmem:s26+$0x460] =	vst v9;
	v9 =	vadd.f32 v26, v17  }
0x632: {  	v15 =	vld [tilespmem:s17+$0x6200];
	v14 =	vand.u32 $0xFFFF0000, v14;
	v18 =	vand.u32 $0xFFFF0000, v45;
	[tilespmem:s15+$0xE200] =	vst v8  }
0x633: {  	v8 =	vld [tilespmem:s20+$0x470];
	[tilespmem:s16+$0x50] =	vst v9;
	v9 =	vadd.f32 v18, v14;
	v14 =	vshll.u32 v12, $0x10;
	v61 =	vshll.u32 v57, $0x10  }
0x634: {  	v62 =	vshll.u32 v6, $0x10;
	v28 =	vld [tilespmem:s21+$0x30];
	v14 =	vadd.f32 v61, v14  }
0x635: {  	v63 =	vshll.u32 v7, $0x10;
	v16 =	vand.u32 $0xFFFF0000, v40;
	v9 =	vadd.f32 v13, v9;
	v13 =	vld [tilespmem:s21+$0xB0]  }
0x636: {  	v19 =	vand.u32 $0xFFFF0000, v46;
	v24 =	vadd.f32 v63, v62;
	v60 =	vld [tilespmem:s28+$0xC30];
	v14 =	vadd.f32 v14, v59  }
0x637: {  	p1 =	por !p1, !p1;
	s10 =	simm.s32 $0x1;
	v10 =	vand.u32 $0xFFFF0000, v10;
	v11 =	vand.u32 $0xFFFF0000, v11;
	v16 =	vadd.f32 v19, v16;
	[tilespmem:s11+$0x70] =	vst v9;
	v9 =	vld [tilespmem:s30+$0x60]  }
0x638: {  	s10 =	simm.s32 @!p1 $0x0;
	v10 =	vadd.f32 v11, v10;
	v11 =	vadd.f32 v24, v58;
	v30 =	vld [tilespmem:s14+$0x40];
	[tilespmem:s2+$0x840] =	vst v14  }
0x639: {  	s10 =	sshll.u32 s10, $0x9;
	s17 =	sor.u32 $0xC60, s18;
	v14 =	vadd.f32 v8, v16;
	v31 =	vld [tilespmem:s24+$0x850]  }
0x63a: {  	s12 =	sadd.s32 $0x800, s10;
	[tilespmem:s17+$0xE200] =	vst v11;
	v11 =	vshll.u32 v28, $0x10;
	v33 =	vld [tilespmem:s14+$0xC0];
	v32 =	vshll.u32 v13, $0x10  }
0x63b: {  	s13 =	sor.u32 $0x400, s12;
	v12 =	vand.u32 $0xFFFF0000, v12;
	v8 =	vld [tilespmem:s0+$0xC70];
	[tilespmem:s26+$0x470] =	vst v14;
	v14 =	vand.u32 $0xFFFF0000, v57;
	v11 =	vadd.f32 v32, v11  }
0x63c: {  	v10 =	vadd.f32 v60, v10;
	v34 =	vld [tilespmem:s13+$0x6200];
	v12 =	vadd.f32 v14, v12;
	s13 =	sadd.s32 $0x80, s12  }
0x63d: {  	v35 =	vshll.u32 v49, $0x10;
	s15 =	sor.u32 $0xC30, s3;
	v36 =	vld [tilespmem:s29+$0x400];
	v14 =	vshll.u32 v15, $0x10;
	s17 =	sor.u32 $0x400, s13;
	v11 =	vadd.f32 v11, v9  }
0x63e: {  	[tilespmem:s15+$0xE200] =	vst v10;
	s15 =	sor.u32 $0x460, s8;
	v14 =	vadd.f32 v14, v35;
	v37 =	vld [tilespmem:s17+$0x6200];
	v10 =	vadd.f32 v31, v12  }
0x63f: {  	v9 =	vld [tilespmem:s15+$0x6200];
	[tilespmem:s16+$0x60] =	vst v11  }
0x640: {  	s10 =	sor.u32 $0x470, s8;
	s17 =	sor.u32 $0x430, s6;
	v12 =	vadd.f32 v14, v29;
	v14 =	vshll.u32 v33, $0x10;
	v11 =	vshll.u32 v30, $0x10;
	v38 =	vld [tilespmem:s30+$0x70];
	[tilespmem:s2+$0x850] =	vst v10  }
0x641: {  	v11 =	vadd.f32 v14, v11;
	v14 =	vld [tilespmem:s17+$0x6200];
	[smem:$0x782] =	sst s10  }
0x642: {  	s17 =	sor.u32 $0x470, s25;
	[tilespmem:s1+$0x860] =	vst v12  }
0x643: {  	[smem:$0x783] =	sst s17  }
0x644: {  	s10 =	sor.u32 $0x460, s25;
	s25 =	sor.u32 $0x430, s7;
	v12 =	vand.u32 $0xFFFF0000, v13;
	v13 =	vld [tilespmem:s9+$0x870]  }
0x645: {  	s0 =	sor.u32 $0xC50, s3;
	v10 =	vand.u32 $0xFFFF0000, v28;
	v11 =	vadd.f32 v11, v36;
	v40 =	vld [tilespmem:s25+$0x6200];
	s25 =	sor.u32 $0xC60, s3  }
0x646: {  	s8 =	sor.u32 $0xC40, s3;
	s15 =	simm.s32 $0x1;
	v10 =	vadd.f32 v12, v10;
	v12 =	vld [tilespmem:s20+$0x800];
	[dreg:$0x3] =	wrdreg s25  }
0x647: {  	s15 =	sand.u32 $0x3, s15;
	s25 =	sor.u32 $0xC70, s3;
	s3 =	sor.u32 $0x450, s22;
	[tilespmem:s11+$0x400] =	vst v11  }
0x648: {  	s17 =	sshll.u32 s15, $0x8;
	v42 =	vld [tilespmem:s29+$0x410];
	[smem:$0x784] =	sst s3  }
0x649: {  	s15 =	sadd.s32 $0x400, s17;
	v16 =	vadd.f32 v38, v10;
	v10 =	vld [tilespmem:s10+$0x6200];
	s10 =	sor.u32 $0x460, s22  }
0x64a: {  	s17 =	sor.u32 $0x440, s22;
	s22 =	sor.u32 $0x470, s22;
	[dreg:$0x18] =	wrdreg s10  }
0x64b: {  	v39 =	vand.u32 $0xFFFF0000, v49;
	v15 =	vand.u32 $0xFFFF0000, v15;
	[dreg:$0x5] =	wrdreg s22  }
0x64c: {  	v15 =	vadd.f32 v15, v39;
	s22 =	sor.u32 $0x450, s5;
	[tilespmem:s16+$0x70] =	vst v16  }
0x64d: {  	v41 =	vshll.u32 v37, $0x10;
	v11 =	vshll.u32 v34, $0x10;
	v44 =	vld [tilespmem:s24+$0x860];
	[smem:$0x785] =	sst s22;
	s22 =	sor.u32 $0x460, s5  }
0x64e: {  	v11 =	vadd.f32 v41, v11;
	s3 =	sor.u32 $0x440, s5;
	v13 =	vadd.f32 v13, v15;
	s5 =	sor.u32 $0x470, s5;
	[dreg:$0x19] =	wrdreg s22  }
0x64f: {  	[dreg:$0x7] =	wrdreg s5  }
0x650: {  	v11 =	vadd.f32 v11, v12;
	s22 =	sor.u32 $0xC10, s15;
	v12 =	vld [tilespmem:s21+$0x40];
	[tilespmem:s1+$0x870] =	vst v13  }
0x651: {  	s10 =	simm.s32 $0x2;
	v13 =	vld [tilespmem:s21+$0xC0];
	[smem:$0x786] =	sst s22;
	s22 =	sor.u32 $0xC20, s15  }
0x652: {  	v43 =	vand.u32 $0xFFFF0000, v33;
	v15 =	vand.u32 $0xFFFF0000, v30;
	s10 =	sand.u32 $0x3, s10;
	[smem:$0x787] =	sst s22  }
0x653: {  	v15 =	vadd.f32 v43, v15;
	s5 =	sshll.u32 s10, $0x8;
	s10 =	sor.u32 $0xC30, s15;
	[tilespmem:s26+$0x800] =	vst v11  }
0x654: {  	s22 =	sor.u32 $0xC40, s15;
	v47 =	vld [tilespmem:s17+$0x6200];
	[smem:$0x788] =	sst s10  }
0x655: {  	v11 =	vadd.f32 v42, v15;
	[dreg:$0x15] =	wrdreg s22;
	s10 =	sor.u32 $0xC60, s15  }
0x656: {  	s1 =	sor.u32 $0xC00, s15;
	s17 =	smov.u32 s7;
	[dreg:$0x4] =	wrdreg s10  }
0x657: {  	s7 =	sor.u32 $0xC70, s15;
	s22 =	sor.u32 $0xC50, s15;
	s15 =	sor.u32 $0x420, s12;
	v48 =	vld [tilespmem:s20+$0x810];
	[tilespmem:s11+$0x410] =	vst v11  }
0x658: {  	v49 =	vld [tilespmem:s30+$0x400];
	[smem:$0x789] =	sst s15;
	s15 =	sor.u32 $0x430, s12  }
0x659: {  	v45 =	vshll.u32 v14, $0x10;
	v46 =	vshll.u32 v40, $0x10;
	[smem:$0x78A] =	sst s15;
	s15 =	sor.u32 $0x440, s12  }
0x65a: {  	v15 =	vadd.f32 v46, v45;
	v50 =	vld [tilespmem:s14+$0x50];
	[smem:$0x78B] =	sst s15;
	s15 =	sor.u32 $0x450, s12  }
0x65b: {  	[smem:$0x78C] =	sst s15;
	s15 =	sor.u32 $0x460, s12  }
0x65c: {  	s10 =	sor.u32 $0x410, s12;
	v11 =	vadd.f32 v15, v44;
	s12 =	sor.u32 $0x470, s12;
	[smem:$0x78D] =	sst s15  }
0x65d: {  	v4 =	vand.u32 $0xFFFF0000, v4;
	v3 =	vand.u32 $0xFFFF0000, v3;
	[dreg:$0xe] =	wrdreg s12  }
0x65e: {  	v3 =	vadd.f32 v4, v3;
	v4 =	vand.u32 $0xFFFF0000, v34;
	v15 =	vand.u32 $0xFFFF0000, v37;
	s15 =	sor.u32 $0x420, s13;
	[tilespmem:s2+$0x860] =	vst v11  }
0x65f: {  	v51 =	vshll.u32 v13, $0x10;
	v4 =	vadd.f32 v15, v4;
	v15 =	vshll.u32 v12, $0x10;
	v52 =	vld [tilespmem:s14+$0xD0];
	[smem:$0x78E] =	sst s15;
	s15 =	sor.u32 $0x430, s13  }
0x660: {  	v11 =	vadd.f32 v51, v15;
	v15 =	vld [tilespmem:s24+$0x870];
	[smem:$0x78F] =	sst s15;
	s15 =	sor.u32 $0x440, s13  }
0x661: {  	[smem:$0x790] =	sst s15;
	s15 =	sor.u32 $0x450, s13  }
0x662: {  	[smem:$0x791] =	sst s15;
	s15 =	sor.u32 $0x460, s13  }
0x663: {  	s12 =	sor.u32 $0x410, s13;
	s13 =	sor.u32 $0x470, s13;
	[smem:$0x792] =	sst s15  }
0x664: {  	s5 =	sadd.s32 $0x800, s5;
	[dreg:$0x13] =	wrdreg s13  }
0x665: {  	v53 =	vadd.f32 v5, v3;
	s15 =	sor.u32 $0xC00, s5;
	v3 =	vld [tilespmem:s28+$0xC40]  }
0x666: {  	v5 =	vadd.f32 v11, v49;
	v11 =	vld [tilespmem:s29+$0x420];
	[smem:$0x793] =	sst s15;
	s15 =	sor.u32 $0xC10, s5  }
0x667: {  	v4 =	vadd.f32 v48, v4;
	[smem:$0x794] =	sst s15;
	s15 =	sor.u32 $0xC20, s5  }
0x668: {  	[smem:$0x795] =	sst s15  }
0x669: {  	s15 =	sor.u32 $0xC30, s5;
	[tilespmem:s26+$0x810] =	vst v4  }
0x66a: {  	s13 =	sor.u32 $0xC40, s5;
	v55 =	vld [tilespmem:s3+$0x6200];
	[smem:$0x796] =	sst s15  }
0x66b: {  	v14 =	vand.u32 $0xFFFF0000, v14;
	v54 =	vand.u32 $0xFFFF0000, v40;
	[dreg:$0x1e] =	wrdreg s13;
	s15 =	sor.u32 $0xC50, s5  }
0x66c: {  	v56 =	vshll.u32 v9, $0x10;
	v14 =	vadd.f32 v54, v14;
	v4 =	vshll.u32 v10, $0x10;
	[dreg:$0x16] =	wrdreg s15  }
0x66d: {  	p1 =	por !p1, !p1;
	v4 =	vadd.f32 v4, v56;
	v57 =	vld [tilespmem:s10+$0x6200];
	s10 =	simm.s32 $0x1  }
0x66e: {  	v14 =	vadd.f32 v15, v14;
	s10 =	simm.s32 @!p1 $0x0  }
0x66f: {  	v58 =	vshll.u32 v52, $0x10;
	[tilespmem:s16+$0x400] =	vst v5;
	v5 =	vshll.u32 v50, $0x10;
	v15 =	vld [tilespmem:s12+$0x6200];
	v3 =	vadd.f32 v4, v3;
	s10 =	sshll.u32 s10, $0x9  }
0x670: {  	s13 =	sor.u32 $0xC70, s5;
	s15 =	sor.u32 $0xC60, s5;
	[tilespmem:s2+$0x870] =	vst v14;
	v4 =	vand.u32 $0xFFFF0000, v12;
	v12 =	vand.u32 $0xFFFF0000, v13;
	v13 =	vld [tilespmem:s9+$0xC00];
	v5 =	vadd.f32 v58, v5;
	s10 =	sadd.s32 $0xC00, s10  }
0x671: {  	s5 =	sor.u32 $0xC70, s23;
	s12 =	sor.u32 $0x440, s6;
	v59 =	vld [tilespmem:s30+$0x410];
	[tilespmem:s8+$0xE200] =	vst v3;
	s23 =	sor.u32 $0x400, s10  }
0x672: {  	v3 =	vld [tilespmem:s12+$0x6200];
	v5 =	vadd.f32 v5, v11;
	s12 =	sor.u32 $0x410, s10;
	[smem:$0x797] =	sst s23  }
0x673: {  	[smem:$0x798] =	sst s12  }
0x674: {  	s23 =	sor.u32 $0x420, s10;
	[tilespmem:s11+$0x420] =	vst v5  }
0x675: {  	v4 =	vadd.f32 v12, v4;
	s12 =	sor.u32 $0x430, s10;
	v12 =	vld [tilespmem:s28+$0xC50];
	[smem:$0x799] =	sst s23  }
0x676: {  	[smem:$0x79A] =	sst s12;
	s23 =	sor.u32 $0x440, s10  }
0x677: {  	s3 =	simm.s32 $0x3;
	s12 =	sor.u32 $0x450, s10;
	[smem:$0x79B] =	sst s23  }
0x678: {  	s3 =	sand.u32 $0x3, s3;
	[smem:$0x79C] =	sst s12;
	s23 =	sor.u32 $0x460, s10  }
0x679: {  	s3 =	sshll.u32 s3, $0x8;
	s12 =	sor.u32 $0x470, s10;
	[smem:$0x79D] =	sst s23  }
0x67a: {  	s2 =	sadd.s32 $0xC00, s3;
	s3 =	sadd.s32 $0x80, s10;
	[smem:$0x79E] =	sst s12  }
0x67b: {  	s8 =	sor.u32 $0xC70, s18;
	s18 =	sor.u32 $0x400, s3;
	v5 =	vand.u32 $0xFFFF0000, v10;
	v4 =	vadd.f32 v59, v4;
	v10 =	vld [tilespmem:s29+$0x430]  }
0x67c: {  	v6 =	vand.u32 $0xFFFF0000, v6;
	v7 =	vand.u32 $0xFFFF0000, v7;
	v14 =	vld [tilespmem:s20+$0x820];
	[smem:$0x79F] =	sst s18  }
0x67d: {  	v6 =	vadd.f32 v7, v6;
	v7 =	vand.u32 $0xFFFF0000, v9;
	s23 =	sor.u32 $0x440, s17;
	s12 =	sor.u32 $0x410, s3;
	[tilespmem:s16+$0x410] =	vst v4  }
0x67e: {  	v7 =	vadd.f32 v5, v7;
	s18 =	sor.u32 $0x420, s3;
	v5 =	vld [tilespmem:s23+$0x6200];
	[smem:$0x7A0] =	sst s12  }
0x67f: {  	s23 =	sor.u32 $0x430, s3;
	[smem:$0x7A1] =	sst s18  }
0x680: {  	[smem:$0x7A2] =	sst s23  }
0x681: {  	s12 =	sor.u32 $0x440, s3;
	[tilespmem:s5+$0xE200] =	vst v53  }
0x682: {  	s18 =	sor.u32 $0x450, s3;
	v61 =	vld [tilespmem:s21+$0x50];
	[smem:$0x7A3] =	sst s12  }
0x683: {  	v6 =	vadd.f32 v8, v6;
	s23 =	sor.u32 $0x460, s3;
	[smem:$0x7A4] =	sst s18  }
0x684: {  	v9 =	vshll.u32 v47, $0x10;
	v11 =	vshll.u32 v55, $0x10;
	[smem:$0x7A5] =	sst s23  }
0x685: {  	v9 =	vadd.f32 v11, v9;
	s3 =	sor.u32 $0x470, s3;
	[tilespmem:s8+$0xE200] =	vst v6  }
0x686: {  	v11 =	vand.u32 $0xFFFF0000, v52;
	v4 =	vand.u32 $0xFFFF0000, v50;
	s5 =	sor.u32 $0xC00, s2;
	[smem:$0x7A6] =	sst s3  }
0x687: {  	v9 =	vadd.f32 v9, v13;
	v62 =	vadd.f32 v11, v4;
	s8 =	sor.u32 $0xC10, s2;
	v11 =	vld [tilespmem:s21+$0xD0];
	[smem:$0x7A7] =	sst s5  }
0x688: {  	[smem:$0x7A8] =	sst s8  }
0x689: {  	s10 =	sor.u32 $0xC20, s2;
	[tilespmem:s1+$0xE200] =	vst v9  }
0x68a: {  	v60 =	vshll.u32 v15, $0x10;
	v13 =	vshll.u32 v57, $0x10;
	v12 =	vadd.f32 v12, v7;
	s12 =	sor.u32 $0xC30, s2;
	v7 =	vld [tilespmem:s24+$0xC00];
	[smem:$0x7A9] =	sst s10  }
0x68b: {  	v8 =	vand.u32 $0xFFFF0000, v47;
	v4 =	vand.u32 $0xFFFF0000, v55;
	v6 =	vadd.f32 v60, v13;
	[smem:$0x7AA] =	sst s12  }
0x68c: {  	v4 =	vadd.f32 v4, v8;
	s18 =	simm.s32 $0x4;
	v8 =	vadd.f32 v10, v62;
	[tilespmem:s0+$0xE200] =	vst v12  }
0x68d: {  	s19 =	simm.s32 $0x800;
	s23 =	sor.u32 $0xC40, s2;
	v10 =	vand.u32 $0xFFFF0000, v15;
	v15 =	vadd.f32 v6, v14;
	v12 =	vld [tilespmem:s30+$0x420];
	[dreg:$0x14] =	wrdreg s18  }
0x68e: {  	s3 =	simm.s32 $0xC00;
	s8 =	sor.u32 $0xC70, s2;
	s1 =	simm.s32 $0x4;
	[tilespmem:s11+$0x430] =	vst v8  }
0x68f: {  	s5 =	simm.s32 $0x4;
	v9 =	vand.u32 $0xFFFF0000, v57;
	s12 =	sor.u32 $0xC50, s2;
	s0 =	sand.u32 $0x7, s1;
	v6 =	vld [tilespmem:s9+$0xC10];
	[tilespmem:s26+$0x820] =	vst v15  }
0x690: {  	v63 =	vshll.u32 v5, $0x10;
	s10 =	sor.u32 $0xC60, s2;
	v9 =	vadd.f32 v10, v9;
	s2 =	sshll.u32 s0, $0x7;
	v8 =	vshll.u32 v3, $0x10;
	v10 =	vld [tilespmem:s14+$0x60];
	[smem:$0x7AB] =	sst s3  }
0x691: {  	v14 =	vshll.u32 v61, $0x10;
	v13 =	vand.u32 $0xFFFF0000, v61;
	s18 =	simm.s32 $0x6;
	s0 =	simm.s32 $0x4;
	v8 =	vadd.f32 v63, v8;
	[smem:$0x7AC] =	sst s5  }
.LBB2_5:
0x692: {  	[smem:$0x766] =	sst s28  }
0x693: {  	[smem:$0x76B] =	sst s10  }
0x694: {  	[smem:$0x76A] =	sst s15  }
0x695: {  	[smem:$0x772] =	sst s7  }
0x696: {  	[smem:$0x773] =	sst s13  }
0x697: {  	[smem:$0x771] =	sst s25  }
0x698: {  	[smem:$0x774] =	sst s8  }
0x699: {  	[smem:$0x776] =	sst s23  }
0x69a: {  	[smem:$0x77E] =	sst s12  }
0x69b: {  	[smem:$0x77D] =	sst s22;
	s1 =	sand.u32 $0x3, s0;
	p1 =	por !p1, !p1  }
0x69c: {  	s5 =	sadd.s32 s19, s2;
	s4 =	sadd.s32 $0x400, s4;
	s3 =	sld [smem:$0x782]  }
0x69d: {  	s31 =	sadd.s32 $0x200, s31;
	s15 =	sld [smem:$0x783];
	s2 =	sshll.u32 s1, $0x8  }
0x69e: {  	s1 =	simm.s32 $0x1;
	s23 =	sadd.s32 $0x80, s5;
	s10 =	sand.u32 $0x3800, s4  }
0x69f: {  	[dreg:$0xd] =	wrdreg s31;
	s12 =	sadd.s32 $0xFFFFFF00, s31;
	s1 =	simm.s32 @!p1 $0x0  }
0x6a0: {  	v16 =	vld [tilespmem:s14+$0xE0];
	s13 =	sand.u32 $0x300, s31;
	s7 =	sand.u32 $0x1000, s4;
	v15 =	vshll.u32 v11, $0x10;
	v8 =	vadd.f32 v8, v7;
	s1 =	sshll.u32 s1, $0x9  }
0x6a1: {  	s5 =	sor.u32 $0xC00, s23;
	v11 =	vand.u32 $0xFFFF0000, v11;
	v14 =	vadd.f32 v15, v14;
	v15 =	vld [tilespmem:s20+$0x830];
	s22 =	sadd.s32 s4, s1;
	s1 =	sadd.s32 $0x6200, s10  }
0x6a2: {  	v7 =	vadd.f32 v11, v13;
	v13 =	vld [tilespmem:s29+$0x440];
	s10 =	rddreg [dreg:$0x11];
	[tilespmem:s5+$0xE200] =	vst v8;
	s5 =	sand.u32 $0x200, s12;
	s19 =	sor.u32 $0x400, s22  }
0x6a3: {  	v11 =	vld [tilespmem:s3+$0x6200];
	s28 =	sadd.s32 $0x80, s22;
	s25 =	sadd.s32 s13, s1;
	v12 =	vadd.f32 v14, v12;
	[smem:$0x76D] =	sst s19  }
0x6a4: {  	v4 =	vadd.f32 v6, v4;
	v6 =	vld [tilespmem:s24+$0xC10];
	s12 =	sadd.s32 s5, s1;
	s3 =	sor.u32 $0x400, s28;
	s5 =	sld [smem:$0x786]  }
0x6a5: {  	s31 =	smov.u32 s20;
	v8 =	vshll.u32 v10, $0x10;
	v17 =	vld [tilespmem:s25+$0x0];
	s8 =	sor.u32 $0x410, s28;
	[smem:$0x76E] =	sst s3;
	[tilespmem:s16+$0x420] =	vst v12;
	v12 =	vshll.u32 v16, $0x10  }
0x6a6: {  	v3 =	vand.u32 $0xFFFF0000, v3;
	v5 =	vand.u32 $0xFFFF0000, v5;
	s1 =	sor.u32 $0x200, s7;
	s7 =	sor.u32 $0x430, s28;
	[smem:$0x77B] =	sst s8;
	v14 =	vld [tilespmem:s15+$0x6200];
	v8 =	vadd.f32 v12, v8  }
0x6a7: {  	v3 =	vadd.f32 v5, v3;
	s19 =	sor.u32 $0xC10, s23;
	s3 =	sadd.s32 $0x100, s10;
	[smem:$0x768] =	sst s7;
	[tilespmem:s5+$0xE200] =	vst v4;
	v12 =	vld [tilespmem:s25+$0x80];
	v4 =	vadd.f32 v15, v9  }
0x6a8: {  	[dreg:$0x11] =	wrdreg s3;
	s20 =	sand.u32 $0x380, s3;
	s15 =	sor.u32 $0x410, s22;
	v9 =	vld [tilespmem:s12+$0x0];
	v8 =	vadd.f32 v8, v13  }
0x6a9: {  	s7 =	sor.u32 $0x440, s28;
	[smem:$0x77A] =	sst s15;
	s15 =	sadd.s32 s20, s1;
	v13 =	vld [tilespmem:s12+$0x80];
	[tilespmem:s26+$0x830] =	vst v4;
	v3 =	vadd.f32 v6, v3  }
0x6aa: {  	s13 =	sadd.s32 $0xFFFFFF80, s3;
	[smem:$0x779] =	sst s7;
	s7 =	smov.u32 s26;
	v5 =	vshll.u32 v11, $0x10;
	v6 =	vld [tilespmem:s15+$0x0];
	[tilespmem:s11+$0x440] =	vst v8  }
0x6ab: {  	s3 =	sor.u32 $0x450, s28;
	v11 =	vand.u32 $0xFFFF0000, v11;
	s8 =	sand.u32 $0x300, s13;
	s13 =	sor.u32 $0x450, s6;
	v4 =	vshll.u32 v14, $0x10;
	v8 =	vand.u32 $0xFFFF0000, v14;
	v14 =	vld [tilespmem:s29+$0x450];
	[tilespmem:s19+$0xE200] =	vst v3  }
0x6ac: {  	[smem:$0x765] =	sst s3;
	s1 =	sadd.s32 s8, s1;
	v3 =	vadd.f32 v8, v11;
	v11 =	vld [tilespmem:s13+$0x6200];
	s13 =	sor.u32 $0x450, s17  }
0x6ad: {  	s26 =	smov.u32 s9;
	s19 =	sor.u32 $0x430, s22;
	v15 =	vld [tilespmem:s13+$0x6200];
	s13 =	sand.u32 $0x3000, s4  }
0x6ae: {  	s9 =	sadd.s32 s2, s4;
	[smem:$0x767] =	sst s19;
	s2 =	sadd.s32 $0xE200, s13  }
0x6af: {  	s8 =	sadd.s32 s8, s2;
	s2 =	sadd.s32 s20, s2;
	s20 =	sor.u32 $0x460, s22  }
0x6b0: {  	[smem:$0x76F] =	sst s20;
	s20 =	sor.u32 $0x460, s28  }
0x6b1: {  	v4 =	vadd.f32 v4, v5;
	v5 =	vshll.u32 v17, $0x10;
	v8 =	vshll.u32 v12, $0x10;
	[smem:$0x770] =	sst s20;
	s20 =	sor.u32 $0xC40, s9  }
0x6b2: {  	v5 =	vadd.f32 v8, v5;
	v8 =	vand.u32 $0xFFFF0000, v10;
	v10 =	vand.u32 $0xFFFF0000, v16;
	[smem:$0x777] =	sst s20  }
0x6b3: {  	s19 =	sor.u32 $0x440, s22;
	v8 =	vadd.f32 v10, v8;
	s20 =	sld [smem:$0x789]  }
0x6b4: {  	s5 =	sor.u32 $0x420, s22;
	[smem:$0x778] =	sst s19;
	s19 =	sor.u32 $0xC00, s9;
	v5 =	vadd.f32 v5, v6;
	v6 =	vld [tilespmem:s30+$0x430]  }
0x6b5: {  	s3 =	smov.u32 s6;
	[smem:$0x77C] =	sst s19;
	s19 =	sor.u32 $0xC20, s9;
	v8 =	vadd.f32 v14, v8;
	v14 =	vld [tilespmem:s24+$0xC20]  }
0x6b6: {  	s6 =	sor.u32 $0xC10, s9;
	v57 =	vshll.u32 v9, $0x10;
	[smem:$0x769] =	sst s19;
	[tilespmem:s2+$0x0] =	vst v5;
	v5 =	vld [tilespmem:s20+$0x6200];
	s20 =	sor.u32 $0xC50, s9  }
0x6b7: {  	v19 =	vld [tilespmem:s1+$0x0];
	v9 =	vand.u32 $0xFFFF0000, v9;
	v18 =	vshll.u32 v13, $0x10;
	v13 =	vand.u32 $0xFFFF0000, v13;
	s13 =	sor.u32 $0x450, s22;
	s19 =	sor.u32 $0xC30, s9;
	[smem:$0x77F] =	sst s20  }
0x6b8: {  	v9 =	vadd.f32 v13, v9;
	v13 =	vld [tilespmem:s15+$0x10];
	[tilespmem:s11+$0x450] =	vst v8;
	s20 =	sor.u32 $0x470, s22;
	s22 =	sor.u32 $0xC60, s9;
	s9 =	sor.u32 $0xC70, s9  }
0x6b9: {  	v59 =	vld [tilespmem:s14+$0x70];
	[smem:$0x775] =	sst s9  }
0x6ba: {  	v6 =	vadd.f32 v6, v7;
	v7 =	vld [tilespmem:s14+$0xF0];
	s14 =	smov.u32 s4;
	s9 =	sld [smem:$0x7AB]  }
0x6bb: {  	[smem:$0x7AB] =	sst s14  }
0x6bc: {  	s14 =	smov.u32 s25;
	s25 =	sld [smem:$0x799]  }
0x6bd: {  	v10 =	vadd.f32 v18, v57  }
0x6be: {  	[smem:$0x76C] =	sst s19  }
0x6bf: {  	v10 =	vadd.f32 v10, v19;
	s19 =	smov.u32 s9;
	s9 =	smov.u32 s25;
	s25 =	sld [smem:$0x78E]  }
0x6c0: {  	_ = 	snop  }
0x6c1: {  	v60 =	vand.u32 $0xFFFF0000, v17;
	v12 =	vand.u32 $0xFFFF0000, v12;
	[tilespmem:s8+$0x0] =	vst v10  }
0x6c2: {  	v10 =	vadd.f32 v12, v60;
	v12 =	vld [tilespmem:s25+$0x6200];
	s25 =	sld [smem:$0x7A1];
	_ =	sdelay $0x1  }
0x6c3: {  	s10 =	sor.u32 $0x420, s28;
	[smem:$0x789] =	sst s9  }
0x6c4: {  	v8 =	vshll.u32 v11, $0x10;
	v58 =	vshll.u32 v15, $0x10;
	s9 =	smov.u32 s25;
	s25 =	smov.u32 s10;
	s10 =	sld [smem:$0x794]  }
0x6c5: {  	v8 =	vadd.f32 v58, v8;
	[smem:$0x78E] =	sst s9  }
0x6c6: {  	[smem:$0x7A1] =	sst s25  }
0x6c7: {  	v8 =	vadd.f32 v8, v14;
	s25 =	smov.u32 s5;
	s5 =	rddreg [dreg:$0xe]  }
0x6c8: {  	s9 =	sor.u32 $0xC20, s23;
	[smem:$0x799] =	sst s25  }
0x6c9: {  	v10 =	vadd.f32 v13, v10;
	v13 =	vld [tilespmem:s29+$0x460];
	[tilespmem:s9+$0xE200] =	vst v8;
	s9 =	smov.u32 s6;
	s6 =	smov.u32 s20;
	s20 =	rddreg [dreg:$0x13]  }
0x6ca: {  	s25 =	smov.u32 s10;
	s10 =	sld [smem:$0x7A8]  }
0x6cb: {  	[smem:$0x7A8] =	sst s9  }
0x6cc: {  	[smem:$0x786] =	sst s25  }
0x6cd: {  	v14 =	vld [tilespmem:s1+$0x10];
	s9 =	smov.u32 s5;
	s25 =	smov.u32 s10;
	s10 =	rddreg [dreg:$0x5]  }
0x6ce: {  	[dreg:$0x5] =	wrdreg s9  }
0x6cf: {  	v11 =	vand.u32 $0xFFFF0000, v11;
	v15 =	vand.u32 $0xFFFF0000, v15;
	[tilespmem:s16+$0x430] =	vst v6;
	[smem:$0x794] =	sst s25  }
0x6d0: {  	v11 =	vadd.f32 v15, v11;
	v15 =	vld [tilespmem:s21+$0xE0];
	s25 =	smov.u32 s10;
	s10 =	sld [smem:$0x79E]  }
0x6d1: {  	v61 =	vshll.u32 v59, $0x10;
	v62 =	vshll.u32 v7, $0x10;
	v8 =	vld [tilespmem:s24+$0xC30];
	[tilespmem:s2+$0x10] =	vst v10;
	s9 =	rddreg [dreg:$0x7]  }
0x6d2: {  	v16 =	vadd.f32 v62, v61;
	v9 =	vadd.f32 v14, v9;
	v63 =	vld [tilespmem:s14+$0x10];
	[smem:$0x782] =	sst s25  }
0x6d3: {  	v14 =	vld [tilespmem:s14+$0x90];
	s25 =	smov.u32 s10;
	s10 =	smov.u32 s9;
	s9 =	sld [smem:$0x7A6]  }
0x6d4: {  	v13 =	vadd.f32 v16, v13;
	v10 =	vld [tilespmem:s21+$0x60];
	[tilespmem:s8+$0x10] =	vst v9;
	[dreg:$0xe] =	wrdreg s25  }
0x6d5: {  	v9 =	vld [tilespmem:s30+$0x440];
	[smem:$0x783] =	sst s10;
	s25 =	smov.u32 s20  }
0x6d6: {  	v25 =	vand.u32 $0xFFFF0000, v59;
	v7 =	vand.u32 $0xFFFF0000, v7;
	v8 =	vadd.f32 v8, v11;
	v11 =	vld [tilespmem:s15+$0x20];
	[tilespmem:s11+$0x460] =	vst v13;
	[dreg:$0x7] =	wrdreg s25;
	s10 =	smov.u32 s9  }
0x6d7: {  	v7 =	vadd.f32 v7, v25;
	v6 =	vshll.u32 v5, $0x10;
	v13 =	vld [tilespmem:s29+$0x470];
	s25 =	sor.u32 $0xC30, s23;
	[dreg:$0x13] =	wrdreg s10  }
0x6d8: {  	v5 =	vand.u32 $0xFFFF0000, v5;
	v20 =	vld [tilespmem:s12+$0x10];
	v23 =	vshll.u32 v14, $0x10;
	[tilespmem:s25+$0xE200] =	vst v8;
	v8 =	vshll.u32 v63, $0x10;
	s10 =	rddreg [dreg:$0x14]  }
0x6d9: {  	v22 =	vshll.u32 v12, $0x10;
	v12 =	vand.u32 $0xFFFF0000, v12;
	v27 =	vld [tilespmem:s12+$0x90];
	[smem:$0x79E] =	sst s6;
	s6 =	sor.u32 $0x460, s3;
	v8 =	vadd.f32 v23, v8;
	s5 =	sadd.s32 $0x2, s10  }
0x6da: {  	v5 =	vadd.f32 v12, v5;
	v21 =	vshll.u32 v15, $0x10;
	v12 =	vshll.u32 v10, $0x10;
	s9 =	sor.u32 $0x460, s17;
	v24 =	vld [tilespmem:s6+$0x6200];
	[dreg:$0x14] =	wrdreg s5;
	s5 =	sand.u32 $0x3, s5  }
0x6db: {  	v26 =	vld [tilespmem:s9+$0x6200];
	v8 =	vadd.f32 v8, v11;
	v11 =	vadd.f32 v21, v12;
	s5 =	sshll.u32 s5, $0x8  }
0x6dc: {  	s28 =	sor.u32 $0x470, s28;
	v7 =	vadd.f32 v13, v7;
	v13 =	vld [tilespmem:s1+$0x20];
	s5 =	sadd.s32 s19, s5  }
0x6dd: {  	s20 =	smov.u32 s28;
	v12 =	vld [tilespmem:s24+$0xC40];
	[tilespmem:s2+$0x20] =	vst v8;
	v8 =	vadd.f32 v11, v9;
	s10 =	sadd.s32 $0x100, s5  }
0x6de: {  	[smem:$0x7A6] =	sst s20;
	v9 =	vld [tilespmem:s15+$0x30];
	[tilespmem:s11+$0x470] =	vst v7;
	s20 =	sor.u32 $0x400, s10  }
0x6df: {  	v15 =	vand.u32 $0xFFFF0000, v15;
	[tilespmem:s16+$0x440] =	vst v8;
	v8 =	vld [tilespmem:s20+$0x6200];
	s20 =	sld [smem:$0x78C]  }
0x6e0: {  	v10 =	vand.u32 $0xFFFF0000, v10;
	s5 =	sadd.s32 $0x180, s5;
	v7 =	vshll.u32 v24, $0x10;
	v11 =	vshll.u32 v26, $0x10  }
0x6e1: {  	v10 =	vadd.f32 v15, v10;
	s25 =	sor.u32 $0x400, s5;
	v7 =	vadd.f32 v11, v7  }
0x6e2: {  	v15 =	vshll.u32 v20, $0x10;
	v19 =	vand.u32 $0xFFFF0000, v63;
	v14 =	vand.u32 $0xFFFF0000, v14;
	v28 =	vld [tilespmem:s25+$0x6200];
	s25 =	smov.u32 s20;
	s20 =	sld [smem:$0x79C]  }
0x6e3: {  	v14 =	vadd.f32 v14, v19;
	v11 =	vshll.u32 v27, $0x10;
	v29 =	vld [tilespmem:s30+$0x450];
	v7 =	vadd.f32 v7, v12  }
0x6e4: {  	s6 =	sor.u32 $0xC40, s23;
	s9 =	sld [smem:$0x784];
	v11 =	vadd.f32 v11, v15;
	v15 =	vld [tilespmem:s31+$0x840]  }
0x6e5: {  	v9 =	vadd.f32 v9, v14;
	v14 =	vld [tilespmem:s29+$0x800];
	[tilespmem:s6+$0xE200] =	vst v7;
	[smem:$0x784] =	sst s25;
	s25 =	smov.u32 s20  }
0x6e6: {  	v7 =	vadd.f32 v11, v13;
	v11 =	vld [tilespmem:s24+$0xC50];
	s20 =	smov.u32 s13;
	[smem:$0x78C] =	sst s25  }
0x6e7: {  	v30 =	vld [tilespmem:s9+$0x6200];
	[tilespmem:s2+$0x30] =	vst v9;
	v9 =	vshll.u32 v8, $0x10;
	v13 =	vshll.u32 v28, $0x10;
	[smem:$0x79C] =	sst s20  }
0x6e8: {  	v31 =	vand.u32 $0xFFFF0000, v26;
	[tilespmem:s8+$0x20] =	vst v7;
	v7 =	vld [tilespmem:s14+$0x20];
	v9 =	vadd.f32 v13, v9;
	v13 =	vand.u32 $0xFFFF0000, v24;
	s25 =	sld [smem:$0x785]  }
0x6e9: {  	v10 =	vadd.f32 v29, v10;
	v32 =	vld [tilespmem:s14+$0xA0];
	v13 =	vadd.f32 v31, v13;
	s20 =	sld [smem:$0x7A4]  }
0x6ea: {  	v33 =	vld [tilespmem:s1+$0x30];
	v9 =	vadd.f32 v9, v14  }
0x6eb: {  	v6 =	vadd.f32 v22, v6;
	[tilespmem:s16+$0x450] =	vst v10;
	v10 =	vadd.f32 v11, v13;
	v13 =	vld [tilespmem:s15+$0x40]  }
0x6ec: {  	s6 =	sld [smem:$0x791];
	v11 =	vld [tilespmem:s25+$0x6200];
	s25 =	smov.u32 s20;
	[tilespmem:s11+$0x800] =	vst v9;
	s20 =	sor.u32 $0xC50, s23  }
0x6ed: {  	v20 =	vand.u32 $0xFFFF0000, v20;
	v16 =	vand.u32 $0xFFFF0000, v27;
	v6 =	vadd.f32 v6, v15;
	[smem:$0x791] =	sst s25;
	v15 =	vld [tilespmem:s29+$0x810];
	[tilespmem:s20+$0xE200] =	vst v10;
	s25 =	sor.u32 $0x470, s3  }
0x6ee: {  	v12 =	vadd.f32 v16, v20;
	v10 =	vshll.u32 v7, $0x10;
	v34 =	vshll.u32 v32, $0x10;
	s3 =	sor.u32 $0x470, s17;
	v35 =	vld [tilespmem:s25+$0x6200]  }
0x6ef: {  	v8 =	vand.u32 $0xFFFF0000, v8;
	[tilespmem:s7+$0x840] =	vst v6;
	v6 =	vadd.f32 v34, v10;
	v10 =	vand.u32 $0xFFFF0000, v28;
	v36 =	vld [tilespmem:s3+$0x6200]  }
0x6f0: {  	s13 =	smov.u32 s6;
	s6 =	sld [smem:$0x765];
	v12 =	vadd.f32 v33, v12;
	v37 =	vld [tilespmem:s21+$0x70];
	v8 =	vadd.f32 v10, v8  }
0x6f1: {  	v9 =	vshll.u32 v30, $0x10;
	v38 =	vld [tilespmem:s21+$0xF0];
	v13 =	vadd.f32 v6, v13;
	v10 =	vshll.u32 v11, $0x10  }
0x6f2: {  	s21 =	smov.u32 s12;
	[tilespmem:s8+$0x30] =	vst v12;
	v9 =	vadd.f32 v10, v9;
	v8 =	vadd.f32 v15, v8;
	v10 =	vld [tilespmem:s24+$0xC60]  }
0x6f3: {  	[smem:$0x785] =	sst s13;
	s13 =	smov.u32 s6;
	s6 =	smov.u32 s10;
	v22 =	vld [tilespmem:s21+$0xA0];
	[tilespmem:s2+$0x40] =	vst v13  }
0x6f4: {  	s10 =	sor.u32 $0x410, s6;
	s17 =	smov.u32 s5;
	v12 =	vld [tilespmem:s15+$0x50];
	v13 =	vshll.u32 v36, $0x10;
	[tilespmem:s11+$0x810] =	vst v8;
	v8 =	vshll.u32 v35, $0x10  }
0x6f5: {  	v7 =	vand.u32 $0xFFFF0000, v7;
	v18 =	vand.u32 $0xFFFF0000, v32;
	s12 =	sor.u32 $0x410, s17;
	v39 =	vld [tilespmem:s10+$0x6200];
	v8 =	vadd.f32 v13, v8  }
0x6f6: {  	s9 =	sld [smem:$0x766];
	v14 =	vand.u32 $0xFFFF0000, v30;
	v7 =	vadd.f32 v18, v7;
	v6 =	vand.u32 $0xFFFF0000, v11;
	v40 =	vld [tilespmem:s12+$0x6200]  }
0x6f7: {  	[smem:$0x7A4] =	sst s13;
	v11 =	vld [tilespmem:s21+$0x20];
	v6 =	vadd.f32 v6, v14;
	v14 =	vshll.u32 v37, $0x10;
	v8 =	vadd.f32 v8, v10  }
0x6f8: {  	s13 =	sor.u32 $0xC60, s23;
	s20 =	sld [smem:$0x78A];
	v23 =	vld [tilespmem:s1+$0x40];
	v15 =	vand.u32 $0xFFFF0000, v37;
	v20 =	vand.u32 $0xFFFF0000, v38;
	v13 =	vshll.u32 v38, $0x10  }
0x6f9: {  	s10 =	sld [smem:$0x767];
	v13 =	vadd.f32 v13, v14;
	v14 =	vadd.f32 v20, v15;
	v15 =	vld [tilespmem:s29+$0x820];
	[tilespmem:s13+$0xE200] =	vst v8  }
0x6fa: {  	s5 =	sld [smem:$0x788];
	v7 =	vadd.f32 v12, v7;
	v8 =	vld [tilespmem:s24+$0xC70];
	s24 =	smov.u32 s29  }
0x6fb: {  	s29 =	smov.u32 s15;
	v41 =	vshll.u32 v39, $0x10;
	v42 =	vshll.u32 v40, $0x10;
	s15 =	sor.u32 $0xC70, s23;
	s23 =	sld [smem:$0x79A]  }
0x6fc: {  	v44 =	vshll.u32 v22, $0x10;
	v10 =	vshll.u32 v11, $0x10;
	v12 =	vld [tilespmem:s30+$0x460];
	s12 =	smov.u32 s10;
	s10 =	sld [smem:$0x787];
	[tilespmem:s2+$0x50] =	vst v7;
	v7 =	vadd.f32 v42, v41  }
0x6fd: {  	v43 =	vld [tilespmem:s31+$0x850];
	v19 =	vand.u32 $0xFFFF0000, v35;
	v16 =	vand.u32 $0xFFFF0000, v36;
	v10 =	vadd.f32 v44, v10;
	s13 =	sld [smem:$0x78F]  }
0x6fe: {  	v16 =	vadd.f32 v16, v19;
	v24 =	vld [tilespmem:s14+$0x30];
	v7 =	vadd.f32 v7, v15;
	s25 =	smov.u32 s23;
	s23 =	sld [smem:$0x768]  }
0x6ff: {  	v10 =	vadd.f32 v10, v23;
	[smem:$0x79A] =	sst s12;
	v45 =	vld [tilespmem:s14+$0xB0]  }
0x700: {  	v15 =	vld [tilespmem:s26+$0xC20];
	[smem:$0x78A] =	sst s25;
	v8 =	vadd.f32 v8, v16;
	[tilespmem:s11+$0x820] =	vst v7  }
0x701: {  	v12 =	vadd.f32 v13, v12;
	v7 =	vld [tilespmem:s9+$0xC60];
	[tilespmem:s8+$0x40] =	vst v10;
	s25 =	smov.u32 s23;
	s23 =	sld [smem:$0x769]  }
0x702: {  	v5 =	vadd.f32 v43, v5;
	v13 =	vld [tilespmem:s29+$0x60];
	[tilespmem:s15+$0xE200] =	vst v8;
	s15 =	sld [smem:$0x7A2]  }
0x703: {  	s12 =	sld [smem:$0x795];
	v10 =	vld [tilespmem:s1+$0x50];
	[tilespmem:s16+$0x460] =	vst v12  }
0x704: {  	v48 =	vld [tilespmem:s30+$0x470];
	[tilespmem:s7+$0x850] =	vst v5;
	[smem:$0x7A2] =	sst s25  }
0x705: {  	v50 =	vld [tilespmem:s20+$0x6200];
	s25 =	smov.u32 s23;
	s20 =	smov.u32 s15;
	s15 =	sld [smem:$0x7A9]  }
0x706: {  	v46 =	vshll.u32 v24, $0x10;
	v47 =	vshll.u32 v45, $0x10;
	v8 =	vld [tilespmem:s24+$0x830];
	[smem:$0x7A9] =	sst s25  }
0x707: {  	v22 =	vand.u32 $0xFFFF0000, v22;
	v11 =	vand.u32 $0xFFFF0000, v11;
	v12 =	vadd.f32 v47, v46;
	s25 =	sld [smem:$0x76B]  }
0x708: {  	v11 =	vadd.f32 v22, v11;
	v17 =	vand.u32 $0xFFFF0000, v39;
	v49 =	vand.u32 $0xFFFF0000, v40;
	[smem:$0x78F] =	sst s20  }
0x709: {  	v5 =	vadd.f32 v49, v17;
	v12 =	vadd.f32 v12, v13;
	v13 =	vld [tilespmem:s13+$0x6200];
	s13 =	smov.u32 s12;
	s12 =	rddreg [dreg:$0x3]  }
0x70a: {  	v9 =	vadd.f32 v9, v15;
	[smem:$0x787] =	sst s13  }
0x70b: {  	s13 =	rddreg [dreg:$0x4];
	v5 =	vadd.f32 v8, v5;
	s20 =	smov.u32 s15;
	v8 =	vadd.f32 v10, v11  }
0x70c: {  	v4 =	vadd.f32 v4, v7;
	v7 =	vld [tilespmem:s31+$0x860];
	[tilespmem:s10+$0xE200] =	vst v9;
	v11 =	vadd.f32 v48, v14;
	[smem:$0x795] =	sst s20  }
0x70d: {  	v9 =	vld [tilespmem:s26+$0xC30];
	s15 =	smov.u32 s13;
	s20 =	sld [smem:$0x76A];
	[tilespmem:s8+$0x50] =	vst v8  }
0x70e: {  	[dreg:$0x3] =	wrdreg s15;
	[tilespmem:s16+$0x470] =	vst v11  }
0x70f: {  	v52 =	vld [tilespmem:s21+$0x30];
	[tilespmem:s12+$0xE200] =	vst v4;
	s12 =	sld [smem:$0x796]  }
0x710: {  	s23 =	smov.u32 s20;
	s20 =	sld [smem:$0x7AA]  }
0x711: {  	v8 =	vshll.u32 v50, $0x10;
	v51 =	vshll.u32 v13, $0x10;
	[dreg:$0x4] =	wrdreg s23  }
0x712: {  	v8 =	vadd.f32 v51, v8;
	v6 =	vadd.f32 v9, v6;
	s23 =	sld [smem:$0x76C]  }
0x713: {  	[tilespmem:s2+$0x60] =	vst v12;
	v4 =	vld [tilespmem:s21+$0xB0];
	s13 =	smov.u32 s12;
	s12 =	sld [smem:$0x797]  }
0x714: {  	v7 =	vadd.f32 v8, v7;
	v8 =	vld [tilespmem:s1+$0x60];
	[tilespmem:s5+$0xE200] =	vst v6;
	s5 =	rddreg [dreg:$0x18]  }
0x715: {  	s10 =	sor.u32 $0x420, s17;
	v10 =	vld [tilespmem:s29+$0x70];
	[tilespmem:s11+$0x830] =	vst v5;
	[smem:$0x788] =	sst s13  }
0x716: {  	v11 =	vld [tilespmem:s10+$0x6200];
	s10 =	smov.u32 s22;
	s22 =	smov.u32 s20;
	s13 =	sld [smem:$0x76D]  }
0x717: {  	[smem:$0x796] =	sst s22  }
0x718: {  	s3 =	sor.u32 $0x420, s6;
	s22 =	sld [smem:$0x79F]  }
0x719: {  	v15 =	vand.u32 $0xFFFF0000, v45;
	v14 =	vand.u32 $0xFFFF0000, v24;
	s15 =	smov.u32 s25;
	v5 =	vld [tilespmem:s3+$0x6200];
	s25 =	smov.u32 s23;
	s23 =	sld [smem:$0x76E]  }
0x71a: {  	v14 =	vadd.f32 v15, v14;
	[smem:$0x7AA] =	sst s25  }
0x71b: {  	v6 =	vld [tilespmem:s12+$0x6200];
	s12 =	sld [smem:$0x78D];
	s20 =	smov.u32 s13  }
0x71c: {  	v9 =	vadd.f32 v10, v14;
	v10 =	vld [tilespmem:s24+$0x840];
	[smem:$0x797] =	sst s20  }
0x71d: {  	v12 =	vand.u32 $0xFFFF0000, v50;
	v13 =	vand.u32 $0xFFFF0000, v13;
	s20 =	sld [smem:$0x79D]  }
0x71e: {  	v12 =	vadd.f32 v13, v12;
	[tilespmem:s2+$0x70] =	vst v9;
	v9 =	vshll.u32 v5, $0x10;
	v13 =	vshll.u32 v11, $0x10;
	s25 =	smov.u32 s23;
	s23 =	sld [smem:$0x76F]  }
0x71f: {  	v14 =	vshll.u32 v52, $0x10;
	v53 =	vld [tilespmem:s14+$0x40];
	v9 =	vadd.f32 v13, v9;
	[tilespmem:s7+$0x860] =	vst v7;
	v7 =	vshll.u32 v4, $0x10;
	[smem:$0x79F] =	sst s25  }
0x720: {  	v13 =	vld [tilespmem:s14+$0xC0];
	v7 =	vadd.f32 v7, v14;
	s13 =	smov.u32 s12;
	s12 =	sld [smem:$0x792]  }
0x721: {  	v14 =	vld [tilespmem:s22+$0x6200];
	v9 =	vadd.f32 v9, v10;
	[dreg:$0x18] =	wrdreg s13  }
0x722: {  	v10 =	vld [tilespmem:s30+$0x800];
	v7 =	vadd.f32 v7, v8;
	s22 =	smov.u32 s20;
	s20 =	sld [smem:$0x7A5]  }
0x723: {  	v8 =	vld [tilespmem:s29+$0x400];
	[tilespmem:s11+$0x840] =	vst v9;
	s25 =	smov.u32 s23;
	s23 =	sld [smem:$0x770]  }
0x724: {  	v9 =	vld [tilespmem:s24+$0x850];
	[tilespmem:s8+$0x60] =	vst v7;
	[smem:$0x78D] =	sst s22  }
0x725: {  	v5 =	vand.u32 $0xFFFF0000, v5;
	v11 =	vand.u32 $0xFFFF0000, v11;
	v55 =	vld [tilespmem:s31+$0x870];
	[smem:$0x79D] =	sst s25  }
0x726: {  	v5 =	vadd.f32 v11, v5;
	v7 =	vshll.u32 v53, $0x10;
	v54 =	vshll.u32 v13, $0x10;
	v11 =	vld [tilespmem:s5+$0x6200];
	s5 =	rddreg [dreg:$0x19]  }
0x727: {  	v15 =	vand.u32 $0xFFFF0000, v52;
	v4 =	vand.u32 $0xFFFF0000, v4;
	v56 =	vld [tilespmem:s1+$0x70];
	v7 =	vadd.f32 v54, v7;
	s13 =	smov.u32 s12;
	s12 =	sld [smem:$0x772]  }
0x728: {  	v4 =	vadd.f32 v4, v15;
	v15 =	vshll.u32 v6, $0x10;
	v57 =	vshll.u32 v14, $0x10;
	[dreg:$0x19] =	wrdreg s13  }
0x729: {  	s13 =	sld [smem:$0x773];
	v7 =	vadd.f32 v7, v8;
	v8 =	vadd.f32 v57, v15  }
0x72a: {  	v15 =	vld [tilespmem:s5+$0x6200];
	s22 =	smov.u32 s20;
	s25 =	smov.u32 s23;
	s23 =	sld [smem:$0x775];
	v5 =	vadd.f32 v9, v5  }
0x72b: {  	[smem:$0x792] =	sst s22;
	v9 =	vld [tilespmem:s26+$0xC40];
	[tilespmem:s2+$0x400] =	vst v7;
	v7 =	vadd.f32 v8, v10  }
0x72c: {  	s28 =	smov.u32 s26;
	[smem:$0x7A5] =	sst s25;
	v8 =	vadd.f32 v55, v12;
	v4 =	vadd.f32 v56, v4;
	v12 =	vld [tilespmem:s29+$0x410];
	[tilespmem:s11+$0x850] =	vst v5  }
0x72d: {  	s3 =	sor.u32 $0x430, s6;
	s5 =	sor.u32 $0x430, s17;
	s22 =	sld [smem:$0x774];
	v10 =	vld [tilespmem:s9+$0xC70];
	[tilespmem:s16+$0x800] =	vst v7  }
0x72e: {  	v6 =	vand.u32 $0xFFFF0000, v6;
	v14 =	vand.u32 $0xFFFF0000, v14;
	s26 =	smov.u32 s16;
	s16 =	smov.u32 s8;
	v5 =	vld [tilespmem:s3+$0x6200];
	[tilespmem:s8+$0x70] =	vst v4;
	s8 =	sld [smem:$0x771]  }
0x72f: {  	v13 =	vand.u32 $0xFFFF0000, v13;
	v6 =	vadd.f32 v14, v6;
	v4 =	vand.u32 $0xFFFF0000, v53;
	v14 =	vld [tilespmem:s5+$0x6200];
	s3 =	rddreg [dreg:$0x15]  }
0x730: {  	v7 =	vshll.u32 v11, $0x10;
	v58 =	vshll.u32 v15, $0x10;
	s5 =	rddreg [dreg:$0x1e];
	v4 =	vadd.f32 v13, v4  }
0x731: {  	v11 =	vand.u32 $0xFFFF0000, v11;
	v59 =	vld [tilespmem:s21+$0x40];
	[tilespmem:s7+$0x870] =	vst v8;
	v7 =	vadd.f32 v58, v7;
	s7 =	smov.u32 s13;
	s13 =	smov.u32 s22;
	s22 =	sld [smem:$0x776]  }
0x732: {  	s25 =	smov.u32 s12;
	v8 =	vand.u32 $0xFFFF0000, v15;
	s12 =	smov.u32 s5;
	s5 =	sld [smem:$0x78B];
	v3 =	vadd.f32 v10, v3;
	v10 =	vld [tilespmem:s24+$0x860];
	v4 =	vadd.f32 v12, v4  }
0x733: {  	v8 =	vadd.f32 v8, v11;
	[dreg:$0x15] =	wrdreg s12  }
0x734: {  	s20 =	smov.u32 s30;
	s30 =	smov.u32 s1;
	v13 =	vld [tilespmem:s21+$0xC0];
	s12 =	sld [smem:$0x79B];
	v7 =	vadd.f32 v7, v9;
	[tilespmem:s2+$0x410] =	vst v4;
	v4 =	vshll.u32 v5, $0x10;
	v11 =	vshll.u32 v14, $0x10  }
0x735: {  	s1 =	sld [smem:$0x7A3];
	v9 =	vld [tilespmem:s30+$0x400];
	[tilespmem:s8+$0xE200] =	vst v3;
	v4 =	vadd.f32 v11, v4  }
0x736: {  	s9 =	smov.u32 s31;
	s31 =	rddreg [dreg:$0xd];
	s8 =	smov.u32 s23;
	v3 =	vld [tilespmem:s20+$0x810];
	[tilespmem:s3+$0xE200] =	vst v7  }
0x737: {  	s23 =	smov.u32 s22;
	s22 =	smov.u32 s12;
	v4 =	vadd.f32 v4, v10;
	v10 =	vld [tilespmem:s5+$0x6200];
	s5 =	sld [smem:$0x778]  }
0x738: {  	[smem:$0x78B] =	sst s22  }
0x739: {  	v12 =	vshll.u32 v59, $0x10;
	v60 =	vld [tilespmem:s14+$0x50];
	s22 =	sld [smem:$0x790];
	v7 =	vshll.u32 v13, $0x10  }
0x73a: {  	[dreg:$0x1e] =	wrdreg s23;
	v11 =	vand.u32 $0xFFFF0000, v13;
	v13 =	vld [tilespmem:s14+$0xD0];
	v7 =	vadd.f32 v7, v12;
	s12 =	smov.u32 s5  }
0x73b: {  	s5 =	smov.u32 s1;
	[smem:$0x79B] =	sst s12  }
0x73c: {  	v12 =	vld [tilespmem:s22+$0x6200];
	v7 =	vadd.f32 v7, v9;
	[smem:$0x790] =	sst s5  }
0x73d: {  	v9 =	vld [tilespmem:s29+$0x420];
	[tilespmem:s11+$0x860] =	vst v4;
	s12 =	sld [smem:$0x779]  }
0x73e: {  	v15 =	vand.u32 $0xFFFF0000, v59;
	v3 =	vadd.f32 v3, v6;
	v4 =	vld [tilespmem:s24+$0x870];
	[tilespmem:s16+$0x400] =	vst v7;
	s5 =	sld [smem:$0x798]  }
0x73f: {  	s3 =	sld [smem:$0x777];
	v11 =	vadd.f32 v11, v15;
	v6 =	vshll.u32 v60, $0x10;
	v7 =	vshll.u32 v13, $0x10;
	v15 =	vld [tilespmem:s9+$0xC00]  }
0x740: {  	v61 =	vld [tilespmem:s30+$0x410];
	v6 =	vadd.f32 v7, v6;
	[tilespmem:s26+$0x810] =	vst v3;
	v3 =	vand.u32 $0xFFFF0000, v5;
	v5 =	vand.u32 $0xFFFF0000, v14;
	s22 =	smov.u32 s12;
	s12 =	sld [smem:$0x77A]  }
0x741: {  	v3 =	vadd.f32 v5, v3;
	v7 =	vld [tilespmem:s5+$0x6200];
	s5 =	sld [smem:$0x7A0]  }
0x742: {  	v6 =	vadd.f32 v6, v9;
	[smem:$0x7A3] =	sst s22  }
0x743: {  	v5 =	vshll.u32 v10, $0x10;
	v14 =	vshll.u32 v12, $0x10;
	v3 =	vadd.f32 v4, v3;
	s22 =	smov.u32 s12;
	s12 =	sld [smem:$0x77B]  }
0x744: {  	v5 =	vadd.f32 v14, v5;
	[tilespmem:s2+$0x420] =	vst v6;
	v9 =	vld [tilespmem:s5+$0x6200];
	s5 =	sld [smem:$0x793]  }
0x745: {  	v4 =	vand.u32 $0xFFFF0000, v12;
	v12 =	vld [tilespmem:s29+$0x430];
	[tilespmem:s11+$0x870] =	vst v3;
	s11 =	smov.u32 s2;
	s2 =	sld [smem:$0x77C]  }
0x746: {  	v5 =	vadd.f32 v5, v15;
	[smem:$0x798] =	sst s22  }
0x747: {  	v10 =	vand.u32 $0xFFFF0000, v10;
	v6 =	vld [tilespmem:s28+$0xC50];
	s22 =	smov.u32 s12;
	s12 =	sld [smem:$0x7A7]  }
0x748: {  	v14 =	vld [tilespmem:s20+$0x820];
	v4 =	vadd.f32 v4, v10;
	v10 =	vadd.f32 v61, v11;
	[tilespmem:s5+$0xE200] =	vst v5;
	s5 =	smov.u32 s2;
	[smem:$0x7A0] =	sst s22  }
0x749: {  	s23 =	smov.u32 s3;
	s3 =	sor.u32 $0x440, s6;
	[smem:$0x7A7] =	sst s5  }
0x74a: {  	s1 =	sor.u32 $0x440, s17;
	v13 =	vand.u32 $0xFFFF0000, v13;
	v3 =	vld [tilespmem:s3+$0x6200];
	[tilespmem:s16+$0x410] =	vst v10;
	v10 =	vand.u32 $0xFFFF0000, v60;
	s5 =	sld [smem:$0x77E]  }
0x74b: {  	s18 =	sadd.s32 $0x2, s18;
	v11 =	vshll.u32 v7, $0x10;
	v5 =	vld [tilespmem:s1+$0x6200];
	v10 =	vadd.f32 v13, v10;
	s22 =	smov.u32 s12;
	s12 =	sld [smem:$0x7AC]  }
0x74c: {  	p2 =	slt.u32 s18, $0x1E;
	v7 =	vand.u32 $0xFFFF0000, v7;
	v6 =	vadd.f32 v6, v8;
	v15 =	vshll.u32 v9, $0x10;
	v62 =	vld [tilespmem:s21+$0x50];
	[smem:$0x793] =	sst s22  }
.Ltmp1:
0x74d: {  	v9 =	vand.u32 $0xFFFF0000, v9;
	v13 =	vadd.f32 v15, v11;
	v11 =	vld [tilespmem:s21+$0xD0];
	v8 =	vadd.f32 v12, v10;
	s22 =	sld [smem:$0x77D];
	(pc) =	sbr.rel @p2 .LBB2_5-.Ltmp1, $4  }
0x74e: {  	v9 =	vadd.f32 v9, v7;
	v7 =	vld [tilespmem:s24+$0xC00];
	s2 =	sadd.s32 $0x2, s12;
	s12 =	smov.u32 s5;
	s5 =	sld [smem:$0x77F]  }
0x74f: {  	s0 =	sadd.s32 $0x1, s0;
	s3 =	rddreg [dreg:$0x16];
	v12 =	vld [tilespmem:s30+$0x420];
	v15 =	vadd.f32 v13, v14;
	[tilespmem:s11+$0x430] =	vst v8  }
0x750: {  	v63 =	vshll.u32 v5, $0x10;
	v8 =	vshll.u32 v3, $0x10;
	[tilespmem:s22+$0xE200] =	vst v6;
	s22 =	smov.u32 s3;
	[dreg:$0x16] =	wrdreg s12;
	s3 =	sand.u32 $0x7, s2;
	v10 =	vld [tilespmem:s14+$0x60]  }
0x751: {  	[smem:$0x7AC] =	sst s2;
	v14 =	vshll.u32 v62, $0x10;
	v13 =	vand.u32 $0xFFFF0000, v62;
	v8 =	vadd.f32 v63, v8;
	v6 =	vld [tilespmem:s9+$0xC10];
	s2 =	sshll.u32 s3, $0x7;
	[tilespmem:s26+$0x820] =	vst v15;
	s12 =	smov.u32 s5  }
0x752: {  	v15 =	vshll.u32 v11, $0x10  }
0x753: {  	v14 =	vadd.f32 v15, v14;
	_ =	sdelay $0x1  }
0x754: {  	v12 =	vadd.f32 v14, v12;
	_ =	sdelay $0x1  }
0x755: {  	[tilespmem:s16+$0x420] =	vst v12  }
0x756: {  	v12 =	vld [tilespmem:s30+$0x430];
	_ =	sdelay $0x1  }
0x757: {  	v62 =	vand.u32 $0xFFFF0000, v11  }
0x758: {  	v11 =	vadd.f32 v62, v13;
	_ =	sdelay $0x1  }
0x759: {  	v11 =	vadd.f32 v12, v11;
	_ =	sdelay $0x1  }
0x75a: {  	v63 =	vld [tilespmem:s14+$0xE0];
	[tilespmem:s16+$0x430] =	vst v11  }
0x75b: {  	v11 =	vld [tilespmem:s21+$0x60]  }
0x75c: {  	v21 =	vld [tilespmem:s21+$0xE0]  }
0x75d: {  	v22 =	vld [tilespmem:s29+$0x440];
	_ =	sdelay $0x1  }
0x75e: {  	v23 =	vshll.u32 v10, $0x10;
	v16 =	vshll.u32 v63, $0x10;
	v17 =	vld [tilespmem:s30+$0x440]  }
0x75f: {  	v15 =	vadd.f32 v16, v23  }
0x760: {  	v24 =	vshll.u32 v11, $0x10;
	v18 =	vshll.u32 v21, $0x10  }
0x761: {  	v14 =	vadd.f32 v15, v22;
	v25 =	vadd.f32 v18, v24;
	_ =	sdelay $0x1  }
0x762: {  	[tilespmem:s11+$0x440] =	vst v14;
	v26 =	vadd.f32 v25, v17  }
0x763: {  	v27 =	vld [tilespmem:s29+$0x450]  }
0x764: {  	[tilespmem:s16+$0x440] =	vst v26  }
0x765: {  	v28 =	vand.u32 $0xFFFF0000, v10;
	v12 =	vand.u32 $0xFFFF0000, v63;
	v14 =	vld [tilespmem:s30+$0x450]  }
0x766: {  	v10 =	vadd.f32 v12, v28  }
0x767: {  	v11 =	vand.u32 $0xFFFF0000, v11;
	v29 =	vand.u32 $0xFFFF0000, v21  }
0x768: {  	v10 =	vadd.f32 v27, v10;
	v11 =	vadd.f32 v29, v11;
	_ =	sdelay $0x1  }
0x769: {  	[tilespmem:s11+$0x450] =	vst v10;
	v30 =	vadd.f32 v14, v11  }
0x76a: {  	v31 =	vld [tilespmem:s14+$0x70]  }
0x76b: {  	v32 =	vld [tilespmem:s14+$0xF0];
	[tilespmem:s16+$0x450] =	vst v30  }
0x76c: {  	v10 =	vld [tilespmem:s21+$0x70]  }
0x76d: {  	v33 =	vld [tilespmem:s21+$0xF0];
	_ =	sdelay $0x1  }
0x76e: {  	v34 =	vld [tilespmem:s29+$0x460]  }
0x76f: {  	v37 =	vld [tilespmem:s30+$0x460]  }
0x770: {  	v35 =	vshll.u32 v31, $0x10;
	v36 =	vshll.u32 v32, $0x10  }
0x771: {  	v15 =	vadd.f32 v36, v35;
	v38 =	vshll.u32 v10, $0x10;
	v39 =	vshll.u32 v33, $0x10  }
0x772: {  	v40 =	vadd.f32 v39, v38  }
0x773: {  	v14 =	vadd.f32 v15, v34  }
0x774: {  	v41 =	vadd.f32 v40, v37  }
0x775: {  	[tilespmem:s11+$0x460] =	vst v14  }
0x776: {  	v42 =	vld [tilespmem:s29+$0x470];
	[tilespmem:s16+$0x460] =	vst v41  }
0x777: {  	v14 =	vld [tilespmem:s30+$0x470]  }
0x778: {  	v12 =	vand.u32 $0xFFFF0000, v32;
	v11 =	vand.u32 $0xFFFF0000, v31  }
0x779: {  	v11 =	vadd.f32 v12, v11;
	v10 =	vand.u32 $0xFFFF0000, v10;
	v43 =	vand.u32 $0xFFFF0000, v33;
	s0 =	rddreg [dreg:$0x14]  }
0x77a: {  	v10 =	vadd.f32 v43, v10;
	s5 =	sld [smem:$0x7AB];
	s0 =	sadd.s32 $0x2, s0  }
0x77b: {  	v11 =	vadd.f32 v42, v11;
	s0 =	sand.u32 $0x3, s0  }
0x77c: {  	s0 =	sshll.u32 s0, $0x8;
	v10 =	vadd.f32 v14, v10  }
0x77d: {  	[tilespmem:s11+$0x470] =	vst v11;
	s0 =	sadd.s32 s5, s0  }
0x77e: {  	s1 =	sadd.s32 $0x100, s0;
	[tilespmem:s16+$0x470] =	vst v10  }
0x77f: {  	s0 =	sadd.s32 $0x180, s0;
	s4 =	sor.u32 $0x400, s1;
	s3 =	sld [smem:$0x797]  }
0x780: {  	s18 =	sor.u32 $0x400, s0;
	v11 =	vld [tilespmem:s4+$0x6200];
	s21 =	sld [smem:$0x79F]  }
0x781: {  	v44 =	vld [tilespmem:s18+$0x6200]  }
0x782: {  	v10 =	vld [tilespmem:s3+$0x6200]  }
0x783: {  	v45 =	vld [tilespmem:s21+$0x6200];
	_ =	sdelay $0x1  }
0x784: {  	v46 =	vld [tilespmem:s29+$0x800]  }
0x785: {  	v49 =	vld [tilespmem:s30+$0x800]  }
0x786: {  	v47 =	vshll.u32 v11, $0x10;
	v48 =	vshll.u32 v44, $0x10  }
0x787: {  	v15 =	vadd.f32 v48, v47;
	v50 =	vshll.u32 v10, $0x10;
	v51 =	vshll.u32 v45, $0x10  }
0x788: {  	v52 =	vadd.f32 v51, v50  }
0x789: {  	v14 =	vadd.f32 v15, v46  }
0x78a: {  	v53 =	vadd.f32 v52, v49  }
0x78b: {  	[tilespmem:s11+$0x800] =	vst v14  }
0x78c: {  	v54 =	vld [tilespmem:s29+$0x810];
	[tilespmem:s16+$0x800] =	vst v53  }
0x78d: {  	v14 =	vld [tilespmem:s30+$0x810]  }
0x78e: {  	v11 =	vand.u32 $0xFFFF0000, v11;
	v12 =	vand.u32 $0xFFFF0000, v44  }
0x78f: {  	v11 =	vadd.f32 v12, v11;
	v10 =	vand.u32 $0xFFFF0000, v10;
	v55 =	vand.u32 $0xFFFF0000, v45  }
0x790: {  	v10 =	vadd.f32 v55, v10  }
0x791: {  	v11 =	vadd.f32 v54, v11  }
0x792: {  	v10 =	vadd.f32 v14, v10  }
0x793: {  	[tilespmem:s11+$0x810] =	vst v11  }
0x794: {  	[tilespmem:s16+$0x810] =	vst v10  }
0x795: {  	s31 =	sor.u32 $0x410, s1;
	s14 =	sld [smem:$0x798]  }
0x796: {  	s3 =	sor.u32 $0x410, s0;
	v11 =	vld [tilespmem:s31+$0x6200];
	s18 =	sld [smem:$0x7A0]  }
0x797: {  	v56 =	vld [tilespmem:s3+$0x6200]  }
0x798: {  	v10 =	vld [tilespmem:s14+$0x6200]  }
0x799: {  	v57 =	vld [tilespmem:s18+$0x6200];
	_ =	sdelay $0x1  }
0x79a: {  	v58 =	vld [tilespmem:s29+$0x820]  }
0x79b: {  	v61 =	vld [tilespmem:s30+$0x820]  }
0x79c: {  	v59 =	vshll.u32 v11, $0x10;
	v60 =	vshll.u32 v56, $0x10  }
0x79d: {  	v15 =	vadd.f32 v60, v59;
	v62 =	vshll.u32 v10, $0x10;
	v63 =	vshll.u32 v57, $0x10  }
0x79e: {  	v21 =	vadd.f32 v63, v62  }
0x79f: {  	v22 =	vld [tilespmem:s20+$0x830];
	v14 =	vadd.f32 v15, v58  }
0x7a0: {  	v23 =	vadd.f32 v21, v61  }
0x7a1: {  	[tilespmem:s11+$0x820] =	vst v14  }
0x7a2: {  	v24 =	vld [tilespmem:s29+$0x830];
	[tilespmem:s16+$0x820] =	vst v23  }
0x7a3: {  	v14 =	vld [tilespmem:s30+$0x830]  }
0x7a4: {  	v9 =	vadd.f32 v22, v9;
	v11 =	vand.u32 $0xFFFF0000, v11;
	v12 =	vand.u32 $0xFFFF0000, v56  }
0x7a5: {  	v11 =	vadd.f32 v12, v11;
	v10 =	vand.u32 $0xFFFF0000, v10;
	v25 =	vand.u32 $0xFFFF0000, v57  }
0x7a6: {  	v10 =	vadd.f32 v25, v10  }
0x7a7: {  	[tilespmem:s26+$0x830] =	vst v9;
	v26 =	vadd.f32 v24, v11  }
0x7a8: {  	s21 =	sld [smem:$0x789];
	v29 =	vadd.f32 v14, v10  }
0x7a9: {  	s3 =	sor.u32 $0x420, s1;
	v32 =	vld [tilespmem:s20+$0x840];
	s31 =	sld [smem:$0x78E];
	[tilespmem:s11+$0x830] =	vst v26  }
0x7aa: {  	v30 =	vld [tilespmem:s3+$0x6200];
	[tilespmem:s16+$0x830] =	vst v29  }
0x7ab: {  	v27 =	vld [tilespmem:s21+$0x6200];
	s18 =	sld [smem:$0x799]  }
0x7ac: {  	s14 =	sor.u32 $0x420, s0;
	v28 =	vld [tilespmem:s31+$0x6200];
	s21 =	sld [smem:$0x7A1]  }
0x7ad: {  	v31 =	vld [tilespmem:s14+$0x6200]  }
0x7ae: {  	v9 =	vld [tilespmem:s18+$0x6200]  }
0x7af: {  	v33 =	vld [tilespmem:s21+$0x6200];
	_ =	sdelay $0x1  }
0x7b0: {  	v36 =	vld [tilespmem:s29+$0x840];
	v34 =	vshll.u32 v27, $0x10;
	v35 =	vshll.u32 v28, $0x10  }
0x7b1: {  	v37 =	vshll.u32 v30, $0x10;
	v19 =	vshll.u32 v31, $0x10;
	v20 =	vld [tilespmem:s30+$0x840];
	v16 =	vadd.f32 v35, v34  }
0x7b2: {  	v38 =	vadd.f32 v19, v37  }
0x7b3: {  	v14 =	vadd.f32 v16, v32;
	v39 =	vshll.u32 v9, $0x10;
	v40 =	vshll.u32 v33, $0x10  }
0x7b4: {  	v42 =	vadd.f32 v40, v39  }
0x7b5: {  	v41 =	vadd.f32 v38, v36;
	[tilespmem:s26+$0x840] =	vst v14  }
0x7b6: {  	v43 =	vld [tilespmem:s20+$0x850];
	v44 =	vadd.f32 v42, v20  }
0x7b7: {  	[tilespmem:s11+$0x840] =	vst v41  }
0x7b8: {  	v11 =	vand.u32 $0xFFFF0000, v27;
	v12 =	vand.u32 $0xFFFF0000, v28;
	v45 =	vld [tilespmem:s29+$0x850];
	[tilespmem:s16+$0x840] =	vst v44  }
0x7b9: {  	v10 =	vand.u32 $0xFFFF0000, v30;
	v46 =	vand.u32 $0xFFFF0000, v31;
	v11 =	vadd.f32 v12, v11;
	v47 =	vld [tilespmem:s30+$0x850]  }
0x7ba: {  	v10 =	vadd.f32 v46, v10  }
0x7bb: {  	v9 =	vand.u32 $0xFFFF0000, v9;
	v48 =	vand.u32 $0xFFFF0000, v33;
	v11 =	vadd.f32 v43, v11  }
0x7bc: {  	v9 =	vadd.f32 v48, v9  }
0x7bd: {  	v10 =	vadd.f32 v45, v10;
	[tilespmem:s26+$0x850] =	vst v11  }
0x7be: {  	s31 =	sld [smem:$0x78A];
	v9 =	vadd.f32 v47, v9  }
0x7bf: {  	s14 =	sor.u32 $0x430, s1;
	s4 =	sld [smem:$0x78F];
	[tilespmem:s11+$0x850] =	vst v10;
	v51 =	vld [tilespmem:s20+$0x860]  }
0x7c0: {  	v10 =	vld [tilespmem:s14+$0x6200];
	[tilespmem:s16+$0x850] =	vst v9  }
0x7c1: {  	v11 =	vld [tilespmem:s31+$0x6200];
	s21 =	sld [smem:$0x79A]  }
0x7c2: {  	s18 =	sor.u32 $0x430, s0;
	v49 =	vld [tilespmem:s4+$0x6200];
	s31 =	sld [smem:$0x7A2]  }
0x7c3: {  	v50 =	vld [tilespmem:s18+$0x6200]  }
0x7c4: {  	v9 =	vld [tilespmem:s21+$0x6200]  }
0x7c5: {  	v52 =	vld [tilespmem:s31+$0x6200];
	_ =	sdelay $0x1  }
0x7c6: {  	v55 =	vld [tilespmem:s29+$0x860];
	v53 =	vshll.u32 v11, $0x10;
	v54 =	vshll.u32 v49, $0x10  }
0x7c7: {  	v56 =	vshll.u32 v10, $0x10;
	v57 =	vshll.u32 v50, $0x10;
	v58 =	vld [tilespmem:s30+$0x860];
	v16 =	vadd.f32 v54, v53  }
0x7c8: {  	v59 =	vadd.f32 v57, v56  }
0x7c9: {  	v14 =	vadd.f32 v16, v51;
	v60 =	vshll.u32 v9, $0x10;
	v61 =	vshll.u32 v52, $0x10  }
0x7ca: {  	v63 =	vadd.f32 v61, v60  }
0x7cb: {  	v62 =	vadd.f32 v59, v55;
	[tilespmem:s26+$0x860] =	vst v14  }
0x7cc: {  	v21 =	vld [tilespmem:s20+$0x870];
	v22 =	vadd.f32 v63, v58  }
0x7cd: {  	[tilespmem:s11+$0x860] =	vst v62  }
0x7ce: {  	v11 =	vand.u32 $0xFFFF0000, v11;
	v12 =	vand.u32 $0xFFFF0000, v49;
	v23 =	vld [tilespmem:s29+$0x870];
	[tilespmem:s16+$0x860] =	vst v22  }
0x7cf: {  	v10 =	vand.u32 $0xFFFF0000, v10;
	v24 =	vand.u32 $0xFFFF0000, v50;
	v11 =	vadd.f32 v12, v11;
	v25 =	vld [tilespmem:s30+$0x870]  }
0x7d0: {  	v10 =	vadd.f32 v24, v10  }
0x7d1: {  	v9 =	vand.u32 $0xFFFF0000, v9;
	v26 =	vand.u32 $0xFFFF0000, v52;
	v11 =	vadd.f32 v21, v11  }
0x7d2: {  	v9 =	vadd.f32 v26, v9  }
0x7d3: {  	v10 =	vadd.f32 v23, v10;
	[tilespmem:s26+$0x870] =	vst v11  }
0x7d4: {  	s4 =	sld [smem:$0x78B];
	v9 =	vadd.f32 v25, v9  }
0x7d5: {  	s2 =	sadd.s32 s19, s2;
	s14 =	sld [smem:$0x790];
	[tilespmem:s11+$0x870] =	vst v10  }
0x7d6: {  	v7 =	vadd.f32 v8, v7;
	s2 =	sadd.s32 $0x80, s2;
	s18 =	sor.u32 $0x440, s1;
	[tilespmem:s16+$0x870] =	vst v9  }
0x7d7: {  	s3 =	sor.u32 $0xC00, s2;
	s21 =	sor.u32 $0x440, s0;
	v10 =	vld [tilespmem:s18+$0x6200];
	s26 =	sld [smem:$0x79B]  }
0x7d8: {  	v28 =	vld [tilespmem:s21+$0x6200];
	s31 =	sld [smem:$0x7A3];
	[tilespmem:s3+$0xE200] =	vst v7  }
0x7d9: {  	v11 =	vld [tilespmem:s4+$0x6200];
	s4 =	sld [smem:$0x7AC]  }
0x7da: {  	v31 =	vld [tilespmem:s24+$0xC10]  }
0x7db: {  	v30 =	vld [tilespmem:s29+$0xC00]  }
0x7dc: {  	v3 =	vand.u32 $0xFFFF0000, v3;
	v5 =	vand.u32 $0xFFFF0000, v5;
	v27 =	vld [tilespmem:s14+$0x6200];
	s3 =	sadd.s32 $0x2, s4  }
0x7dd: {  	v3 =	vadd.f32 v5, v3;
	v33 =	vshll.u32 v10, $0x10;
	v34 =	vshll.u32 v28, $0x10;
	s3 =	sand.u32 $0x7, s3  }
0x7de: {  	v16 =	vadd.f32 v34, v33;
	s3 =	sshll.u32 s3, $0x7  }
0x7df: {  	v32 =	vld [tilespmem:s20+$0xC00];
	v3 =	vadd.f32 v31, v3;
	s3 =	sadd.s32 s5, s3  }
0x7e0: {  	s11 =	sor.u32 $0xC10, s2;
	v7 =	vadd.f32 v16, v30;
	s3 =	sadd.s32 $0x80, s3  }
0x7e1: {  	v35 =	vshll.u32 v11, $0x10;
	v36 =	vshll.u32 v27, $0x10;
	[tilespmem:s11+$0xE200] =	vst v3;
	s5 =	sor.u32 $0xC00, s3  }
0x7e2: {  	v5 =	vadd.f32 v36, v35;
	[tilespmem:s5+$0xE200] =	vst v7  }
0x7e3: {  	v9 =	vld [tilespmem:s26+$0x6200];
	s16 =	sld [smem:$0x793]  }
0x7e4: {  	v29 =	vld [tilespmem:s31+$0x6200];
	v5 =	vadd.f32 v5, v32;
	_ =	sdelay $0x1  }
0x7e5: {  	[tilespmem:s16+$0xE200] =	vst v5  }
0x7e6: {  	v37 =	vld [tilespmem:s30+$0xC00];
	s19 =	sld [smem:$0x786]  }
0x7e7: {  	v4 =	vadd.f32 v6, v4;
	v3 =	vld [tilespmem:s29+$0xC10]  }
0x7e8: {  	v38 =	vshll.u32 v9, $0x10;
	v39 =	vshll.u32 v29, $0x10  }
0x7e9: {  	v41 =	vand.u32 $0xFFFF0000, v10;
	v42 =	vand.u32 $0xFFFF0000, v28;
	v7 =	vadd.f32 v39, v38;
	[tilespmem:s19+$0xE200] =	vst v4  }
0x7ea: {  	v6 =	vadd.f32 v42, v41;
	s26 =	sld [smem:$0x7A7]  }
0x7eb: {  	s14 =	sor.u32 $0x450, s6;
	v7 =	vadd.f32 v7, v37;
	v5 =	vld [tilespmem:s20+$0xC10]  }
0x7ec: {  	s18 =	sor.u32 $0x450, s17;
	v40 =	vld [tilespmem:s14+$0x6200];
	v3 =	vadd.f32 v3, v6  }
0x7ed: {  	v45 =	vand.u32 $0xFFFF0000, v11;
	v46 =	vand.u32 $0xFFFF0000, v27;
	v43 =	vld [tilespmem:s18+$0x6200];
	s31 =	sor.u32 $0xC10, s3;
	s21 =	sld [smem:$0x784];
	[tilespmem:s26+$0xE200] =	vst v7  }
0x7ee: {  	s5 =	sor.u32 $0x450, s1;
	v7 =	vadd.f32 v46, v45;
	v47 =	vld [tilespmem:s30+$0xC10];
	s4 =	sld [smem:$0x785];
	[tilespmem:s31+$0xE200] =	vst v3  }
0x7ef: {  	v50 =	vld [tilespmem:s5+$0x6200];
	s5 =	sld [smem:$0x794]  }
0x7f0: {  	v3 =	vld [tilespmem:s24+$0xC20];
	v5 =	vadd.f32 v5, v7  }
0x7f1: {  	v49 =	vand.u32 $0xFFFF0000, v9;
	v8 =	vand.u32 $0xFFFF0000, v29;
	v44 =	vld [tilespmem:s21+$0x6200]  }
0x7f2: {  	v52 =	vshll.u32 v40, $0x10;
	v53 =	vshll.u32 v43, $0x10;
	v7 =	vadd.f32 v8, v49;
	v48 =	vld [tilespmem:s4+$0x6200];
	[tilespmem:s5+$0xE200] =	vst v5  }
0x7f3: {  	s11 =	sor.u32 $0x450, s0;
	v8 =	vadd.f32 v53, v52;
	s18 =	sld [smem:$0x7A8]  }
0x7f4: {  	v51 =	vld [tilespmem:s11+$0x6200];
	s14 =	sld [smem:$0x78C];
	v6 =	vadd.f32 v47, v7  }
0x7f5: {  	v56 =	vld [tilespmem:s9+$0xC20];
	v3 =	vadd.f32 v8, v3  }
0x7f6: {  	s19 =	sor.u32 $0xC20, s2;
	v59 =	vld [tilespmem:s29+$0xC20];
	s16 =	sld [smem:$0x791];
	[tilespmem:s18+$0xE200] =	vst v6  }
0x7f7: {  	v54 =	vld [tilespmem:s14+$0x6200];
	v58 =	vshll.u32 v48, $0x10;
	s4 =	sld [smem:$0x79C];
	[tilespmem:s19+$0xE200] =	vst v3;
	v3 =	vshll.u32 v44, $0x10  }
0x7f8: {  	v60 =	vld [tilespmem:s24+$0xC30];
	v3 =	vadd.f32 v58, v3  }
0x7f9: {  	v14 =	vand.u32 $0xFFFF0000, v40;
	v62 =	vshll.u32 v50, $0x10;
	v63 =	vshll.u32 v51, $0x10;
	v55 =	vld [tilespmem:s16+$0x6200];
	s21 =	sld [smem:$0x787]  }
0x7fa: {  	v4 =	vand.u32 $0xFFFF0000, v43;
	v21 =	vadd.f32 v63, v62;
	v57 =	vld [tilespmem:s4+$0x6200];
	s4 =	sld [smem:$0x7A4];
	v3 =	vadd.f32 v3, v56  }
0x7fb: {  	v4 =	vadd.f32 v4, v14  }
0x7fc: {  	v22 =	vld [tilespmem:s20+$0xC20];
	[tilespmem:s21+$0xE200] =	vst v3;
	v3 =	vadd.f32 v21, v59  }
0x7fd: {  	s26 =	sor.u32 $0xC20, s3;
	v61 =	vld [tilespmem:s4+$0x6200];
	v4 =	vadd.f32 v60, v4  }
0x7fe: {  	s31 =	sor.u32 $0xC30, s2;
	v23 =	vshll.u32 v54, $0x10;
	v24 =	vshll.u32 v55, $0x10;
	[tilespmem:s26+$0xE200] =	vst v3  }
0x7ff: {  	v6 =	vadd.f32 v24, v23;
	[tilespmem:s31+$0xE200] =	vst v4  }
0x800: {  	v25 =	vld [tilespmem:s30+$0xC20];
	s11 =	sld [smem:$0x795]  }
0x801: {  	v6 =	vadd.f32 v6, v22  }
0x802: {  	v27 =	vshll.u32 v57, $0x10;
	v28 =	vshll.u32 v61, $0x10  }
0x803: {  	v10 =	vadd.f32 v28, v27;
	[tilespmem:s11+$0xE200] =	vst v6  }
0x804: {  	v26 =	vld [tilespmem:s9+$0xC30];
	s16 =	sld [smem:$0x7A9]  }
0x805: {  	v31 =	vadd.f32 v10, v25  }
0x806: {  	v11 =	vand.u32 $0xFFFF0000, v48;
	v3 =	vand.u32 $0xFFFF0000, v44;
	v29 =	vld [tilespmem:s29+$0xC30]  }
0x807: {  	v3 =	vadd.f32 v11, v3;
	[tilespmem:s16+$0xE200] =	vst v31  }
0x808: {  	v30 =	vand.u32 $0xFFFF0000, v50;
	v5 =	vand.u32 $0xFFFF0000, v51;
	s4 =	sld [smem:$0x788]  }
0x809: {  	v5 =	vadd.f32 v5, v30;
	v3 =	vadd.f32 v26, v3  }
0x80a: {  	v32 =	vld [tilespmem:s20+$0xC30]  }
0x80b: {  	[tilespmem:s4+$0xE200] =	vst v3;
	v3 =	vadd.f32 v29, v5  }
0x80c: {  	s5 =	sor.u32 $0x460, s6;
	s18 =	sor.u32 $0xC30, s3;
	v34 =	vand.u32 $0xFFFF0000, v54;
	v7 =	vand.u32 $0xFFFF0000, v55;
	s4 =	rddreg [dreg:$0x18]  }
0x80d: {  	v4 =	vld [tilespmem:s5+$0x6200];
	v5 =	vadd.f32 v7, v34;
	s5 =	rddreg [dreg:$0x19];
	[tilespmem:s18+$0xE200] =	vst v3  }
0x80e: {  	s14 =	sor.u32 $0x460, s17;
	v9 =	vld [tilespmem:s30+$0xC30];
	s26 =	sld [smem:$0x796]  }
0x80f: {  	v33 =	vld [tilespmem:s14+$0x6200];
	v5 =	vadd.f32 v32, v5  }
0x810: {  	v39 =	vld [tilespmem:s24+$0xC40];
	v37 =	vand.u32 $0xFFFF0000, v61;
	v3 =	vand.u32 $0xFFFF0000, v57  }
0x811: {  	v45 =	vld [tilespmem:s9+$0xC40];
	v3 =	vadd.f32 v37, v3;
	[tilespmem:s26+$0xE200] =	vst v5  }
0x812: {  	v36 =	vld [tilespmem:s5+$0x6200];
	s5 =	sld [smem:$0x7AA]  }
0x813: {  	s19 =	sor.u32 $0x460, s1;
	v35 =	vld [tilespmem:s4+$0x6200];
	v3 =	vadd.f32 v9, v3;
	s4 =	sld [smem:$0x78D]  }
0x814: {  	s21 =	sor.u32 $0x460, s0;
	v41 =	vshll.u32 v4, $0x10;
	v42 =	vshll.u32 v33, $0x10;
	v38 =	vld [tilespmem:s19+$0x6200]  }
0x815: {  	v40 =	vld [tilespmem:s21+$0x6200];
	s31 =	sld [smem:$0x792];
	[tilespmem:s5+$0xE200] =	vst v3;
	v3 =	vadd.f32 v42, v41  }
0x816: {  	v5 =	vld [tilespmem:s4+$0x6200];
	s4 =	sld [smem:$0x79D]  }
0x817: {  	v48 =	vld [tilespmem:s29+$0xC40];
	s11 =	sld [smem:$0x7A5];
	v3 =	vadd.f32 v3, v39  }
0x818: {  	s14 =	sor.u32 $0xC40, s2;
	v43 =	vld [tilespmem:s31+$0x6200]  }
0x819: {  	v47 =	vshll.u32 v36, $0x10;
	v44 =	vld [tilespmem:s4+$0x6200];
	[tilespmem:s14+$0xE200] =	vst v3;
	v3 =	vshll.u32 v35, $0x10  }
0x81a: {  	v46 =	vld [tilespmem:s11+$0x6200];
	v3 =	vadd.f32 v47, v3  }
0x81b: {  	v52 =	vld [tilespmem:s20+$0xC40];
	v50 =	vshll.u32 v38, $0x10;
	v51 =	vshll.u32 v40, $0x10  }
0x81c: {  	v53 =	vadd.f32 v51, v50;
	v49 =	vld [tilespmem:s24+$0xC50];
	v3 =	vadd.f32 v3, v45  }
0x81d: {  	v4 =	vand.u32 $0xFFFF0000, v4;
	v57 =	vld [tilespmem:s30+$0xC40];
	v54 =	vshll.u32 v5, $0x10;
	v55 =	vshll.u32 v43, $0x10;
	s4 =	rddreg [dreg:$0x15]  }
0x81e: {  	v10 =	vand.u32 $0xFFFF0000, v33;
	v56 =	vadd.f32 v55, v54;
	[tilespmem:s4+$0xE200] =	vst v3;
	v3 =	vadd.f32 v53, v48  }
0x81f: {  	v4 =	vadd.f32 v10, v4;
	s16 =	sor.u32 $0xC40, s3;
	v60 =	vshll.u32 v44, $0x10;
	v61 =	vshll.u32 v46, $0x10;
	v58 =	vld [tilespmem:s9+$0xC50];
	s18 =	sld [smem:$0x782]  }
0x820: {  	v12 =	vand.u32 $0xFFFF0000, v38;
	v38 =	vld [tilespmem:s28+$0xC60];
	v6 =	vadd.f32 v61, v60;
	[tilespmem:s16+$0xE200] =	vst v3;
	v3 =	vadd.f32 v56, v52  }
0x821: {  	v11 =	vand.u32 $0xFFFF0000, v35;
	v7 =	vand.u32 $0xFFFF0000, v36;
	v4 =	vadd.f32 v49, v4;
	v62 =	vld [tilespmem:s29+$0xC50];
	s19 =	rddreg [dreg:$0x1e]  }
0x822: {  	s21 =	sor.u32 $0xC50, s2;
	s4 =	sld [smem:$0x783];
	v6 =	vadd.f32 v6, v57;
	v59 =	vld [tilespmem:s18+$0x6200];
	[tilespmem:s19+$0xE200] =	vst v3;
	v3 =	vadd.f32 v7, v11  }
0x823: {  	s26 =	sor.u32 $0x470, s6;
	v19 =	vand.u32 $0xFFFF0000, v40;
	[tilespmem:s21+$0xE200] =	vst v4;
	v20 =	vld [tilespmem:s20+$0xC50]  }
0x824: {  	v4 =	vadd.f32 v19, v12;
	v21 =	vld [tilespmem:s26+$0x6200];
	[tilespmem:s23+$0xE200] =	vst v6;
	v3 =	vadd.f32 v58, v3  }
0x825: {  	s31 =	sor.u32 $0x470, s17;
	v5 =	vand.u32 $0xFFFF0000, v5;
	v23 =	vand.u32 $0xFFFF0000, v43;
	v25 =	vld [tilespmem:s30+$0xC50]  }
0x826: {  	v24 =	vadd.f32 v23, v5;
	v22 =	vld [tilespmem:s31+$0x6200];
	[tilespmem:s22+$0xE200] =	vst v3;
	v3 =	vadd.f32 v62, v4  }
0x827: {  	s6 =	sor.u32 $0xC50, s3;
	v28 =	vand.u32 $0xFFFF0000, v44;
	v29 =	vand.u32 $0xFFFF0000, v46;
	v32 =	vld [tilespmem:s24+$0xC60];
	s5 =	rddreg [dreg:$0x5]  }
0x828: {  	v63 =	vld [tilespmem:s4+$0x6200];
	v4 =	vadd.f32 v29, v28;
	s11 =	rddreg [dreg:$0x7];
	[tilespmem:s6+$0xE200] =	vst v3;
	v3 =	vadd.f32 v20, v24  }
0x829: {  	v26 =	vld [tilespmem:s5+$0x6200];
	s14 =	rddreg [dreg:$0x16]  }
0x82a: {  	s0 =	sor.u32 $0x470, s0;
	v27 =	vld [tilespmem:s11+$0x6200];
	v4 =	vadd.f32 v25, v4;
	[tilespmem:s14+$0xE200] =	vst v3  }
0x82b: {  	s1 =	sor.u32 $0x470, s1;
	v31 =	vld [tilespmem:s0+$0x6200];
	s0 =	rddreg [dreg:$0xe]  }
0x82c: {  	v30 =	vld [tilespmem:s1+$0x6200];
	s16 =	rddreg [dreg:$0x13];
	[tilespmem:s12+$0xE200] =	vst v4  }
0x82d: {  	v39 =	vld [tilespmem:s29+$0xC60];
	s17 =	sld [smem:$0x79E]  }
0x82e: {  	v34 =	vshll.u32 v21, $0x10;
	v3 =	vld [tilespmem:s0+$0x6200];
	s18 =	sld [smem:$0x7A6]  }
0x82f: {  	v35 =	vshll.u32 v22, $0x10;
	v36 =	vshll.u32 v59, $0x10;
	v10 =	vand.u32 $0xFFFF0000, v21;
	v33 =	vld [tilespmem:s16+$0x6200]  }
0x830: {  	v7 =	vand.u32 $0xFFFF0000, v22;
	v13 =	vadd.f32 v35, v34;
	v37 =	vshll.u32 v63, $0x10;
	v4 =	vld [tilespmem:s17+$0x6200]  }
0x831: {  	v7 =	vadd.f32 v7, v10;
	v15 =	vadd.f32 v37, v36;
	v40 =	vld [tilespmem:s18+$0x6200]  }
0x832: {  	v43 =	vld [tilespmem:s9+$0xC60];
	v5 =	vadd.f32 v13, v32;
	v41 =	vshll.u32 v30, $0x10;
	v42 =	vshll.u32 v31, $0x10  }
0x833: {  	s19 =	sor.u32 $0xC60, s2;
	v44 =	vld [tilespmem:s20+$0xC60];
	v21 =	vshll.u32 v26, $0x10;
	v22 =	vshll.u32 v27, $0x10;
	v10 =	vadd.f32 v42, v41  }
0x834: {  	[tilespmem:s19+$0xE200] =	vst v5;
	v45 =	vadd.f32 v15, v38;
	v47 =	vld [tilespmem:s30+$0xC60];
	v46 =	vadd.f32 v22, v21  }
0x835: {  	s0 =	rddreg [dreg:$0x3];
	v10 =	vadd.f32 v10, v39;
	v49 =	vshll.u32 v3, $0x10;
	v50 =	vshll.u32 v33, $0x10  }
0x836: {  	s21 =	sor.u32 $0xC60, s3;
	[tilespmem:s0+$0xE200] =	vst v45;
	v51 =	vadd.f32 v50, v49;
	v52 =	vshll.u32 v4, $0x10;
	v53 =	vshll.u32 v40, $0x10  }
0x837: {  	v48 =	vld [tilespmem:s24+$0xC70];
	v14 =	vadd.f32 v46, v43;
	[tilespmem:s21+$0xE200] =	vst v10;
	v18 =	vadd.f32 v53, v52  }
0x838: {  	v16 =	vand.u32 $0xFFFF0000, v59;
	v17 =	vand.u32 $0xFFFF0000, v63;
	v54 =	vld [tilespmem:s28+$0xC70];
	v5 =	vadd.f32 v51, v44;
	s0 =	rddreg [dreg:$0x4]  }
0x839: {  	v56 =	vadd.f32 v17, v16;
	v55 =	vld [tilespmem:s29+$0xC70];
	[tilespmem:s0+$0xE200] =	vst v14;
	v15 =	vadd.f32 v18, v47  }
0x83a: {  	v6 =	vand.u32 $0xFFFF0000, v26;
	v11 =	vand.u32 $0xFFFF0000, v27;
	v59 =	vand.u32 $0xFFFF0000, v30;
	v57 =	vld [tilespmem:s9+$0xC70];
	[tilespmem:s15+$0xE200] =	vst v5  }
0x83b: {  	v8 =	vand.u32 $0xFFFF0000, v31;
	v6 =	vadd.f32 v11, v6;
	v3 =	vand.u32 $0xFFFF0000, v3;
	v60 =	vld [tilespmem:s20+$0xC70];
	[tilespmem:s10+$0xE200] =	vst v15  }
0x83c: {  	v62 =	vand.u32 $0xFFFF0000, v33;
	v58 =	vadd.f32 v48, v7;
	v7 =	vadd.f32 v8, v59;
	v61 =	vld [tilespmem:s30+$0xC70]  }
0x83d: {  	s22 =	sor.u32 $0xC70, s2;
	v3 =	vadd.f32 v62, v3;
	v10 =	vadd.f32 v54, v56  }
0x83e: {  	[tilespmem:s22+$0xE200] =	vst v58;
	v4 =	vand.u32 $0xFFFF0000, v4;
	v63 =	vand.u32 $0xFFFF0000, v40;
	v7 =	vadd.f32 v55, v7  }
0x83f: {  	s23 =	sor.u32 $0xC70, s3;
	v4 =	vadd.f32 v63, v4;
	[tilespmem:s25+$0xE200] =	vst v10;
	v6 =	vadd.f32 v57, v6  }
0x840: {  	[tilespmem:s23+$0xE200] =	vst v7;
	v3 =	vadd.f32 v60, v3  }
0x841: {  	[tilespmem:s7+$0xE200] =	vst v6;
	v4 =	vadd.f32 v61, v4  }
0x842: {  	[tilespmem:s13+$0xE200] =	vst v3  }
0x843: {  	[tilespmem:s8+$0xE200] =	vst v4  }
0x844: {  	s3 =	sld [smem:$0x780];
	_ =	sdelay $0x2  }
0x845: {  	v3 =	vld @!p0 [tilespmem:s3+$0xC0];
	_ =	sdelay $0x4  }
0x846: {  	v4 =	vshll.u32 @!p0 v3, $0x1  }
0x847: {  	v5 =	vlaneseq.u32 @!p0;
	v3 =	vand.u32 @!p0 $0x7, v3;
	v4 =	vand.u32 @!p0 $0xFFFFFFF0, v4  }
0x848: {  	v6 =	vshrl.u32 @!p0 v5, $0x3;
	v3 =	vor.u32 @!p0 v3, v4;
	v4 =	vand.u32 @!p0 $0x7, v5  }
0x849: {  	v6 =	vmul.u32 @!p0 $0x8, v6;
	v7 =	vperm.xlane @!p0 v3, v4  }
0x84a: {  	v5 =	vor.u32 @!p0 $0x8, v5  }
0x84b: {  	v3 =	vperm.xlane @!p0 v3, v5;
	v7 =	vadd.s32 @!p0 v6, v7;
	_ =	sdelay $0x1  }
0x84c: {  	s2 =	sld [smem:$0x7F6];
	v3 =	vadd.s32 @!p0 v6, v3;
	_ =	sdelay $0x1  }
0x84d: {  	s1 =	simm.s32 @!p0 $0x6200;
	s0 =	simm.s32 @!p0 $0x0  }
0x84e: {  	[tilespmem:s1], [sflag:$0x2] =	stream.indirect_vreg.gather @!p0 [hbm4b:s2+s0], $0x80, v7, vm1, $0xb8;
	[tilespmem:$0x12200] =	vst v63  }
0x84f: {  	s1 =	simm.s32 @!p0 $0x6A00  }
0x850: {  	[tilespmem:s1], [sflag:$0x2] =	stream.indirect_vreg.gather @!p0 [hbm4b:s2+s0], $0x80, v3, vm1, $0xb8;
	[tilespmem:$0x12200] =	vst v63  }
0x851: {  	v3 =	vld @!p0 [tilespmem:s3+$0xD0];
	_ =	sdelay $0x4  }
0x852: {  	v7 =	vshll.u32 @!p0 v3, $0x1  }
0x853: {  	v3 =	vand.u32 @!p0 $0x7, v3;
	v7 =	vand.u32 @!p0 $0xFFFFFFF0, v7  }
0x854: {  	v3 =	vor.u32 @!p0 v3, v7  }
0x855: {  	v7 =	vperm.xlane @!p0 v3, v4;
	_ =	sdelay $0x1  }
0x856: {  	v3 =	vperm.xlane @!p0 v3, v5;
	v7 =	vadd.s32 @!p0 v6, v7;
	_ =	sdelay $0x1  }
0x857: {  	v3 =	vadd.s32 @!p0 v6, v3;
	_ =	sdelay $0x1  }
0x858: {  	s1 =	simm.s32 @!p0 $0x7200  }
0x859: {  	[tilespmem:s1], [sflag:$0x2] =	stream.indirect_vreg.gather @!p0 [hbm4b:s2+s0], $0x80, v7, vm1, $0xb8;
	[tilespmem:$0x12200] =	vst v63  }
0x85a: {  	s1 =	simm.s32 @!p0 $0x7A00  }
0x85b: {  	[tilespmem:s1], [sflag:$0x2] =	stream.indirect_vreg.gather @!p0 [hbm4b:s2+s0], $0x80, v3, vm1, $0xb8;
	[tilespmem:$0x12200] =	vst v63  }
0x85c: {  	v3 =	vld @!p0 [tilespmem:s3+$0xE0];
	_ =	sdelay $0x4  }
0x85d: {  	v7 =	vshll.u32 @!p0 v3, $0x1  }
0x85e: {  	v3 =	vand.u32 @!p0 $0x7, v3;
	v7 =	vand.u32 @!p0 $0xFFFFFFF0, v7  }
0x85f: {  	v3 =	vor.u32 @!p0 v3, v7  }
0x860: {  	v7 =	vperm.xlane @!p0 v3, v4;
	_ =	sdelay $0x1  }
0x861: {  	v3 =	vperm.xlane @!p0 v3, v5;
	v7 =	vadd.s32 @!p0 v6, v7;
	_ =	sdelay $0x1  }
0x862: {  	v3 =	vadd.s32 @!p0 v6, v3;
	_ =	sdelay $0x1  }
0x863: {  	s1 =	simm.s32 @!p0 $0x8200  }
0x864: {  	[tilespmem:s1], [sflag:$0x2] =	stream.indirect_vreg.gather @!p0 [hbm4b:s2+s0], $0x80, v7, vm1, $0xb8;
	[tilespmem:$0x12200] =	vst v63  }
0x865: {  	s1 =	simm.s32 @!p0 $0x8A00  }
0x866: {  	[tilespmem:s1], [sflag:$0x2] =	stream.indirect_vreg.gather @!p0 [hbm4b:s2+s0], $0x80, v3, vm1, $0xb8;
	[tilespmem:$0x12200] =	vst v63  }
0x867: {  	v3 =	vld @!p0 [tilespmem:s3+$0xF0];
	_ =	sdelay $0x4  }
0x868: {  	v7 =	vshll.u32 @!p0 v3, $0x1  }
0x869: {  	v3 =	vand.u32 @!p0 $0x7, v3;
	v7 =	vand.u32 @!p0 $0xFFFFFFF0, v7  }
0x86a: {  	v3 =	vor.u32 @!p0 v3, v7  }
0x86b: {  	v4 =	vperm.xlane @!p0 v3, v4;
	_ =	sdelay $0x1  }
0x86c: {  	v3 =	vperm.xlane @!p0 v3, v5;
	v4 =	vadd.s32 @!p0 v6, v4;
	_ =	sdelay $0x1  }
0x86d: {  	v3 =	vadd.s32 @!p0 v6, v3;
	_ =	sdelay $0x1  }
0x86e: {  	s31 =	sld [smem:$0x7F1];
	s1 =	simm.s32 @!p0 $0x9200  }
0x86f: {  	[tilespmem:s1], [sflag:$0x2] =	stream.indirect_vreg.gather @!p0 [hbm4b:s2+s0], $0x80, v4, vm1, $0xb8;
	[tilespmem:$0x12200] =	vst v63  }
0x870: {  	s24 =	sld [smem:$0x7FB];
	s1 =	simm.s32 @!p0 $0x9A00  }
0x871: {  	[tilespmem:s1], [sflag:$0x2] =	stream.indirect_vreg.gather @!p0 [hbm4b:s2+s0], $0x80, v3, vm1, $0xb8;
	[tilespmem:$0x12200] =	vst v63  }
0x872: {  	s25 =	sld [smem:$0x781];
	s1 =	sadd.s32 $0x1, s31  }
0x873: {  	p0 =	sne.s32 s1, $0x4  }
.Ltmp2:
0x874: {  	s29 =	sld [smem:$0x7FC];
	(pc) =	sbr.rel @p0 .LBB2_2-.Ltmp2, $4  }
0x875: {  	s26 =	simm.s32 $0x0;
	s28 =	simm.s32 $0xE200;
	s0 =	sadd.s32 s25, s24  }
0x876: {  	[hbm4b:s0+s26] =	stream.linear.scatter [tilespmem:s28], [sflag:$0x4], $0x2000, $0x38;
	[tilespmem:$0x12200] =	vst v63  }
0x877: {  	s30 =	simm.s32 $0x10200;
	s0 =	sadd.s32 s25, s29  }
0x878: {  	[hbm4b:s0+s26] =	stream.linear.scatter [tilespmem:s30], [sflag:$0x4], $0x2000, $0x38;
	[tilespmem:$0x12200] =	vst v63  }
0x879: {  	s0 =	simm.s32 $0x3  }
0x87a: {  	_ =	swait.ge [sflag:s0], $0x2000  }
0x87b: {  	[sflag:s0] =	ssyncset.done $0x0  }
0x87c: {  	[sflag:s0] =	ssyncadd.s32 $0xFFFFE000  }
0x87d: {  	_ =	swait.ge [sflag:s0], $0x2000  }
0x87e: {  	[sflag:s0] =	ssyncset.done $0x0  }
0x87f: {  	s1 =	simm.s32 $0x4;
	[sflag:s0] =	ssyncadd.s32 $0xFFFFE000  }
0x880: {  	_ =	swait.ge [sflag:s1], $0x2000  }
0x881: {  	[sflag:s1] =	ssyncset.done $0x0  }
0x882: {  	[sflag:s1] =	ssyncadd.s32 $0xFFFFE000  }
0x883: {  	_ =	swait.ge [sflag:s1], $0x2000  }
0x884: {  	s2 =	sld [smem:$0x7F5]  }
0x885: {  	s31 =	sld [smem:$0x7FD];
	_ =	sdelay $0x1  }
0x886: {  	s2 =	sadd.s32 $0x1, s2  }
0x887: {  	p0 =	sne.s32 s2, s31  }
.Ltmp3:
0x888: {  	_ = 	snop;
	(pc) =	sbr.rel @p0 .LBB2_1-.Ltmp3, $3  }
0x889: {  	_ =	sdelay $0x1  }
0x88a: {  	[sflag:s1] =	ssyncset.done $0x0  }
0x88b: {  	[sflag:s1] =	ssyncadd.s32 $0xFFFFE000  }
0x88c: {  	_ =	sfence.sel $0x180000  }
0x88d: {  	[bflag:$0x0] =	sbarrier.arrive $0xFFFF  }
0x88e: {  	_ =	strace $0x90000047  }
0x88f: {  	s0 =	stileid.u32;
	[bflag:$0x2] =	sbarrier.arrive $0xFFFF  }
0x890: {  	p0 =	sne.s32 s0, $0x0;
	s0 =	rddreg [dreg:$0x2]  }
0x891: {  	s0 =	sadd.s32 @!p0 $0x100000, s0  }
0x892: {  	[sflag:s0] =	ssyncadd.tile.s32 @!p0 $0x1;
	_ =	shalt  }
.Lfunc_end2:
_tile_overlayer_lowered:
.L_overlay_start_2:
0x893: {  	(tag) =	ssettag $0x2  }
0x894: {  	s0 =	rddreg [dreg:$0x0];
	s2 =	stileid.u32  }
0x895: {  	s1 =	rddreg [dreg:$0x1];
	p0 =	sne.s32 s2, $0x0  }
0x896: {  	s3 =	rddreg [dreg:$0x2];
	[bflag:$0x3] =	sbarrier.arrive $0xFFFF;
	s2 =	simm.s32 @!p0 $0x1C05  }
0x897: {  	[timem:s3], [sflag:s2] =	dma.local @!p0 [hbm:s0], s1  }
0x898: {  	s0 =	simm.s32 @!p0 $0x5  }
0x899: {  	_ =	swait.ge @!p0 [sflag:s0], s1  }
0x89a: {  	s1 =	ssub.s32 @!p0 $0x0, s1;
	[sflag:s0] =	ssyncset.done @!p0 $0x0  }
0x89b: {  	[sflag:s0] =	ssyncadd.s32 @!p0 s1  }
0x89c: {  	[bflag:$0x3] =	sbarrier.arrive $0xFFFF  }
0x89d: {  	_ =	shalt  }

</sc_bundles>
